<compile_context>
chip_gen: v7x
topology: tpu7x:2x2x1
jax: 0.10.2.dev20260603
libtpu: 0.0.44.dev20260713+nightly
codegen_flags: <defaults>
</compile_context>

<pallas_src>
import functools

import jax
import jax.numpy as jnp
from jax import lax
from jax.experimental import pallas as pl
from jax.experimental.pallas import tpu as pltpu
from jax.experimental.pallas import tpu_sc as plsc

VOCAB = 1000000
EMB = 32
BATCH = 16384
HIST = 50

NC = 2
NS = 16
NW = NC * NS
L = 16

BAT_PER_W = BATCH // NW
TB = 128
NTB = BAT_PER_W // TB
NUNIT = HIST * NTB
NBUF = 4


def _make_kernel():
  mesh = plsc.VectorSubcoreMesh(
      core_axis_name="c", subcore_axis_name="s", num_cores=NC, num_subcores=NS
  )

  @functools.partial(
      pl.kernel,
      out_type=jax.ShapeDtypeStruct((HIST, EMB, BATCH), jnp.float32),
      mesh=mesh,
      scratch_types=[
          pltpu.VMEM((BAT_PER_W, HIST), jnp.int32),
          pltpu.VMEM((HIST, BAT_PER_W), jnp.int32),
          [pltpu.VMEM((TB, EMB), jnp.float32) for _ in range(NBUF)],
          [pltpu.VMEM((EMB, TB + 1), jnp.float32) for _ in range(NBUF)],
          [pltpu.SemaphoreType.DMA for _ in range(NBUF)],
          [pltpu.SemaphoreType.DMA for _ in range(NBUF)],
      ],
      compiler_params=pltpu.CompilerParams(
          use_tc_tiling_on_sc=False,
          needs_layout_passes=False,
          disable_bounds_checks=True,
      ),
  )
  def gather_kernel(x_hbm, w_hbm, out_hbm, idx_v, idxt_v, rows, tbufs,
                    gsems, wsems):
    wid = lax.axis_index("s") * NC + lax.axis_index("c")
    bat0 = wid * BAT_PER_W

    iota = lax.iota(jnp.int32, L)
    e0vec = iota
    e1vec = iota + L
    zero = jnp.zeros((L,), jnp.int32)

    pltpu.sync_copy(x_hbm.at[pl.ds(bat0, BAT_PER_W)], idx_v)

    @pl.loop(0, HIST)
    def _(h):
      hvec = h + jnp.zeros((L,), jnp.int32)
      for c in range(BAT_PER_W // L):
        col = plsc.load_gather(idx_v, [iota + (c * L), hvec])
        idxt_v[h, pl.ds(c * L, L)] = col

    def start_g(u, b):
      h = u // NTB
      tb = lax.rem(u, NTB)
      pltpu.async_copy(
          w_hbm.at[idxt_v.at[h, pl.ds(tb * TB, TB)]], rows[b], gsems[b]
      )

    def wait_g(b):
      pltpu.make_async_copy(w_hbm.at[pl.ds(0, TB)], rows[b], gsems[b]).wait()

    def transpose(b):
      @pl.loop(0, TB // 8)
      def _(g):
        for d in range(8):
          r = g * 8 + d
          rvec = r + zero
          lo = rows[b][r, pl.ds(0, L)]
          hi = rows[b][r, pl.ds(L, L)]
          plsc.store_scatter(tbufs[b], [e0vec, rvec], lo)
          plsc.store_scatter(tbufs[b], [e1vec, rvec], hi)

    def _dst(u):
      h = u // NTB
      tb = lax.rem(u, NTB)
      return out_hbm.at[h, :, pl.ds(bat0 + tb * TB, TB)]

    def start_w(u, b):
      pltpu.async_copy(tbufs[b].at[:, pl.ds(0, TB)], _dst(u), wsems[b])

    def wait_w(u, b):
      pltpu.make_async_copy(
          tbufs[b].at[:, pl.ds(0, TB)], _dst(u), wsems[b]
      ).wait()

    start_g(0, 0)
    start_g(1, 1)
    start_g(2, 2)
    wait_g(0)
    transpose(0)
    start_w(0, 0)
    start_g(3, 3)
    wait_g(1)
    transpose(1)
    start_w(1, 1)

    @pl.loop(4, NUNIT - NUNIT % NBUF, step=NBUF)
    def _(u0):
      for j in range(NBUF):
        u = u0 + j
        b = j
        b2 = (j + 2) % NBUF
        wait_w(u - NBUF, b)
        start_g(u, b)
        wait_g(b2)
        transpose(b2)
        start_w(u - 2, b2)

    wait_g(2)
    transpose(2)
    start_w(198, 2)
    wait_g(3)
    transpose(3)
    start_w(199, 3)
    wait_w(196, 0)
    wait_w(197, 1)
    wait_w(198, 2)
    wait_w(199, 3)

  return gather_kernel


_kernel_call = _make_kernel()


@jax.jit
def kernel(x, W):
  out_t = _kernel_call(x.astype(jnp.int32), W)
  return jnp.transpose(out_t, (2, 0, 1))

# --- scband reference (transcript-rebuilt; emitter-appended) ---
"""Pipeline reference for scband-embedding-13589276525208 (READ-ONLY COPY).

The authoritative reference and input builder live on the scoring server;
editing this copy changes nothing except your own understanding.
"""

import jax, jax.numpy as jnp
import numpy as np

VOCAB = 1000000
EMB = 32
BATCH = 16384
HIST = 50

def setup_inputs(seed: int = 0) -> dict:
    key = jax.random.key(seed)
    k_idx, k_w = jax.random.split(key)
    x = jax.random.randint(k_idx, (BATCH, HIST), 0, VOCAB, dtype=jnp.int64)
    W = jax.random.normal(k_w, (VOCAB, EMB), dtype=jnp.float32)
    return {"x": x, "W": W}

def reference(x, W):
    # Embedding.__call__ is W[x] for a scalar; vmapped over arrays it is a gather.
    return jnp.take(W, x, axis=0)

if __name__ == "__main__":
    import jax
    _d = setup_inputs()
    print(jax.jit(kernel)(*tuple(_d.values())))

</pallas_src>

<mosaic_0001>
#map = affine_map<(d0, d1) -> (0, 0)>
#map1 = affine_map<(d0, d1) -> (0, 0, 0)>
module attributes {stable_mosaic.version = 14 : i64} {
  func.func @gather_kernel(%arg0: i32, %arg1: i32, %arg2: memref<16384x50xi32, #tpu.memory_space<hbm>>, %arg3: memref<1000000x32xf32, #tpu.memory_space<hbm>>, %arg4: memref<50x32x16384xf32, #tpu.memory_space<hbm>>, %arg5: memref<512x50xi32, #tpu.memory_space<vmem>>, %arg6: memref<50x512xi32, #tpu.memory_space<vmem>>, %arg7: memref<128x32xf32, #tpu.memory_space<vmem>>, %arg8: memref<128x32xf32, #tpu.memory_space<vmem>>, %arg9: memref<128x32xf32, #tpu.memory_space<vmem>>, %arg10: memref<128x32xf32, #tpu.memory_space<vmem>>, %arg11: memref<32x129xf32, #tpu.memory_space<vmem>>, %arg12: memref<32x129xf32, #tpu.memory_space<vmem>>, %arg13: memref<32x129xf32, #tpu.memory_space<vmem>>, %arg14: memref<32x129xf32, #tpu.memory_space<vmem>>, %arg15: memref<!tpu.dma_semaphore, #tpu.memory_space<semaphore_mem>>, %arg16: memref<!tpu.dma_semaphore, #tpu.memory_space<semaphore_mem>>, %arg17: memref<!tpu.dma_semaphore, #tpu.memory_space<semaphore_mem>>, %arg18: memref<!tpu.dma_semaphore, #tpu.memory_space<semaphore_mem>>, %arg19: memref<!tpu.dma_semaphore, #tpu.memory_space<semaphore_mem>>, %arg20: memref<!tpu.dma_semaphore, #tpu.memory_space<semaphore_mem>>, %arg21: memref<!tpu.dma_semaphore, #tpu.memory_space<semaphore_mem>>, %arg22: memref<!tpu.dma_semaphore, #tpu.memory_space<semaphore_mem>>) attributes {dimension_semantics = [#tpu.dimension_semantics<core_parallel>, #tpu.dimension_semantics<subcore_parallel>], iteration_bounds = array<i64: 2, 16>, scalar_prefetch = 0 : i64, scratch_operands = 18 : i64, tpu.core_type = #tpu.core_type<sc_vector_subcore>, window_params = [{transform_indices = #map}, {transform_indices = #map}, {transform_indices = #map1}]} {
    %mul3A = arith.constant 2 : i32
    %mul3A_0 = arith.muli %arg1, %mul3A : i32
    %add3A = arith.addi %mul3A_0, %arg0 : i32
    %mul3A_1 = arith.constant 512 : i32
    %mul3A_2 = arith.muli %add3A, %mul3A_1 : i32
    %iota3A = tpu.iota {dimensions = array<i32: 0>} : vector<16xi32>
    %add3A_3 = arith.constant 16 : i32
    %add3A_4 = vector.broadcast %add3A_3 : i32 to vector<16xi32>
    %add3A_5 = arith.addi %iota3A, %add3A_4 : vector<16xi32>
    %broadcast_in_dim3A = arith.constant 0 : i32
    %broadcast_in_dim3A_6 = vector.broadcast %broadcast_in_dim3A : i32 to vector<16xi32>
    "tpu.region"() ({
      %run_scoped3A = tpu.sem_alloc : memref<!tpu.dma_semaphore, #tpu.memory_space<semaphore_mem>>
      %dma_start3A_253 = arith.constant 0 : i32
      %dma_start3A_254 = tpu.memref_slice %arg2[%mul3A_2, %dma_start3A_253] : memref<16384x50xi32, #tpu.memory_space<hbm>> -> memref<512x50xi32, #tpu.memory_space<hbm>>
      %dma_start3A_255 = arith.constant 0 : i32
      %dma_start3A_256 = tpu.memref_slice %arg2[%mul3A_2, %dma_start3A_255] : memref<16384x50xi32, #tpu.memory_space<hbm>> -> memref<512x50xi32, #tpu.memory_space<hbm>>
      tpu.enqueue_dma source(%dma_start3A_256 : memref<512x50xi32, #tpu.memory_space<hbm>>) target(%arg5 : memref<512x50xi32, #tpu.memory_space<vmem>>) target_semaphore(%run_scoped3A : memref<!tpu.dma_semaphore, #tpu.memory_space<semaphore_mem>>)
      %dma_wait3A_257 = arith.constant 0 : i32
      %dma_wait3A_258 = tpu.memref_slice %arg2[%mul3A_2, %dma_wait3A_257] : memref<16384x50xi32, #tpu.memory_space<hbm>> -> memref<512x50xi32, #tpu.memory_space<hbm>>
      %dma_wait3A_259 = arith.constant 0 : i32
      %dma_wait3A_260 = tpu.memref_slice %arg2[%mul3A_2, %dma_wait3A_259] : memref<16384x50xi32, #tpu.memory_space<hbm>> -> memref<512x50xi32, #tpu.memory_space<hbm>>
      tpu.wait_dma2 semaphore(%run_scoped3A : memref<!tpu.dma_semaphore, #tpu.memory_space<semaphore_mem>>) src(%dma_wait3A_260 : memref<512x50xi32, #tpu.memory_space<hbm>>) dst(%arg5 : memref<512x50xi32, #tpu.memory_space<vmem>>)
      tpu.yield
    }) : () -> ()
    %scan3A = arith.constant 0 : i32
    %scan3A_7 = arith.constant 50 : i32
    %scan3A_8 = arith.addi %scan3A, %scan3A_7 : i32
    %scan3A_9 = arith.constant 1 : i32
    scf.for %scan3A_253 = %scan3A to %scan3A_8 step %scan3A_9  : i32 {
      %mul3A_254 = arith.constant 1 : i32
      %mul3A_255 = arith.muli %scan3A_253, %mul3A_254 : i32
      %add3A_256 = arith.constant 0 : i32
      %add3A_257 = arith.addi %add3A_256, %mul3A_255 : i32
      %broadcast_in_dim3A_258 = arith.constant 0 : i32
      %broadcast_in_dim3A_259 = vector.broadcast %broadcast_in_dim3A_258 : i32 to vector<16xi32>
      %add3A_260 = vector.broadcast %add3A_257 : i32 to vector<16xi32>
      %add3A_261 = arith.addi %add3A_260, %broadcast_in_dim3A_259 : vector<16xi32>
      %add3A_262 = arith.constant 0 : i32
      %add3A_263 = vector.broadcast %add3A_262 : i32 to vector<16xi32>
      %add3A_264 = arith.addi %iota3A, %add3A_263 : vector<16xi32>
      %gather3A = tpu.vector_load_idx %arg5[%add3A_264, %add3A_261] : memref<512x50xi32, #tpu.memory_space<vmem>>[vector<16xi32>, vector<16xi32>], vector<16xi32>,
      %swap3A = arith.index_cast %add3A_257 : i32 to index
      %swap3A_265 = arith.constant 0 : index
      %swap3A_266 = tpu.vector_load %arg6[%swap3A, %swap3A_265] {strides = array<i32>} : memref<50x512xi32, #tpu.memory_space<vmem>>, vector<16xi32>,
      tpu.vector_store %arg6[%swap3A, %swap3A_265], %gather3A {strides = array<i32>} : memref<50x512xi32, #tpu.memory_space<vmem>>, vector<16xi32>,
      %add3A_267 = arith.constant 16 : i32
      %add3A_268 = vector.broadcast %add3A_267 : i32 to vector<16xi32>
      %add3A_269 = arith.addi %iota3A, %add3A_268 : vector<16xi32>
      %gather3A_270 = tpu.vector_load_idx %arg5[%add3A_269, %add3A_261] : memref<512x50xi32, #tpu.memory_space<vmem>>[vector<16xi32>, vector<16xi32>], vector<16xi32>,
      %swap3A_271 = arith.index_cast %add3A_257 : i32 to index
      %swap3A_272 = arith.constant 16 : index
      %swap3A_273 = tpu.vector_load %arg6[%swap3A_271, %swap3A_272] {strides = array<i32>} : memref<50x512xi32, #tpu.memory_space<vmem>>, vector<16xi32>,
      tpu.vector_store %arg6[%swap3A_271, %swap3A_272], %gather3A_270 {strides = array<i32>} : memref<50x512xi32, #tpu.memory_space<vmem>>, vector<16xi32>,
      %add3A_274 = arith.constant 32 : i32
      %add3A_275 = vector.broadcast %add3A_274 : i32 to vector<16xi32>
      %add3A_276 = arith.addi %iota3A, %add3A_275 : vector<16xi32>
      %gather3A_277 = tpu.vector_load_idx %arg5[%add3A_276, %add3A_261] : memref<512x50xi32, #tpu.memory_space<vmem>>[vector<16xi32>, vector<16xi32>], vector<16xi32>,
      %swap3A_278 = arith.index_cast %add3A_257 : i32 to index
      %swap3A_279 = arith.constant 32 : index
      %swap3A_280 = tpu.vector_load %arg6[%swap3A_278, %swap3A_279] {strides = array<i32>} : memref<50x512xi32, #tpu.memory_space<vmem>>, vector<16xi32>,
      tpu.vector_store %arg6[%swap3A_278, %swap3A_279], %gather3A_277 {strides = array<i32>} : memref<50x512xi32, #tpu.memory_space<vmem>>, vector<16xi32>,
      %add3A_281 = arith.constant 48 : i32
      %add3A_282 = vector.broadcast %add3A_281 : i32 to vector<16xi32>
      %add3A_283 = arith.addi %iota3A, %add3A_282 : vector<16xi32>
      %gather3A_284 = tpu.vector_load_idx %arg5[%add3A_283, %add3A_261] : memref<512x50xi32, #tpu.memory_space<vmem>>[vector<16xi32>, vector<16xi32>], vector<16xi32>,
      %swap3A_285 = arith.index_cast %add3A_257 : i32 to index
      %swap3A_286 = arith.constant 48 : index
      %swap3A_287 = tpu.vector_load %arg6[%swap3A_285, %swap3A_286] {strides = array<i32>} : memref<50x512xi32, #tpu.memory_space<vmem>>, vector<16xi32>,
      tpu.vector_store %arg6[%swap3A_285, %swap3A_286], %gather3A_284 {strides = array<i32>} : memref<50x512xi32, #tpu.memory_space<vmem>>, vector<16xi32>,
      %add3A_288 = arith.constant 64 : i32
      %add3A_289 = vector.broadcast %add3A_288 : i32 to vector<16xi32>
      %add3A_290 = arith.addi %iota3A, %add3A_289 : vector<16xi32>
      %gather3A_291 = tpu.vector_load_idx %arg5[%add3A_290, %add3A_261] : memref<512x50xi32, #tpu.memory_space<vmem>>[vector<16xi32>, vector<16xi32>], vector<16xi32>,
      %swap3A_292 = arith.index_cast %add3A_257 : i32 to index
      %swap3A_293 = arith.constant 64 : index
      %swap3A_294 = tpu.vector_load %arg6[%swap3A_292, %swap3A_293] {strides = array<i32>} : memref<50x512xi32, #tpu.memory_space<vmem>>, vector<16xi32>,
      tpu.vector_store %arg6[%swap3A_292, %swap3A_293], %gather3A_291 {strides = array<i32>} : memref<50x512xi32, #tpu.memory_space<vmem>>, vector<16xi32>,
      %add3A_295 = arith.constant 80 : i32
      %add3A_296 = vector.broadcast %add3A_295 : i32 to vector<16xi32>
      %add3A_297 = arith.addi %iota3A, %add3A_296 : vector<16xi32>
      %gather3A_298 = tpu.vector_load_idx %arg5[%add3A_297, %add3A_261] : memref<512x50xi32, #tpu.memory_space<vmem>>[vector<16xi32>, vector<16xi32>], vector<16xi32>,
      %swap3A_299 = arith.index_cast %add3A_257 : i32 to index
      %swap3A_300 = arith.constant 80 : index
      %swap3A_301 = tpu.vector_load %arg6[%swap3A_299, %swap3A_300] {strides = array<i32>} : memref<50x512xi32, #tpu.memory_space<vmem>>, vector<16xi32>,
      tpu.vector_store %arg6[%swap3A_299, %swap3A_300], %gather3A_298 {strides = array<i32>} : memref<50x512xi32, #tpu.memory_space<vmem>>, vector<16xi32>,
      %add3A_302 = arith.constant 96 : i32
      %add3A_303 = vector.broadcast %add3A_302 : i32 to vector<16xi32>
      %add3A_304 = arith.addi %iota3A, %add3A_303 : vector<16xi32>
      %gather3A_305 = tpu.vector_load_idx %arg5[%add3A_304, %add3A_261] : memref<512x50xi32, #tpu.memory_space<vmem>>[vector<16xi32>, vector<16xi32>], vector<16xi32>,
      %swap3A_306 = arith.index_cast %add3A_257 : i32 to index
      %swap3A_307 = arith.constant 96 : index
      %swap3A_308 = tpu.vector_load %arg6[%swap3A_306, %swap3A_307] {strides = array<i32>} : memref<50x512xi32, #tpu.memory_space<vmem>>, vector<16xi32>,
      tpu.vector_store %arg6[%swap3A_306, %swap3A_307], %gather3A_305 {strides = array<i32>} : memref<50x512xi32, #tpu.memory_space<vmem>>, vector<16xi32>,
      %add3A_309 = arith.constant 112 : i32
      %add3A_310 = vector.broadcast %add3A_309 : i32 to vector<16xi32>
      %add3A_311 = arith.addi %iota3A, %add3A_310 : vector<16xi32>
      %gather3A_312 = tpu.vector_load_idx %arg5[%add3A_311, %add3A_261] : memref<512x50xi32, #tpu.memory_space<vmem>>[vector<16xi32>, vector<16xi32>], vector<16xi32>,
      %swap3A_313 = arith.index_cast %add3A_257 : i32 to index
      %swap3A_314 = arith.constant 112 : index
      %swap3A_315 = tpu.vector_load %arg6[%swap3A_313, %swap3A_314] {strides = array<i32>} : memref<50x512xi32, #tpu.memory_space<vmem>>, vector<16xi32>,
      tpu.vector_store %arg6[%swap3A_313, %swap3A_314], %gather3A_312 {strides = array<i32>} : memref<50x512xi32, #tpu.memory_space<vmem>>, vector<16xi32>,
      %add3A_316 = arith.constant 128 : i32
      %add3A_317 = vector.broadcast %add3A_316 : i32 to vector<16xi32>
      %add3A_318 = arith.addi %iota3A, %add3A_317 : vector<16xi32>
      %gather3A_319 = tpu.vector_load_idx %arg5[%add3A_318, %add3A_261] : memref<512x50xi32, #tpu.memory_space<vmem>>[vector<16xi32>, vector<16xi32>], vector<16xi32>,
      %swap3A_320 = arith.index_cast %add3A_257 : i32 to index
      %swap3A_321 = arith.constant 128 : index
      %swap3A_322 = tpu.vector_load %arg6[%swap3A_320, %swap3A_321] {strides = array<i32>} : memref<50x512xi32, #tpu.memory_space<vmem>>, vector<16xi32>,
      tpu.vector_store %arg6[%swap3A_320, %swap3A_321], %gather3A_319 {strides = array<i32>} : memref<50x512xi32, #tpu.memory_space<vmem>>, vector<16xi32>,
      %add3A_323 = arith.constant 144 : i32
      %add3A_324 = vector.broadcast %add3A_323 : i32 to vector<16xi32>
      %add3A_325 = arith.addi %iota3A, %add3A_324 : vector<16xi32>
      %gather3A_326 = tpu.vector_load_idx %arg5[%add3A_325, %add3A_261] : memref<512x50xi32, #tpu.memory_space<vmem>>[vector<16xi32>, vector<16xi32>], vector<16xi32>,
      %swap3A_327 = arith.index_cast %add3A_257 : i32 to index
      %swap3A_328 = arith.constant 144 : index
      %swap3A_329 = tpu.vector_load %arg6[%swap3A_327, %swap3A_328] {strides = array<i32>} : memref<50x512xi32, #tpu.memory_space<vmem>>, vector<16xi32>,
      tpu.vector_store %arg6[%swap3A_327, %swap3A_328], %gather3A_326 {strides = array<i32>} : memref<50x512xi32, #tpu.memory_space<vmem>>, vector<16xi32>,
      %add3A_330 = arith.constant 160 : i32
      %add3A_331 = vector.broadcast %add3A_330 : i32 to vector<16xi32>
      %add3A_332 = arith.addi %iota3A, %add3A_331 : vector<16xi32>
      %gather3A_333 = tpu.vector_load_idx %arg5[%add3A_332, %add3A_261] : memref<512x50xi32, #tpu.memory_space<vmem>>[vector<16xi32>, vector<16xi32>], vector<16xi32>,
      %swap3A_334 = arith.index_cast %add3A_257 : i32 to index
      %swap3A_335 = arith.constant 160 : index
      %swap3A_336 = tpu.vector_load %arg6[%swap3A_334, %swap3A_335] {strides = array<i32>} : memref<50x512xi32, #tpu.memory_space<vmem>>, vector<16xi32>,
      tpu.vector_store %arg6[%swap3A_334, %swap3A_335], %gather3A_333 {strides = array<i32>} : memref<50x512xi32, #tpu.memory_space<vmem>>, vector<16xi32>,
      %add3A_337 = arith.constant 176 : i32
      %add3A_338 = vector.broadcast %add3A_337 : i32 to vector<16xi32>
      %add3A_339 = arith.addi %iota3A, %add3A_338 : vector<16xi32>
      %gather3A_340 = tpu.vector_load_idx %arg5[%add3A_339, %add3A_261] : memref<512x50xi32, #tpu.memory_space<vmem>>[vector<16xi32>, vector<16xi32>], vector<16xi32>,
      %swap3A_341 = arith.index_cast %add3A_257 : i32 to index
      %swap3A_342 = arith.constant 176 : index
      %swap3A_343 = tpu.vector_load %arg6[%swap3A_341, %swap3A_342] {strides = array<i32>} : memref<50x512xi32, #tpu.memory_space<vmem>>, vector<16xi32>,
      tpu.vector_store %arg6[%swap3A_341, %swap3A_342], %gather3A_340 {strides = array<i32>} : memref<50x512xi32, #tpu.memory_space<vmem>>, vector<16xi32>,
      %add3A_344 = arith.constant 192 : i32
      %add3A_345 = vector.broadcast %add3A_344 : i32 to vector<16xi32>
      %add3A_346 = arith.addi %iota3A, %add3A_345 : vector<16xi32>
      %gather3A_347 = tpu.vector_load_idx %arg5[%add3A_346, %add3A_261] : memref<512x50xi32, #tpu.memory_space<vmem>>[vector<16xi32>, vector<16xi32>], vector<16xi32>,
      %swap3A_348 = arith.index_cast %add3A_257 : i32 to index
      %swap3A_349 = arith.constant 192 : index
      %swap3A_350 = tpu.vector_load %arg6[%swap3A_348, %swap3A_349] {strides = array<i32>} : memref<50x512xi32, #tpu.memory_space<vmem>>, vector<16xi32>,
      tpu.vector_store %arg6[%swap3A_348, %swap3A_349], %gather3A_347 {strides = array<i32>} : memref<50x512xi32, #tpu.memory_space<vmem>>, vector<16xi32>,
      %add3A_351 = arith.constant 208 : i32
      %add3A_352 = vector.broadcast %add3A_351 : i32 to vector<16xi32>
      %add3A_353 = arith.addi %iota3A, %add3A_352 : vector<16xi32>
      %gather3A_354 = tpu.vector_load_idx %arg5[%add3A_353, %add3A_261] : memref<512x50xi32, #tpu.memory_space<vmem>>[vector<16xi32>, vector<16xi32>], vector<16xi32>,
      %swap3A_355 = arith.index_cast %add3A_257 : i32 to index
      %swap3A_356 = arith.constant 208 : index
      %swap3A_357 = tpu.vector_load %arg6[%swap3A_355, %swap3A_356] {strides = array<i32>} : memref<50x512xi32, #tpu.memory_space<vmem>>, vector<16xi32>,
      tpu.vector_store %arg6[%swap3A_355, %swap3A_356], %gather3A_354 {strides = array<i32>} : memref<50x512xi32, #tpu.memory_space<vmem>>, vector<16xi32>,
      %add3A_358 = arith.constant 224 : i32
      %add3A_359 = vector.broadcast %add3A_358 : i32 to vector<16xi32>
      %add3A_360 = arith.addi %iota3A, %add3A_359 : vector<16xi32>
      %gather3A_361 = tpu.vector_load_idx %arg5[%add3A_360, %add3A_261] : memref<512x50xi32, #tpu.memory_space<vmem>>[vector<16xi32>, vector<16xi32>], vector<16xi32>,
      %swap3A_362 = arith.index_cast %add3A_257 : i32 to index
      %swap3A_363 = arith.constant 224 : index
      %swap3A_364 = tpu.vector_load %arg6[%swap3A_362, %swap3A_363] {strides = array<i32>} : memref<50x512xi32, #tpu.memory_space<vmem>>, vector<16xi32>,
      tpu.vector_store %arg6[%swap3A_362, %swap3A_363], %gather3A_361 {strides = array<i32>} : memref<50x512xi32, #tpu.memory_space<vmem>>, vector<16xi32>,
      %add3A_365 = arith.constant 240 : i32
      %add3A_366 = vector.broadcast %add3A_365 : i32 to vector<16xi32>
      %add3A_367 = arith.addi %iota3A, %add3A_366 : vector<16xi32>
      %gather3A_368 = tpu.vector_load_idx %arg5[%add3A_367, %add3A_261] : memref<512x50xi32, #tpu.memory_space<vmem>>[vector<16xi32>, vector<16xi32>], vector<16xi32>,
      %swap3A_369 = arith.index_cast %add3A_257 : i32 to index
      %swap3A_370 = arith.constant 240 : index
      %swap3A_371 = tpu.vector_load %arg6[%swap3A_369, %swap3A_370] {strides = array<i32>} : memref<50x512xi32, #tpu.memory_space<vmem>>, vector<16xi32>,
      tpu.vector_store %arg6[%swap3A_369, %swap3A_370], %gather3A_368 {strides = array<i32>} : memref<50x512xi32, #tpu.memory_space<vmem>>, vector<16xi32>,
      %add3A_372 = arith.constant 256 : i32
      %add3A_373 = vector.broadcast %add3A_372 : i32 to vector<16xi32>
      %add3A_374 = arith.addi %iota3A, %add3A_373 : vector<16xi32>
      %gather3A_375 = tpu.vector_load_idx %arg5[%add3A_374, %add3A_261] : memref<512x50xi32, #tpu.memory_space<vmem>>[vector<16xi32>, vector<16xi32>], vector<16xi32>,
      %swap3A_376 = arith.index_cast %add3A_257 : i32 to index
      %swap3A_377 = arith.constant 256 : index
      %swap3A_378 = tpu.vector_load %arg6[%swap3A_376, %swap3A_377] {strides = array<i32>} : memref<50x512xi32, #tpu.memory_space<vmem>>, vector<16xi32>,
      tpu.vector_store %arg6[%swap3A_376, %swap3A_377], %gather3A_375 {strides = array<i32>} : memref<50x512xi32, #tpu.memory_space<vmem>>, vector<16xi32>,
      %add3A_379 = arith.constant 272 : i32
      %add3A_380 = vector.broadcast %add3A_379 : i32 to vector<16xi32>
      %add3A_381 = arith.addi %iota3A, %add3A_380 : vector<16xi32>
      %gather3A_382 = tpu.vector_load_idx %arg5[%add3A_381, %add3A_261] : memref<512x50xi32, #tpu.memory_space<vmem>>[vector<16xi32>, vector<16xi32>], vector<16xi32>,
      %swap3A_383 = arith.index_cast %add3A_257 : i32 to index
      %swap3A_384 = arith.constant 272 : index
      %swap3A_385 = tpu.vector_load %arg6[%swap3A_383, %swap3A_384] {strides = array<i32>} : memref<50x512xi32, #tpu.memory_space<vmem>>, vector<16xi32>,
      tpu.vector_store %arg6[%swap3A_383, %swap3A_384], %gather3A_382 {strides = array<i32>} : memref<50x512xi32, #tpu.memory_space<vmem>>, vector<16xi32>,
      %add3A_386 = arith.constant 288 : i32
      %add3A_387 = vector.broadcast %add3A_386 : i32 to vector<16xi32>
      %add3A_388 = arith.addi %iota3A, %add3A_387 : vector<16xi32>
      %gather3A_389 = tpu.vector_load_idx %arg5[%add3A_388, %add3A_261] : memref<512x50xi32, #tpu.memory_space<vmem>>[vector<16xi32>, vector<16xi32>], vector<16xi32>,
      %swap3A_390 = arith.index_cast %add3A_257 : i32 to index
      %swap3A_391 = arith.constant 288 : index
      %swap3A_392 = tpu.vector_load %arg6[%swap3A_390, %swap3A_391] {strides = array<i32>} : memref<50x512xi32, #tpu.memory_space<vmem>>, vector<16xi32>,
      tpu.vector_store %arg6[%swap3A_390, %swap3A_391], %gather3A_389 {strides = array<i32>} : memref<50x512xi32, #tpu.memory_space<vmem>>, vector<16xi32>,
      %add3A_393 = arith.constant 304 : i32
      %add3A_394 = vector.broadcast %add3A_393 : i32 to vector<16xi32>
      %add3A_395 = arith.addi %iota3A, %add3A_394 : vector<16xi32>
      %gather3A_396 = tpu.vector_load_idx %arg5[%add3A_395, %add3A_261] : memref<512x50xi32, #tpu.memory_space<vmem>>[vector<16xi32>, vector<16xi32>], vector<16xi32>,
      %swap3A_397 = arith.index_cast %add3A_257 : i32 to index
      %swap3A_398 = arith.constant 304 : index
      %swap3A_399 = tpu.vector_load %arg6[%swap3A_397, %swap3A_398] {strides = array<i32>} : memref<50x512xi32, #tpu.memory_space<vmem>>, vector<16xi32>,
      tpu.vector_store %arg6[%swap3A_397, %swap3A_398], %gather3A_396 {strides = array<i32>} : memref<50x512xi32, #tpu.memory_space<vmem>>, vector<16xi32>,
      %add3A_400 = arith.constant 320 : i32
      %add3A_401 = vector.broadcast %add3A_400 : i32 to vector<16xi32>
      %add3A_402 = arith.addi %iota3A, %add3A_401 : vector<16xi32>
      %gather3A_403 = tpu.vector_load_idx %arg5[%add3A_402, %add3A_261] : memref<512x50xi32, #tpu.memory_space<vmem>>[vector<16xi32>, vector<16xi32>], vector<16xi32>,
      %swap3A_404 = arith.index_cast %add3A_257 : i32 to index
      %swap3A_405 = arith.constant 320 : index
      %swap3A_406 = tpu.vector_load %arg6[%swap3A_404, %swap3A_405] {strides = array<i32>} : memref<50x512xi32, #tpu.memory_space<vmem>>, vector<16xi32>,
      tpu.vector_store %arg6[%swap3A_404, %swap3A_405], %gather3A_403 {strides = array<i32>} : memref<50x512xi32, #tpu.memory_space<vmem>>, vector<16xi32>,
      %add3A_407 = arith.constant 336 : i32
      %add3A_408 = vector.broadcast %add3A_407 : i32 to vector<16xi32>
      %add3A_409 = arith.addi %iota3A, %add3A_408 : vector<16xi32>
      %gather3A_410 = tpu.vector_load_idx %arg5[%add3A_409, %add3A_261] : memref<512x50xi32, #tpu.memory_space<vmem>>[vector<16xi32>, vector<16xi32>], vector<16xi32>,
      %swap3A_411 = arith.index_cast %add3A_257 : i32 to index
      %swap3A_412 = arith.constant 336 : index
      %swap3A_413 = tpu.vector_load %arg6[%swap3A_411, %swap3A_412] {strides = array<i32>} : memref<50x512xi32, #tpu.memory_space<vmem>>, vector<16xi32>,
      tpu.vector_store %arg6[%swap3A_411, %swap3A_412], %gather3A_410 {strides = array<i32>} : memref<50x512xi32, #tpu.memory_space<vmem>>, vector<16xi32>,
      %add3A_414 = arith.constant 352 : i32
      %add3A_415 = vector.broadcast %add3A_414 : i32 to vector<16xi32>
      %add3A_416 = arith.addi %iota3A, %add3A_415 : vector<16xi32>
      %gather3A_417 = tpu.vector_load_idx %arg5[%add3A_416, %add3A_261] : memref<512x50xi32, #tpu.memory_space<vmem>>[vector<16xi32>, vector<16xi32>], vector<16xi32>,
      %swap3A_418 = arith.index_cast %add3A_257 : i32 to index
      %swap3A_419 = arith.constant 352 : index
      %swap3A_420 = tpu.vector_load %arg6[%swap3A_418, %swap3A_419] {strides = array<i32>} : memref<50x512xi32, #tpu.memory_space<vmem>>, vector<16xi32>,
      tpu.vector_store %arg6[%swap3A_418, %swap3A_419], %gather3A_417 {strides = array<i32>} : memref<50x512xi32, #tpu.memory_space<vmem>>, vector<16xi32>,
      %add3A_421 = arith.constant 368 : i32
      %add3A_422 = vector.broadcast %add3A_421 : i32 to vector<16xi32>
      %add3A_423 = arith.addi %iota3A, %add3A_422 : vector<16xi32>
      %gather3A_424 = tpu.vector_load_idx %arg5[%add3A_423, %add3A_261] : memref<512x50xi32, #tpu.memory_space<vmem>>[vector<16xi32>, vector<16xi32>], vector<16xi32>,
      %swap3A_425 = arith.index_cast %add3A_257 : i32 to index
      %swap3A_426 = arith.constant 368 : index
      %swap3A_427 = tpu.vector_load %arg6[%swap3A_425, %swap3A_426] {strides = array<i32>} : memref<50x512xi32, #tpu.memory_space<vmem>>, vector<16xi32>,
      tpu.vector_store %arg6[%swap3A_425, %swap3A_426], %gather3A_424 {strides = array<i32>} : memref<50x512xi32, #tpu.memory_space<vmem>>, vector<16xi32>,
      %add3A_428 = arith.constant 384 : i32
      %add3A_429 = vector.broadcast %add3A_428 : i32 to vector<16xi32>
      %add3A_430 = arith.addi %iota3A, %add3A_429 : vector<16xi32>
      %gather3A_431 = tpu.vector_load_idx %arg5[%add3A_430, %add3A_261] : memref<512x50xi32, #tpu.memory_space<vmem>>[vector<16xi32>, vector<16xi32>], vector<16xi32>,
      %swap3A_432 = arith.index_cast %add3A_257 : i32 to index
      %swap3A_433 = arith.constant 384 : index
      %swap3A_434 = tpu.vector_load %arg6[%swap3A_432, %swap3A_433] {strides = array<i32>} : memref<50x512xi32, #tpu.memory_space<vmem>>, vector<16xi32>,
      tpu.vector_store %arg6[%swap3A_432, %swap3A_433], %gather3A_431 {strides = array<i32>} : memref<50x512xi32, #tpu.memory_space<vmem>>, vector<16xi32>,
      %add3A_435 = arith.constant 400 : i32
      %add3A_436 = vector.broadcast %add3A_435 : i32 to vector<16xi32>
      %add3A_437 = arith.addi %iota3A, %add3A_436 : vector<16xi32>
      %gather3A_438 = tpu.vector_load_idx %arg5[%add3A_437, %add3A_261] : memref<512x50xi32, #tpu.memory_space<vmem>>[vector<16xi32>, vector<16xi32>], vector<16xi32>,
      %swap3A_439 = arith.index_cast %add3A_257 : i32 to index
      %swap3A_440 = arith.constant 400 : index
      %swap3A_441 = tpu.vector_load %arg6[%swap3A_439, %swap3A_440] {strides = array<i32>} : memref<50x512xi32, #tpu.memory_space<vmem>>, vector<16xi32>,
      tpu.vector_store %arg6[%swap3A_439, %swap3A_440], %gather3A_438 {strides = array<i32>} : memref<50x512xi32, #tpu.memory_space<vmem>>, vector<16xi32>,
      %add3A_442 = arith.constant 416 : i32
      %add3A_443 = vector.broadcast %add3A_442 : i32 to vector<16xi32>
      %add3A_444 = arith.addi %iota3A, %add3A_443 : vector<16xi32>
      %gather3A_445 = tpu.vector_load_idx %arg5[%add3A_444, %add3A_261] : memref<512x50xi32, #tpu.memory_space<vmem>>[vector<16xi32>, vector<16xi32>], vector<16xi32>,
      %swap3A_446 = arith.index_cast %add3A_257 : i32 to index
      %swap3A_447 = arith.constant 416 : index
      %swap3A_448 = tpu.vector_load %arg6[%swap3A_446, %swap3A_447] {strides = array<i32>} : memref<50x512xi32, #tpu.memory_space<vmem>>, vector<16xi32>,
      tpu.vector_store %arg6[%swap3A_446, %swap3A_447], %gather3A_445 {strides = array<i32>} : memref<50x512xi32, #tpu.memory_space<vmem>>, vector<16xi32>,
      %add3A_449 = arith.constant 432 : i32
      %add3A_450 = vector.broadcast %add3A_449 : i32 to vector<16xi32>
      %add3A_451 = arith.addi %iota3A, %add3A_450 : vector<16xi32>
      %gather3A_452 = tpu.vector_load_idx %arg5[%add3A_451, %add3A_261] : memref<512x50xi32, #tpu.memory_space<vmem>>[vector<16xi32>, vector<16xi32>], vector<16xi32>,
      %swap3A_453 = arith.index_cast %add3A_257 : i32 to index
      %swap3A_454 = arith.constant 432 : index
      %swap3A_455 = tpu.vector_load %arg6[%swap3A_453, %swap3A_454] {strides = array<i32>} : memref<50x512xi32, #tpu.memory_space<vmem>>, vector<16xi32>,
      tpu.vector_store %arg6[%swap3A_453, %swap3A_454], %gather3A_452 {strides = array<i32>} : memref<50x512xi32, #tpu.memory_space<vmem>>, vector<16xi32>,
      %add3A_456 = arith.constant 448 : i32
      %add3A_457 = vector.broadcast %add3A_456 : i32 to vector<16xi32>
      %add3A_458 = arith.addi %iota3A, %add3A_457 : vector<16xi32>
      %gather3A_459 = tpu.vector_load_idx %arg5[%add3A_458, %add3A_261] : memref<512x50xi32, #tpu.memory_space<vmem>>[vector<16xi32>, vector<16xi32>], vector<16xi32>,
      %swap3A_460 = arith.index_cast %add3A_257 : i32 to index
      %swap3A_461 = arith.constant 448 : index
      %swap3A_462 = tpu.vector_load %arg6[%swap3A_460, %swap3A_461] {strides = array<i32>} : memref<50x512xi32, #tpu.memory_space<vmem>>, vector<16xi32>,
      tpu.vector_store %arg6[%swap3A_460, %swap3A_461], %gather3A_459 {strides = array<i32>} : memref<50x512xi32, #tpu.memory_space<vmem>>, vector<16xi32>,
      %add3A_463 = arith.constant 464 : i32
      %add3A_464 = vector.broadcast %add3A_463 : i32 to vector<16xi32>
      %add3A_465 = arith.addi %iota3A, %add3A_464 : vector<16xi32>
      %gather3A_466 = tpu.vector_load_idx %arg5[%add3A_465, %add3A_261] : memref<512x50xi32, #tpu.memory_space<vmem>>[vector<16xi32>, vector<16xi32>], vector<16xi32>,
      %swap3A_467 = arith.index_cast %add3A_257 : i32 to index
      %swap3A_468 = arith.constant 464 : index
      %swap3A_469 = tpu.vector_load %arg6[%swap3A_467, %swap3A_468] {strides = array<i32>} : memref<50x512xi32, #tpu.memory_space<vmem>>, vector<16xi32>,
      tpu.vector_store %arg6[%swap3A_467, %swap3A_468], %gather3A_466 {strides = array<i32>} : memref<50x512xi32, #tpu.memory_space<vmem>>, vector<16xi32>,
      %add3A_470 = arith.constant 480 : i32
      %add3A_471 = vector.broadcast %add3A_470 : i32 to vector<16xi32>
      %add3A_472 = arith.addi %iota3A, %add3A_471 : vector<16xi32>
      %gather3A_473 = tpu.vector_load_idx %arg5[%add3A_472, %add3A_261] : memref<512x50xi32, #tpu.memory_space<vmem>>[vector<16xi32>, vector<16xi32>], vector<16xi32>,
      %swap3A_474 = arith.index_cast %add3A_257 : i32 to index
      %swap3A_475 = arith.constant 480 : index
      %swap3A_476 = tpu.vector_load %arg6[%swap3A_474, %swap3A_475] {strides = array<i32>} : memref<50x512xi32, #tpu.memory_space<vmem>>, vector<16xi32>,
      tpu.vector_store %arg6[%swap3A_474, %swap3A_475], %gather3A_473 {strides = array<i32>} : memref<50x512xi32, #tpu.memory_space<vmem>>, vector<16xi32>,
      %add3A_477 = arith.constant 496 : i32
      %add3A_478 = vector.broadcast %add3A_477 : i32 to vector<16xi32>
      %add3A_479 = arith.addi %iota3A, %add3A_478 : vector<16xi32>
      %gather3A_480 = tpu.vector_load_idx %arg5[%add3A_479, %add3A_261] : memref<512x50xi32, #tpu.memory_space<vmem>>[vector<16xi32>, vector<16xi32>], vector<16xi32>,
      %swap3A_481 = arith.index_cast %add3A_257 : i32 to index
      %swap3A_482 = arith.constant 496 : index
      %swap3A_483 = tpu.vector_load %arg6[%swap3A_481, %swap3A_482] {strides = array<i32>} : memref<50x512xi32, #tpu.memory_space<vmem>>, vector<16xi32>,
      tpu.vector_store %arg6[%swap3A_481, %swap3A_482], %gather3A_480 {strides = array<i32>} : memref<50x512xi32, #tpu.memory_space<vmem>>, vector<16xi32>,
    }
    %scan3A_10 = arith.constant 50 : i32
    %rem3A = arith.constant 0 : i32
    %rem3A_11 = arith.constant 4 : i32
    %rem3A_12 = arith.remsi %rem3A, %rem3A_11 : i32
    %mul3A_13 = arith.constant 128 : i32
    %mul3A_14 = arith.muli %rem3A_12, %mul3A_13 : i32
    %dma_start3A = arith.constant 0 : i32
    %dma_start3A_15 = tpu.memref_slice %arg6[%dma_start3A, %mul3A_14] : memref<50x512xi32, #tpu.memory_space<vmem>> -> memref<1x128xi32, #tpu.memory_space<vmem>>
    %dma_start3A_16 = tpu.memref_squeeze %dma_start3A_15 : memref<1x128xi32, #tpu.memory_space<vmem>> -> memref<128xi32, #tpu.memory_space<vmem>>
    %dma_start3A_17 = arith.constant 0 : i32
    %dma_start3A_18 = arith.constant 0 : i32
    %dma_start3A_19 = tpu.memref_slice %arg3[%dma_start3A_17, %dma_start3A_18] : memref<1000000x32xf32, #tpu.memory_space<hbm>> -> memref<1000000x32xf32, #tpu.memory_space<hbm>>
    tpu.enqueue_indirect_dma source(%dma_start3A_19 : memref<1000000x32xf32, #tpu.memory_space<hbm>>) target(%arg7 : memref<128x32xf32, #tpu.memory_space<vmem>>) offsets(%dma_start3A_16 : memref<128xi32, #tpu.memory_space<vmem>>) semaphore(%arg15 : memref<!tpu.dma_semaphore, #tpu.memory_space<semaphore_mem>>)
    %rem3A_20 = arith.constant 1 : i32
    %rem3A_21 = arith.constant 4 : i32
    %rem3A_22 = arith.remsi %rem3A_20, %rem3A_21 : i32
    %mul3A_23 = arith.constant 128 : i32
    %mul3A_24 = arith.muli %rem3A_22, %mul3A_23 : i32
    %dma_start3A_25 = arith.constant 0 : i32
    %dma_start3A_26 = tpu.memref_slice %arg6[%dma_start3A_25, %mul3A_24] : memref<50x512xi32, #tpu.memory_space<vmem>> -> memref<1x128xi32, #tpu.memory_space<vmem>>
    %dma_start3A_27 = tpu.memref_squeeze %dma_start3A_26 : memref<1x128xi32, #tpu.memory_space<vmem>> -> memref<128xi32, #tpu.memory_space<vmem>>
    %dma_start3A_28 = arith.constant 0 : i32
    %dma_start3A_29 = arith.constant 0 : i32
    %dma_start3A_30 = tpu.memref_slice %arg3[%dma_start3A_28, %dma_start3A_29] : memref<1000000x32xf32, #tpu.memory_space<hbm>> -> memref<1000000x32xf32, #tpu.memory_space<hbm>>
    tpu.enqueue_indirect_dma source(%dma_start3A_30 : memref<1000000x32xf32, #tpu.memory_space<hbm>>) target(%arg8 : memref<128x32xf32, #tpu.memory_space<vmem>>) offsets(%dma_start3A_27 : memref<128xi32, #tpu.memory_space<vmem>>) semaphore(%arg16 : memref<!tpu.dma_semaphore, #tpu.memory_space<semaphore_mem>>)
    %rem3A_31 = arith.constant 2 : i32
    %rem3A_32 = arith.constant 4 : i32
    %rem3A_33 = arith.remsi %rem3A_31, %rem3A_32 : i32
    %mul3A_34 = arith.constant 128 : i32
    %mul3A_35 = arith.muli %rem3A_33, %mul3A_34 : i32
    %dma_start3A_36 = arith.constant 0 : i32
    %dma_start3A_37 = tpu.memref_slice %arg6[%dma_start3A_36, %mul3A_35] : memref<50x512xi32, #tpu.memory_space<vmem>> -> memref<1x128xi32, #tpu.memory_space<vmem>>
    %dma_start3A_38 = tpu.memref_squeeze %dma_start3A_37 : memref<1x128xi32, #tpu.memory_space<vmem>> -> memref<128xi32, #tpu.memory_space<vmem>>
    %dma_start3A_39 = arith.constant 0 : i32
    %dma_start3A_40 = arith.constant 0 : i32
    %dma_start3A_41 = tpu.memref_slice %arg3[%dma_start3A_39, %dma_start3A_40] : memref<1000000x32xf32, #tpu.memory_space<hbm>> -> memref<1000000x32xf32, #tpu.memory_space<hbm>>
    tpu.enqueue_indirect_dma source(%dma_start3A_41 : memref<1000000x32xf32, #tpu.memory_space<hbm>>) target(%arg9 : memref<128x32xf32, #tpu.memory_space<vmem>>) offsets(%dma_start3A_38 : memref<128xi32, #tpu.memory_space<vmem>>) semaphore(%arg17 : memref<!tpu.dma_semaphore, #tpu.memory_space<semaphore_mem>>)
    %dma_wait3A = arith.constant 0 : i32
    %dma_wait3A_42 = arith.constant 0 : i32
    %dma_wait3A_43 = tpu.memref_slice %arg3[%dma_wait3A, %dma_wait3A_42] : memref<1000000x32xf32, #tpu.memory_space<hbm>> -> memref<128x32xf32, #tpu.memory_space<hbm>>
    %dma_wait3A_44 = arith.constant 0 : i32
    %dma_wait3A_45 = arith.constant 0 : i32
    %dma_wait3A_46 = tpu.memref_slice %arg3[%dma_wait3A_44, %dma_wait3A_45] : memref<1000000x32xf32, #tpu.memory_space<hbm>> -> memref<128x32xf32, #tpu.memory_space<hbm>>
    tpu.wait_dma2 semaphore(%arg15 : memref<!tpu.dma_semaphore, #tpu.memory_space<semaphore_mem>>) src(%dma_wait3A_46 : memref<128x32xf32, #tpu.memory_space<hbm>>) dst(%arg7 : memref<128x32xf32, #tpu.memory_space<vmem>>)
    %scan3A_47 = arith.constant 0 : i32
    %scan3A_48 = arith.constant 16 : i32
    %scan3A_49 = arith.addi %scan3A_47, %scan3A_48 : i32
    %scan3A_50 = arith.constant 1 : i32
    scf.for %scan3A_253 = %scan3A_47 to %scan3A_49 step %scan3A_50  : i32 {
      %mul3A_254 = arith.constant 1 : i32
      %mul3A_255 = arith.muli %scan3A_253, %mul3A_254 : i32
      %add3A_256 = arith.constant 0 : i32
      %add3A_257 = arith.addi %add3A_256, %mul3A_255 : i32
      %mul3A_258 = arith.constant 8 : i32
      %mul3A_259 = arith.muli %add3A_257, %mul3A_258 : i32
      %add3A_260 = arith.constant 0 : i32
      %add3A_261 = arith.addi %mul3A_259, %add3A_260 : i32
      %add3A_262 = vector.broadcast %add3A_261 : i32 to vector<16xi32>
      %add3A_263 = arith.addi %add3A_262, %broadcast_in_dim3A_6 : vector<16xi32>
      %get3A = arith.index_cast %add3A_261 : i32 to index
      %get3A_264 = arith.constant 0 : index
      %get3A_265 = tpu.vector_load %arg7[%get3A, %get3A_264] {strides = array<i32>} : memref<128x32xf32, #tpu.memory_space<vmem>>, vector<16xf32>,
      %get3A_266 = arith.index_cast %add3A_261 : i32 to index
      %get3A_267 = arith.constant 16 : index
      %get3A_268 = tpu.vector_load %arg7[%get3A_266, %get3A_267] {strides = array<i32>} : memref<128x32xf32, #tpu.memory_space<vmem>>, vector<16xf32>,
      tpu.vector_store_idx %arg11[%iota3A, %add3A_263], %get3A_265 : memref<32x129xf32, #tpu.memory_space<vmem>>[vector<16xi32>, vector<16xi32>], vector<16xf32>,
      tpu.vector_store_idx %arg11[%add3A_5, %add3A_263], %get3A_268 : memref<32x129xf32, #tpu.memory_space<vmem>>[vector<16xi32>, vector<16xi32>], vector<16xf32>,
      %mul3A_269 = arith.constant 8 : i32
      %mul3A_270 = arith.muli %add3A_257, %mul3A_269 : i32
      %add3A_271 = arith.constant 1 : i32
      %add3A_272 = arith.addi %mul3A_270, %add3A_271 : i32
      %add3A_273 = vector.broadcast %add3A_272 : i32 to vector<16xi32>
      %add3A_274 = arith.addi %add3A_273, %broadcast_in_dim3A_6 : vector<16xi32>
      %get3A_275 = arith.index_cast %add3A_272 : i32 to index
      %get3A_276 = arith.constant 0 : index
      %get3A_277 = tpu.vector_load %arg7[%get3A_275, %get3A_276] {strides = array<i32>} : memref<128x32xf32, #tpu.memory_space<vmem>>, vector<16xf32>,
      %get3A_278 = arith.index_cast %add3A_272 : i32 to index
      %get3A_279 = arith.constant 16 : index
      %get3A_280 = tpu.vector_load %arg7[%get3A_278, %get3A_279] {strides = array<i32>} : memref<128x32xf32, #tpu.memory_space<vmem>>, vector<16xf32>,
      tpu.vector_store_idx %arg11[%iota3A, %add3A_274], %get3A_277 : memref<32x129xf32, #tpu.memory_space<vmem>>[vector<16xi32>, vector<16xi32>], vector<16xf32>,
      tpu.vector_store_idx %arg11[%add3A_5, %add3A_274], %get3A_280 : memref<32x129xf32, #tpu.memory_space<vmem>>[vector<16xi32>, vector<16xi32>], vector<16xf32>,
      %mul3A_281 = arith.constant 8 : i32
      %mul3A_282 = arith.muli %add3A_257, %mul3A_281 : i32
      %add3A_283 = arith.constant 2 : i32
      %add3A_284 = arith.addi %mul3A_282, %add3A_283 : i32
      %add3A_285 = vector.broadcast %add3A_284 : i32 to vector<16xi32>
      %add3A_286 = arith.addi %add3A_285, %broadcast_in_dim3A_6 : vector<16xi32>
      %get3A_287 = arith.index_cast %add3A_284 : i32 to index
      %get3A_288 = arith.constant 0 : index
      %get3A_289 = tpu.vector_load %arg7[%get3A_287, %get3A_288] {strides = array<i32>} : memref<128x32xf32, #tpu.memory_space<vmem>>, vector<16xf32>,
      %get3A_290 = arith.index_cast %add3A_284 : i32 to index
      %get3A_291 = arith.constant 16 : index
      %get3A_292 = tpu.vector_load %arg7[%get3A_290, %get3A_291] {strides = array<i32>} : memref<128x32xf32, #tpu.memory_space<vmem>>, vector<16xf32>,
      tpu.vector_store_idx %arg11[%iota3A, %add3A_286], %get3A_289 : memref<32x129xf32, #tpu.memory_space<vmem>>[vector<16xi32>, vector<16xi32>], vector<16xf32>,
      tpu.vector_store_idx %arg11[%add3A_5, %add3A_286], %get3A_292 : memref<32x129xf32, #tpu.memory_space<vmem>>[vector<16xi32>, vector<16xi32>], vector<16xf32>,
      %mul3A_293 = arith.constant 8 : i32
      %mul3A_294 = arith.muli %add3A_257, %mul3A_293 : i32
      %add3A_295 = arith.constant 3 : i32
      %add3A_296 = arith.addi %mul3A_294, %add3A_295 : i32
      %add3A_297 = vector.broadcast %add3A_296 : i32 to vector<16xi32>
      %add3A_298 = arith.addi %add3A_297, %broadcast_in_dim3A_6 : vector<16xi32>
      %get3A_299 = arith.index_cast %add3A_296 : i32 to index
      %get3A_300 = arith.constant 0 : index
      %get3A_301 = tpu.vector_load %arg7[%get3A_299, %get3A_300] {strides = array<i32>} : memref<128x32xf32, #tpu.memory_space<vmem>>, vector<16xf32>,
      %get3A_302 = arith.index_cast %add3A_296 : i32 to index
      %get3A_303 = arith.constant 16 : index
      %get3A_304 = tpu.vector_load %arg7[%get3A_302, %get3A_303] {strides = array<i32>} : memref<128x32xf32, #tpu.memory_space<vmem>>, vector<16xf32>,
      tpu.vector_store_idx %arg11[%iota3A, %add3A_298], %get3A_301 : memref<32x129xf32, #tpu.memory_space<vmem>>[vector<16xi32>, vector<16xi32>], vector<16xf32>,
      tpu.vector_store_idx %arg11[%add3A_5, %add3A_298], %get3A_304 : memref<32x129xf32, #tpu.memory_space<vmem>>[vector<16xi32>, vector<16xi32>], vector<16xf32>,
      %mul3A_305 = arith.constant 8 : i32
      %mul3A_306 = arith.muli %add3A_257, %mul3A_305 : i32
      %add3A_307 = arith.constant 4 : i32
      %add3A_308 = arith.addi %mul3A_306, %add3A_307 : i32
      %add3A_309 = vector.broadcast %add3A_308 : i32 to vector<16xi32>
      %add3A_310 = arith.addi %add3A_309, %broadcast_in_dim3A_6 : vector<16xi32>
      %get3A_311 = arith.index_cast %add3A_308 : i32 to index
      %get3A_312 = arith.constant 0 : index
      %get3A_313 = tpu.vector_load %arg7[%get3A_311, %get3A_312] {strides = array<i32>} : memref<128x32xf32, #tpu.memory_space<vmem>>, vector<16xf32>,
      %get3A_314 = arith.index_cast %add3A_308 : i32 to index
      %get3A_315 = arith.constant 16 : index
      %get3A_316 = tpu.vector_load %arg7[%get3A_314, %get3A_315] {strides = array<i32>} : memref<128x32xf32, #tpu.memory_space<vmem>>, vector<16xf32>,
      tpu.vector_store_idx %arg11[%iota3A, %add3A_310], %get3A_313 : memref<32x129xf32, #tpu.memory_space<vmem>>[vector<16xi32>, vector<16xi32>], vector<16xf32>,
      tpu.vector_store_idx %arg11[%add3A_5, %add3A_310], %get3A_316 : memref<32x129xf32, #tpu.memory_space<vmem>>[vector<16xi32>, vector<16xi32>], vector<16xf32>,
      %mul3A_317 = arith.constant 8 : i32
      %mul3A_318 = arith.muli %add3A_257, %mul3A_317 : i32
      %add3A_319 = arith.constant 5 : i32
      %add3A_320 = arith.addi %mul3A_318, %add3A_319 : i32
      %add3A_321 = vector.broadcast %add3A_320 : i32 to vector<16xi32>
      %add3A_322 = arith.addi %add3A_321, %broadcast_in_dim3A_6 : vector<16xi32>
      %get3A_323 = arith.index_cast %add3A_320 : i32 to index
      %get3A_324 = arith.constant 0 : index
      %get3A_325 = tpu.vector_load %arg7[%get3A_323, %get3A_324] {strides = array<i32>} : memref<128x32xf32, #tpu.memory_space<vmem>>, vector<16xf32>,
      %get3A_326 = arith.index_cast %add3A_320 : i32 to index
      %get3A_327 = arith.constant 16 : index
      %get3A_328 = tpu.vector_load %arg7[%get3A_326, %get3A_327] {strides = array<i32>} : memref<128x32xf32, #tpu.memory_space<vmem>>, vector<16xf32>,
      tpu.vector_store_idx %arg11[%iota3A, %add3A_322], %get3A_325 : memref<32x129xf32, #tpu.memory_space<vmem>>[vector<16xi32>, vector<16xi32>], vector<16xf32>,
      tpu.vector_store_idx %arg11[%add3A_5, %add3A_322], %get3A_328 : memref<32x129xf32, #tpu.memory_space<vmem>>[vector<16xi32>, vector<16xi32>], vector<16xf32>,
      %mul3A_329 = arith.constant 8 : i32
      %mul3A_330 = arith.muli %add3A_257, %mul3A_329 : i32
      %add3A_331 = arith.constant 6 : i32
      %add3A_332 = arith.addi %mul3A_330, %add3A_331 : i32
      %add3A_333 = vector.broadcast %add3A_332 : i32 to vector<16xi32>
      %add3A_334 = arith.addi %add3A_333, %broadcast_in_dim3A_6 : vector<16xi32>
      %get3A_335 = arith.index_cast %add3A_332 : i32 to index
      %get3A_336 = arith.constant 0 : index
      %get3A_337 = tpu.vector_load %arg7[%get3A_335, %get3A_336] {strides = array<i32>} : memref<128x32xf32, #tpu.memory_space<vmem>>, vector<16xf32>,
      %get3A_338 = arith.index_cast %add3A_332 : i32 to index
      %get3A_339 = arith.constant 16 : index
      %get3A_340 = tpu.vector_load %arg7[%get3A_338, %get3A_339] {strides = array<i32>} : memref<128x32xf32, #tpu.memory_space<vmem>>, vector<16xf32>,
      tpu.vector_store_idx %arg11[%iota3A, %add3A_334], %get3A_337 : memref<32x129xf32, #tpu.memory_space<vmem>>[vector<16xi32>, vector<16xi32>], vector<16xf32>,
      tpu.vector_store_idx %arg11[%add3A_5, %add3A_334], %get3A_340 : memref<32x129xf32, #tpu.memory_space<vmem>>[vector<16xi32>, vector<16xi32>], vector<16xf32>,
      %mul3A_341 = arith.constant 8 : i32
      %mul3A_342 = arith.muli %add3A_257, %mul3A_341 : i32
      %add3A_343 = arith.constant 7 : i32
      %add3A_344 = arith.addi %mul3A_342, %add3A_343 : i32
      %add3A_345 = vector.broadcast %add3A_344 : i32 to vector<16xi32>
      %add3A_346 = arith.addi %add3A_345, %broadcast_in_dim3A_6 : vector<16xi32>
      %get3A_347 = arith.index_cast %add3A_344 : i32 to index
      %get3A_348 = arith.constant 0 : index
      %get3A_349 = tpu.vector_load %arg7[%get3A_347, %get3A_348] {strides = array<i32>} : memref<128x32xf32, #tpu.memory_space<vmem>>, vector<16xf32>,
      %get3A_350 = arith.index_cast %add3A_344 : i32 to index
      %get3A_351 = arith.constant 16 : index
      %get3A_352 = tpu.vector_load %arg7[%get3A_350, %get3A_351] {strides = array<i32>} : memref<128x32xf32, #tpu.memory_space<vmem>>, vector<16xf32>,
      tpu.vector_store_idx %arg11[%iota3A, %add3A_346], %get3A_349 : memref<32x129xf32, #tpu.memory_space<vmem>>[vector<16xi32>, vector<16xi32>], vector<16xf32>,
      tpu.vector_store_idx %arg11[%add3A_5, %add3A_346], %get3A_352 : memref<32x129xf32, #tpu.memory_space<vmem>>[vector<16xi32>, vector<16xi32>], vector<16xf32>,
    }
    %scan3A_51 = arith.constant 16 : i32
    %rem3A_52 = arith.constant 0 : i32
    %rem3A_53 = arith.constant 4 : i32
    %rem3A_54 = arith.remsi %rem3A_52, %rem3A_53 : i32
    %mul3A_55 = arith.constant 128 : i32
    %mul3A_56 = arith.muli %rem3A_54, %mul3A_55 : i32
    %add3A_57 = arith.addi %mul3A_2, %mul3A_56 : i32
    %dma_start3A_58 = arith.constant 0 : i32
    %dma_start3A_59 = arith.constant 0 : i32
    %dma_start3A_60 = arith.constant 0 : i32
    %dma_start3A_61 = tpu.memref_slice %arg11[%dma_start3A_59, %dma_start3A_60] : memref<32x129xf32, #tpu.memory_space<vmem>> -> memref<32x128xf32, #tpu.memory_space<vmem>>
    %dma_start3A_62 = arith.constant 0 : i32
    %dma_start3A_63 = tpu.memref_slice %arg4[%dma_start3A_58, %dma_start3A_62, %add3A_57] : memref<50x32x16384xf32, #tpu.memory_space<hbm>> -> memref<1x32x128xf32, #tpu.memory_space<hbm>>
    %dma_start3A_64 = tpu.memref_squeeze %dma_start3A_63 : memref<1x32x128xf32, #tpu.memory_space<hbm>> -> memref<32x128xf32, #tpu.memory_space<hbm>>
    %dma_start3A_65 = arith.constant 0 : i32
    %dma_start3A_66 = tpu.memref_slice %arg4[%dma_start3A_58, %dma_start3A_65, %add3A_57] : memref<50x32x16384xf32, #tpu.memory_space<hbm>> -> memref<1x32x128xf32, #tpu.memory_space<hbm>>
    %dma_start3A_67 = tpu.memref_squeeze %dma_start3A_66 : memref<1x32x128xf32, #tpu.memory_space<hbm>> -> memref<32x128xf32, #tpu.memory_space<hbm>>
    %dma_start3A_68 = arith.constant 0 : i32
    %dma_start3A_69 = arith.constant 0 : i32
    %dma_start3A_70 = tpu.memref_slice %arg11[%dma_start3A_68, %dma_start3A_69] : memref<32x129xf32, #tpu.memory_space<vmem>> -> memref<32x128xf32, #tpu.memory_space<vmem>>
    tpu.enqueue_dma source(%dma_start3A_70 : memref<32x128xf32, #tpu.memory_space<vmem>>) target(%dma_start3A_67 : memref<32x128xf32, #tpu.memory_space<hbm>>) target_semaphore(%arg19 : memref<!tpu.dma_semaphore, #tpu.memory_space<semaphore_mem>>)
    %rem3A_71 = arith.constant 3 : i32
    %rem3A_72 = arith.constant 4 : i32
    %rem3A_73 = arith.remsi %rem3A_71, %rem3A_72 : i32
    %mul3A_74 = arith.constant 128 : i32
    %mul3A_75 = arith.muli %rem3A_73, %mul3A_74 : i32
    %dma_start3A_76 = arith.constant 0 : i32
    %dma_start3A_77 = tpu.memref_slice %arg6[%dma_start3A_76, %mul3A_75] : memref<50x512xi32, #tpu.memory_space<vmem>> -> memref<1x128xi32, #tpu.memory_space<vmem>>
    %dma_start3A_78 = tpu.memref_squeeze %dma_start3A_77 : memref<1x128xi32, #tpu.memory_space<vmem>> -> memref<128xi32, #tpu.memory_space<vmem>>
    %dma_start3A_79 = arith.constant 0 : i32
    %dma_start3A_80 = arith.constant 0 : i32
    %dma_start3A_81 = tpu.memref_slice %arg3[%dma_start3A_79, %dma_start3A_80] : memref<1000000x32xf32, #tpu.memory_space<hbm>> -> memref<1000000x32xf32, #tpu.memory_space<hbm>>
    tpu.enqueue_indirect_dma source(%dma_start3A_81 : memref<1000000x32xf32, #tpu.memory_space<hbm>>) target(%arg10 : memref<128x32xf32, #tpu.memory_space<vmem>>) offsets(%dma_start3A_78 : memref<128xi32, #tpu.memory_space<vmem>>) semaphore(%arg18 : memref<!tpu.dma_semaphore, #tpu.memory_space<semaphore_mem>>)
    %dma_wait3A_82 = arith.constant 0 : i32
    %dma_wait3A_83 = arith.constant 0 : i32
    %dma_wait3A_84 = tpu.memref_slice %arg3[%dma_wait3A_82, %dma_wait3A_83] : memref<1000000x32xf32, #tpu.memory_space<hbm>> -> memref<128x32xf32, #tpu.memory_space<hbm>>
    %dma_wait3A_85 = arith.constant 0 : i32
    %dma_wait3A_86 = arith.constant 0 : i32
    %dma_wait3A_87 = tpu.memref_slice %arg3[%dma_wait3A_85, %dma_wait3A_86] : memref<1000000x32xf32, #tpu.memory_space<hbm>> -> memref<128x32xf32, #tpu.memory_space<hbm>>
    tpu.wait_dma2 semaphore(%arg16 : memref<!tpu.dma_semaphore, #tpu.memory_space<semaphore_mem>>) src(%dma_wait3A_87 : memref<128x32xf32, #tpu.memory_space<hbm>>) dst(%arg8 : memref<128x32xf32, #tpu.memory_space<vmem>>)
    %scan3A_88 = arith.constant 0 : i32
    %scan3A_89 = arith.constant 16 : i32
    %scan3A_90 = arith.addi %scan3A_88, %scan3A_89 : i32
    %scan3A_91 = arith.constant 1 : i32
    scf.for %scan3A_253 = %scan3A_88 to %scan3A_90 step %scan3A_91  : i32 {
      %mul3A_254 = arith.constant 1 : i32
      %mul3A_255 = arith.muli %scan3A_253, %mul3A_254 : i32
      %add3A_256 = arith.constant 0 : i32
      %add3A_257 = arith.addi %add3A_256, %mul3A_255 : i32
      %mul3A_258 = arith.constant 8 : i32
      %mul3A_259 = arith.muli %add3A_257, %mul3A_258 : i32
      %add3A_260 = arith.constant 0 : i32
      %add3A_261 = arith.addi %mul3A_259, %add3A_260 : i32
      %add3A_262 = vector.broadcast %add3A_261 : i32 to vector<16xi32>
      %add3A_263 = arith.addi %add3A_262, %broadcast_in_dim3A_6 : vector<16xi32>
      %get3A = arith.index_cast %add3A_261 : i32 to index
      %get3A_264 = arith.constant 0 : index
      %get3A_265 = tpu.vector_load %arg8[%get3A, %get3A_264] {strides = array<i32>} : memref<128x32xf32, #tpu.memory_space<vmem>>, vector<16xf32>,
      %get3A_266 = arith.index_cast %add3A_261 : i32 to index
      %get3A_267 = arith.constant 16 : index
      %get3A_268 = tpu.vector_load %arg8[%get3A_266, %get3A_267] {strides = array<i32>} : memref<128x32xf32, #tpu.memory_space<vmem>>, vector<16xf32>,
      tpu.vector_store_idx %arg12[%iota3A, %add3A_263], %get3A_265 : memref<32x129xf32, #tpu.memory_space<vmem>>[vector<16xi32>, vector<16xi32>], vector<16xf32>,
      tpu.vector_store_idx %arg12[%add3A_5, %add3A_263], %get3A_268 : memref<32x129xf32, #tpu.memory_space<vmem>>[vector<16xi32>, vector<16xi32>], vector<16xf32>,
      %mul3A_269 = arith.constant 8 : i32
      %mul3A_270 = arith.muli %add3A_257, %mul3A_269 : i32
      %add3A_271 = arith.constant 1 : i32
      %add3A_272 = arith.addi %mul3A_270, %add3A_271 : i32
      %add3A_273 = vector.broadcast %add3A_272 : i32 to vector<16xi32>
      %add3A_274 = arith.addi %add3A_273, %broadcast_in_dim3A_6 : vector<16xi32>
      %get3A_275 = arith.index_cast %add3A_272 : i32 to index
      %get3A_276 = arith.constant 0 : index
      %get3A_277 = tpu.vector_load %arg8[%get3A_275, %get3A_276] {strides = array<i32>} : memref<128x32xf32, #tpu.memory_space<vmem>>, vector<16xf32>,
      %get3A_278 = arith.index_cast %add3A_272 : i32 to index
      %get3A_279 = arith.constant 16 : index
      %get3A_280 = tpu.vector_load %arg8[%get3A_278, %get3A_279] {strides = array<i32>} : memref<128x32xf32, #tpu.memory_space<vmem>>, vector<16xf32>,
      tpu.vector_store_idx %arg12[%iota3A, %add3A_274], %get3A_277 : memref<32x129xf32, #tpu.memory_space<vmem>>[vector<16xi32>, vector<16xi32>], vector<16xf32>,
      tpu.vector_store_idx %arg12[%add3A_5, %add3A_274], %get3A_280 : memref<32x129xf32, #tpu.memory_space<vmem>>[vector<16xi32>, vector<16xi32>], vector<16xf32>,
      %mul3A_281 = arith.constant 8 : i32
      %mul3A_282 = arith.muli %add3A_257, %mul3A_281 : i32
      %add3A_283 = arith.constant 2 : i32
      %add3A_284 = arith.addi %mul3A_282, %add3A_283 : i32
      %add3A_285 = vector.broadcast %add3A_284 : i32 to vector<16xi32>
      %add3A_286 = arith.addi %add3A_285, %broadcast_in_dim3A_6 : vector<16xi32>
      %get3A_287 = arith.index_cast %add3A_284 : i32 to index
      %get3A_288 = arith.constant 0 : index
      %get3A_289 = tpu.vector_load %arg8[%get3A_287, %get3A_288] {strides = array<i32>} : memref<128x32xf32, #tpu.memory_space<vmem>>, vector<16xf32>,
      %get3A_290 = arith.index_cast %add3A_284 : i32 to index
      %get3A_291 = arith.constant 16 : index
      %get3A_292 = tpu.vector_load %arg8[%get3A_290, %get3A_291] {strides = array<i32>} : memref<128x32xf32, #tpu.memory_space<vmem>>, vector<16xf32>,
      tpu.vector_store_idx %arg12[%iota3A, %add3A_286], %get3A_289 : memref<32x129xf32, #tpu.memory_space<vmem>>[vector<16xi32>, vector<16xi32>], vector<16xf32>,
      tpu.vector_store_idx %arg12[%add3A_5, %add3A_286], %get3A_292 : memref<32x129xf32, #tpu.memory_space<vmem>>[vector<16xi32>, vector<16xi32>], vector<16xf32>,
      %mul3A_293 = arith.constant 8 : i32
      %mul3A_294 = arith.muli %add3A_257, %mul3A_293 : i32
      %add3A_295 = arith.constant 3 : i32
      %add3A_296 = arith.addi %mul3A_294, %add3A_295 : i32
      %add3A_297 = vector.broadcast %add3A_296 : i32 to vector<16xi32>
      %add3A_298 = arith.addi %add3A_297, %broadcast_in_dim3A_6 : vector<16xi32>
      %get3A_299 = arith.index_cast %add3A_296 : i32 to index
      %get3A_300 = arith.constant 0 : index
      %get3A_301 = tpu.vector_load %arg8[%get3A_299, %get3A_300] {strides = array<i32>} : memref<128x32xf32, #tpu.memory_space<vmem>>, vector<16xf32>,
      %get3A_302 = arith.index_cast %add3A_296 : i32 to index
      %get3A_303 = arith.constant 16 : index
      %get3A_304 = tpu.vector_load %arg8[%get3A_302, %get3A_303] {strides = array<i32>} : memref<128x32xf32, #tpu.memory_space<vmem>>, vector<16xf32>,
      tpu.vector_store_idx %arg12[%iota3A, %add3A_298], %get3A_301 : memref<32x129xf32, #tpu.memory_space<vmem>>[vector<16xi32>, vector<16xi32>], vector<16xf32>,
      tpu.vector_store_idx %arg12[%add3A_5, %add3A_298], %get3A_304 : memref<32x129xf32, #tpu.memory_space<vmem>>[vector<16xi32>, vector<16xi32>], vector<16xf32>,
      %mul3A_305 = arith.constant 8 : i32
      %mul3A_306 = arith.muli %add3A_257, %mul3A_305 : i32
      %add3A_307 = arith.constant 4 : i32
      %add3A_308 = arith.addi %mul3A_306, %add3A_307 : i32
      %add3A_309 = vector.broadcast %add3A_308 : i32 to vector<16xi32>
      %add3A_310 = arith.addi %add3A_309, %broadcast_in_dim3A_6 : vector<16xi32>
      %get3A_311 = arith.index_cast %add3A_308 : i32 to index
      %get3A_312 = arith.constant 0 : index
      %get3A_313 = tpu.vector_load %arg8[%get3A_311, %get3A_312] {strides = array<i32>} : memref<128x32xf32, #tpu.memory_space<vmem>>, vector<16xf32>,
      %get3A_314 = arith.index_cast %add3A_308 : i32 to index
      %get3A_315 = arith.constant 16 : index
      %get3A_316 = tpu.vector_load %arg8[%get3A_314, %get3A_315] {strides = array<i32>} : memref<128x32xf32, #tpu.memory_space<vmem>>, vector<16xf32>,
      tpu.vector_store_idx %arg12[%iota3A, %add3A_310], %get3A_313 : memref<32x129xf32, #tpu.memory_space<vmem>>[vector<16xi32>, vector<16xi32>], vector<16xf32>,
      tpu.vector_store_idx %arg12[%add3A_5, %add3A_310], %get3A_316 : memref<32x129xf32, #tpu.memory_space<vmem>>[vector<16xi32>, vector<16xi32>], vector<16xf32>,
      %mul3A_317 = arith.constant 8 : i32
      %mul3A_318 = arith.muli %add3A_257, %mul3A_317 : i32
      %add3A_319 = arith.constant 5 : i32
      %add3A_320 = arith.addi %mul3A_318, %add3A_319 : i32
      %add3A_321 = vector.broadcast %add3A_320 : i32 to vector<16xi32>
      %add3A_322 = arith.addi %add3A_321, %broadcast_in_dim3A_6 : vector<16xi32>
      %get3A_323 = arith.index_cast %add3A_320 : i32 to index
      %get3A_324 = arith.constant 0 : index
      %get3A_325 = tpu.vector_load %arg8[%get3A_323, %get3A_324] {strides = array<i32>} : memref<128x32xf32, #tpu.memory_space<vmem>>, vector<16xf32>,
      %get3A_326 = arith.index_cast %add3A_320 : i32 to index
      %get3A_327 = arith.constant 16 : index
      %get3A_328 = tpu.vector_load %arg8[%get3A_326, %get3A_327] {strides = array<i32>} : memref<128x32xf32, #tpu.memory_space<vmem>>, vector<16xf32>,
      tpu.vector_store_idx %arg12[%iota3A, %add3A_322], %get3A_325 : memref<32x129xf32, #tpu.memory_space<vmem>>[vector<16xi32>, vector<16xi32>], vector<16xf32>,
      tpu.vector_store_idx %arg12[%add3A_5, %add3A_322], %get3A_328 : memref<32x129xf32, #tpu.memory_space<vmem>>[vector<16xi32>, vector<16xi32>], vector<16xf32>,
      %mul3A_329 = arith.constant 8 : i32
      %mul3A_330 = arith.muli %add3A_257, %mul3A_329 : i32
      %add3A_331 = arith.constant 6 : i32
      %add3A_332 = arith.addi %mul3A_330, %add3A_331 : i32
      %add3A_333 = vector.broadcast %add3A_332 : i32 to vector<16xi32>
      %add3A_334 = arith.addi %add3A_333, %broadcast_in_dim3A_6 : vector<16xi32>
      %get3A_335 = arith.index_cast %add3A_332 : i32 to index
      %get3A_336 = arith.constant 0 : index
      %get3A_337 = tpu.vector_load %arg8[%get3A_335, %get3A_336] {strides = array<i32>} : memref<128x32xf32, #tpu.memory_space<vmem>>, vector<16xf32>,
      %get3A_338 = arith.index_cast %add3A_332 : i32 to index
      %get3A_339 = arith.constant 16 : index
      %get3A_340 = tpu.vector_load %arg8[%get3A_338, %get3A_339] {strides = array<i32>} : memref<128x32xf32, #tpu.memory_space<vmem>>, vector<16xf32>,
      tpu.vector_store_idx %arg12[%iota3A, %add3A_334], %get3A_337 : memref<32x129xf32, #tpu.memory_space<vmem>>[vector<16xi32>, vector<16xi32>], vector<16xf32>,
      tpu.vector_store_idx %arg12[%add3A_5, %add3A_334], %get3A_340 : memref<32x129xf32, #tpu.memory_space<vmem>>[vector<16xi32>, vector<16xi32>], vector<16xf32>,
      %mul3A_341 = arith.constant 8 : i32
      %mul3A_342 = arith.muli %add3A_257, %mul3A_341 : i32
      %add3A_343 = arith.constant 7 : i32
      %add3A_344 = arith.addi %mul3A_342, %add3A_343 : i32
      %add3A_345 = vector.broadcast %add3A_344 : i32 to vector<16xi32>
      %add3A_346 = arith.addi %add3A_345, %broadcast_in_dim3A_6 : vector<16xi32>
      %get3A_347 = arith.index_cast %add3A_344 : i32 to index
      %get3A_348 = arith.constant 0 : index
      %get3A_349 = tpu.vector_load %arg8[%get3A_347, %get3A_348] {strides = array<i32>} : memref<128x32xf32, #tpu.memory_space<vmem>>, vector<16xf32>,
      %get3A_350 = arith.index_cast %add3A_344 : i32 to index
      %get3A_351 = arith.constant 16 : index
      %get3A_352 = tpu.vector_load %arg8[%get3A_350, %get3A_351] {strides = array<i32>} : memref<128x32xf32, #tpu.memory_space<vmem>>, vector<16xf32>,
      tpu.vector_store_idx %arg12[%iota3A, %add3A_346], %get3A_349 : memref<32x129xf32, #tpu.memory_space<vmem>>[vector<16xi32>, vector<16xi32>], vector<16xf32>,
      tpu.vector_store_idx %arg12[%add3A_5, %add3A_346], %get3A_352 : memref<32x129xf32, #tpu.memory_space<vmem>>[vector<16xi32>, vector<16xi32>], vector<16xf32>,
    }
    %scan3A_92 = arith.constant 16 : i32
    %rem3A_93 = arith.constant 1 : i32
    %rem3A_94 = arith.constant 4 : i32
    %rem3A_95 = arith.remsi %rem3A_93, %rem3A_94 : i32
    %mul3A_96 = arith.constant 128 : i32
    %mul3A_97 = arith.muli %rem3A_95, %mul3A_96 : i32
    %add3A_98 = arith.addi %mul3A_2, %mul3A_97 : i32
    %dma_start3A_99 = arith.constant 0 : i32
    %dma_start3A_100 = arith.constant 0 : i32
    %dma_start3A_101 = arith.constant 0 : i32
    %dma_start3A_102 = tpu.memref_slice %arg12[%dma_start3A_100, %dma_start3A_101] : memref<32x129xf32, #tpu.memory_space<vmem>> -> memref<32x128xf32, #tpu.memory_space<vmem>>
    %dma_start3A_103 = arith.constant 0 : i32
    %dma_start3A_104 = tpu.memref_slice %arg4[%dma_start3A_99, %dma_start3A_103, %add3A_98] : memref<50x32x16384xf32, #tpu.memory_space<hbm>> -> memref<1x32x128xf32, #tpu.memory_space<hbm>>
    %dma_start3A_105 = tpu.memref_squeeze %dma_start3A_104 : memref<1x32x128xf32, #tpu.memory_space<hbm>> -> memref<32x128xf32, #tpu.memory_space<hbm>>
    %dma_start3A_106 = arith.constant 0 : i32
    %dma_start3A_107 = tpu.memref_slice %arg4[%dma_start3A_99, %dma_start3A_106, %add3A_98] : memref<50x32x16384xf32, #tpu.memory_space<hbm>> -> memref<1x32x128xf32, #tpu.memory_space<hbm>>
    %dma_start3A_108 = tpu.memref_squeeze %dma_start3A_107 : memref<1x32x128xf32, #tpu.memory_space<hbm>> -> memref<32x128xf32, #tpu.memory_space<hbm>>
    %dma_start3A_109 = arith.constant 0 : i32
    %dma_start3A_110 = arith.constant 0 : i32
    %dma_start3A_111 = tpu.memref_slice %arg12[%dma_start3A_109, %dma_start3A_110] : memref<32x129xf32, #tpu.memory_space<vmem>> -> memref<32x128xf32, #tpu.memory_space<vmem>>
    tpu.enqueue_dma source(%dma_start3A_111 : memref<32x128xf32, #tpu.memory_space<vmem>>) target(%dma_start3A_108 : memref<32x128xf32, #tpu.memory_space<hbm>>) target_semaphore(%arg20 : memref<!tpu.dma_semaphore, #tpu.memory_space<semaphore_mem>>)
    %scan3A_112 = arith.constant 0 : i32
    %scan3A_113 = arith.constant 49 : i32
    %scan3A_114 = arith.addi %scan3A_112, %scan3A_113 : i32
    %scan3A_115 = arith.constant 1 : i32
    scf.for %scan3A_253 = %scan3A_112 to %scan3A_114 step %scan3A_115  : i32 {
      %mul3A_254 = arith.constant 4 : i32
      %mul3A_255 = arith.muli %scan3A_253, %mul3A_254 : i32
      %add3A_256 = arith.constant 4 : i32
      %add3A_257 = arith.addi %add3A_256, %mul3A_255 : i32
      %add3A_258 = arith.constant 0 : i32
      %add3A_259 = arith.addi %add3A_257, %add3A_258 : i32
      %sub3A = arith.constant 4 : i32
      %sub3A_260 = arith.subi %add3A_259, %sub3A : i32
      %jit3A = arith.constant 4 : i32
      %div3A = arith.divsi %sub3A_260, %jit3A : i32
      %sign3A = arith.constant 0 : i32
      %sign3A_261 = arith.cmpi sgt, %sub3A_260, %sign3A : i32
      %sign3A_262 = arith.extui %sign3A_261 : i1 to i32
      %sign3A_263 = arith.constant 0 : i32
      %sign3A_264 = arith.cmpi slt, %sub3A_260, %sign3A_263 : i32
      %sign3A_265 = arith.extui %sign3A_264 : i1 to i32
      %sign3A_266 = arith.subi %sign3A_262, %sign3A_265 : i32
      %sign3A_267 = arith.constant 0 : i32
      %sign3A_268 = arith.cmpi sgt, %jit3A, %sign3A_267 : i32
      %sign3A_269 = arith.extui %sign3A_268 : i1 to i32
      %sign3A_270 = arith.constant 0 : i32
      %sign3A_271 = arith.cmpi slt, %jit3A, %sign3A_270 : i32
      %sign3A_272 = arith.extui %sign3A_271 : i1 to i32
      %sign3A_273 = arith.subi %sign3A_269, %sign3A_272 : i32
      %ne3A = arith.cmpi ne, %sign3A_266, %sign3A_273 : i32
      %rem3A_274 = arith.remsi %sub3A_260, %jit3A : i32
      %ne3A_275 = arith.constant 0 : i32
      %ne3A_276 = arith.cmpi ne, %rem3A_274, %ne3A_275 : i32
      %and3A = arith.andi %ne3A, %ne3A_276 : i1
      %sub3A_277 = arith.constant 1 : i32
      %sub3A_278 = arith.subi %div3A, %sub3A_277 : i32
      %select_n3A = arith.select %and3A, %sub3A_278, %div3A : i32
      %rem3A_279 = arith.constant 4 : i32
      %rem3A_280 = arith.remsi %sub3A_260, %rem3A_279 : i32
      %mul3A_281 = arith.constant 128 : i32
      %mul3A_282 = arith.muli %rem3A_280, %mul3A_281 : i32
      %add3A_283 = arith.addi %mul3A_2, %mul3A_282 : i32
      %dma_wait3A_284 = arith.constant 0 : i32
      %dma_wait3A_285 = arith.constant 0 : i32
      %dma_wait3A_286 = tpu.memref_slice %arg11[%dma_wait3A_284, %dma_wait3A_285] : memref<32x129xf32, #tpu.memory_space<vmem>> -> memref<32x128xf32, #tpu.memory_space<vmem>>
      %dma_wait3A_287 = arith.constant 0 : i32
      %dma_wait3A_288 = tpu.memref_slice %arg4[%select_n3A, %dma_wait3A_287, %add3A_283] : memref<50x32x16384xf32, #tpu.memory_space<hbm>> -> memref<1x32x128xf32, #tpu.memory_space<hbm>>
      %dma_wait3A_289 = tpu.memref_squeeze %dma_wait3A_288 : memref<1x32x128xf32, #tpu.memory_space<hbm>> -> memref<32x128xf32, #tpu.memory_space<hbm>>
      %dma_wait3A_290 = arith.constant 0 : i32
      %dma_wait3A_291 = tpu.memref_slice %arg4[%select_n3A, %dma_wait3A_290, %add3A_283] : memref<50x32x16384xf32, #tpu.memory_space<hbm>> -> memref<1x32x128xf32, #tpu.memory_space<hbm>>
      %dma_wait3A_292 = tpu.memref_squeeze %dma_wait3A_291 : memref<1x32x128xf32, #tpu.memory_space<hbm>> -> memref<32x128xf32, #tpu.memory_space<hbm>>
      %dma_wait3A_293 = arith.constant 0 : i32
      %dma_wait3A_294 = arith.constant 0 : i32
      %dma_wait3A_295 = tpu.memref_slice %arg11[%dma_wait3A_293, %dma_wait3A_294] : memref<32x129xf32, #tpu.memory_space<vmem>> -> memref<32x128xf32, #tpu.memory_space<vmem>>
      tpu.wait_dma2 semaphore(%arg19 : memref<!tpu.dma_semaphore, #tpu.memory_space<semaphore_mem>>) src(%dma_wait3A_295 : memref<32x128xf32, #tpu.memory_space<vmem>>) dst(%dma_wait3A_292 : memref<32x128xf32, #tpu.memory_space<hbm>>)
      %jit3A_296 = arith.constant 4 : i32
      %div3A_297 = arith.divsi %add3A_259, %jit3A_296 : i32
      %sign3A_298 = arith.constant 0 : i32
      %sign3A_299 = arith.cmpi sgt, %add3A_259, %sign3A_298 : i32
      %sign3A_300 = arith.extui %sign3A_299 : i1 to i32
      %sign3A_301 = arith.constant 0 : i32
      %sign3A_302 = arith.cmpi slt, %add3A_259, %sign3A_301 : i32
      %sign3A_303 = arith.extui %sign3A_302 : i1 to i32
      %sign3A_304 = arith.subi %sign3A_300, %sign3A_303 : i32
      %sign3A_305 = arith.constant 0 : i32
      %sign3A_306 = arith.cmpi sgt, %jit3A_296, %sign3A_305 : i32
      %sign3A_307 = arith.extui %sign3A_306 : i1 to i32
      %sign3A_308 = arith.constant 0 : i32
      %sign3A_309 = arith.cmpi slt, %jit3A_296, %sign3A_308 : i32
      %sign3A_310 = arith.extui %sign3A_309 : i1 to i32
      %sign3A_311 = arith.subi %sign3A_307, %sign3A_310 : i32
      %ne3A_312 = arith.cmpi ne, %sign3A_304, %sign3A_311 : i32
      %rem3A_313 = arith.remsi %add3A_259, %jit3A_296 : i32
      %ne3A_314 = arith.constant 0 : i32
      %ne3A_315 = arith.cmpi ne, %rem3A_313, %ne3A_314 : i32
      %and3A_316 = arith.andi %ne3A_312, %ne3A_315 : i1
      %sub3A_317 = arith.constant 1 : i32
      %sub3A_318 = arith.subi %div3A_297, %sub3A_317 : i32
      %select_n3A_319 = arith.select %and3A_316, %sub3A_318, %div3A_297 : i32
      %rem3A_320 = arith.constant 4 : i32
      %rem3A_321 = arith.remsi %add3A_259, %rem3A_320 : i32
      %mul3A_322 = arith.constant 128 : i32
      %mul3A_323 = arith.muli %rem3A_321, %mul3A_322 : i32
      %dma_start3A_324 = tpu.memref_slice %arg6[%select_n3A_319, %mul3A_323] : memref<50x512xi32, #tpu.memory_space<vmem>> -> memref<1x128xi32, #tpu.memory_space<vmem>>
      %dma_start3A_325 = tpu.memref_squeeze %dma_start3A_324 : memref<1x128xi32, #tpu.memory_space<vmem>> -> memref<128xi32, #tpu.memory_space<vmem>>
      %dma_start3A_326 = arith.constant 0 : i32
      %dma_start3A_327 = arith.constant 0 : i32
      %dma_start3A_328 = tpu.memref_slice %arg3[%dma_start3A_326, %dma_start3A_327] : memref<1000000x32xf32, #tpu.memory_space<hbm>> -> memref<1000000x32xf32, #tpu.memory_space<hbm>>
      tpu.enqueue_indirect_dma source(%dma_start3A_328 : memref<1000000x32xf32, #tpu.memory_space<hbm>>) target(%arg7 : memref<128x32xf32, #tpu.memory_space<vmem>>) offsets(%dma_start3A_325 : memref<128xi32, #tpu.memory_space<vmem>>) semaphore(%arg15 : memref<!tpu.dma_semaphore, #tpu.memory_space<semaphore_mem>>)
      %dma_wait3A_329 = arith.constant 0 : i32
      %dma_wait3A_330 = arith.constant 0 : i32
      %dma_wait3A_331 = tpu.memref_slice %arg3[%dma_wait3A_329, %dma_wait3A_330] : memref<1000000x32xf32, #tpu.memory_space<hbm>> -> memref<128x32xf32, #tpu.memory_space<hbm>>
      %dma_wait3A_332 = arith.constant 0 : i32
      %dma_wait3A_333 = arith.constant 0 : i32
      %dma_wait3A_334 = tpu.memref_slice %arg3[%dma_wait3A_332, %dma_wait3A_333] : memref<1000000x32xf32, #tpu.memory_space<hbm>> -> memref<128x32xf32, #tpu.memory_space<hbm>>
      tpu.wait_dma2 semaphore(%arg17 : memref<!tpu.dma_semaphore, #tpu.memory_space<semaphore_mem>>) src(%dma_wait3A_334 : memref<128x32xf32, #tpu.memory_space<hbm>>) dst(%arg9 : memref<128x32xf32, #tpu.memory_space<vmem>>)
      %scan3A_335 = arith.constant 0 : i32
      %scan3A_336 = arith.constant 16 : i32
      %scan3A_337 = arith.addi %scan3A_335, %scan3A_336 : i32
      %scan3A_338 = arith.constant 1 : i32
      scf.for %scan3A_779 = %scan3A_335 to %scan3A_337 step %scan3A_338  : i32 {
        %mul3A_780 = arith.constant 1 : i32
        %mul3A_781 = arith.muli %scan3A_779, %mul3A_780 : i32
        %add3A_782 = arith.constant 0 : i32
        %add3A_783 = arith.addi %add3A_782, %mul3A_781 : i32
        %mul3A_784 = arith.constant 8 : i32
        %mul3A_785 = arith.muli %add3A_783, %mul3A_784 : i32
        %add3A_786 = arith.constant 0 : i32
        %add3A_787 = arith.addi %mul3A_785, %add3A_786 : i32
        %add3A_788 = vector.broadcast %add3A_787 : i32 to vector<16xi32>
        %add3A_789 = arith.addi %add3A_788, %broadcast_in_dim3A_6 : vector<16xi32>
        %get3A = arith.index_cast %add3A_787 : i32 to index
        %get3A_790 = arith.constant 0 : index
        %get3A_791 = tpu.vector_load %arg9[%get3A, %get3A_790] {strides = array<i32>} : memref<128x32xf32, #tpu.memory_space<vmem>>, vector<16xf32>,
        %get3A_792 = arith.index_cast %add3A_787 : i32 to index
        %get3A_793 = arith.constant 16 : index
        %get3A_794 = tpu.vector_load %arg9[%get3A_792, %get3A_793] {strides = array<i32>} : memref<128x32xf32, #tpu.memory_space<vmem>>, vector<16xf32>,
        tpu.vector_store_idx %arg13[%iota3A, %add3A_789], %get3A_791 : memref<32x129xf32, #tpu.memory_space<vmem>>[vector<16xi32>, vector<16xi32>], vector<16xf32>,
        tpu.vector_store_idx %arg13[%add3A_5, %add3A_789], %get3A_794 : memref<32x129xf32, #tpu.memory_space<vmem>>[vector<16xi32>, vector<16xi32>], vector<16xf32>,
        %mul3A_795 = arith.constant 8 : i32
        %mul3A_796 = arith.muli %add3A_783, %mul3A_795 : i32
        %add3A_797 = arith.constant 1 : i32
        %add3A_798 = arith.addi %mul3A_796, %add3A_797 : i32
        %add3A_799 = vector.broadcast %add3A_798 : i32 to vector<16xi32>
        %add3A_800 = arith.addi %add3A_799, %broadcast_in_dim3A_6 : vector<16xi32>
        %get3A_801 = arith.index_cast %add3A_798 : i32 to index
        %get3A_802 = arith.constant 0 : index
        %get3A_803 = tpu.vector_load %arg9[%get3A_801, %get3A_802] {strides = array<i32>} : memref<128x32xf32, #tpu.memory_space<vmem>>, vector<16xf32>,
        %get3A_804 = arith.index_cast %add3A_798 : i32 to index
        %get3A_805 = arith.constant 16 : index
        %get3A_806 = tpu.vector_load %arg9[%get3A_804, %get3A_805] {strides = array<i32>} : memref<128x32xf32, #tpu.memory_space<vmem>>, vector<16xf32>,
        tpu.vector_store_idx %arg13[%iota3A, %add3A_800], %get3A_803 : memref<32x129xf32, #tpu.memory_space<vmem>>[vector<16xi32>, vector<16xi32>], vector<16xf32>,
        tpu.vector_store_idx %arg13[%add3A_5, %add3A_800], %get3A_806 : memref<32x129xf32, #tpu.memory_space<vmem>>[vector<16xi32>, vector<16xi32>], vector<16xf32>,
        %mul3A_807 = arith.constant 8 : i32
        %mul3A_808 = arith.muli %add3A_783, %mul3A_807 : i32
        %add3A_809 = arith.constant 2 : i32
        %add3A_810 = arith.addi %mul3A_808, %add3A_809 : i32
        %add3A_811 = vector.broadcast %add3A_810 : i32 to vector<16xi32>
        %add3A_812 = arith.addi %add3A_811, %broadcast_in_dim3A_6 : vector<16xi32>
        %get3A_813 = arith.index_cast %add3A_810 : i32 to index
        %get3A_814 = arith.constant 0 : index
        %get3A_815 = tpu.vector_load %arg9[%get3A_813, %get3A_814] {strides = array<i32>} : memref<128x32xf32, #tpu.memory_space<vmem>>, vector<16xf32>,
        %get3A_816 = arith.index_cast %add3A_810 : i32 to index
        %get3A_817 = arith.constant 16 : index
        %get3A_818 = tpu.vector_load %arg9[%get3A_816, %get3A_817] {strides = array<i32>} : memref<128x32xf32, #tpu.memory_space<vmem>>, vector<16xf32>,
        tpu.vector_store_idx %arg13[%iota3A, %add3A_812], %get3A_815 : memref<32x129xf32, #tpu.memory_space<vmem>>[vector<16xi32>, vector<16xi32>], vector<16xf32>,
        tpu.vector_store_idx %arg13[%add3A_5, %add3A_812], %get3A_818 : memref<32x129xf32, #tpu.memory_space<vmem>>[vector<16xi32>, vector<16xi32>], vector<16xf32>,
        %mul3A_819 = arith.constant 8 : i32
        %mul3A_820 = arith.muli %add3A_783, %mul3A_819 : i32
        %add3A_821 = arith.constant 3 : i32
        %add3A_822 = arith.addi %mul3A_820, %add3A_821 : i32
        %add3A_823 = vector.broadcast %add3A_822 : i32 to vector<16xi32>
        %add3A_824 = arith.addi %add3A_823, %broadcast_in_dim3A_6 : vector<16xi32>
        %get3A_825 = arith.index_cast %add3A_822 : i32 to index
        %get3A_826 = arith.constant 0 : index
        %get3A_827 = tpu.vector_load %arg9[%get3A_825, %get3A_826] {strides = array<i32>} : memref<128x32xf32, #tpu.memory_space<vmem>>, vector<16xf32>,
        %get3A_828 = arith.index_cast %add3A_822 : i32 to index
        %get3A_829 = arith.constant 16 : index
        %get3A_830 = tpu.vector_load %arg9[%get3A_828, %get3A_829] {strides = array<i32>} : memref<128x32xf32, #tpu.memory_space<vmem>>, vector<16xf32>,
        tpu.vector_store_idx %arg13[%iota3A, %add3A_824], %get3A_827 : memref<32x129xf32, #tpu.memory_space<vmem>>[vector<16xi32>, vector<16xi32>], vector<16xf32>,
        tpu.vector_store_idx %arg13[%add3A_5, %add3A_824], %get3A_830 : memref<32x129xf32, #tpu.memory_space<vmem>>[vector<16xi32>, vector<16xi32>], vector<16xf32>,
        %mul3A_831 = arith.constant 8 : i32
        %mul3A_832 = arith.muli %add3A_783, %mul3A_831 : i32
        %add3A_833 = arith.constant 4 : i32
        %add3A_834 = arith.addi %mul3A_832, %add3A_833 : i32
        %add3A_835 = vector.broadcast %add3A_834 : i32 to vector<16xi32>
        %add3A_836 = arith.addi %add3A_835, %broadcast_in_dim3A_6 : vector<16xi32>
        %get3A_837 = arith.index_cast %add3A_834 : i32 to index
        %get3A_838 = arith.constant 0 : index
        %get3A_839 = tpu.vector_load %arg9[%get3A_837, %get3A_838] {strides = array<i32>} : memref<128x32xf32, #tpu.memory_space<vmem>>, vector<16xf32>,
        %get3A_840 = arith.index_cast %add3A_834 : i32 to index
        %get3A_841 = arith.constant 16 : index
        %get3A_842 = tpu.vector_load %arg9[%get3A_840, %get3A_841] {strides = array<i32>} : memref<128x32xf32, #tpu.memory_space<vmem>>, vector<16xf32>,
        tpu.vector_store_idx %arg13[%iota3A, %add3A_836], %get3A_839 : memref<32x129xf32, #tpu.memory_space<vmem>>[vector<16xi32>, vector<16xi32>], vector<16xf32>,
        tpu.vector_store_idx %arg13[%add3A_5, %add3A_836], %get3A_842 : memref<32x129xf32, #tpu.memory_space<vmem>>[vector<16xi32>, vector<16xi32>], vector<16xf32>,
        %mul3A_843 = arith.constant 8 : i32
        %mul3A_844 = arith.muli %add3A_783, %mul3A_843 : i32
        %add3A_845 = arith.constant 5 : i32
        %add3A_846 = arith.addi %mul3A_844, %add3A_845 : i32
        %add3A_847 = vector.broadcast %add3A_846 : i32 to vector<16xi32>
        %add3A_848 = arith.addi %add3A_847, %broadcast_in_dim3A_6 : vector<16xi32>
        %get3A_849 = arith.index_cast %add3A_846 : i32 to index
        %get3A_850 = arith.constant 0 : index
        %get3A_851 = tpu.vector_load %arg9[%get3A_849, %get3A_850] {strides = array<i32>} : memref<128x32xf32, #tpu.memory_space<vmem>>, vector<16xf32>,
        %get3A_852 = arith.index_cast %add3A_846 : i32 to index
        %get3A_853 = arith.constant 16 : index
        %get3A_854 = tpu.vector_load %arg9[%get3A_852, %get3A_853] {strides = array<i32>} : memref<128x32xf32, #tpu.memory_space<vmem>>, vector<16xf32>,
        tpu.vector_store_idx %arg13[%iota3A, %add3A_848], %get3A_851 : memref<32x129xf32, #tpu.memory_space<vmem>>[vector<16xi32>, vector<16xi32>], vector<16xf32>,
        tpu.vector_store_idx %arg13[%add3A_5, %add3A_848], %get3A_854 : memref<32x129xf32, #tpu.memory_space<vmem>>[vector<16xi32>, vector<16xi32>], vector<16xf32>,
        %mul3A_855 = arith.constant 8 : i32
        %mul3A_856 = arith.muli %add3A_783, %mul3A_855 : i32
        %add3A_857 = arith.constant 6 : i32
        %add3A_858 = arith.addi %mul3A_856, %add3A_857 : i32
        %add3A_859 = vector.broadcast %add3A_858 : i32 to vector<16xi32>
        %add3A_860 = arith.addi %add3A_859, %broadcast_in_dim3A_6 : vector<16xi32>
        %get3A_861 = arith.index_cast %add3A_858 : i32 to index
        %get3A_862 = arith.constant 0 : index
        %get3A_863 = tpu.vector_load %arg9[%get3A_861, %get3A_862] {strides = array<i32>} : memref<128x32xf32, #tpu.memory_space<vmem>>, vector<16xf32>,
        %get3A_864 = arith.index_cast %add3A_858 : i32 to index
        %get3A_865 = arith.constant 16 : index
        %get3A_866 = tpu.vector_load %arg9[%get3A_864, %get3A_865] {strides = array<i32>} : memref<128x32xf32, #tpu.memory_space<vmem>>, vector<16xf32>,
        tpu.vector_store_idx %arg13[%iota3A, %add3A_860], %get3A_863 : memref<32x129xf32, #tpu.memory_space<vmem>>[vector<16xi32>, vector<16xi32>], vector<16xf32>,
        tpu.vector_store_idx %arg13[%add3A_5, %add3A_860], %get3A_866 : memref<32x129xf32, #tpu.memory_space<vmem>>[vector<16xi32>, vector<16xi32>], vector<16xf32>,
        %mul3A_867 = arith.constant 8 : i32
        %mul3A_868 = arith.muli %add3A_783, %mul3A_867 : i32
        %add3A_869 = arith.constant 7 : i32
        %add3A_870 = arith.addi %mul3A_868, %add3A_869 : i32
        %add3A_871 = vector.broadcast %add3A_870 : i32 to vector<16xi32>
        %add3A_872 = arith.addi %add3A_871, %broadcast_in_dim3A_6 : vector<16xi32>
        %get3A_873 = arith.index_cast %add3A_870 : i32 to index
        %get3A_874 = arith.constant 0 : index
        %get3A_875 = tpu.vector_load %arg9[%get3A_873, %get3A_874] {strides = array<i32>} : memref<128x32xf32, #tpu.memory_space<vmem>>, vector<16xf32>,
        %get3A_876 = arith.index_cast %add3A_870 : i32 to index
        %get3A_877 = arith.constant 16 : index
        %get3A_878 = tpu.vector_load %arg9[%get3A_876, %get3A_877] {strides = array<i32>} : memref<128x32xf32, #tpu.memory_space<vmem>>, vector<16xf32>,
        tpu.vector_store_idx %arg13[%iota3A, %add3A_872], %get3A_875 : memref<32x129xf32, #tpu.memory_space<vmem>>[vector<16xi32>, vector<16xi32>], vector<16xf32>,
        tpu.vector_store_idx %arg13[%add3A_5, %add3A_872], %get3A_878 : memref<32x129xf32, #tpu.memory_space<vmem>>[vector<16xi32>, vector<16xi32>], vector<16xf32>,
      }
      %scan3A_339 = arith.constant 16 : i32
      %sub3A_340 = arith.constant 2 : i32
      %sub3A_341 = arith.subi %add3A_259, %sub3A_340 : i32
      %jit3A_342 = arith.constant 4 : i32
      %div3A_343 = arith.divsi %sub3A_341, %jit3A_342 : i32
      %sign3A_344 = arith.constant 0 : i32
      %sign3A_345 = arith.cmpi sgt, %sub3A_341, %sign3A_344 : i32
      %sign3A_346 = arith.extui %sign3A_345 : i1 to i32
      %sign3A_347 = arith.constant 0 : i32
      %sign3A_348 = arith.cmpi slt, %sub3A_341, %sign3A_347 : i32
      %sign3A_349 = arith.extui %sign3A_348 : i1 to i32
      %sign3A_350 = arith.subi %sign3A_346, %sign3A_349 : i32
      %sign3A_351 = arith.constant 0 : i32
      %sign3A_352 = arith.cmpi sgt, %jit3A_342, %sign3A_351 : i32
      %sign3A_353 = arith.extui %sign3A_352 : i1 to i32
      %sign3A_354 = arith.constant 0 : i32
      %sign3A_355 = arith.cmpi slt, %jit3A_342, %sign3A_354 : i32
      %sign3A_356 = arith.extui %sign3A_355 : i1 to i32
      %sign3A_357 = arith.subi %sign3A_353, %sign3A_356 : i32
      %ne3A_358 = arith.cmpi ne, %sign3A_350, %sign3A_357 : i32
      %rem3A_359 = arith.remsi %sub3A_341, %jit3A_342 : i32
      %ne3A_360 = arith.constant 0 : i32
      %ne3A_361 = arith.cmpi ne, %rem3A_359, %ne3A_360 : i32
      %and3A_362 = arith.andi %ne3A_358, %ne3A_361 : i1
      %sub3A_363 = arith.constant 1 : i32
      %sub3A_364 = arith.subi %div3A_343, %sub3A_363 : i32
      %select_n3A_365 = arith.select %and3A_362, %sub3A_364, %div3A_343 : i32
      %rem3A_366 = arith.constant 4 : i32
      %rem3A_367 = arith.remsi %sub3A_341, %rem3A_366 : i32
      %mul3A_368 = arith.constant 128 : i32
      %mul3A_369 = arith.muli %rem3A_367, %mul3A_368 : i32
      %add3A_370 = arith.addi %mul3A_2, %mul3A_369 : i32
      %dma_start3A_371 = arith.constant 0 : i32
      %dma_start3A_372 = arith.constant 0 : i32
      %dma_start3A_373 = tpu.memref_slice %arg13[%dma_start3A_371, %dma_start3A_372] : memref<32x129xf32, #tpu.memory_space<vmem>> -> memref<32x128xf32, #tpu.memory_space<vmem>>
      %dma_start3A_374 = arith.constant 0 : i32
      %dma_start3A_375 = tpu.memref_slice %arg4[%select_n3A_365, %dma_start3A_374, %add3A_370] : memref<50x32x16384xf32, #tpu.memory_space<hbm>> -> memref<1x32x128xf32, #tpu.memory_space<hbm>>
      %dma_start3A_376 = tpu.memref_squeeze %dma_start3A_375 : memref<1x32x128xf32, #tpu.memory_space<hbm>> -> memref<32x128xf32, #tpu.memory_space<hbm>>
      %dma_start3A_377 = arith.constant 0 : i32
      %dma_start3A_378 = tpu.memref_slice %arg4[%select_n3A_365, %dma_start3A_377, %add3A_370] : memref<50x32x16384xf32, #tpu.memory_space<hbm>> -> memref<1x32x128xf32, #tpu.memory_space<hbm>>
      %dma_start3A_379 = tpu.memref_squeeze %dma_start3A_378 : memref<1x32x128xf32, #tpu.memory_space<hbm>> -> memref<32x128xf32, #tpu.memory_space<hbm>>
      %dma_start3A_380 = arith.constant 0 : i32
      %dma_start3A_381 = arith.constant 0 : i32
      %dma_start3A_382 = tpu.memref_slice %arg13[%dma_start3A_380, %dma_start3A_381] : memref<32x129xf32, #tpu.memory_space<vmem>> -> memref<32x128xf32, #tpu.memory_space<vmem>>
      tpu.enqueue_dma source(%dma_start3A_382 : memref<32x128xf32, #tpu.memory_space<vmem>>) target(%dma_start3A_379 : memref<32x128xf32, #tpu.memory_space<hbm>>) target_semaphore(%arg21 : memref<!tpu.dma_semaphore, #tpu.memory_space<semaphore_mem>>)
      %add3A_383 = arith.constant 1 : i32
      %add3A_384 = arith.addi %add3A_257, %add3A_383 : i32
      %sub3A_385 = arith.constant 4 : i32
      %sub3A_386 = arith.subi %add3A_384, %sub3A_385 : i32
      %jit3A_387 = arith.constant 4 : i32
      %div3A_388 = arith.divsi %sub3A_386, %jit3A_387 : i32
      %sign3A_389 = arith.constant 0 : i32
      %sign3A_390 = arith.cmpi sgt, %sub3A_386, %sign3A_389 : i32
      %sign3A_391 = arith.extui %sign3A_390 : i1 to i32
      %sign3A_392 = arith.constant 0 : i32
      %sign3A_393 = arith.cmpi slt, %sub3A_386, %sign3A_392 : i32
      %sign3A_394 = arith.extui %sign3A_393 : i1 to i32
      %sign3A_395 = arith.subi %sign3A_391, %sign3A_394 : i32
      %sign3A_396 = arith.constant 0 : i32
      %sign3A_397 = arith.cmpi sgt, %jit3A_387, %sign3A_396 : i32
      %sign3A_398 = arith.extui %sign3A_397 : i1 to i32
      %sign3A_399 = arith.constant 0 : i32
      %sign3A_400 = arith.cmpi slt, %jit3A_387, %sign3A_399 : i32
      %sign3A_401 = arith.extui %sign3A_400 : i1 to i32
      %sign3A_402 = arith.subi %sign3A_398, %sign3A_401 : i32
      %ne3A_403 = arith.cmpi ne, %sign3A_395, %sign3A_402 : i32
      %rem3A_404 = arith.remsi %sub3A_386, %jit3A_387 : i32
      %ne3A_405 = arith.constant 0 : i32
      %ne3A_406 = arith.cmpi ne, %rem3A_404, %ne3A_405 : i32
      %and3A_407 = arith.andi %ne3A_403, %ne3A_406 : i1
      %sub3A_408 = arith.constant 1 : i32
      %sub3A_409 = arith.subi %div3A_388, %sub3A_408 : i32
      %select_n3A_410 = arith.select %and3A_407, %sub3A_409, %div3A_388 : i32
      %rem3A_411 = arith.constant 4 : i32
      %rem3A_412 = arith.remsi %sub3A_386, %rem3A_411 : i32
      %mul3A_413 = arith.constant 128 : i32
      %mul3A_414 = arith.muli %rem3A_412, %mul3A_413 : i32
      %add3A_415 = arith.addi %mul3A_2, %mul3A_414 : i32
      %dma_wait3A_416 = arith.constant 0 : i32
      %dma_wait3A_417 = arith.constant 0 : i32
      %dma_wait3A_418 = tpu.memref_slice %arg12[%dma_wait3A_416, %dma_wait3A_417] : memref<32x129xf32, #tpu.memory_space<vmem>> -> memref<32x128xf32, #tpu.memory_space<vmem>>
      %dma_wait3A_419 = arith.constant 0 : i32
      %dma_wait3A_420 = tpu.memref_slice %arg4[%select_n3A_410, %dma_wait3A_419, %add3A_415] : memref<50x32x16384xf32, #tpu.memory_space<hbm>> -> memref<1x32x128xf32, #tpu.memory_space<hbm>>
      %dma_wait3A_421 = tpu.memref_squeeze %dma_wait3A_420 : memref<1x32x128xf32, #tpu.memory_space<hbm>> -> memref<32x128xf32, #tpu.memory_space<hbm>>
      %dma_wait3A_422 = arith.constant 0 : i32
      %dma_wait3A_423 = tpu.memref_slice %arg4[%select_n3A_410, %dma_wait3A_422, %add3A_415] : memref<50x32x16384xf32, #tpu.memory_space<hbm>> -> memref<1x32x128xf32, #tpu.memory_space<hbm>>
      %dma_wait3A_424 = tpu.memref_squeeze %dma_wait3A_423 : memref<1x32x128xf32, #tpu.memory_space<hbm>> -> memref<32x128xf32, #tpu.memory_space<hbm>>
      %dma_wait3A_425 = arith.constant 0 : i32
      %dma_wait3A_426 = arith.constant 0 : i32
      %dma_wait3A_427 = tpu.memref_slice %arg12[%dma_wait3A_425, %dma_wait3A_426] : memref<32x129xf32, #tpu.memory_space<vmem>> -> memref<32x128xf32, #tpu.memory_space<vmem>>
      tpu.wait_dma2 semaphore(%arg20 : memref<!tpu.dma_semaphore, #tpu.memory_space<semaphore_mem>>) src(%dma_wait3A_427 : memref<32x128xf32, #tpu.memory_space<vmem>>) dst(%dma_wait3A_424 : memref<32x128xf32, #tpu.memory_space<hbm>>)
      %jit3A_428 = arith.constant 4 : i32
      %div3A_429 = arith.divsi %add3A_384, %jit3A_428 : i32
      %sign3A_430 = arith.constant 0 : i32
      %sign3A_431 = arith.cmpi sgt, %add3A_384, %sign3A_430 : i32
      %sign3A_432 = arith.extui %sign3A_431 : i1 to i32
      %sign3A_433 = arith.constant 0 : i32
      %sign3A_434 = arith.cmpi slt, %add3A_384, %sign3A_433 : i32
      %sign3A_435 = arith.extui %sign3A_434 : i1 to i32
      %sign3A_436 = arith.subi %sign3A_432, %sign3A_435 : i32
      %sign3A_437 = arith.constant 0 : i32
      %sign3A_438 = arith.cmpi sgt, %jit3A_428, %sign3A_437 : i32
      %sign3A_439 = arith.extui %sign3A_438 : i1 to i32
      %sign3A_440 = arith.constant 0 : i32
      %sign3A_441 = arith.cmpi slt, %jit3A_428, %sign3A_440 : i32
      %sign3A_442 = arith.extui %sign3A_441 : i1 to i32
      %sign3A_443 = arith.subi %sign3A_439, %sign3A_442 : i32
      %ne3A_444 = arith.cmpi ne, %sign3A_436, %sign3A_443 : i32
      %rem3A_445 = arith.remsi %add3A_384, %jit3A_428 : i32
      %ne3A_446 = arith.constant 0 : i32
      %ne3A_447 = arith.cmpi ne, %rem3A_445, %ne3A_446 : i32
      %and3A_448 = arith.andi %ne3A_444, %ne3A_447 : i1
      %sub3A_449 = arith.constant 1 : i32
      %sub3A_450 = arith.subi %div3A_429, %sub3A_449 : i32
      %select_n3A_451 = arith.select %and3A_448, %sub3A_450, %div3A_429 : i32
      %rem3A_452 = arith.constant 4 : i32
      %rem3A_453 = arith.remsi %add3A_384, %rem3A_452 : i32
      %mul3A_454 = arith.constant 128 : i32
      %mul3A_455 = arith.muli %rem3A_453, %mul3A_454 : i32
      %dma_start3A_456 = tpu.memref_slice %arg6[%select_n3A_451, %mul3A_455] : memref<50x512xi32, #tpu.memory_space<vmem>> -> memref<1x128xi32, #tpu.memory_space<vmem>>
      %dma_start3A_457 = tpu.memref_squeeze %dma_start3A_456 : memref<1x128xi32, #tpu.memory_space<vmem>> -> memref<128xi32, #tpu.memory_space<vmem>>
      %dma_start3A_458 = arith.constant 0 : i32
      %dma_start3A_459 = arith.constant 0 : i32
      %dma_start3A_460 = tpu.memref_slice %arg3[%dma_start3A_458, %dma_start3A_459] : memref<1000000x32xf32, #tpu.memory_space<hbm>> -> memref<1000000x32xf32, #tpu.memory_space<hbm>>
      tpu.enqueue_indirect_dma source(%dma_start3A_460 : memref<1000000x32xf32, #tpu.memory_space<hbm>>) target(%arg8 : memref<128x32xf32, #tpu.memory_space<vmem>>) offsets(%dma_start3A_457 : memref<128xi32, #tpu.memory_space<vmem>>) semaphore(%arg16 : memref<!tpu.dma_semaphore, #tpu.memory_space<semaphore_mem>>)
      %dma_wait3A_461 = arith.constant 0 : i32
      %dma_wait3A_462 = arith.constant 0 : i32
      %dma_wait3A_463 = tpu.memref_slice %arg3[%dma_wait3A_461, %dma_wait3A_462] : memref<1000000x32xf32, #tpu.memory_space<hbm>> -> memref<128x32xf32, #tpu.memory_space<hbm>>
      %dma_wait3A_464 = arith.constant 0 : i32
      %dma_wait3A_465 = arith.constant 0 : i32
      %dma_wait3A_466 = tpu.memref_slice %arg3[%dma_wait3A_464, %dma_wait3A_465] : memref<1000000x32xf32, #tpu.memory_space<hbm>> -> memref<128x32xf32, #tpu.memory_space<hbm>>
      tpu.wait_dma2 semaphore(%arg18 : memref<!tpu.dma_semaphore, #tpu.memory_space<semaphore_mem>>) src(%dma_wait3A_466 : memref<128x32xf32, #tpu.memory_space<hbm>>) dst(%arg10 : memref<128x32xf32, #tpu.memory_space<vmem>>)
      %scan3A_467 = arith.constant 0 : i32
      %scan3A_468 = arith.constant 16 : i32
      %scan3A_469 = arith.addi %scan3A_467, %scan3A_468 : i32
      %scan3A_470 = arith.constant 1 : i32
      scf.for %scan3A_779 = %scan3A_467 to %scan3A_469 step %scan3A_470  : i32 {
        %mul3A_780 = arith.constant 1 : i32
        %mul3A_781 = arith.muli %scan3A_779, %mul3A_780 : i32
        %add3A_782 = arith.constant 0 : i32
        %add3A_783 = arith.addi %add3A_782, %mul3A_781 : i32
        %mul3A_784 = arith.constant 8 : i32
        %mul3A_785 = arith.muli %add3A_783, %mul3A_784 : i32
        %add3A_786 = arith.constant 0 : i32
        %add3A_787 = arith.addi %mul3A_785, %add3A_786 : i32
        %add3A_788 = vector.broadcast %add3A_787 : i32 to vector<16xi32>
        %add3A_789 = arith.addi %add3A_788, %broadcast_in_dim3A_6 : vector<16xi32>
        %get3A = arith.index_cast %add3A_787 : i32 to index
        %get3A_790 = arith.constant 0 : index
        %get3A_791 = tpu.vector_load %arg10[%get3A, %get3A_790] {strides = array<i32>} : memref<128x32xf32, #tpu.memory_space<vmem>>, vector<16xf32>,
        %get3A_792 = arith.index_cast %add3A_787 : i32 to index
        %get3A_793 = arith.constant 16 : index
        %get3A_794 = tpu.vector_load %arg10[%get3A_792, %get3A_793] {strides = array<i32>} : memref<128x32xf32, #tpu.memory_space<vmem>>, vector<16xf32>,
        tpu.vector_store_idx %arg14[%iota3A, %add3A_789], %get3A_791 : memref<32x129xf32, #tpu.memory_space<vmem>>[vector<16xi32>, vector<16xi32>], vector<16xf32>,
        tpu.vector_store_idx %arg14[%add3A_5, %add3A_789], %get3A_794 : memref<32x129xf32, #tpu.memory_space<vmem>>[vector<16xi32>, vector<16xi32>], vector<16xf32>,
        %mul3A_795 = arith.constant 8 : i32
        %mul3A_796 = arith.muli %add3A_783, %mul3A_795 : i32
        %add3A_797 = arith.constant 1 : i32
        %add3A_798 = arith.addi %mul3A_796, %add3A_797 : i32
        %add3A_799 = vector.broadcast %add3A_798 : i32 to vector<16xi32>
        %add3A_800 = arith.addi %add3A_799, %broadcast_in_dim3A_6 : vector<16xi32>
        %get3A_801 = arith.index_cast %add3A_798 : i32 to index
        %get3A_802 = arith.constant 0 : index
        %get3A_803 = tpu.vector_load %arg10[%get3A_801, %get3A_802] {strides = array<i32>} : memref<128x32xf32, #tpu.memory_space<vmem>>, vector<16xf32>,
        %get3A_804 = arith.index_cast %add3A_798 : i32 to index
        %get3A_805 = arith.constant 16 : index
        %get3A_806 = tpu.vector_load %arg10[%get3A_804, %get3A_805] {strides = array<i32>} : memref<128x32xf32, #tpu.memory_space<vmem>>, vector<16xf32>,
        tpu.vector_store_idx %arg14[%iota3A, %add3A_800], %get3A_803 : memref<32x129xf32, #tpu.memory_space<vmem>>[vector<16xi32>, vector<16xi32>], vector<16xf32>,
        tpu.vector_store_idx %arg14[%add3A_5, %add3A_800], %get3A_806 : memref<32x129xf32, #tpu.memory_space<vmem>>[vector<16xi32>, vector<16xi32>], vector<16xf32>,
        %mul3A_807 = arith.constant 8 : i32
        %mul3A_808 = arith.muli %add3A_783, %mul3A_807 : i32
        %add3A_809 = arith.constant 2 : i32
        %add3A_810 = arith.addi %mul3A_808, %add3A_809 : i32
        %add3A_811 = vector.broadcast %add3A_810 : i32 to vector<16xi32>
        %add3A_812 = arith.addi %add3A_811, %broadcast_in_dim3A_6 : vector<16xi32>
        %get3A_813 = arith.index_cast %add3A_810 : i32 to index
        %get3A_814 = arith.constant 0 : index
        %get3A_815 = tpu.vector_load %arg10[%get3A_813, %get3A_814] {strides = array<i32>} : memref<128x32xf32, #tpu.memory_space<vmem>>, vector<16xf32>,
        %get3A_816 = arith.index_cast %add3A_810 : i32 to index
        %get3A_817 = arith.constant 16 : index
        %get3A_818 = tpu.vector_load %arg10[%get3A_816, %get3A_817] {strides = array<i32>} : memref<128x32xf32, #tpu.memory_space<vmem>>, vector<16xf32>,
        tpu.vector_store_idx %arg14[%iota3A, %add3A_812], %get3A_815 : memref<32x129xf32, #tpu.memory_space<vmem>>[vector<16xi32>, vector<16xi32>], vector<16xf32>,
        tpu.vector_store_idx %arg14[%add3A_5, %add3A_812], %get3A_818 : memref<32x129xf32, #tpu.memory_space<vmem>>[vector<16xi32>, vector<16xi32>], vector<16xf32>,
        %mul3A_819 = arith.constant 8 : i32
        %mul3A_820 = arith.muli %add3A_783, %mul3A_819 : i32
        %add3A_821 = arith.constant 3 : i32
        %add3A_822 = arith.addi %mul3A_820, %add3A_821 : i32
        %add3A_823 = vector.broadcast %add3A_822 : i32 to vector<16xi32>
        %add3A_824 = arith.addi %add3A_823, %broadcast_in_dim3A_6 : vector<16xi32>
        %get3A_825 = arith.index_cast %add3A_822 : i32 to index
        %get3A_826 = arith.constant 0 : index
        %get3A_827 = tpu.vector_load %arg10[%get3A_825, %get3A_826] {strides = array<i32>} : memref<128x32xf32, #tpu.memory_space<vmem>>, vector<16xf32>,
        %get3A_828 = arith.index_cast %add3A_822 : i32 to index
        %get3A_829 = arith.constant 16 : index
        %get3A_830 = tpu.vector_load %arg10[%get3A_828, %get3A_829] {strides = array<i32>} : memref<128x32xf32, #tpu.memory_space<vmem>>, vector<16xf32>,
        tpu.vector_store_idx %arg14[%iota3A, %add3A_824], %get3A_827 : memref<32x129xf32, #tpu.memory_space<vmem>>[vector<16xi32>, vector<16xi32>], vector<16xf32>,
        tpu.vector_store_idx %arg14[%add3A_5, %add3A_824], %get3A_830 : memref<32x129xf32, #tpu.memory_space<vmem>>[vector<16xi32>, vector<16xi32>], vector<16xf32>,
        %mul3A_831 = arith.constant 8 : i32
        %mul3A_832 = arith.muli %add3A_783, %mul3A_831 : i32
        %add3A_833 = arith.constant 4 : i32
        %add3A_834 = arith.addi %mul3A_832, %add3A_833 : i32
        %add3A_835 = vector.broadcast %add3A_834 : i32 to vector<16xi32>
        %add3A_836 = arith.addi %add3A_835, %broadcast_in_dim3A_6 : vector<16xi32>
        %get3A_837 = arith.index_cast %add3A_834 : i32 to index
        %get3A_838 = arith.constant 0 : index
        %get3A_839 = tpu.vector_load %arg10[%get3A_837, %get3A_838] {strides = array<i32>} : memref<128x32xf32, #tpu.memory_space<vmem>>, vector<16xf32>,
        %get3A_840 = arith.index_cast %add3A_834 : i32 to index
        %get3A_841 = arith.constant 16 : index
        %get3A_842 = tpu.vector_load %arg10[%get3A_840, %get3A_841] {strides = array<i32>} : memref<128x32xf32, #tpu.memory_space<vmem>>, vector<16xf32>,
        tpu.vector_store_idx %arg14[%iota3A, %add3A_836], %get3A_839 : memref<32x129xf32, #tpu.memory_space<vmem>>[vector<16xi32>, vector<16xi32>], vector<16xf32>,
        tpu.vector_store_idx %arg14[%add3A_5, %add3A_836], %get3A_842 : memref<32x129xf32, #tpu.memory_space<vmem>>[vector<16xi32>, vector<16xi32>], vector<16xf32>,
        %mul3A_843 = arith.constant 8 : i32
        %mul3A_844 = arith.muli %add3A_783, %mul3A_843 : i32
        %add3A_845 = arith.constant 5 : i32
        %add3A_846 = arith.addi %mul3A_844, %add3A_845 : i32
        %add3A_847 = vector.broadcast %add3A_846 : i32 to vector<16xi32>
        %add3A_848 = arith.addi %add3A_847, %broadcast_in_dim3A_6 : vector<16xi32>
        %get3A_849 = arith.index_cast %add3A_846 : i32 to index
        %get3A_850 = arith.constant 0 : index
        %get3A_851 = tpu.vector_load %arg10[%get3A_849, %get3A_850] {strides = array<i32>} : memref<128x32xf32, #tpu.memory_space<vmem>>, vector<16xf32>,
        %get3A_852 = arith.index_cast %add3A_846 : i32 to index
        %get3A_853 = arith.constant 16 : index
        %get3A_854 = tpu.vector_load %arg10[%get3A_852, %get3A_853] {strides = array<i32>} : memref<128x32xf32, #tpu.memory_space<vmem>>, vector<16xf32>,
        tpu.vector_store_idx %arg14[%iota3A, %add3A_848], %get3A_851 : memref<32x129xf32, #tpu.memory_space<vmem>>[vector<16xi32>, vector<16xi32>], vector<16xf32>,
        tpu.vector_store_idx %arg14[%add3A_5, %add3A_848], %get3A_854 : memref<32x129xf32, #tpu.memory_space<vmem>>[vector<16xi32>, vector<16xi32>], vector<16xf32>,
        %mul3A_855 = arith.constant 8 : i32
        %mul3A_856 = arith.muli %add3A_783, %mul3A_855 : i32
        %add3A_857 = arith.constant 6 : i32
        %add3A_858 = arith.addi %mul3A_856, %add3A_857 : i32
        %add3A_859 = vector.broadcast %add3A_858 : i32 to vector<16xi32>
        %add3A_860 = arith.addi %add3A_859, %broadcast_in_dim3A_6 : vector<16xi32>
        %get3A_861 = arith.index_cast %add3A_858 : i32 to index
        %get3A_862 = arith.constant 0 : index
        %get3A_863 = tpu.vector_load %arg10[%get3A_861, %get3A_862] {strides = array<i32>} : memref<128x32xf32, #tpu.memory_space<vmem>>, vector<16xf32>,
        %get3A_864 = arith.index_cast %add3A_858 : i32 to index
        %get3A_865 = arith.constant 16 : index
        %get3A_866 = tpu.vector_load %arg10[%get3A_864, %get3A_865] {strides = array<i32>} : memref<128x32xf32, #tpu.memory_space<vmem>>, vector<16xf32>,
        tpu.vector_store_idx %arg14[%iota3A, %add3A_860], %get3A_863 : memref<32x129xf32, #tpu.memory_space<vmem>>[vector<16xi32>, vector<16xi32>], vector<16xf32>,
        tpu.vector_store_idx %arg14[%add3A_5, %add3A_860], %get3A_866 : memref<32x129xf32, #tpu.memory_space<vmem>>[vector<16xi32>, vector<16xi32>], vector<16xf32>,
        %mul3A_867 = arith.constant 8 : i32
        %mul3A_868 = arith.muli %add3A_783, %mul3A_867 : i32
        %add3A_869 = arith.constant 7 : i32
        %add3A_870 = arith.addi %mul3A_868, %add3A_869 : i32
        %add3A_871 = vector.broadcast %add3A_870 : i32 to vector<16xi32>
        %add3A_872 = arith.addi %add3A_871, %broadcast_in_dim3A_6 : vector<16xi32>
        %get3A_873 = arith.index_cast %add3A_870 : i32 to index
        %get3A_874 = arith.constant 0 : index
        %get3A_875 = tpu.vector_load %arg10[%get3A_873, %get3A_874] {strides = array<i32>} : memref<128x32xf32, #tpu.memory_space<vmem>>, vector<16xf32>,
        %get3A_876 = arith.index_cast %add3A_870 : i32 to index
        %get3A_877 = arith.constant 16 : index
        %get3A_878 = tpu.vector_load %arg10[%get3A_876, %get3A_877] {strides = array<i32>} : memref<128x32xf32, #tpu.memory_space<vmem>>, vector<16xf32>,
        tpu.vector_store_idx %arg14[%iota3A, %add3A_872], %get3A_875 : memref<32x129xf32, #tpu.memory_space<vmem>>[vector<16xi32>, vector<16xi32>], vector<16xf32>,
        tpu.vector_store_idx %arg14[%add3A_5, %add3A_872], %get3A_878 : memref<32x129xf32, #tpu.memory_space<vmem>>[vector<16xi32>, vector<16xi32>], vector<16xf32>,
      }
      %scan3A_471 = arith.constant 16 : i32
      %sub3A_472 = arith.constant 2 : i32
      %sub3A_473 = arith.subi %add3A_384, %sub3A_472 : i32
      %jit3A_474 = arith.constant 4 : i32
      %div3A_475 = arith.divsi %sub3A_473, %jit3A_474 : i32
      %sign3A_476 = arith.constant 0 : i32
      %sign3A_477 = arith.cmpi sgt, %sub3A_473, %sign3A_476 : i32
      %sign3A_478 = arith.extui %sign3A_477 : i1 to i32
      %sign3A_479 = arith.constant 0 : i32
      %sign3A_480 = arith.cmpi slt, %sub3A_473, %sign3A_479 : i32
      %sign3A_481 = arith.extui %sign3A_480 : i1 to i32
      %sign3A_482 = arith.subi %sign3A_478, %sign3A_481 : i32
      %sign3A_483 = arith.constant 0 : i32
      %sign3A_484 = arith.cmpi sgt, %jit3A_474, %sign3A_483 : i32
      %sign3A_485 = arith.extui %sign3A_484 : i1 to i32
      %sign3A_486 = arith.constant 0 : i32
      %sign3A_487 = arith.cmpi slt, %jit3A_474, %sign3A_486 : i32
      %sign3A_488 = arith.extui %sign3A_487 : i1 to i32
      %sign3A_489 = arith.subi %sign3A_485, %sign3A_488 : i32
      %ne3A_490 = arith.cmpi ne, %sign3A_482, %sign3A_489 : i32
      %rem3A_491 = arith.remsi %sub3A_473, %jit3A_474 : i32
      %ne3A_492 = arith.constant 0 : i32
      %ne3A_493 = arith.cmpi ne, %rem3A_491, %ne3A_492 : i32
      %and3A_494 = arith.andi %ne3A_490, %ne3A_493 : i1
      %sub3A_495 = arith.constant 1 : i32
      %sub3A_496 = arith.subi %div3A_475, %sub3A_495 : i32
      %select_n3A_497 = arith.select %and3A_494, %sub3A_496, %div3A_475 : i32
      %rem3A_498 = arith.constant 4 : i32
      %rem3A_499 = arith.remsi %sub3A_473, %rem3A_498 : i32
      %mul3A_500 = arith.constant 128 : i32
      %mul3A_501 = arith.muli %rem3A_499, %mul3A_500 : i32
      %add3A_502 = arith.addi %mul3A_2, %mul3A_501 : i32
      %dma_start3A_503 = arith.constant 0 : i32
      %dma_start3A_504 = arith.constant 0 : i32
      %dma_start3A_505 = tpu.memref_slice %arg14[%dma_start3A_503, %dma_start3A_504] : memref<32x129xf32, #tpu.memory_space<vmem>> -> memref<32x128xf32, #tpu.memory_space<vmem>>
      %dma_start3A_506 = arith.constant 0 : i32
      %dma_start3A_507 = tpu.memref_slice %arg4[%select_n3A_497, %dma_start3A_506, %add3A_502] : memref<50x32x16384xf32, #tpu.memory_space<hbm>> -> memref<1x32x128xf32, #tpu.memory_space<hbm>>
      %dma_start3A_508 = tpu.memref_squeeze %dma_start3A_507 : memref<1x32x128xf32, #tpu.memory_space<hbm>> -> memref<32x128xf32, #tpu.memory_space<hbm>>
      %dma_start3A_509 = arith.constant 0 : i32
      %dma_start3A_510 = tpu.memref_slice %arg4[%select_n3A_497, %dma_start3A_509, %add3A_502] : memref<50x32x16384xf32, #tpu.memory_space<hbm>> -> memref<1x32x128xf32, #tpu.memory_space<hbm>>
      %dma_start3A_511 = tpu.memref_squeeze %dma_start3A_510 : memref<1x32x128xf32, #tpu.memory_space<hbm>> -> memref<32x128xf32, #tpu.memory_space<hbm>>
      %dma_start3A_512 = arith.constant 0 : i32
      %dma_start3A_513 = arith.constant 0 : i32
      %dma_start3A_514 = tpu.memref_slice %arg14[%dma_start3A_512, %dma_start3A_513] : memref<32x129xf32, #tpu.memory_space<vmem>> -> memref<32x128xf32, #tpu.memory_space<vmem>>
      tpu.enqueue_dma source(%dma_start3A_514 : memref<32x128xf32, #tpu.memory_space<vmem>>) target(%dma_start3A_511 : memref<32x128xf32, #tpu.memory_space<hbm>>) target_semaphore(%arg22 : memref<!tpu.dma_semaphore, #tpu.memory_space<semaphore_mem>>)
      %add3A_515 = arith.constant 2 : i32
      %add3A_516 = arith.addi %add3A_257, %add3A_515 : i32
      %sub3A_517 = arith.constant 4 : i32
      %sub3A_518 = arith.subi %add3A_516, %sub3A_517 : i32
      %jit3A_519 = arith.constant 4 : i32
      %div3A_520 = arith.divsi %sub3A_518, %jit3A_519 : i32
      %sign3A_521 = arith.constant 0 : i32
      %sign3A_522 = arith.cmpi sgt, %sub3A_518, %sign3A_521 : i32
      %sign3A_523 = arith.extui %sign3A_522 : i1 to i32
      %sign3A_524 = arith.constant 0 : i32
      %sign3A_525 = arith.cmpi slt, %sub3A_518, %sign3A_524 : i32
      %sign3A_526 = arith.extui %sign3A_525 : i1 to i32
      %sign3A_527 = arith.subi %sign3A_523, %sign3A_526 : i32
      %sign3A_528 = arith.constant 0 : i32
      %sign3A_529 = arith.cmpi sgt, %jit3A_519, %sign3A_528 : i32
      %sign3A_530 = arith.extui %sign3A_529 : i1 to i32
      %sign3A_531 = arith.constant 0 : i32
      %sign3A_532 = arith.cmpi slt, %jit3A_519, %sign3A_531 : i32
      %sign3A_533 = arith.extui %sign3A_532 : i1 to i32
      %sign3A_534 = arith.subi %sign3A_530, %sign3A_533 : i32
      %ne3A_535 = arith.cmpi ne, %sign3A_527, %sign3A_534 : i32
      %rem3A_536 = arith.remsi %sub3A_518, %jit3A_519 : i32
      %ne3A_537 = arith.constant 0 : i32
      %ne3A_538 = arith.cmpi ne, %rem3A_536, %ne3A_537 : i32
      %and3A_539 = arith.andi %ne3A_535, %ne3A_538 : i1
      %sub3A_540 = arith.constant 1 : i32
      %sub3A_541 = arith.subi %div3A_520, %sub3A_540 : i32
      %select_n3A_542 = arith.select %and3A_539, %sub3A_541, %div3A_520 : i32
      %rem3A_543 = arith.constant 4 : i32
      %rem3A_544 = arith.remsi %sub3A_518, %rem3A_543 : i32
      %mul3A_545 = arith.constant 128 : i32
      %mul3A_546 = arith.muli %rem3A_544, %mul3A_545 : i32
      %add3A_547 = arith.addi %mul3A_2, %mul3A_546 : i32
      %dma_wait3A_548 = arith.constant 0 : i32
      %dma_wait3A_549 = arith.constant 0 : i32
      %dma_wait3A_550 = tpu.memref_slice %arg13[%dma_wait3A_548, %dma_wait3A_549] : memref<32x129xf32, #tpu.memory_space<vmem>> -> memref<32x128xf32, #tpu.memory_space<vmem>>
      %dma_wait3A_551 = arith.constant 0 : i32
      %dma_wait3A_552 = tpu.memref_slice %arg4[%select_n3A_542, %dma_wait3A_551, %add3A_547] : memref<50x32x16384xf32, #tpu.memory_space<hbm>> -> memref<1x32x128xf32, #tpu.memory_space<hbm>>
      %dma_wait3A_553 = tpu.memref_squeeze %dma_wait3A_552 : memref<1x32x128xf32, #tpu.memory_space<hbm>> -> memref<32x128xf32, #tpu.memory_space<hbm>>
      %dma_wait3A_554 = arith.constant 0 : i32
      %dma_wait3A_555 = tpu.memref_slice %arg4[%select_n3A_542, %dma_wait3A_554, %add3A_547] : memref<50x32x16384xf32, #tpu.memory_space<hbm>> -> memref<1x32x128xf32, #tpu.memory_space<hbm>>
      %dma_wait3A_556 = tpu.memref_squeeze %dma_wait3A_555 : memref<1x32x128xf32, #tpu.memory_space<hbm>> -> memref<32x128xf32, #tpu.memory_space<hbm>>
      %dma_wait3A_557 = arith.constant 0 : i32
      %dma_wait3A_558 = arith.constant 0 : i32
      %dma_wait3A_559 = tpu.memref_slice %arg13[%dma_wait3A_557, %dma_wait3A_558] : memref<32x129xf32, #tpu.memory_space<vmem>> -> memref<32x128xf32, #tpu.memory_space<vmem>>
      tpu.wait_dma2 semaphore(%arg21 : memref<!tpu.dma_semaphore, #tpu.memory_space<semaphore_mem>>) src(%dma_wait3A_559 : memref<32x128xf32, #tpu.memory_space<vmem>>) dst(%dma_wait3A_556 : memref<32x128xf32, #tpu.memory_space<hbm>>)
      %jit3A_560 = arith.constant 4 : i32
      %div3A_561 = arith.divsi %add3A_516, %jit3A_560 : i32
      %sign3A_562 = arith.constant 0 : i32
      %sign3A_563 = arith.cmpi sgt, %add3A_516, %sign3A_562 : i32
      %sign3A_564 = arith.extui %sign3A_563 : i1 to i32
      %sign3A_565 = arith.constant 0 : i32
      %sign3A_566 = arith.cmpi slt, %add3A_516, %sign3A_565 : i32
      %sign3A_567 = arith.extui %sign3A_566 : i1 to i32
      %sign3A_568 = arith.subi %sign3A_564, %sign3A_567 : i32
      %sign3A_569 = arith.constant 0 : i32
      %sign3A_570 = arith.cmpi sgt, %jit3A_560, %sign3A_569 : i32
      %sign3A_571 = arith.extui %sign3A_570 : i1 to i32
      %sign3A_572 = arith.constant 0 : i32
      %sign3A_573 = arith.cmpi slt, %jit3A_560, %sign3A_572 : i32
      %sign3A_574 = arith.extui %sign3A_573 : i1 to i32
      %sign3A_575 = arith.subi %sign3A_571, %sign3A_574 : i32
      %ne3A_576 = arith.cmpi ne, %sign3A_568, %sign3A_575 : i32
      %rem3A_577 = arith.remsi %add3A_516, %jit3A_560 : i32
      %ne3A_578 = arith.constant 0 : i32
      %ne3A_579 = arith.cmpi ne, %rem3A_577, %ne3A_578 : i32
      %and3A_580 = arith.andi %ne3A_576, %ne3A_579 : i1
      %sub3A_581 = arith.constant 1 : i32
      %sub3A_582 = arith.subi %div3A_561, %sub3A_581 : i32
      %select_n3A_583 = arith.select %and3A_580, %sub3A_582, %div3A_561 : i32
      %rem3A_584 = arith.constant 4 : i32
      %rem3A_585 = arith.remsi %add3A_516, %rem3A_584 : i32
      %mul3A_586 = arith.constant 128 : i32
      %mul3A_587 = arith.muli %rem3A_585, %mul3A_586 : i32
      %dma_start3A_588 = tpu.memref_slice %arg6[%select_n3A_583, %mul3A_587] : memref<50x512xi32, #tpu.memory_space<vmem>> -> memref<1x128xi32, #tpu.memory_space<vmem>>
      %dma_start3A_589 = tpu.memref_squeeze %dma_start3A_588 : memref<1x128xi32, #tpu.memory_space<vmem>> -> memref<128xi32, #tpu.memory_space<vmem>>
      %dma_start3A_590 = arith.constant 0 : i32
      %dma_start3A_591 = arith.constant 0 : i32
      %dma_start3A_592 = tpu.memref_slice %arg3[%dma_start3A_590, %dma_start3A_591] : memref<1000000x32xf32, #tpu.memory_space<hbm>> -> memref<1000000x32xf32, #tpu.memory_space<hbm>>
      tpu.enqueue_indirect_dma source(%dma_start3A_592 : memref<1000000x32xf32, #tpu.memory_space<hbm>>) target(%arg9 : memref<128x32xf32, #tpu.memory_space<vmem>>) offsets(%dma_start3A_589 : memref<128xi32, #tpu.memory_space<vmem>>) semaphore(%arg17 : memref<!tpu.dma_semaphore, #tpu.memory_space<semaphore_mem>>)
      %dma_wait3A_593 = arith.constant 0 : i32
      %dma_wait3A_594 = arith.constant 0 : i32
      %dma_wait3A_595 = tpu.memref_slice %arg3[%dma_wait3A_593, %dma_wait3A_594] : memref<1000000x32xf32, #tpu.memory_space<hbm>> -> memref<128x32xf32, #tpu.memory_space<hbm>>
      %dma_wait3A_596 = arith.constant 0 : i32
      %dma_wait3A_597 = arith.constant 0 : i32
      %dma_wait3A_598 = tpu.memref_slice %arg3[%dma_wait3A_596, %dma_wait3A_597] : memref<1000000x32xf32, #tpu.memory_space<hbm>> -> memref<128x32xf32, #tpu.memory_space<hbm>>
      tpu.wait_dma2 semaphore(%arg15 : memref<!tpu.dma_semaphore, #tpu.memory_space<semaphore_mem>>) src(%dma_wait3A_598 : memref<128x32xf32, #tpu.memory_space<hbm>>) dst(%arg7 : memref<128x32xf32, #tpu.memory_space<vmem>>)
      %scan3A_599 = arith.constant 0 : i32
      %scan3A_600 = arith.constant 16 : i32
      %scan3A_601 = arith.addi %scan3A_599, %scan3A_600 : i32
      %scan3A_602 = arith.constant 1 : i32
      scf.for %scan3A_779 = %scan3A_599 to %scan3A_601 step %scan3A_602  : i32 {
        %mul3A_780 = arith.constant 1 : i32
        %mul3A_781 = arith.muli %scan3A_779, %mul3A_780 : i32
        %add3A_782 = arith.constant 0 : i32
        %add3A_783 = arith.addi %add3A_782, %mul3A_781 : i32
        %mul3A_784 = arith.constant 8 : i32
        %mul3A_785 = arith.muli %add3A_783, %mul3A_784 : i32
        %add3A_786 = arith.constant 0 : i32
        %add3A_787 = arith.addi %mul3A_785, %add3A_786 : i32
        %add3A_788 = vector.broadcast %add3A_787 : i32 to vector<16xi32>
        %add3A_789 = arith.addi %add3A_788, %broadcast_in_dim3A_6 : vector<16xi32>
        %get3A = arith.index_cast %add3A_787 : i32 to index
        %get3A_790 = arith.constant 0 : index
        %get3A_791 = tpu.vector_load %arg7[%get3A, %get3A_790] {strides = array<i32>} : memref<128x32xf32, #tpu.memory_space<vmem>>, vector<16xf32>,
        %get3A_792 = arith.index_cast %add3A_787 : i32 to index
        %get3A_793 = arith.constant 16 : index
        %get3A_794 = tpu.vector_load %arg7[%get3A_792, %get3A_793] {strides = array<i32>} : memref<128x32xf32, #tpu.memory_space<vmem>>, vector<16xf32>,
        tpu.vector_store_idx %arg11[%iota3A, %add3A_789], %get3A_791 : memref<32x129xf32, #tpu.memory_space<vmem>>[vector<16xi32>, vector<16xi32>], vector<16xf32>,
        tpu.vector_store_idx %arg11[%add3A_5, %add3A_789], %get3A_794 : memref<32x129xf32, #tpu.memory_space<vmem>>[vector<16xi32>, vector<16xi32>], vector<16xf32>,
        %mul3A_795 = arith.constant 8 : i32
        %mul3A_796 = arith.muli %add3A_783, %mul3A_795 : i32
        %add3A_797 = arith.constant 1 : i32
        %add3A_798 = arith.addi %mul3A_796, %add3A_797 : i32
        %add3A_799 = vector.broadcast %add3A_798 : i32 to vector<16xi32>
        %add3A_800 = arith.addi %add3A_799, %broadcast_in_dim3A_6 : vector<16xi32>
        %get3A_801 = arith.index_cast %add3A_798 : i32 to index
        %get3A_802 = arith.constant 0 : index
        %get3A_803 = tpu.vector_load %arg7[%get3A_801, %get3A_802] {strides = array<i32>} : memref<128x32xf32, #tpu.memory_space<vmem>>, vector<16xf32>,
        %get3A_804 = arith.index_cast %add3A_798 : i32 to index
        %get3A_805 = arith.constant 16 : index
        %get3A_806 = tpu.vector_load %arg7[%get3A_804, %get3A_805] {strides = array<i32>} : memref<128x32xf32, #tpu.memory_space<vmem>>, vector<16xf32>,
        tpu.vector_store_idx %arg11[%iota3A, %add3A_800], %get3A_803 : memref<32x129xf32, #tpu.memory_space<vmem>>[vector<16xi32>, vector<16xi32>], vector<16xf32>,
        tpu.vector_store_idx %arg11[%add3A_5, %add3A_800], %get3A_806 : memref<32x129xf32, #tpu.memory_space<vmem>>[vector<16xi32>, vector<16xi32>], vector<16xf32>,
        %mul3A_807 = arith.constant 8 : i32
        %mul3A_808 = arith.muli %add3A_783, %mul3A_807 : i32
        %add3A_809 = arith.constant 2 : i32
        %add3A_810 = arith.addi %mul3A_808, %add3A_809 : i32
        %add3A_811 = vector.broadcast %add3A_810 : i32 to vector<16xi32>
        %add3A_812 = arith.addi %add3A_811, %broadcast_in_dim3A_6 : vector<16xi32>
        %get3A_813 = arith.index_cast %add3A_810 : i32 to index
        %get3A_814 = arith.constant 0 : index
        %get3A_815 = tpu.vector_load %arg7[%get3A_813, %get3A_814] {strides = array<i32>} : memref<128x32xf32, #tpu.memory_space<vmem>>, vector<16xf32>,
        %get3A_816 = arith.index_cast %add3A_810 : i32 to index
        %get3A_817 = arith.constant 16 : index
        %get3A_818 = tpu.vector_load %arg7[%get3A_816, %get3A_817] {strides = array<i32>} : memref<128x32xf32, #tpu.memory_space<vmem>>, vector<16xf32>,
        tpu.vector_store_idx %arg11[%iota3A, %add3A_812], %get3A_815 : memref<32x129xf32, #tpu.memory_space<vmem>>[vector<16xi32>, vector<16xi32>], vector<16xf32>,
        tpu.vector_store_idx %arg11[%add3A_5, %add3A_812], %get3A_818 : memref<32x129xf32, #tpu.memory_space<vmem>>[vector<16xi32>, vector<16xi32>], vector<16xf32>,
        %mul3A_819 = arith.constant 8 : i32
        %mul3A_820 = arith.muli %add3A_783, %mul3A_819 : i32
        %add3A_821 = arith.constant 3 : i32
        %add3A_822 = arith.addi %mul3A_820, %add3A_821 : i32
        %add3A_823 = vector.broadcast %add3A_822 : i32 to vector<16xi32>
        %add3A_824 = arith.addi %add3A_823, %broadcast_in_dim3A_6 : vector<16xi32>
        %get3A_825 = arith.index_cast %add3A_822 : i32 to index
        %get3A_826 = arith.constant 0 : index
        %get3A_827 = tpu.vector_load %arg7[%get3A_825, %get3A_826] {strides = array<i32>} : memref<128x32xf32, #tpu.memory_space<vmem>>, vector<16xf32>,
        %get3A_828 = arith.index_cast %add3A_822 : i32 to index
        %get3A_829 = arith.constant 16 : index
        %get3A_830 = tpu.vector_load %arg7[%get3A_828, %get3A_829] {strides = array<i32>} : memref<128x32xf32, #tpu.memory_space<vmem>>, vector<16xf32>,
        tpu.vector_store_idx %arg11[%iota3A, %add3A_824], %get3A_827 : memref<32x129xf32, #tpu.memory_space<vmem>>[vector<16xi32>, vector<16xi32>], vector<16xf32>,
        tpu.vector_store_idx %arg11[%add3A_5, %add3A_824], %get3A_830 : memref<32x129xf32, #tpu.memory_space<vmem>>[vector<16xi32>, vector<16xi32>], vector<16xf32>,
        %mul3A_831 = arith.constant 8 : i32
        %mul3A_832 = arith.muli %add3A_783, %mul3A_831 : i32
        %add3A_833 = arith.constant 4 : i32
        %add3A_834 = arith.addi %mul3A_832, %add3A_833 : i32
        %add3A_835 = vector.broadcast %add3A_834 : i32 to vector<16xi32>
        %add3A_836 = arith.addi %add3A_835, %broadcast_in_dim3A_6 : vector<16xi32>
        %get3A_837 = arith.index_cast %add3A_834 : i32 to index
        %get3A_838 = arith.constant 0 : index
        %get3A_839 = tpu.vector_load %arg7[%get3A_837, %get3A_838] {strides = array<i32>} : memref<128x32xf32, #tpu.memory_space<vmem>>, vector<16xf32>,
        %get3A_840 = arith.index_cast %add3A_834 : i32 to index
        %get3A_841 = arith.constant 16 : index
        %get3A_842 = tpu.vector_load %arg7[%get3A_840, %get3A_841] {strides = array<i32>} : memref<128x32xf32, #tpu.memory_space<vmem>>, vector<16xf32>,
        tpu.vector_store_idx %arg11[%iota3A, %add3A_836], %get3A_839 : memref<32x129xf32, #tpu.memory_space<vmem>>[vector<16xi32>, vector<16xi32>], vector<16xf32>,
        tpu.vector_store_idx %arg11[%add3A_5, %add3A_836], %get3A_842 : memref<32x129xf32, #tpu.memory_space<vmem>>[vector<16xi32>, vector<16xi32>], vector<16xf32>,
        %mul3A_843 = arith.constant 8 : i32
        %mul3A_844 = arith.muli %add3A_783, %mul3A_843 : i32
        %add3A_845 = arith.constant 5 : i32
        %add3A_846 = arith.addi %mul3A_844, %add3A_845 : i32
        %add3A_847 = vector.broadcast %add3A_846 : i32 to vector<16xi32>
        %add3A_848 = arith.addi %add3A_847, %broadcast_in_dim3A_6 : vector<16xi32>
        %get3A_849 = arith.index_cast %add3A_846 : i32 to index
        %get3A_850 = arith.constant 0 : index
        %get3A_851 = tpu.vector_load %arg7[%get3A_849, %get3A_850] {strides = array<i32>} : memref<128x32xf32, #tpu.memory_space<vmem>>, vector<16xf32>,
        %get3A_852 = arith.index_cast %add3A_846 : i32 to index
        %get3A_853 = arith.constant 16 : index
        %get3A_854 = tpu.vector_load %arg7[%get3A_852, %get3A_853] {strides = array<i32>} : memref<128x32xf32, #tpu.memory_space<vmem>>, vector<16xf32>,
        tpu.vector_store_idx %arg11[%iota3A, %add3A_848], %get3A_851 : memref<32x129xf32, #tpu.memory_space<vmem>>[vector<16xi32>, vector<16xi32>], vector<16xf32>,
        tpu.vector_store_idx %arg11[%add3A_5, %add3A_848], %get3A_854 : memref<32x129xf32, #tpu.memory_space<vmem>>[vector<16xi32>, vector<16xi32>], vector<16xf32>,
        %mul3A_855 = arith.constant 8 : i32
        %mul3A_856 = arith.muli %add3A_783, %mul3A_855 : i32
        %add3A_857 = arith.constant 6 : i32
        %add3A_858 = arith.addi %mul3A_856, %add3A_857 : i32
        %add3A_859 = vector.broadcast %add3A_858 : i32 to vector<16xi32>
        %add3A_860 = arith.addi %add3A_859, %broadcast_in_dim3A_6 : vector<16xi32>
        %get3A_861 = arith.index_cast %add3A_858 : i32 to index
        %get3A_862 = arith.constant 0 : index
        %get3A_863 = tpu.vector_load %arg7[%get3A_861, %get3A_862] {strides = array<i32>} : memref<128x32xf32, #tpu.memory_space<vmem>>, vector<16xf32>,
        %get3A_864 = arith.index_cast %add3A_858 : i32 to index
        %get3A_865 = arith.constant 16 : index
        %get3A_866 = tpu.vector_load %arg7[%get3A_864, %get3A_865] {strides = array<i32>} : memref<128x32xf32, #tpu.memory_space<vmem>>, vector<16xf32>,
        tpu.vector_store_idx %arg11[%iota3A, %add3A_860], %get3A_863 : memref<32x129xf32, #tpu.memory_space<vmem>>[vector<16xi32>, vector<16xi32>], vector<16xf32>,
        tpu.vector_store_idx %arg11[%add3A_5, %add3A_860], %get3A_866 : memref<32x129xf32, #tpu.memory_space<vmem>>[vector<16xi32>, vector<16xi32>], vector<16xf32>,
        %mul3A_867 = arith.constant 8 : i32
        %mul3A_868 = arith.muli %add3A_783, %mul3A_867 : i32
        %add3A_869 = arith.constant 7 : i32
        %add3A_870 = arith.addi %mul3A_868, %add3A_869 : i32
        %add3A_871 = vector.broadcast %add3A_870 : i32 to vector<16xi32>
        %add3A_872 = arith.addi %add3A_871, %broadcast_in_dim3A_6 : vector<16xi32>
        %get3A_873 = arith.index_cast %add3A_870 : i32 to index
        %get3A_874 = arith.constant 0 : index
        %get3A_875 = tpu.vector_load %arg7[%get3A_873, %get3A_874] {strides = array<i32>} : memref<128x32xf32, #tpu.memory_space<vmem>>, vector<16xf32>,
        %get3A_876 = arith.index_cast %add3A_870 : i32 to index
        %get3A_877 = arith.constant 16 : index
        %get3A_878 = tpu.vector_load %arg7[%get3A_876, %get3A_877] {strides = array<i32>} : memref<128x32xf32, #tpu.memory_space<vmem>>, vector<16xf32>,
        tpu.vector_store_idx %arg11[%iota3A, %add3A_872], %get3A_875 : memref<32x129xf32, #tpu.memory_space<vmem>>[vector<16xi32>, vector<16xi32>], vector<16xf32>,
        tpu.vector_store_idx %arg11[%add3A_5, %add3A_872], %get3A_878 : memref<32x129xf32, #tpu.memory_space<vmem>>[vector<16xi32>, vector<16xi32>], vector<16xf32>,
      }
      %scan3A_603 = arith.constant 16 : i32
      %sub3A_604 = arith.constant 2 : i32
      %sub3A_605 = arith.subi %add3A_516, %sub3A_604 : i32
      %jit3A_606 = arith.constant 4 : i32
      %div3A_607 = arith.divsi %sub3A_605, %jit3A_606 : i32
      %sign3A_608 = arith.constant 0 : i32
      %sign3A_609 = arith.cmpi sgt, %sub3A_605, %sign3A_608 : i32
      %sign3A_610 = arith.extui %sign3A_609 : i1 to i32
      %sign3A_611 = arith.constant 0 : i32
      %sign3A_612 = arith.cmpi slt, %sub3A_605, %sign3A_611 : i32
      %sign3A_613 = arith.extui %sign3A_612 : i1 to i32
      %sign3A_614 = arith.subi %sign3A_610, %sign3A_613 : i32
      %sign3A_615 = arith.constant 0 : i32
      %sign3A_616 = arith.cmpi sgt, %jit3A_606, %sign3A_615 : i32
      %sign3A_617 = arith.extui %sign3A_616 : i1 to i32
      %sign3A_618 = arith.constant 0 : i32
      %sign3A_619 = arith.cmpi slt, %jit3A_606, %sign3A_618 : i32
      %sign3A_620 = arith.extui %sign3A_619 : i1 to i32
      %sign3A_621 = arith.subi %sign3A_617, %sign3A_620 : i32
      %ne3A_622 = arith.cmpi ne, %sign3A_614, %sign3A_621 : i32
      %rem3A_623 = arith.remsi %sub3A_605, %jit3A_606 : i32
      %ne3A_624 = arith.constant 0 : i32
      %ne3A_625 = arith.cmpi ne, %rem3A_623, %ne3A_624 : i32
      %and3A_626 = arith.andi %ne3A_622, %ne3A_625 : i1
      %sub3A_627 = arith.constant 1 : i32
      %sub3A_628 = arith.subi %div3A_607, %sub3A_627 : i32
      %select_n3A_629 = arith.select %and3A_626, %sub3A_628, %div3A_607 : i32
      %rem3A_630 = arith.constant 4 : i32
      %rem3A_631 = arith.remsi %sub3A_605, %rem3A_630 : i32
      %mul3A_632 = arith.constant 128 : i32
      %mul3A_633 = arith.muli %rem3A_631, %mul3A_632 : i32
      %add3A_634 = arith.addi %mul3A_2, %mul3A_633 : i32
      %dma_start3A_635 = arith.constant 0 : i32
      %dma_start3A_636 = arith.constant 0 : i32
      %dma_start3A_637 = tpu.memref_slice %arg11[%dma_start3A_635, %dma_start3A_636] : memref<32x129xf32, #tpu.memory_space<vmem>> -> memref<32x128xf32, #tpu.memory_space<vmem>>
      %dma_start3A_638 = arith.constant 0 : i32
      %dma_start3A_639 = tpu.memref_slice %arg4[%select_n3A_629, %dma_start3A_638, %add3A_634] : memref<50x32x16384xf32, #tpu.memory_space<hbm>> -> memref<1x32x128xf32, #tpu.memory_space<hbm>>
      %dma_start3A_640 = tpu.memref_squeeze %dma_start3A_639 : memref<1x32x128xf32, #tpu.memory_space<hbm>> -> memref<32x128xf32, #tpu.memory_space<hbm>>
      %dma_start3A_641 = arith.constant 0 : i32
      %dma_start3A_642 = tpu.memref_slice %arg4[%select_n3A_629, %dma_start3A_641, %add3A_634] : memref<50x32x16384xf32, #tpu.memory_space<hbm>> -> memref<1x32x128xf32, #tpu.memory_space<hbm>>
      %dma_start3A_643 = tpu.memref_squeeze %dma_start3A_642 : memref<1x32x128xf32, #tpu.memory_space<hbm>> -> memref<32x128xf32, #tpu.memory_space<hbm>>
      %dma_start3A_644 = arith.constant 0 : i32
      %dma_start3A_645 = arith.constant 0 : i32
      %dma_start3A_646 = tpu.memref_slice %arg11[%dma_start3A_644, %dma_start3A_645] : memref<32x129xf32, #tpu.memory_space<vmem>> -> memref<32x128xf32, #tpu.memory_space<vmem>>
      tpu.enqueue_dma source(%dma_start3A_646 : memref<32x128xf32, #tpu.memory_space<vmem>>) target(%dma_start3A_643 : memref<32x128xf32, #tpu.memory_space<hbm>>) target_semaphore(%arg19 : memref<!tpu.dma_semaphore, #tpu.memory_space<semaphore_mem>>)
      %add3A_647 = arith.constant 3 : i32
      %add3A_648 = arith.addi %add3A_257, %add3A_647 : i32
      %sub3A_649 = arith.constant 4 : i32
      %sub3A_650 = arith.subi %add3A_648, %sub3A_649 : i32
      %jit3A_651 = arith.constant 4 : i32
      %div3A_652 = arith.divsi %sub3A_650, %jit3A_651 : i32
      %sign3A_653 = arith.constant 0 : i32
      %sign3A_654 = arith.cmpi sgt, %sub3A_650, %sign3A_653 : i32
      %sign3A_655 = arith.extui %sign3A_654 : i1 to i32
      %sign3A_656 = arith.constant 0 : i32
      %sign3A_657 = arith.cmpi slt, %sub3A_650, %sign3A_656 : i32
      %sign3A_658 = arith.extui %sign3A_657 : i1 to i32
      %sign3A_659 = arith.subi %sign3A_655, %sign3A_658 : i32
      %sign3A_660 = arith.constant 0 : i32
      %sign3A_661 = arith.cmpi sgt, %jit3A_651, %sign3A_660 : i32
      %sign3A_662 = arith.extui %sign3A_661 : i1 to i32
      %sign3A_663 = arith.constant 0 : i32
      %sign3A_664 = arith.cmpi slt, %jit3A_651, %sign3A_663 : i32
      %sign3A_665 = arith.extui %sign3A_664 : i1 to i32
      %sign3A_666 = arith.subi %sign3A_662, %sign3A_665 : i32
      %ne3A_667 = arith.cmpi ne, %sign3A_659, %sign3A_666 : i32
      %rem3A_668 = arith.remsi %sub3A_650, %jit3A_651 : i32
      %ne3A_669 = arith.constant 0 : i32
      %ne3A_670 = arith.cmpi ne, %rem3A_668, %ne3A_669 : i32
      %and3A_671 = arith.andi %ne3A_667, %ne3A_670 : i1
      %sub3A_672 = arith.constant 1 : i32
      %sub3A_673 = arith.subi %div3A_652, %sub3A_672 : i32
      %select_n3A_674 = arith.select %and3A_671, %sub3A_673, %div3A_652 : i32
      %rem3A_675 = arith.constant 4 : i32
      %rem3A_676 = arith.remsi %sub3A_650, %rem3A_675 : i32
      %mul3A_677 = arith.constant 128 : i32
      %mul3A_678 = arith.muli %rem3A_676, %mul3A_677 : i32
      %add3A_679 = arith.addi %mul3A_2, %mul3A_678 : i32
      %dma_wait3A_680 = arith.constant 0 : i32
      %dma_wait3A_681 = arith.constant 0 : i32
      %dma_wait3A_682 = tpu.memref_slice %arg14[%dma_wait3A_680, %dma_wait3A_681] : memref<32x129xf32, #tpu.memory_space<vmem>> -> memref<32x128xf32, #tpu.memory_space<vmem>>
      %dma_wait3A_683 = arith.constant 0 : i32
      %dma_wait3A_684 = tpu.memref_slice %arg4[%select_n3A_674, %dma_wait3A_683, %add3A_679] : memref<50x32x16384xf32, #tpu.memory_space<hbm>> -> memref<1x32x128xf32, #tpu.memory_space<hbm>>
      %dma_wait3A_685 = tpu.memref_squeeze %dma_wait3A_684 : memref<1x32x128xf32, #tpu.memory_space<hbm>> -> memref<32x128xf32, #tpu.memory_space<hbm>>
      %dma_wait3A_686 = arith.constant 0 : i32
      %dma_wait3A_687 = tpu.memref_slice %arg4[%select_n3A_674, %dma_wait3A_686, %add3A_679] : memref<50x32x16384xf32, #tpu.memory_space<hbm>> -> memref<1x32x128xf32, #tpu.memory_space<hbm>>
      %dma_wait3A_688 = tpu.memref_squeeze %dma_wait3A_687 : memref<1x32x128xf32, #tpu.memory_space<hbm>> -> memref<32x128xf32, #tpu.memory_space<hbm>>
      %dma_wait3A_689 = arith.constant 0 : i32
      %dma_wait3A_690 = arith.constant 0 : i32
      %dma_wait3A_691 = tpu.memref_slice %arg14[%dma_wait3A_689, %dma_wait3A_690] : memref<32x129xf32, #tpu.memory_space<vmem>> -> memref<32x128xf32, #tpu.memory_space<vmem>>
      tpu.wait_dma2 semaphore(%arg22 : memref<!tpu.dma_semaphore, #tpu.memory_space<semaphore_mem>>) src(%dma_wait3A_691 : memref<32x128xf32, #tpu.memory_space<vmem>>) dst(%dma_wait3A_688 : memref<32x128xf32, #tpu.memory_space<hbm>>)
      %jit3A_692 = arith.constant 4 : i32
      %div3A_693 = arith.divsi %add3A_648, %jit3A_692 : i32
      %sign3A_694 = arith.constant 0 : i32
      %sign3A_695 = arith.cmpi sgt, %add3A_648, %sign3A_694 : i32
      %sign3A_696 = arith.extui %sign3A_695 : i1 to i32
      %sign3A_697 = arith.constant 0 : i32
      %sign3A_698 = arith.cmpi slt, %add3A_648, %sign3A_697 : i32
      %sign3A_699 = arith.extui %sign3A_698 : i1 to i32
      %sign3A_700 = arith.subi %sign3A_696, %sign3A_699 : i32
      %sign3A_701 = arith.constant 0 : i32
      %sign3A_702 = arith.cmpi sgt, %jit3A_692, %sign3A_701 : i32
      %sign3A_703 = arith.extui %sign3A_702 : i1 to i32
      %sign3A_704 = arith.constant 0 : i32
      %sign3A_705 = arith.cmpi slt, %jit3A_692, %sign3A_704 : i32
      %sign3A_706 = arith.extui %sign3A_705 : i1 to i32
      %sign3A_707 = arith.subi %sign3A_703, %sign3A_706 : i32
      %ne3A_708 = arith.cmpi ne, %sign3A_700, %sign3A_707 : i32
      %rem3A_709 = arith.remsi %add3A_648, %jit3A_692 : i32
      %ne3A_710 = arith.constant 0 : i32
      %ne3A_711 = arith.cmpi ne, %rem3A_709, %ne3A_710 : i32
      %and3A_712 = arith.andi %ne3A_708, %ne3A_711 : i1
      %sub3A_713 = arith.constant 1 : i32
      %sub3A_714 = arith.subi %div3A_693, %sub3A_713 : i32
      %select_n3A_715 = arith.select %and3A_712, %sub3A_714, %div3A_693 : i32
      %rem3A_716 = arith.constant 4 : i32
      %rem3A_717 = arith.remsi %add3A_648, %rem3A_716 : i32
      %mul3A_718 = arith.constant 128 : i32
      %mul3A_719 = arith.muli %rem3A_717, %mul3A_718 : i32
      %dma_start3A_720 = tpu.memref_slice %arg6[%select_n3A_715, %mul3A_719] : memref<50x512xi32, #tpu.memory_space<vmem>> -> memref<1x128xi32, #tpu.memory_space<vmem>>
      %dma_start3A_721 = tpu.memref_squeeze %dma_start3A_720 : memref<1x128xi32, #tpu.memory_space<vmem>> -> memref<128xi32, #tpu.memory_space<vmem>>
      %dma_start3A_722 = arith.constant 0 : i32
      %dma_start3A_723 = arith.constant 0 : i32
      %dma_start3A_724 = tpu.memref_slice %arg3[%dma_start3A_722, %dma_start3A_723] : memref<1000000x32xf32, #tpu.memory_space<hbm>> -> memref<1000000x32xf32, #tpu.memory_space<hbm>>
      tpu.enqueue_indirect_dma source(%dma_start3A_724 : memref<1000000x32xf32, #tpu.memory_space<hbm>>) target(%arg10 : memref<128x32xf32, #tpu.memory_space<vmem>>) offsets(%dma_start3A_721 : memref<128xi32, #tpu.memory_space<vmem>>) semaphore(%arg18 : memref<!tpu.dma_semaphore, #tpu.memory_space<semaphore_mem>>)
      %dma_wait3A_725 = arith.constant 0 : i32
      %dma_wait3A_726 = arith.constant 0 : i32
      %dma_wait3A_727 = tpu.memref_slice %arg3[%dma_wait3A_725, %dma_wait3A_726] : memref<1000000x32xf32, #tpu.memory_space<hbm>> -> memref<128x32xf32, #tpu.memory_space<hbm>>
      %dma_wait3A_728 = arith.constant 0 : i32
      %dma_wait3A_729 = arith.constant 0 : i32
      %dma_wait3A_730 = tpu.memref_slice %arg3[%dma_wait3A_728, %dma_wait3A_729] : memref<1000000x32xf32, #tpu.memory_space<hbm>> -> memref<128x32xf32, #tpu.memory_space<hbm>>
      tpu.wait_dma2 semaphore(%arg16 : memref<!tpu.dma_semaphore, #tpu.memory_space<semaphore_mem>>) src(%dma_wait3A_730 : memref<128x32xf32, #tpu.memory_space<hbm>>) dst(%arg8 : memref<128x32xf32, #tpu.memory_space<vmem>>)
      %scan3A_731 = arith.constant 0 : i32
      %scan3A_732 = arith.constant 16 : i32
      %scan3A_733 = arith.addi %scan3A_731, %scan3A_732 : i32
      %scan3A_734 = arith.constant 1 : i32
      scf.for %scan3A_779 = %scan3A_731 to %scan3A_733 step %scan3A_734  : i32 {
        %mul3A_780 = arith.constant 1 : i32
        %mul3A_781 = arith.muli %scan3A_779, %mul3A_780 : i32
        %add3A_782 = arith.constant 0 : i32
        %add3A_783 = arith.addi %add3A_782, %mul3A_781 : i32
        %mul3A_784 = arith.constant 8 : i32
        %mul3A_785 = arith.muli %add3A_783, %mul3A_784 : i32
        %add3A_786 = arith.constant 0 : i32
        %add3A_787 = arith.addi %mul3A_785, %add3A_786 : i32
        %add3A_788 = vector.broadcast %add3A_787 : i32 to vector<16xi32>
        %add3A_789 = arith.addi %add3A_788, %broadcast_in_dim3A_6 : vector<16xi32>
        %get3A = arith.index_cast %add3A_787 : i32 to index
        %get3A_790 = arith.constant 0 : index
        %get3A_791 = tpu.vector_load %arg8[%get3A, %get3A_790] {strides = array<i32>} : memref<128x32xf32, #tpu.memory_space<vmem>>, vector<16xf32>,
        %get3A_792 = arith.index_cast %add3A_787 : i32 to index
        %get3A_793 = arith.constant 16 : index
        %get3A_794 = tpu.vector_load %arg8[%get3A_792, %get3A_793] {strides = array<i32>} : memref<128x32xf32, #tpu.memory_space<vmem>>, vector<16xf32>,
        tpu.vector_store_idx %arg12[%iota3A, %add3A_789], %get3A_791 : memref<32x129xf32, #tpu.memory_space<vmem>>[vector<16xi32>, vector<16xi32>], vector<16xf32>,
        tpu.vector_store_idx %arg12[%add3A_5, %add3A_789], %get3A_794 : memref<32x129xf32, #tpu.memory_space<vmem>>[vector<16xi32>, vector<16xi32>], vector<16xf32>,
        %mul3A_795 = arith.constant 8 : i32
        %mul3A_796 = arith.muli %add3A_783, %mul3A_795 : i32
        %add3A_797 = arith.constant 1 : i32
        %add3A_798 = arith.addi %mul3A_796, %add3A_797 : i32
        %add3A_799 = vector.broadcast %add3A_798 : i32 to vector<16xi32>
        %add3A_800 = arith.addi %add3A_799, %broadcast_in_dim3A_6 : vector<16xi32>
        %get3A_801 = arith.index_cast %add3A_798 : i32 to index
        %get3A_802 = arith.constant 0 : index
        %get3A_803 = tpu.vector_load %arg8[%get3A_801, %get3A_802] {strides = array<i32>} : memref<128x32xf32, #tpu.memory_space<vmem>>, vector<16xf32>,
        %get3A_804 = arith.index_cast %add3A_798 : i32 to index
        %get3A_805 = arith.constant 16 : index
        %get3A_806 = tpu.vector_load %arg8[%get3A_804, %get3A_805] {strides = array<i32>} : memref<128x32xf32, #tpu.memory_space<vmem>>, vector<16xf32>,
        tpu.vector_store_idx %arg12[%iota3A, %add3A_800], %get3A_803 : memref<32x129xf32, #tpu.memory_space<vmem>>[vector<16xi32>, vector<16xi32>], vector<16xf32>,
        tpu.vector_store_idx %arg12[%add3A_5, %add3A_800], %get3A_806 : memref<32x129xf32, #tpu.memory_space<vmem>>[vector<16xi32>, vector<16xi32>], vector<16xf32>,
        %mul3A_807 = arith.constant 8 : i32
        %mul3A_808 = arith.muli %add3A_783, %mul3A_807 : i32
        %add3A_809 = arith.constant 2 : i32
        %add3A_810 = arith.addi %mul3A_808, %add3A_809 : i32
        %add3A_811 = vector.broadcast %add3A_810 : i32 to vector<16xi32>
        %add3A_812 = arith.addi %add3A_811, %broadcast_in_dim3A_6 : vector<16xi32>
        %get3A_813 = arith.index_cast %add3A_810 : i32 to index
        %get3A_814 = arith.constant 0 : index
        %get3A_815 = tpu.vector_load %arg8[%get3A_813, %get3A_814] {strides = array<i32>} : memref<128x32xf32, #tpu.memory_space<vmem>>, vector<16xf32>,
        %get3A_816 = arith.index_cast %add3A_810 : i32 to index
        %get3A_817 = arith.constant 16 : index
        %get3A_818 = tpu.vector_load %arg8[%get3A_816, %get3A_817] {strides = array<i32>} : memref<128x32xf32, #tpu.memory_space<vmem>>, vector<16xf32>,
        tpu.vector_store_idx %arg12[%iota3A, %add3A_812], %get3A_815 : memref<32x129xf32, #tpu.memory_space<vmem>>[vector<16xi32>, vector<16xi32>], vector<16xf32>,
        tpu.vector_store_idx %arg12[%add3A_5, %add3A_812], %get3A_818 : memref<32x129xf32, #tpu.memory_space<vmem>>[vector<16xi32>, vector<16xi32>], vector<16xf32>,
        %mul3A_819 = arith.constant 8 : i32
        %mul3A_820 = arith.muli %add3A_783, %mul3A_819 : i32
        %add3A_821 = arith.constant 3 : i32
        %add3A_822 = arith.addi %mul3A_820, %add3A_821 : i32
        %add3A_823 = vector.broadcast %add3A_822 : i32 to vector<16xi32>
        %add3A_824 = arith.addi %add3A_823, %broadcast_in_dim3A_6 : vector<16xi32>
        %get3A_825 = arith.index_cast %add3A_822 : i32 to index
        %get3A_826 = arith.constant 0 : index
        %get3A_827 = tpu.vector_load %arg8[%get3A_825, %get3A_826] {strides = array<i32>} : memref<128x32xf32, #tpu.memory_space<vmem>>, vector<16xf32>,
        %get3A_828 = arith.index_cast %add3A_822 : i32 to index
        %get3A_829 = arith.constant 16 : index
        %get3A_830 = tpu.vector_load %arg8[%get3A_828, %get3A_829] {strides = array<i32>} : memref<128x32xf32, #tpu.memory_space<vmem>>, vector<16xf32>,
        tpu.vector_store_idx %arg12[%iota3A, %add3A_824], %get3A_827 : memref<32x129xf32, #tpu.memory_space<vmem>>[vector<16xi32>, vector<16xi32>], vector<16xf32>,
        tpu.vector_store_idx %arg12[%add3A_5, %add3A_824], %get3A_830 : memref<32x129xf32, #tpu.memory_space<vmem>>[vector<16xi32>, vector<16xi32>], vector<16xf32>,
        %mul3A_831 = arith.constant 8 : i32
        %mul3A_832 = arith.muli %add3A_783, %mul3A_831 : i32
        %add3A_833 = arith.constant 4 : i32
        %add3A_834 = arith.addi %mul3A_832, %add3A_833 : i32
        %add3A_835 = vector.broadcast %add3A_834 : i32 to vector<16xi32>
        %add3A_836 = arith.addi %add3A_835, %broadcast_in_dim3A_6 : vector<16xi32>
        %get3A_837 = arith.index_cast %add3A_834 : i32 to index
        %get3A_838 = arith.constant 0 : index
        %get3A_839 = tpu.vector_load %arg8[%get3A_837, %get3A_838] {strides = array<i32>} : memref<128x32xf32, #tpu.memory_space<vmem>>, vector<16xf32>,
        %get3A_840 = arith.index_cast %add3A_834 : i32 to index
        %get3A_841 = arith.constant 16 : index
        %get3A_842 = tpu.vector_load %arg8[%get3A_840, %get3A_841] {strides = array<i32>} : memref<128x32xf32, #tpu.memory_space<vmem>>, vector<16xf32>,
        tpu.vector_store_idx %arg12[%iota3A, %add3A_836], %get3A_839 : memref<32x129xf32, #tpu.memory_space<vmem>>[vector<16xi32>, vector<16xi32>], vector<16xf32>,
        tpu.vector_store_idx %arg12[%add3A_5, %add3A_836], %get3A_842 : memref<32x129xf32, #tpu.memory_space<vmem>>[vector<16xi32>, vector<16xi32>], vector<16xf32>,
        %mul3A_843 = arith.constant 8 : i32
        %mul3A_844 = arith.muli %add3A_783, %mul3A_843 : i32
        %add3A_845 = arith.constant 5 : i32
        %add3A_846 = arith.addi %mul3A_844, %add3A_845 : i32
        %add3A_847 = vector.broadcast %add3A_846 : i32 to vector<16xi32>
        %add3A_848 = arith.addi %add3A_847, %broadcast_in_dim3A_6 : vector<16xi32>
        %get3A_849 = arith.index_cast %add3A_846 : i32 to index
        %get3A_850 = arith.constant 0 : index
        %get3A_851 = tpu.vector_load %arg8[%get3A_849, %get3A_850] {strides = array<i32>} : memref<128x32xf32, #tpu.memory_space<vmem>>, vector<16xf32>,
        %get3A_852 = arith.index_cast %add3A_846 : i32 to index
        %get3A_853 = arith.constant 16 : index
        %get3A_854 = tpu.vector_load %arg8[%get3A_852, %get3A_853] {strides = array<i32>} : memref<128x32xf32, #tpu.memory_space<vmem>>, vector<16xf32>,
        tpu.vector_store_idx %arg12[%iota3A, %add3A_848], %get3A_851 : memref<32x129xf32, #tpu.memory_space<vmem>>[vector<16xi32>, vector<16xi32>], vector<16xf32>,
        tpu.vector_store_idx %arg12[%add3A_5, %add3A_848], %get3A_854 : memref<32x129xf32, #tpu.memory_space<vmem>>[vector<16xi32>, vector<16xi32>], vector<16xf32>,
        %mul3A_855 = arith.constant 8 : i32
        %mul3A_856 = arith.muli %add3A_783, %mul3A_855 : i32
        %add3A_857 = arith.constant 6 : i32
        %add3A_858 = arith.addi %mul3A_856, %add3A_857 : i32
        %add3A_859 = vector.broadcast %add3A_858 : i32 to vector<16xi32>
        %add3A_860 = arith.addi %add3A_859, %broadcast_in_dim3A_6 : vector<16xi32>
        %get3A_861 = arith.index_cast %add3A_858 : i32 to index
        %get3A_862 = arith.constant 0 : index
        %get3A_863 = tpu.vector_load %arg8[%get3A_861, %get3A_862] {strides = array<i32>} : memref<128x32xf32, #tpu.memory_space<vmem>>, vector<16xf32>,
        %get3A_864 = arith.index_cast %add3A_858 : i32 to index
        %get3A_865 = arith.constant 16 : index
        %get3A_866 = tpu.vector_load %arg8[%get3A_864, %get3A_865] {strides = array<i32>} : memref<128x32xf32, #tpu.memory_space<vmem>>, vector<16xf32>,
        tpu.vector_store_idx %arg12[%iota3A, %add3A_860], %get3A_863 : memref<32x129xf32, #tpu.memory_space<vmem>>[vector<16xi32>, vector<16xi32>], vector<16xf32>,
        tpu.vector_store_idx %arg12[%add3A_5, %add3A_860], %get3A_866 : memref<32x129xf32, #tpu.memory_space<vmem>>[vector<16xi32>, vector<16xi32>], vector<16xf32>,
        %mul3A_867 = arith.constant 8 : i32
        %mul3A_868 = arith.muli %add3A_783, %mul3A_867 : i32
        %add3A_869 = arith.constant 7 : i32
        %add3A_870 = arith.addi %mul3A_868, %add3A_869 : i32
        %add3A_871 = vector.broadcast %add3A_870 : i32 to vector<16xi32>
        %add3A_872 = arith.addi %add3A_871, %broadcast_in_dim3A_6 : vector<16xi32>
        %get3A_873 = arith.index_cast %add3A_870 : i32 to index
        %get3A_874 = arith.constant 0 : index
        %get3A_875 = tpu.vector_load %arg8[%get3A_873, %get3A_874] {strides = array<i32>} : memref<128x32xf32, #tpu.memory_space<vmem>>, vector<16xf32>,
        %get3A_876 = arith.index_cast %add3A_870 : i32 to index
        %get3A_877 = arith.constant 16 : index
        %get3A_878 = tpu.vector_load %arg8[%get3A_876, %get3A_877] {strides = array<i32>} : memref<128x32xf32, #tpu.memory_space<vmem>>, vector<16xf32>,
        tpu.vector_store_idx %arg12[%iota3A, %add3A_872], %get3A_875 : memref<32x129xf32, #tpu.memory_space<vmem>>[vector<16xi32>, vector<16xi32>], vector<16xf32>,
        tpu.vector_store_idx %arg12[%add3A_5, %add3A_872], %get3A_878 : memref<32x129xf32, #tpu.memory_space<vmem>>[vector<16xi32>, vector<16xi32>], vector<16xf32>,
      }
      %scan3A_735 = arith.constant 16 : i32
      %sub3A_736 = arith.constant 2 : i32
      %sub3A_737 = arith.subi %add3A_648, %sub3A_736 : i32
      %jit3A_738 = arith.constant 4 : i32
      %div3A_739 = arith.divsi %sub3A_737, %jit3A_738 : i32
      %sign3A_740 = arith.constant 0 : i32
      %sign3A_741 = arith.cmpi sgt, %sub3A_737, %sign3A_740 : i32
      %sign3A_742 = arith.extui %sign3A_741 : i1 to i32
      %sign3A_743 = arith.constant 0 : i32
      %sign3A_744 = arith.cmpi slt, %sub3A_737, %sign3A_743 : i32
      %sign3A_745 = arith.extui %sign3A_744 : i1 to i32
      %sign3A_746 = arith.subi %sign3A_742, %sign3A_745 : i32
      %sign3A_747 = arith.constant 0 : i32
      %sign3A_748 = arith.cmpi sgt, %jit3A_738, %sign3A_747 : i32
      %sign3A_749 = arith.extui %sign3A_748 : i1 to i32
      %sign3A_750 = arith.constant 0 : i32
      %sign3A_751 = arith.cmpi slt, %jit3A_738, %sign3A_750 : i32
      %sign3A_752 = arith.extui %sign3A_751 : i1 to i32
      %sign3A_753 = arith.subi %sign3A_749, %sign3A_752 : i32
      %ne3A_754 = arith.cmpi ne, %sign3A_746, %sign3A_753 : i32
      %rem3A_755 = arith.remsi %sub3A_737, %jit3A_738 : i32
      %ne3A_756 = arith.constant 0 : i32
      %ne3A_757 = arith.cmpi ne, %rem3A_755, %ne3A_756 : i32
      %and3A_758 = arith.andi %ne3A_754, %ne3A_757 : i1
      %sub3A_759 = arith.constant 1 : i32
      %sub3A_760 = arith.subi %div3A_739, %sub3A_759 : i32
      %select_n3A_761 = arith.select %and3A_758, %sub3A_760, %div3A_739 : i32
      %rem3A_762 = arith.constant 4 : i32
      %rem3A_763 = arith.remsi %sub3A_737, %rem3A_762 : i32
      %mul3A_764 = arith.constant 128 : i32
      %mul3A_765 = arith.muli %rem3A_763, %mul3A_764 : i32
      %add3A_766 = arith.addi %mul3A_2, %mul3A_765 : i32
      %dma_start3A_767 = arith.constant 0 : i32
      %dma_start3A_768 = arith.constant 0 : i32
      %dma_start3A_769 = tpu.memref_slice %arg12[%dma_start3A_767, %dma_start3A_768] : memref<32x129xf32, #tpu.memory_space<vmem>> -> memref<32x128xf32, #tpu.memory_space<vmem>>
      %dma_start3A_770 = arith.constant 0 : i32
      %dma_start3A_771 = tpu.memref_slice %arg4[%select_n3A_761, %dma_start3A_770, %add3A_766] : memref<50x32x16384xf32, #tpu.memory_space<hbm>> -> memref<1x32x128xf32, #tpu.memory_space<hbm>>
      %dma_start3A_772 = tpu.memref_squeeze %dma_start3A_771 : memref<1x32x128xf32, #tpu.memory_space<hbm>> -> memref<32x128xf32, #tpu.memory_space<hbm>>
      %dma_start3A_773 = arith.constant 0 : i32
      %dma_start3A_774 = tpu.memref_slice %arg4[%select_n3A_761, %dma_start3A_773, %add3A_766] : memref<50x32x16384xf32, #tpu.memory_space<hbm>> -> memref<1x32x128xf32, #tpu.memory_space<hbm>>
      %dma_start3A_775 = tpu.memref_squeeze %dma_start3A_774 : memref<1x32x128xf32, #tpu.memory_space<hbm>> -> memref<32x128xf32, #tpu.memory_space<hbm>>
      %dma_start3A_776 = arith.constant 0 : i32
      %dma_start3A_777 = arith.constant 0 : i32
      %dma_start3A_778 = tpu.memref_slice %arg12[%dma_start3A_776, %dma_start3A_777] : memref<32x129xf32, #tpu.memory_space<vmem>> -> memref<32x128xf32, #tpu.memory_space<vmem>>
      tpu.enqueue_dma source(%dma_start3A_778 : memref<32x128xf32, #tpu.memory_space<vmem>>) target(%dma_start3A_775 : memref<32x128xf32, #tpu.memory_space<hbm>>) target_semaphore(%arg20 : memref<!tpu.dma_semaphore, #tpu.memory_space<semaphore_mem>>)
    }
    %scan3A_116 = arith.constant 49 : i32
    %dma_wait3A_117 = arith.constant 0 : i32
    %dma_wait3A_118 = arith.constant 0 : i32
    %dma_wait3A_119 = tpu.memref_slice %arg3[%dma_wait3A_117, %dma_wait3A_118] : memref<1000000x32xf32, #tpu.memory_space<hbm>> -> memref<128x32xf32, #tpu.memory_space<hbm>>
    %dma_wait3A_120 = arith.constant 0 : i32
    %dma_wait3A_121 = arith.constant 0 : i32
    %dma_wait3A_122 = tpu.memref_slice %arg3[%dma_wait3A_120, %dma_wait3A_121] : memref<1000000x32xf32, #tpu.memory_space<hbm>> -> memref<128x32xf32, #tpu.memory_space<hbm>>
    tpu.wait_dma2 semaphore(%arg17 : memref<!tpu.dma_semaphore, #tpu.memory_space<semaphore_mem>>) src(%dma_wait3A_122 : memref<128x32xf32, #tpu.memory_space<hbm>>) dst(%arg9 : memref<128x32xf32, #tpu.memory_space<vmem>>)
    %scan3A_123 = arith.constant 0 : i32
    %scan3A_124 = arith.constant 16 : i32
    %scan3A_125 = arith.addi %scan3A_123, %scan3A_124 : i32
    %scan3A_126 = arith.constant 1 : i32
    scf.for %scan3A_253 = %scan3A_123 to %scan3A_125 step %scan3A_126  : i32 {
      %mul3A_254 = arith.constant 1 : i32
      %mul3A_255 = arith.muli %scan3A_253, %mul3A_254 : i32
      %add3A_256 = arith.constant 0 : i32
      %add3A_257 = arith.addi %add3A_256, %mul3A_255 : i32
      %mul3A_258 = arith.constant 8 : i32
      %mul3A_259 = arith.muli %add3A_257, %mul3A_258 : i32
      %add3A_260 = arith.constant 0 : i32
      %add3A_261 = arith.addi %mul3A_259, %add3A_260 : i32
      %add3A_262 = vector.broadcast %add3A_261 : i32 to vector<16xi32>
      %add3A_263 = arith.addi %add3A_262, %broadcast_in_dim3A_6 : vector<16xi32>
      %get3A = arith.index_cast %add3A_261 : i32 to index
      %get3A_264 = arith.constant 0 : index
      %get3A_265 = tpu.vector_load %arg9[%get3A, %get3A_264] {strides = array<i32>} : memref<128x32xf32, #tpu.memory_space<vmem>>, vector<16xf32>,
      %get3A_266 = arith.index_cast %add3A_261 : i32 to index
      %get3A_267 = arith.constant 16 : index
      %get3A_268 = tpu.vector_load %arg9[%get3A_266, %get3A_267] {strides = array<i32>} : memref<128x32xf32, #tpu.memory_space<vmem>>, vector<16xf32>,
      tpu.vector_store_idx %arg13[%iota3A, %add3A_263], %get3A_265 : memref<32x129xf32, #tpu.memory_space<vmem>>[vector<16xi32>, vector<16xi32>], vector<16xf32>,
      tpu.vector_store_idx %arg13[%add3A_5, %add3A_263], %get3A_268 : memref<32x129xf32, #tpu.memory_space<vmem>>[vector<16xi32>, vector<16xi32>], vector<16xf32>,
      %mul3A_269 = arith.constant 8 : i32
      %mul3A_270 = arith.muli %add3A_257, %mul3A_269 : i32
      %add3A_271 = arith.constant 1 : i32
      %add3A_272 = arith.addi %mul3A_270, %add3A_271 : i32
      %add3A_273 = vector.broadcast %add3A_272 : i32 to vector<16xi32>
      %add3A_274 = arith.addi %add3A_273, %broadcast_in_dim3A_6 : vector<16xi32>
      %get3A_275 = arith.index_cast %add3A_272 : i32 to index
      %get3A_276 = arith.constant 0 : index
      %get3A_277 = tpu.vector_load %arg9[%get3A_275, %get3A_276] {strides = array<i32>} : memref<128x32xf32, #tpu.memory_space<vmem>>, vector<16xf32>,
      %get3A_278 = arith.index_cast %add3A_272 : i32 to index
      %get3A_279 = arith.constant 16 : index
      %get3A_280 = tpu.vector_load %arg9[%get3A_278, %get3A_279] {strides = array<i32>} : memref<128x32xf32, #tpu.memory_space<vmem>>, vector<16xf32>,
      tpu.vector_store_idx %arg13[%iota3A, %add3A_274], %get3A_277 : memref<32x129xf32, #tpu.memory_space<vmem>>[vector<16xi32>, vector<16xi32>], vector<16xf32>,
      tpu.vector_store_idx %arg13[%add3A_5, %add3A_274], %get3A_280 : memref<32x129xf32, #tpu.memory_space<vmem>>[vector<16xi32>, vector<16xi32>], vector<16xf32>,
      %mul3A_281 = arith.constant 8 : i32
      %mul3A_282 = arith.muli %add3A_257, %mul3A_281 : i32
      %add3A_283 = arith.constant 2 : i32
      %add3A_284 = arith.addi %mul3A_282, %add3A_283 : i32
      %add3A_285 = vector.broadcast %add3A_284 : i32 to vector<16xi32>
      %add3A_286 = arith.addi %add3A_285, %broadcast_in_dim3A_6 : vector<16xi32>
      %get3A_287 = arith.index_cast %add3A_284 : i32 to index
      %get3A_288 = arith.constant 0 : index
      %get3A_289 = tpu.vector_load %arg9[%get3A_287, %get3A_288] {strides = array<i32>} : memref<128x32xf32, #tpu.memory_space<vmem>>, vector<16xf32>,
      %get3A_290 = arith.index_cast %add3A_284 : i32 to index
      %get3A_291 = arith.constant 16 : index
      %get3A_292 = tpu.vector_load %arg9[%get3A_290, %get3A_291] {strides = array<i32>} : memref<128x32xf32, #tpu.memory_space<vmem>>, vector<16xf32>,
      tpu.vector_store_idx %arg13[%iota3A, %add3A_286], %get3A_289 : memref<32x129xf32, #tpu.memory_space<vmem>>[vector<16xi32>, vector<16xi32>], vector<16xf32>,
      tpu.vector_store_idx %arg13[%add3A_5, %add3A_286], %get3A_292 : memref<32x129xf32, #tpu.memory_space<vmem>>[vector<16xi32>, vector<16xi32>], vector<16xf32>,
      %mul3A_293 = arith.constant 8 : i32
      %mul3A_294 = arith.muli %add3A_257, %mul3A_293 : i32
      %add3A_295 = arith.constant 3 : i32
      %add3A_296 = arith.addi %mul3A_294, %add3A_295 : i32
      %add3A_297 = vector.broadcast %add3A_296 : i32 to vector<16xi32>
      %add3A_298 = arith.addi %add3A_297, %broadcast_in_dim3A_6 : vector<16xi32>
      %get3A_299 = arith.index_cast %add3A_296 : i32 to index
      %get3A_300 = arith.constant 0 : index
      %get3A_301 = tpu.vector_load %arg9[%get3A_299, %get3A_300] {strides = array<i32>} : memref<128x32xf32, #tpu.memory_space<vmem>>, vector<16xf32>,
      %get3A_302 = arith.index_cast %add3A_296 : i32 to index
      %get3A_303 = arith.constant 16 : index
      %get3A_304 = tpu.vector_load %arg9[%get3A_302, %get3A_303] {strides = array<i32>} : memref<128x32xf32, #tpu.memory_space<vmem>>, vector<16xf32>,
      tpu.vector_store_idx %arg13[%iota3A, %add3A_298], %get3A_301 : memref<32x129xf32, #tpu.memory_space<vmem>>[vector<16xi32>, vector<16xi32>], vector<16xf32>,
      tpu.vector_store_idx %arg13[%add3A_5, %add3A_298], %get3A_304 : memref<32x129xf32, #tpu.memory_space<vmem>>[vector<16xi32>, vector<16xi32>], vector<16xf32>,
      %mul3A_305 = arith.constant 8 : i32
      %mul3A_306 = arith.muli %add3A_257, %mul3A_305 : i32
      %add3A_307 = arith.constant 4 : i32
      %add3A_308 = arith.addi %mul3A_306, %add3A_307 : i32
      %add3A_309 = vector.broadcast %add3A_308 : i32 to vector<16xi32>
      %add3A_310 = arith.addi %add3A_309, %broadcast_in_dim3A_6 : vector<16xi32>
      %get3A_311 = arith.index_cast %add3A_308 : i32 to index
      %get3A_312 = arith.constant 0 : index
      %get3A_313 = tpu.vector_load %arg9[%get3A_311, %get3A_312] {strides = array<i32>} : memref<128x32xf32, #tpu.memory_space<vmem>>, vector<16xf32>,
      %get3A_314 = arith.index_cast %add3A_308 : i32 to index
      %get3A_315 = arith.constant 16 : index
      %get3A_316 = tpu.vector_load %arg9[%get3A_314, %get3A_315] {strides = array<i32>} : memref<128x32xf32, #tpu.memory_space<vmem>>, vector<16xf32>,
      tpu.vector_store_idx %arg13[%iota3A, %add3A_310], %get3A_313 : memref<32x129xf32, #tpu.memory_space<vmem>>[vector<16xi32>, vector<16xi32>], vector<16xf32>,
      tpu.vector_store_idx %arg13[%add3A_5, %add3A_310], %get3A_316 : memref<32x129xf32, #tpu.memory_space<vmem>>[vector<16xi32>, vector<16xi32>], vector<16xf32>,
      %mul3A_317 = arith.constant 8 : i32
      %mul3A_318 = arith.muli %add3A_257, %mul3A_317 : i32
      %add3A_319 = arith.constant 5 : i32
      %add3A_320 = arith.addi %mul3A_318, %add3A_319 : i32
      %add3A_321 = vector.broadcast %add3A_320 : i32 to vector<16xi32>
      %add3A_322 = arith.addi %add3A_321, %broadcast_in_dim3A_6 : vector<16xi32>
      %get3A_323 = arith.index_cast %add3A_320 : i32 to index
      %get3A_324 = arith.constant 0 : index
      %get3A_325 = tpu.vector_load %arg9[%get3A_323, %get3A_324] {strides = array<i32>} : memref<128x32xf32, #tpu.memory_space<vmem>>, vector<16xf32>,
      %get3A_326 = arith.index_cast %add3A_320 : i32 to index
      %get3A_327 = arith.constant 16 : index
      %get3A_328 = tpu.vector_load %arg9[%get3A_326, %get3A_327] {strides = array<i32>} : memref<128x32xf32, #tpu.memory_space<vmem>>, vector<16xf32>,
      tpu.vector_store_idx %arg13[%iota3A, %add3A_322], %get3A_325 : memref<32x129xf32, #tpu.memory_space<vmem>>[vector<16xi32>, vector<16xi32>], vector<16xf32>,
      tpu.vector_store_idx %arg13[%add3A_5, %add3A_322], %get3A_328 : memref<32x129xf32, #tpu.memory_space<vmem>>[vector<16xi32>, vector<16xi32>], vector<16xf32>,
      %mul3A_329 = arith.constant 8 : i32
      %mul3A_330 = arith.muli %add3A_257, %mul3A_329 : i32
      %add3A_331 = arith.constant 6 : i32
      %add3A_332 = arith.addi %mul3A_330, %add3A_331 : i32
      %add3A_333 = vector.broadcast %add3A_332 : i32 to vector<16xi32>
      %add3A_334 = arith.addi %add3A_333, %broadcast_in_dim3A_6 : vector<16xi32>
      %get3A_335 = arith.index_cast %add3A_332 : i32 to index
      %get3A_336 = arith.constant 0 : index
      %get3A_337 = tpu.vector_load %arg9[%get3A_335, %get3A_336] {strides = array<i32>} : memref<128x32xf32, #tpu.memory_space<vmem>>, vector<16xf32>,
      %get3A_338 = arith.index_cast %add3A_332 : i32 to index
      %get3A_339 = arith.constant 16 : index
      %get3A_340 = tpu.vector_load %arg9[%get3A_338, %get3A_339] {strides = array<i32>} : memref<128x32xf32, #tpu.memory_space<vmem>>, vector<16xf32>,
      tpu.vector_store_idx %arg13[%iota3A, %add3A_334], %get3A_337 : memref<32x129xf32, #tpu.memory_space<vmem>>[vector<16xi32>, vector<16xi32>], vector<16xf32>,
      tpu.vector_store_idx %arg13[%add3A_5, %add3A_334], %get3A_340 : memref<32x129xf32, #tpu.memory_space<vmem>>[vector<16xi32>, vector<16xi32>], vector<16xf32>,
      %mul3A_341 = arith.constant 8 : i32
      %mul3A_342 = arith.muli %add3A_257, %mul3A_341 : i32
      %add3A_343 = arith.constant 7 : i32
      %add3A_344 = arith.addi %mul3A_342, %add3A_343 : i32
      %add3A_345 = vector.broadcast %add3A_344 : i32 to vector<16xi32>
      %add3A_346 = arith.addi %add3A_345, %broadcast_in_dim3A_6 : vector<16xi32>
      %get3A_347 = arith.index_cast %add3A_344 : i32 to index
      %get3A_348 = arith.constant 0 : index
      %get3A_349 = tpu.vector_load %arg9[%get3A_347, %get3A_348] {strides = array<i32>} : memref<128x32xf32, #tpu.memory_space<vmem>>, vector<16xf32>,
      %get3A_350 = arith.index_cast %add3A_344 : i32 to index
      %get3A_351 = arith.constant 16 : index
      %get3A_352 = tpu.vector_load %arg9[%get3A_350, %get3A_351] {strides = array<i32>} : memref<128x32xf32, #tpu.memory_space<vmem>>, vector<16xf32>,
      tpu.vector_store_idx %arg13[%iota3A, %add3A_346], %get3A_349 : memref<32x129xf32, #tpu.memory_space<vmem>>[vector<16xi32>, vector<16xi32>], vector<16xf32>,
      tpu.vector_store_idx %arg13[%add3A_5, %add3A_346], %get3A_352 : memref<32x129xf32, #tpu.memory_space<vmem>>[vector<16xi32>, vector<16xi32>], vector<16xf32>,
    }
    %scan3A_127 = arith.constant 16 : i32
    %rem3A_128 = arith.constant 198 : i32
    %rem3A_129 = arith.constant 4 : i32
    %rem3A_130 = arith.remsi %rem3A_128, %rem3A_129 : i32
    %mul3A_131 = arith.constant 128 : i32
    %mul3A_132 = arith.muli %rem3A_130, %mul3A_131 : i32
    %add3A_133 = arith.addi %mul3A_2, %mul3A_132 : i32
    %dma_start3A_134 = arith.constant 49 : i32
    %dma_start3A_135 = arith.constant 0 : i32
    %dma_start3A_136 = arith.constant 0 : i32
    %dma_start3A_137 = tpu.memref_slice %arg13[%dma_start3A_135, %dma_start3A_136] : memref<32x129xf32, #tpu.memory_space<vmem>> -> memref<32x128xf32, #tpu.memory_space<vmem>>
    %dma_start3A_138 = arith.constant 0 : i32
    %dma_start3A_139 = tpu.memref_slice %arg4[%dma_start3A_134, %dma_start3A_138, %add3A_133] : memref<50x32x16384xf32, #tpu.memory_space<hbm>> -> memref<1x32x128xf32, #tpu.memory_space<hbm>>
    %dma_start3A_140 = tpu.memref_squeeze %dma_start3A_139 : memref<1x32x128xf32, #tpu.memory_space<hbm>> -> memref<32x128xf32, #tpu.memory_space<hbm>>
    %dma_start3A_141 = arith.constant 0 : i32
    %dma_start3A_142 = tpu.memref_slice %arg4[%dma_start3A_134, %dma_start3A_141, %add3A_133] : memref<50x32x16384xf32, #tpu.memory_space<hbm>> -> memref<1x32x128xf32, #tpu.memory_space<hbm>>
    %dma_start3A_143 = tpu.memref_squeeze %dma_start3A_142 : memref<1x32x128xf32, #tpu.memory_space<hbm>> -> memref<32x128xf32, #tpu.memory_space<hbm>>
    %dma_start3A_144 = arith.constant 0 : i32
    %dma_start3A_145 = arith.constant 0 : i32
    %dma_start3A_146 = tpu.memref_slice %arg13[%dma_start3A_144, %dma_start3A_145] : memref<32x129xf32, #tpu.memory_space<vmem>> -> memref<32x128xf32, #tpu.memory_space<vmem>>
    tpu.enqueue_dma source(%dma_start3A_146 : memref<32x128xf32, #tpu.memory_space<vmem>>) target(%dma_start3A_143 : memref<32x128xf32, #tpu.memory_space<hbm>>) target_semaphore(%arg21 : memref<!tpu.dma_semaphore, #tpu.memory_space<semaphore_mem>>)
    %dma_wait3A_147 = arith.constant 0 : i32
    %dma_wait3A_148 = arith.constant 0 : i32
    %dma_wait3A_149 = tpu.memref_slice %arg3[%dma_wait3A_147, %dma_wait3A_148] : memref<1000000x32xf32, #tpu.memory_space<hbm>> -> memref<128x32xf32, #tpu.memory_space<hbm>>
    %dma_wait3A_150 = arith.constant 0 : i32
    %dma_wait3A_151 = arith.constant 0 : i32
    %dma_wait3A_152 = tpu.memref_slice %arg3[%dma_wait3A_150, %dma_wait3A_151] : memref<1000000x32xf32, #tpu.memory_space<hbm>> -> memref<128x32xf32, #tpu.memory_space<hbm>>
    tpu.wait_dma2 semaphore(%arg18 : memref<!tpu.dma_semaphore, #tpu.memory_space<semaphore_mem>>) src(%dma_wait3A_152 : memref<128x32xf32, #tpu.memory_space<hbm>>) dst(%arg10 : memref<128x32xf32, #tpu.memory_space<vmem>>)
    %scan3A_153 = arith.constant 0 : i32
    %scan3A_154 = arith.constant 16 : i32
    %scan3A_155 = arith.addi %scan3A_153, %scan3A_154 : i32
    %scan3A_156 = arith.constant 1 : i32
    scf.for %scan3A_253 = %scan3A_153 to %scan3A_155 step %scan3A_156  : i32 {
      %mul3A_254 = arith.constant 1 : i32
      %mul3A_255 = arith.muli %scan3A_253, %mul3A_254 : i32
      %add3A_256 = arith.constant 0 : i32
      %add3A_257 = arith.addi %add3A_256, %mul3A_255 : i32
      %mul3A_258 = arith.constant 8 : i32
      %mul3A_259 = arith.muli %add3A_257, %mul3A_258 : i32
      %add3A_260 = arith.constant 0 : i32
      %add3A_261 = arith.addi %mul3A_259, %add3A_260 : i32
      %add3A_262 = vector.broadcast %add3A_261 : i32 to vector<16xi32>
      %add3A_263 = arith.addi %add3A_262, %broadcast_in_dim3A_6 : vector<16xi32>
      %get3A = arith.index_cast %add3A_261 : i32 to index
      %get3A_264 = arith.constant 0 : index
      %get3A_265 = tpu.vector_load %arg10[%get3A, %get3A_264] {strides = array<i32>} : memref<128x32xf32, #tpu.memory_space<vmem>>, vector<16xf32>,
      %get3A_266 = arith.index_cast %add3A_261 : i32 to index
      %get3A_267 = arith.constant 16 : index
      %get3A_268 = tpu.vector_load %arg10[%get3A_266, %get3A_267] {strides = array<i32>} : memref<128x32xf32, #tpu.memory_space<vmem>>, vector<16xf32>,
      tpu.vector_store_idx %arg14[%iota3A, %add3A_263], %get3A_265 : memref<32x129xf32, #tpu.memory_space<vmem>>[vector<16xi32>, vector<16xi32>], vector<16xf32>,
      tpu.vector_store_idx %arg14[%add3A_5, %add3A_263], %get3A_268 : memref<32x129xf32, #tpu.memory_space<vmem>>[vector<16xi32>, vector<16xi32>], vector<16xf32>,
      %mul3A_269 = arith.constant 8 : i32
      %mul3A_270 = arith.muli %add3A_257, %mul3A_269 : i32
      %add3A_271 = arith.constant 1 : i32
      %add3A_272 = arith.addi %mul3A_270, %add3A_271 : i32
      %add3A_273 = vector.broadcast %add3A_272 : i32 to vector<16xi32>
      %add3A_274 = arith.addi %add3A_273, %broadcast_in_dim3A_6 : vector<16xi32>
      %get3A_275 = arith.index_cast %add3A_272 : i32 to index
      %get3A_276 = arith.constant 0 : index
      %get3A_277 = tpu.vector_load %arg10[%get3A_275, %get3A_276] {strides = array<i32>} : memref<128x32xf32, #tpu.memory_space<vmem>>, vector<16xf32>,
      %get3A_278 = arith.index_cast %add3A_272 : i32 to index
      %get3A_279 = arith.constant 16 : index
      %get3A_280 = tpu.vector_load %arg10[%get3A_278, %get3A_279] {strides = array<i32>} : memref<128x32xf32, #tpu.memory_space<vmem>>, vector<16xf32>,
      tpu.vector_store_idx %arg14[%iota3A, %add3A_274], %get3A_277 : memref<32x129xf32, #tpu.memory_space<vmem>>[vector<16xi32>, vector<16xi32>], vector<16xf32>,
      tpu.vector_store_idx %arg14[%add3A_5, %add3A_274], %get3A_280 : memref<32x129xf32, #tpu.memory_space<vmem>>[vector<16xi32>, vector<16xi32>], vector<16xf32>,
      %mul3A_281 = arith.constant 8 : i32
      %mul3A_282 = arith.muli %add3A_257, %mul3A_281 : i32
      %add3A_283 = arith.constant 2 : i32
      %add3A_284 = arith.addi %mul3A_282, %add3A_283 : i32
      %add3A_285 = vector.broadcast %add3A_284 : i32 to vector<16xi32>
      %add3A_286 = arith.addi %add3A_285, %broadcast_in_dim3A_6 : vector<16xi32>
      %get3A_287 = arith.index_cast %add3A_284 : i32 to index
      %get3A_288 = arith.constant 0 : index
      %get3A_289 = tpu.vector_load %arg10[%get3A_287, %get3A_288] {strides = array<i32>} : memref<128x32xf32, #tpu.memory_space<vmem>>, vector<16xf32>,
      %get3A_290 = arith.index_cast %add3A_284 : i32 to index
      %get3A_291 = arith.constant 16 : index
      %get3A_292 = tpu.vector_load %arg10[%get3A_290, %get3A_291] {strides = array<i32>} : memref<128x32xf32, #tpu.memory_space<vmem>>, vector<16xf32>,
      tpu.vector_store_idx %arg14[%iota3A, %add3A_286], %get3A_289 : memref<32x129xf32, #tpu.memory_space<vmem>>[vector<16xi32>, vector<16xi32>], vector<16xf32>,
      tpu.vector_store_idx %arg14[%add3A_5, %add3A_286], %get3A_292 : memref<32x129xf32, #tpu.memory_space<vmem>>[vector<16xi32>, vector<16xi32>], vector<16xf32>,
      %mul3A_293 = arith.constant 8 : i32
      %mul3A_294 = arith.muli %add3A_257, %mul3A_293 : i32
      %add3A_295 = arith.constant 3 : i32
      %add3A_296 = arith.addi %mul3A_294, %add3A_295 : i32
      %add3A_297 = vector.broadcast %add3A_296 : i32 to vector<16xi32>
      %add3A_298 = arith.addi %add3A_297, %broadcast_in_dim3A_6 : vector<16xi32>
      %get3A_299 = arith.index_cast %add3A_296 : i32 to index
      %get3A_300 = arith.constant 0 : index
      %get3A_301 = tpu.vector_load %arg10[%get3A_299, %get3A_300] {strides = array<i32>} : memref<128x32xf32, #tpu.memory_space<vmem>>, vector<16xf32>,
      %get3A_302 = arith.index_cast %add3A_296 : i32 to index
      %get3A_303 = arith.constant 16 : index
      %get3A_304 = tpu.vector_load %arg10[%get3A_302, %get3A_303] {strides = array<i32>} : memref<128x32xf32, #tpu.memory_space<vmem>>, vector<16xf32>,
      tpu.vector_store_idx %arg14[%iota3A, %add3A_298], %get3A_301 : memref<32x129xf32, #tpu.memory_space<vmem>>[vector<16xi32>, vector<16xi32>], vector<16xf32>,
      tpu.vector_store_idx %arg14[%add3A_5, %add3A_298], %get3A_304 : memref<32x129xf32, #tpu.memory_space<vmem>>[vector<16xi32>, vector<16xi32>], vector<16xf32>,
      %mul3A_305 = arith.constant 8 : i32
      %mul3A_306 = arith.muli %add3A_257, %mul3A_305 : i32
      %add3A_307 = arith.constant 4 : i32
      %add3A_308 = arith.addi %mul3A_306, %add3A_307 : i32
      %add3A_309 = vector.broadcast %add3A_308 : i32 to vector<16xi32>
      %add3A_310 = arith.addi %add3A_309, %broadcast_in_dim3A_6 : vector<16xi32>
      %get3A_311 = arith.index_cast %add3A_308 : i32 to index
      %get3A_312 = arith.constant 0 : index
      %get3A_313 = tpu.vector_load %arg10[%get3A_311, %get3A_312] {strides = array<i32>} : memref<128x32xf32, #tpu.memory_space<vmem>>, vector<16xf32>,
      %get3A_314 = arith.index_cast %add3A_308 : i32 to index
      %get3A_315 = arith.constant 16 : index
      %get3A_316 = tpu.vector_load %arg10[%get3A_314, %get3A_315] {strides = array<i32>} : memref<128x32xf32, #tpu.memory_space<vmem>>, vector<16xf32>,
      tpu.vector_store_idx %arg14[%iota3A, %add3A_310], %get3A_313 : memref<32x129xf32, #tpu.memory_space<vmem>>[vector<16xi32>, vector<16xi32>], vector<16xf32>,
      tpu.vector_store_idx %arg14[%add3A_5, %add3A_310], %get3A_316 : memref<32x129xf32, #tpu.memory_space<vmem>>[vector<16xi32>, vector<16xi32>], vector<16xf32>,
      %mul3A_317 = arith.constant 8 : i32
      %mul3A_318 = arith.muli %add3A_257, %mul3A_317 : i32
      %add3A_319 = arith.constant 5 : i32
      %add3A_320 = arith.addi %mul3A_318, %add3A_319 : i32
      %add3A_321 = vector.broadcast %add3A_320 : i32 to vector<16xi32>
      %add3A_322 = arith.addi %add3A_321, %broadcast_in_dim3A_6 : vector<16xi32>
      %get3A_323 = arith.index_cast %add3A_320 : i32 to index
      %get3A_324 = arith.constant 0 : index
      %get3A_325 = tpu.vector_load %arg10[%get3A_323, %get3A_324] {strides = array<i32>} : memref<128x32xf32, #tpu.memory_space<vmem>>, vector<16xf32>,
      %get3A_326 = arith.index_cast %add3A_320 : i32 to index
      %get3A_327 = arith.constant 16 : index
      %get3A_328 = tpu.vector_load %arg10[%get3A_326, %get3A_327] {strides = array<i32>} : memref<128x32xf32, #tpu.memory_space<vmem>>, vector<16xf32>,
      tpu.vector_store_idx %arg14[%iota3A, %add3A_322], %get3A_325 : memref<32x129xf32, #tpu.memory_space<vmem>>[vector<16xi32>, vector<16xi32>], vector<16xf32>,
      tpu.vector_store_idx %arg14[%add3A_5, %add3A_322], %get3A_328 : memref<32x129xf32, #tpu.memory_space<vmem>>[vector<16xi32>, vector<16xi32>], vector<16xf32>,
      %mul3A_329 = arith.constant 8 : i32
      %mul3A_330 = arith.muli %add3A_257, %mul3A_329 : i32
      %add3A_331 = arith.constant 6 : i32
      %add3A_332 = arith.addi %mul3A_330, %add3A_331 : i32
      %add3A_333 = vector.broadcast %add3A_332 : i32 to vector<16xi32>
      %add3A_334 = arith.addi %add3A_333, %broadcast_in_dim3A_6 : vector<16xi32>
      %get3A_335 = arith.index_cast %add3A_332 : i32 to index
      %get3A_336 = arith.constant 0 : index
      %get3A_337 = tpu.vector_load %arg10[%get3A_335, %get3A_336] {strides = array<i32>} : memref<128x32xf32, #tpu.memory_space<vmem>>, vector<16xf32>,
      %get3A_338 = arith.index_cast %add3A_332 : i32 to index
      %get3A_339 = arith.constant 16 : index
      %get3A_340 = tpu.vector_load %arg10[%get3A_338, %get3A_339] {strides = array<i32>} : memref<128x32xf32, #tpu.memory_space<vmem>>, vector<16xf32>,
      tpu.vector_store_idx %arg14[%iota3A, %add3A_334], %get3A_337 : memref<32x129xf32, #tpu.memory_space<vmem>>[vector<16xi32>, vector<16xi32>], vector<16xf32>,
      tpu.vector_store_idx %arg14[%add3A_5, %add3A_334], %get3A_340 : memref<32x129xf32, #tpu.memory_space<vmem>>[vector<16xi32>, vector<16xi32>], vector<16xf32>,
      %mul3A_341 = arith.constant 8 : i32
      %mul3A_342 = arith.muli %add3A_257, %mul3A_341 : i32
      %add3A_343 = arith.constant 7 : i32
      %add3A_344 = arith.addi %mul3A_342, %add3A_343 : i32
      %add3A_345 = vector.broadcast %add3A_344 : i32 to vector<16xi32>
      %add3A_346 = arith.addi %add3A_345, %broadcast_in_dim3A_6 : vector<16xi32>
      %get3A_347 = arith.index_cast %add3A_344 : i32 to index
      %get3A_348 = arith.constant 0 : index
      %get3A_349 = tpu.vector_load %arg10[%get3A_347, %get3A_348] {strides = array<i32>} : memref<128x32xf32, #tpu.memory_space<vmem>>, vector<16xf32>,
      %get3A_350 = arith.index_cast %add3A_344 : i32 to index
      %get3A_351 = arith.constant 16 : index
      %get3A_352 = tpu.vector_load %arg10[%get3A_350, %get3A_351] {strides = array<i32>} : memref<128x32xf32, #tpu.memory_space<vmem>>, vector<16xf32>,
      tpu.vector_store_idx %arg14[%iota3A, %add3A_346], %get3A_349 : memref<32x129xf32, #tpu.memory_space<vmem>>[vector<16xi32>, vector<16xi32>], vector<16xf32>,
      tpu.vector_store_idx %arg14[%add3A_5, %add3A_346], %get3A_352 : memref<32x129xf32, #tpu.memory_space<vmem>>[vector<16xi32>, vector<16xi32>], vector<16xf32>,
    }
    %scan3A_157 = arith.constant 16 : i32
    %rem3A_158 = arith.constant 199 : i32
    %rem3A_159 = arith.constant 4 : i32
    %rem3A_160 = arith.remsi %rem3A_158, %rem3A_159 : i32
    %mul3A_161 = arith.constant 128 : i32
    %mul3A_162 = arith.muli %rem3A_160, %mul3A_161 : i32
    %add3A_163 = arith.addi %mul3A_2, %mul3A_162 : i32
    %dma_start3A_164 = arith.constant 49 : i32
    %dma_start3A_165 = arith.constant 0 : i32
    %dma_start3A_166 = arith.constant 0 : i32
    %dma_start3A_167 = tpu.memref_slice %arg14[%dma_start3A_165, %dma_start3A_166] : memref<32x129xf32, #tpu.memory_space<vmem>> -> memref<32x128xf32, #tpu.memory_space<vmem>>
    %dma_start3A_168 = arith.constant 0 : i32
    %dma_start3A_169 = tpu.memref_slice %arg4[%dma_start3A_164, %dma_start3A_168, %add3A_163] : memref<50x32x16384xf32, #tpu.memory_space<hbm>> -> memref<1x32x128xf32, #tpu.memory_space<hbm>>
    %dma_start3A_170 = tpu.memref_squeeze %dma_start3A_169 : memref<1x32x128xf32, #tpu.memory_space<hbm>> -> memref<32x128xf32, #tpu.memory_space<hbm>>
    %dma_start3A_171 = arith.constant 0 : i32
    %dma_start3A_172 = tpu.memref_slice %arg4[%dma_start3A_164, %dma_start3A_171, %add3A_163] : memref<50x32x16384xf32, #tpu.memory_space<hbm>> -> memref<1x32x128xf32, #tpu.memory_space<hbm>>
    %dma_start3A_173 = tpu.memref_squeeze %dma_start3A_172 : memref<1x32x128xf32, #tpu.memory_space<hbm>> -> memref<32x128xf32, #tpu.memory_space<hbm>>
    %dma_start3A_174 = arith.constant 0 : i32
    %dma_start3A_175 = arith.constant 0 : i32
    %dma_start3A_176 = tpu.memref_slice %arg14[%dma_start3A_174, %dma_start3A_175] : memref<32x129xf32, #tpu.memory_space<vmem>> -> memref<32x128xf32, #tpu.memory_space<vmem>>
    tpu.enqueue_dma source(%dma_start3A_176 : memref<32x128xf32, #tpu.memory_space<vmem>>) target(%dma_start3A_173 : memref<32x128xf32, #tpu.memory_space<hbm>>) target_semaphore(%arg22 : memref<!tpu.dma_semaphore, #tpu.memory_space<semaphore_mem>>)
    %rem3A_177 = arith.constant 196 : i32
    %rem3A_178 = arith.constant 4 : i32
    %rem3A_179 = arith.remsi %rem3A_177, %rem3A_178 : i32
    %mul3A_180 = arith.constant 128 : i32
    %mul3A_181 = arith.muli %rem3A_179, %mul3A_180 : i32
    %add3A_182 = arith.addi %mul3A_2, %mul3A_181 : i32
    %dma_wait3A_183 = arith.constant 49 : i32
    %dma_wait3A_184 = arith.constant 0 : i32
    %dma_wait3A_185 = arith.constant 0 : i32
    %dma_wait3A_186 = tpu.memref_slice %arg11[%dma_wait3A_184, %dma_wait3A_185] : memref<32x129xf32, #tpu.memory_space<vmem>> -> memref<32x128xf32, #tpu.memory_space<vmem>>
    %dma_wait3A_187 = arith.constant 0 : i32
    %dma_wait3A_188 = tpu.memref_slice %arg4[%dma_wait3A_183, %dma_wait3A_187, %add3A_182] : memref<50x32x16384xf32, #tpu.memory_space<hbm>> -> memref<1x32x128xf32, #tpu.memory_space<hbm>>
    %dma_wait3A_189 = tpu.memref_squeeze %dma_wait3A_188 : memref<1x32x128xf32, #tpu.memory_space<hbm>> -> memref<32x128xf32, #tpu.memory_space<hbm>>
    %dma_wait3A_190 = arith.constant 0 : i32
    %dma_wait3A_191 = tpu.memref_slice %arg4[%dma_wait3A_183, %dma_wait3A_190, %add3A_182] : memref<50x32x16384xf32, #tpu.memory_space<hbm>> -> memref<1x32x128xf32, #tpu.memory_space<hbm>>
    %dma_wait3A_192 = tpu.memref_squeeze %dma_wait3A_191 : memref<1x32x128xf32, #tpu.memory_space<hbm>> -> memref<32x128xf32, #tpu.memory_space<hbm>>
    %dma_wait3A_193 = arith.constant 0 : i32
    %dma_wait3A_194 = arith.constant 0 : i32
    %dma_wait3A_195 = tpu.memref_slice %arg11[%dma_wait3A_193, %dma_wait3A_194] : memref<32x129xf32, #tpu.memory_space<vmem>> -> memref<32x128xf32, #tpu.memory_space<vmem>>
    tpu.wait_dma2 semaphore(%arg19 : memref<!tpu.dma_semaphore, #tpu.memory_space<semaphore_mem>>) src(%dma_wait3A_195 : memref<32x128xf32, #tpu.memory_space<vmem>>) dst(%dma_wait3A_192 : memref<32x128xf32, #tpu.memory_space<hbm>>)
    %rem3A_196 = arith.constant 197 : i32
    %rem3A_197 = arith.constant 4 : i32
    %rem3A_198 = arith.remsi %rem3A_196, %rem3A_197 : i32
    %mul3A_199 = arith.constant 128 : i32
    %mul3A_200 = arith.muli %rem3A_198, %mul3A_199 : i32
    %add3A_201 = arith.addi %mul3A_2, %mul3A_200 : i32
    %dma_wait3A_202 = arith.constant 49 : i32
    %dma_wait3A_203 = arith.constant 0 : i32
    %dma_wait3A_204 = arith.constant 0 : i32
    %dma_wait3A_205 = tpu.memref_slice %arg12[%dma_wait3A_203, %dma_wait3A_204] : memref<32x129xf32, #tpu.memory_space<vmem>> -> memref<32x128xf32, #tpu.memory_space<vmem>>
    %dma_wait3A_206 = arith.constant 0 : i32
    %dma_wait3A_207 = tpu.memref_slice %arg4[%dma_wait3A_202, %dma_wait3A_206, %add3A_201] : memref<50x32x16384xf32, #tpu.memory_space<hbm>> -> memref<1x32x128xf32, #tpu.memory_space<hbm>>
    %dma_wait3A_208 = tpu.memref_squeeze %dma_wait3A_207 : memref<1x32x128xf32, #tpu.memory_space<hbm>> -> memref<32x128xf32, #tpu.memory_space<hbm>>
    %dma_wait3A_209 = arith.constant 0 : i32
    %dma_wait3A_210 = tpu.memref_slice %arg4[%dma_wait3A_202, %dma_wait3A_209, %add3A_201] : memref<50x32x16384xf32, #tpu.memory_space<hbm>> -> memref<1x32x128xf32, #tpu.memory_space<hbm>>
    %dma_wait3A_211 = tpu.memref_squeeze %dma_wait3A_210 : memref<1x32x128xf32, #tpu.memory_space<hbm>> -> memref<32x128xf32, #tpu.memory_space<hbm>>
    %dma_wait3A_212 = arith.constant 0 : i32
    %dma_wait3A_213 = arith.constant 0 : i32
    %dma_wait3A_214 = tpu.memref_slice %arg12[%dma_wait3A_212, %dma_wait3A_213] : memref<32x129xf32, #tpu.memory_space<vmem>> -> memref<32x128xf32, #tpu.memory_space<vmem>>
    tpu.wait_dma2 semaphore(%arg20 : memref<!tpu.dma_semaphore, #tpu.memory_space<semaphore_mem>>) src(%dma_wait3A_214 : memref<32x128xf32, #tpu.memory_space<vmem>>) dst(%dma_wait3A_211 : memref<32x128xf32, #tpu.memory_space<hbm>>)
    %rem3A_215 = arith.constant 198 : i32
    %rem3A_216 = arith.constant 4 : i32
    %rem3A_217 = arith.remsi %rem3A_215, %rem3A_216 : i32
    %mul3A_218 = arith.constant 128 : i32
    %mul3A_219 = arith.muli %rem3A_217, %mul3A_218 : i32
    %add3A_220 = arith.addi %mul3A_2, %mul3A_219 : i32
    %dma_wait3A_221 = arith.constant 49 : i32
    %dma_wait3A_222 = arith.constant 0 : i32
    %dma_wait3A_223 = arith.constant 0 : i32
    %dma_wait3A_224 = tpu.memref_slice %arg13[%dma_wait3A_222, %dma_wait3A_223] : memref<32x129xf32, #tpu.memory_space<vmem>> -> memref<32x128xf32, #tpu.memory_space<vmem>>
    %dma_wait3A_225 = arith.constant 0 : i32
    %dma_wait3A_226 = tpu.memref_slice %arg4[%dma_wait3A_221, %dma_wait3A_225, %add3A_220] : memref<50x32x16384xf32, #tpu.memory_space<hbm>> -> memref<1x32x128xf32, #tpu.memory_space<hbm>>
    %dma_wait3A_227 = tpu.memref_squeeze %dma_wait3A_226 : memref<1x32x128xf32, #tpu.memory_space<hbm>> -> memref<32x128xf32, #tpu.memory_space<hbm>>
    %dma_wait3A_228 = arith.constant 0 : i32
    %dma_wait3A_229 = tpu.memref_slice %arg4[%dma_wait3A_221, %dma_wait3A_228, %add3A_220] : memref<50x32x16384xf32, #tpu.memory_space<hbm>> -> memref<1x32x128xf32, #tpu.memory_space<hbm>>
    %dma_wait3A_230 = tpu.memref_squeeze %dma_wait3A_229 : memref<1x32x128xf32, #tpu.memory_space<hbm>> -> memref<32x128xf32, #tpu.memory_space<hbm>>
    %dma_wait3A_231 = arith.constant 0 : i32
    %dma_wait3A_232 = arith.constant 0 : i32
    %dma_wait3A_233 = tpu.memref_slice %arg13[%dma_wait3A_231, %dma_wait3A_232] : memref<32x129xf32, #tpu.memory_space<vmem>> -> memref<32x128xf32, #tpu.memory_space<vmem>>
    tpu.wait_dma2 semaphore(%arg21 : memref<!tpu.dma_semaphore, #tpu.memory_space<semaphore_mem>>) src(%dma_wait3A_233 : memref<32x128xf32, #tpu.memory_space<vmem>>) dst(%dma_wait3A_230 : memref<32x128xf32, #tpu.memory_space<hbm>>)
    %rem3A_234 = arith.constant 199 : i32
    %rem3A_235 = arith.constant 4 : i32
    %rem3A_236 = arith.remsi %rem3A_234, %rem3A_235 : i32
    %mul3A_237 = arith.constant 128 : i32
    %mul3A_238 = arith.muli %rem3A_236, %mul3A_237 : i32
    %add3A_239 = arith.addi %mul3A_2, %mul3A_238 : i32
    %dma_wait3A_240 = arith.constant 49 : i32
    %dma_wait3A_241 = arith.constant 0 : i32
    %dma_wait3A_242 = arith.constant 0 : i32
    %dma_wait3A_243 = tpu.memref_slice %arg14[%dma_wait3A_241, %dma_wait3A_242] : memref<32x129xf32, #tpu.memory_space<vmem>> -> memref<32x128xf32, #tpu.memory_space<vmem>>
    %dma_wait3A_244 = arith.constant 0 : i32
    %dma_wait3A_245 = tpu.memref_slice %arg4[%dma_wait3A_240, %dma_wait3A_244, %add3A_239] : memref<50x32x16384xf32, #tpu.memory_space<hbm>> -> memref<1x32x128xf32, #tpu.memory_space<hbm>>
    %dma_wait3A_246 = tpu.memref_squeeze %dma_wait3A_245 : memref<1x32x128xf32, #tpu.memory_space<hbm>> -> memref<32x128xf32, #tpu.memory_space<hbm>>
    %dma_wait3A_247 = arith.constant 0 : i32
    %dma_wait3A_248 = tpu.memref_slice %arg4[%dma_wait3A_240, %dma_wait3A_247, %add3A_239] : memref<50x32x16384xf32, #tpu.memory_space<hbm>> -> memref<1x32x128xf32, #tpu.memory_space<hbm>>
    %dma_wait3A_249 = tpu.memref_squeeze %dma_wait3A_248 : memref<1x32x128xf32, #tpu.memory_space<hbm>> -> memref<32x128xf32, #tpu.memory_space<hbm>>
    %dma_wait3A_250 = arith.constant 0 : i32
    %dma_wait3A_251 = arith.constant 0 : i32
    %dma_wait3A_252 = tpu.memref_slice %arg14[%dma_wait3A_250, %dma_wait3A_251] : memref<32x129xf32, #tpu.memory_space<vmem>> -> memref<32x128xf32, #tpu.memory_space<vmem>>
    tpu.wait_dma2 semaphore(%arg22 : memref<!tpu.dma_semaphore, #tpu.memory_space<semaphore_mem>>) src(%dma_wait3A_252 : memref<32x128xf32, #tpu.memory_space<vmem>>) dst(%dma_wait3A_249 : memref<32x128xf32, #tpu.memory_space<hbm>>)
    return
  }
}

</mosaic_0001>

<sc_bundles>
// kernel: kernel.3.cloned.1.call-start
scs
__scs_entry_jumppad:
0x0: {  	(pc) =	sbr.rel $0x88, $3  }
0x1: {  	(tag) =	ssettag $0x0;
	lr =	simm.s32 $0x1  }
0x2: {  	[smem:$0x3F9F] =	sst lr;
	_ =	strace $0xD0000000  }
0x3: {  	_ = 	snop  }
0x4: {  	_ = 	snop  }
0x5: {  	_ = 	snop  }
0x6: {  	_ = 	snop  }
0x7: {  	_ = 	snop  }
__scs_overlays_trampoline_lowered:
0x8: {  	[smem:$0x3FAE] =	sst s0  }
0x9: {  	[smem:$0x3FAF] =	sst s1  }
0xa: {  	[smem:$0x3FB0] =	sst s2  }
0xb: {  	[smem:$0x3FB1] =	sst s3  }
0xc: {  	[smem:$0x3FB2] =	sst s4  }
0xd: {  	[smem:$0x3FB3] =	sst s5  }
0xe: {  	[smem:$0x3FB4] =	sst s6  }
0xf: {  	[smem:$0x3FB5] =	sst s7  }
0x10: {  	[smem:$0x3FB6] =	sst s8  }
0x11: {  	[smem:$0x3FB7] =	sst s9;
	s0 =	simm.s32 @!p0 $0x0  }
0x12: {  	s1 =	sld [smem:$0x3F9D];
	s0 =	simm.s32 @p0 $0x1  }
0x13: {  	[smem:$0x3FB8] =	sst s0;
	s0 =	simm.s32 @!p1 $0x0  }
0x14: {  	s2 =	sld [smem:$0x3F9C];
	s0 =	simm.s32 @p1 $0x1  }
0x15: {  	[smem:$0x3FB9] =	sst s0;
	s0 =	simm.s32 @!p2 $0x0  }
0x16: {  	s3 =	sld [smem:$0x3FDB];
	s0 =	simm.s32 @p2 $0x1  }
0x17: {  	s4 =	simm.s32 $0x1BF5;
	[smem:$0x3FBB] =	sst s0  }
0x18: {  	s0 =	sld [smem:$0x3F9E];
	_ =	swait.ge [sflag:s4], $0x0  }
0x19: {  	s7 =	sld [smem:$0x3F9F]  }
0x1a: {  	s8 =	sadd.s32 $0xFFFFE003, lr  }
0x1b: {  	s9 =	sadd.s32 $0xFFFFFEF7, lr;
	s5 =	simm.s32 $0xFFFFFFFF;
	p2 =	slt.u32 s8, $0xFFFFF086  }
0x1c: {  	p1 =	slt.u32 s9, $0xF7A;
	s5 =	simm.s32 @!p2 $0x0  }
0x1d: {  	s5 =	simm.s32 @p1 $0x1;
	p0 =	seq.s32 s7, s2  }
0x1e: {  	s7 =	smul.u32 @!p0 $0xF7A, s2;
	p2 =	seq.s32 @!p0 s5, $0x0  }
0x1f: {  	s9 =	smul.u32 $0xF7A, s1;
	s8 =	simm.s32 @!p0 $0x1BF5;
	p2 =	por !p2, p0  }
0x20: {  	[sflag:s8] =	ssyncset.s32 @!p0 $0xFFFFF086;
	s6 =	sadd.s32 @!p0 s3, s7;
	s7 =	simm.s32 @!p0 $0x108  }
0x21: {  	s3 =	sadd.s32 s3, s9;
	s6 =	sadd.s32 @!p0 $0x88, s6;
	s7 =	simm.s32 @p2 $0x1082  }
0x22: {  	[simem:s7], [sflag:s8] =	dma.local @!p0 [hbm:s6], $0xF7A  }
0x23: {  	s9 =	sor.u32 $0xD0000000, s2;
	s6 =	simm.s32 $0x108;
	_ =	swait.ge @!p0 [sflag:s8], $0x0  }
0x24: {  	s3 =	sadd.s32 $0x88, s3;
	s6 =	simm.s32 @!p1 $0x1082;
	[sflag:s4] =	ssyncset.s32 $0xFFFFF086  }
0x25: {  	[simem:s6], [sflag:s4] =	dma.local [hbm:s3], $0xF7A  }
0x26: {  	[smem:$0x3F9F] =	sst s1;
	(tag) =	ssettag s2;
	_ =	strace s9  }
0x27: {  	s1 =	sld [smem:$0x3FAF]  }
0x28: {  	s2 =	sld [smem:$0x3FB0]  }
0x29: {  	s4 =	sld [smem:$0x3FB2]  }
0x2a: {  	p0 =	seq.s32 s5, $0x0;
	s5 =	sld [smem:$0x3FB3]  }
0x2b: {  	s6 =	sld [smem:$0x3FB4]  }
0x2c: {  	s7 =	sld [smem:$0x3FB5]  }
0x2d: {  	s3 =	simm.s32 $0x108;
	s8 =	sld [smem:$0x3FB6]  }
0x2e: {  	s3 =	simm.s32 @!p0 $0x1082;
	s9 =	sld [smem:$0x3FB7]  }
0x2f: {  	lr =	sadd.s32 s0, s3;
	s0 =	sld [smem:$0x3FAE]  }
0x30: {  	s3 =	sld [smem:$0x3FB1]  }
0x31: {  	[smem:$0x3FBA] =	sst s10  }
0x32: {  	s10 =	sld [smem:$0x3FB8];
	_ =	sdelay $0x3  }
0x33: {  	p0 =	seq.s32 s10, $0x1;
	s10 =	sld [smem:$0x3FBA];
	_ =	sdelay $0x3  }
0x34: {  	[smem:$0x3FBA] =	sst s10  }
0x35: {  	s10 =	sld [smem:$0x3FB9];
	_ =	sdelay $0x3  }
0x36: {  	p1 =	seq.s32 s10, $0x1;
	s10 =	sld [smem:$0x3FBA];
	_ =	sdelay $0x3  }
0x37: {  	[smem:$0x3FBA] =	sst s10  }
0x38: {  	s10 =	sld [smem:$0x3FBB]  }
0x39: {  	_ = 	snop;
	(pc) =	sbr.ind lr, $3  }
0x3a: {  	_ = 	snop  }
0x3b: {  	_ = 	snop  }
0x3c: {  	p2 =	seq.s32 s10, $0x1;
	s10 =	sld [smem:$0x3FBA]  }
0x3d: {  	_ =	shalt  }
0x3e: {  	_ =	shalt  }
0x3f: {  	_ =	shalt  }
0x40: {  	_ =	shalt  }
0x41: {  	_ =	shalt  }
0x42: {  	_ =	shalt  }
0x43: {  	_ =	shalt  }
0x44: {  	_ =	shalt  }
0x45: {  	_ =	shalt  }
0x46: {  	_ =	shalt  }
0x47: {  	_ =	shalt  }
0x48: {  	_ =	shalt  }
0x49: {  	_ =	shalt  }
0x4a: {  	_ =	shalt  }
0x4b: {  	_ =	shalt  }
0x4c: {  	_ =	shalt  }
0x4d: {  	_ =	shalt  }
0x4e: {  	_ =	shalt  }
0x4f: {  	_ =	shalt  }
0x50: {  	_ =	shalt  }
0x51: {  	_ =	shalt  }
0x52: {  	_ =	shalt  }
0x53: {  	_ =	shalt  }
0x54: {  	_ =	shalt  }
0x55: {  	_ =	shalt  }
0x56: {  	_ =	shalt  }
0x57: {  	_ =	shalt  }
0x58: {  	_ =	shalt  }
0x59: {  	_ =	shalt  }
0x5a: {  	_ =	shalt  }
0x5b: {  	_ =	shalt  }
0x5c: {  	_ =	shalt  }
0x5d: {  	_ =	shalt  }
0x5e: {  	_ =	shalt  }
0x5f: {  	_ =	shalt  }
0x60: {  	_ =	shalt  }
0x61: {  	_ =	shalt  }
0x62: {  	_ =	shalt  }
0x63: {  	_ =	shalt  }
0x64: {  	_ =	shalt  }
0x65: {  	_ =	shalt  }
0x66: {  	_ =	shalt  }
0x67: {  	_ =	shalt  }
0x68: {  	_ =	shalt  }
0x69: {  	_ =	shalt  }
0x6a: {  	_ =	shalt  }
0x6b: {  	_ =	shalt  }
0x6c: {  	_ =	shalt  }
0x6d: {  	_ =	shalt  }
0x6e: {  	_ =	shalt  }
0x6f: {  	_ =	shalt  }
0x70: {  	_ =	shalt  }
0x71: {  	_ =	shalt  }
0x72: {  	_ =	shalt  }
0x73: {  	_ =	shalt  }
0x74: {  	_ =	shalt  }
0x75: {  	_ =	shalt  }
0x76: {  	_ =	shalt  }
0x77: {  	_ =	shalt  }
0x78: {  	_ =	shalt  }
0x79: {  	_ =	shalt  }
0x7a: {  	_ =	shalt  }
0x7b: {  	_ =	shalt  }
0x7c: {  	_ =	shalt  }
0x7d: {  	_ =	shalt  }
0x7e: {  	_ =	shalt  }
0x7f: {  	_ =	shalt  }
0x80: {  	_ =	shalt  }
0x81: {  	_ =	shalt  }
0x82: {  	_ =	shalt  }
0x83: {  	_ =	shalt  }
0x84: {  	_ =	shalt  }
0x85: {  	_ =	shalt  }
0x86: {  	_ =	shalt  }
0x87: {  	_ =	shalt  }
.Lfunc_end0:
.L_simem_size_0:
called_computation_lowered:
.L_overlay_start_0:
0x88: {  	s2 =	sld [smem:$0x3FD9]  }
0x89: {  	s3 =	sld [smem:$0x3FFE];
	_ =	sdelay $0x1  }
0x8a: {  	s1 =	srdreg.scid  }
0x8b: {  	s0 =	sand.u32 $0x1, s1  }
0x8c: {  	s17 =	sshll.u32 s0, $0xA;
	s2 =	sadd.s32 s3, s2  }
0x8d: {  	s2 =	sadd.s32 s2, s17  }
0x8e: {  	[smem:$0x3FC6] =	sst s2  }
0x8f: {  	_ = 	snop  }
0x90: {  	s2 =	sld [smem:$0x3FD0];
	(tm) =	ssettm $0x1  }
0x91: {  	s18 =	sld [smem:$0x3FFB];
	_ =	sdelay $0x3  }
0x92: {  	_ =	strace s18  }
0x93: {  	s3 =	sld [smem:$0x3FFC];
	_ =	sdelay $0x3  }
0x94: {  	_ =	strace s3  }
0x95: {  	s3 =	sld [smem:$0x3FFD];
	_ =	sdelay $0x3  }
0x96: {  	_ =	strace s3  }
0x97: {  	_ =	strace $0x8FFFFFFF  }
0x98: {  	s19 =	sld [smem:$0x3FDB];
	_ =	sdelay $0x1  }
0x99: {  	s4 =	simm.s32 $_scs_section_size  }
0x9a: {  	s5 =	simm.s32 $_size__tile_overlayer_lowered;
	s6 =	simm.s32 $_tile_overlayer_lowered  }
0x9b: {  	s22 =	simm.s32 $0x1BFF;
	s21 =	sshll.u32 s6, $0x1;
	s3 =	sadd.s32 s4, s19  }
0x9c: {  	s7 =	simm.s32 $0x0;
	s20 =	sshll.u32 s5, $0x1;
	s5 =	sadd.s32 s21, s3  }
0x9d: {  	[timem:s7], [sflag:s22] =	dma.local [hbm:s5], s20  }
0x9e: {  	_ =	swait.ge [sflag:s22], s20  }
0x9f: {  	s4 =	ssub.s32 $0x0, s20;
	[sflag:s22] =	ssyncset.done $0x0  }
0xa0: {  	[sflag:s22] =	ssyncadd.s32 s4;
	_ =	sdelay $0x1  }
0xa1: {  	s23 =	simm.s32 $0x1B8B  }
0xa2: {  	_ =	swait.ge [sflag:s23], $0x1  }
0xa3: {  	[sflag:s23] =	ssyncset.done $0x0  }
0xa4: {  	s25 =	simm.s32 $0x1B8E;
	s24 =	sld [smem:$0x3FFE];
	[sflag:s23] =	ssyncadd.s32 $0xFFFFFFFF  }
0xa5: {  	s26 =	simm.s32 $execute0_lowered;
	[smem:$0x3FD2] =	sst s25  }
0xa6: {  	s5 =	sshll.u32 s26, $0x1;
	_ =	strace $0x80000046;
	[dreg:$0x1] =	wrdreg $0xFFFFFFFF  }
0xa7: {  	s28 =	simm.s32 $_size_execute0_lowered;
	s3 =	sadd.s32 s3, s5;
	[dreg:$0x0] =	wrdreg $0x0  }
0xa8: {  	s5 =	sshll.u32 s28, $0x1;
	[dreg:$0x2] =	wrdreg s3  }
0xa9: {  	[dreg:$0x3] =	wrdreg s5  }
0xaa: {  	[dreg:$0x4] =	wrdreg $0xC0  }
0xab: {  	_ =	task [dreg:s7], $0x5FFFF  }
0xac: {  	[dreg:$0x1] =	wrdreg $0xFFFFFFFF  }
0xad: {  	[dreg:$0x0] =	wrdreg $0x60  }
0xae: {  	[dreg:$0x2] =	wrdreg s2  }
0xaf: {  	[dreg:$0x3] =	wrdreg s24  }
0xb0: {  	[dreg:$0x4] =	wrdreg $0x9  }
0xb1: {  	_ =	task.clear_ibuf [dreg:s7], $0x5FFFF;
	_ =	strace $0x90000046  }
0xb2: {  	s29 =	simm.s32 $0x9;
	_ =	strace $0x80000048  }
0xb3: {  	_ =	swait.ge [sflag:s29], $0x1  }
0xb4: {  	[sflag:s29] =	ssyncadd.s32 $0xFFFFFFFF  }
0xb5: {  	_ =	strace $0x90000048  }
0xb6: {  	_ =	sfence  }
0xb7: {  	s30 =	sld [smem:$0x0];
	_ =	sdelay $0x2  }
0xb8: {  	s31 =	sshll.u32 s1, $0xD;
	s1 =	sshrl.u32 s1, $0x2  }
0xb9: {  	s3 =	sand.u32 $0x4000, s31;
	s1 =	sadd.s32 s1, s30  }
0xba: {  	s0 =	sor.u32 s3, s0;
	s1 =	sshll.u32 s1, $0x11  }
0xbb: {  	s0 =	sor.u32 s1, s0  }
0xbc: {  	s0 =	sadd.s32 $0x8F2B, s0  }
0xbd: {  	[sflag:s0] =	ssyncadd.remote.s32 $0x1  }
0xbe: {  	_ =	sfence.sel $0xFFFF  }
0xbf: {  	[dreg:$0x0] =	wrdreg $0xFFFFFFFF;
	(pc) =	sbr.abs _section_cstart, $3  }
0xc0: {  	[dreg:$0x1] =	wrdreg $0xFFFFFFFF  }
0xc1: {  	_ =	task.clear_ibuf [dreg:s7], $0x2FFFF;
	_ =	strace $0x9FFFFFFF  }
0xc2: {  	(tm) =	ssettm $0x7FFFFFFF  }
0xc3: {  	_ =	shalt  }
tec
execute0_lowered:
.L_overlay_start_1:
0x0: {  	(tag) =	ssettag $0x1  }
0x1: {  	v30 =	vlaneseq.u32  }
0x2: {  	v0 =	vmul.u32 $0x38, v30  }
0x3: {  	s0 =	rddreg [dreg:$0x0];
	v33 =	vimm.s32 $0x0;
	vm0 =	vcmask $0x300  }
0x4: {  	s1 =	rddreg [dreg:$0x1];
	s3 =	srdreg.scid;
	s2 =	simm.s32 $0x0;
	v30 =	vmul.u32 $0x88, v30;
	v33 =	vsel vm0, $0x3, v33;
	v1 =	vadd.s32 $0x380, v0  }
0x5: {  	s4 =	stileid.u32;
	s14 =	simm.s32 $0x80;
	s16 =	simm.s32 $0xD400;
	v2 =	vadd.s32 $0x700, v0;
	v3 =	vadd.s32 $0xA80, v0;
	v4 =	vadd.s32 $0xE00, v0  }
0x6: {  	s18 =	simm.s32 $0xE400;
	s19 =	simm.s32 $0x7100;
	s20 =	simm.s32 $0xF400;
	v5 =	vadd.s32 $0x1180, v0;
	v6 =	vadd.s32 $0x1500, v0;
	v7 =	vadd.s32 $0x1880, v0  }
0x7: {  	s28 =	simm.s32 $0x5;
	s29 =	simm.s32 $0x3;
	s30 =	simm.s32 $0x13600;
	v8 =	vor.u32 $0x1C00, v0;
	v9 =	vadd.s32 $0x1F80, v0;
	v10 =	vadd.s32 $0x2300, v0  }
0x8: {  	s31 =	simm.s32 $0x6;
	s15 =	simm.s32 $0x8;
	s5 =	sand.u32 $0x1, s3;
	v11 =	vadd.s32 $0x2680, v0;
	v12 =	vadd.s32 $0x2A00, v0;
	v13 =	vadd.s32 $0x2D80, v0  }
0x9: {  	[smem:$0x7FF] =	sst s2;
	s4 =	sshll.u32 s4, $0xA;
	s6 =	sshll.u32 s5, $0x9;
	v14 =	vadd.s32 $0x3100, v0;
	v15 =	vadd.s32 $0x3480, v0;
	v16 =	vor.u32 $0x3800, v0  }
0xa: {  	s3 =	sadd.s32 $0x600, s1;
	s21 =	ssub.s32 $0x2, s5;
	s4 =	sor.u32 s6, s4;
	v17 =	vadd.s32 $0x3B80, v0;
	v18 =	vadd.s32 $0x3F00, v0;
	v19 =	vadd.s32 $0x4280, v0  }
0xb: {  	s5 =	sadd.s32 $0xF42A00, s1;
	s22 =	sshrl.u32 s21, $0x1;
	v20 =	vadd.s32 $0x4600, v0;
	v21 =	vadd.s32 $0x4980, v0;
	v22 =	vadd.s32 $0x4D00, v0;
	s8 =	sshrl.u32 s4, $0x3  }
0xc: {  	v23 =	vadd.s32 $0x5080, v0;
	v24 =	vor.u32 $0x5400, v0;
	v25 =	vadd.s32 $0x5780, v0;
	s7 =	smul.u32 $0x7, s4;
	s1 =	ssub.s32 s21, s22;
	s8 =	sadd.s32 s3, s8  }
0xd: {  	_ =	strace $0x80000047;
	v26 =	vadd.s32 $0x5B00, v0;
	v27 =	vadd.s32 $0x5E80, v0;
	v28 =	vadd.s32 $0x6200, v0;
	s26 =	smax.u32 s1, $0x1;
	[dreg:$0x3] =	wrdreg s8  }
0xe: {  	v29 =	vadd.s32 $0x6580, v0;
	v31 =	vadd.s32 $0x6900, v0;
	v32 =	vadd.s32 $0x6C80, v0;
	s10 =	sor.u32 $0x80, s4;
	s0 =	sadd.s32 s0, s7;
	[dreg:$0x8] =	wrdreg s26  }
0xf: {  	v34 =	vadd.s32 $0x880, v30;
	v35 =	vor.u32 $0x1, v30;
	v36 =	vadd.s32 $0x881, v30;
	s21 =	simm.s32 $0x1;
	s23 =	sadd.s32 $0x310020, s8;
	[dreg:$0x4] =	wrdreg s0  }
0x10: {  	v37 =	vor.u32 $0x2, v30;
	v38 =	vadd.s32 $0x882, v30;
	v39 =	vor.u32 $0x3, v30;
	s22 =	simm.s32 $0x11400;
	s24 =	sadd.s32 $0x10, s8;
	[dreg:$0x5] =	wrdreg s23  }
0x11: {  	v40 =	vadd.s32 $0x883, v30;
	v41 =	vor.u32 $0x4, v30;
	v42 =	vadd.s32 $0x884, v30;
	s1 =	simm.s32 $0x14700;
	s25 =	sadd.s32 $0x310030, s8;
	[dreg:$0x6] =	wrdreg s24  }
0x12: {  	v43 =	vor.u32 $0x5, v30;
	v44 =	vadd.s32 $0x885, v30;
	v45 =	vor.u32 $0x6, v30;
	s26 =	simm.s32 $0x12500;
	s7 =	simm.s32 $0x0;
	[dreg:$0x7] =	wrdreg s25  }
0x13: {  	v46 =	vadd.s32 $0x886, v30;
	v47 =	vor.u32 $0x7, v30;
	v48 =	vadd.s32 $0x887, v30;
	s24 =	simm.s32 $0x10400;
	s25 =	simm.s32 $0x2;
	s0 =	simm.s32 $0x4  }
.LBB2_1:
0x14: {  	v49 =	vmov s2  }
0x15: {  	[dreg:$0x9] =	wrdreg s7;
	v49 =	vand.u32 $0x3F, v49  }
0x16: {  	s6 =	rddreg [dreg:$0x4];
	s17 =	simm.s32 $0x9;
	v50 =	vadd.s32 v0, v49  }
0x17: {  	[tilespmem:s2], [sflag:$0x9] =	stream.linear.gather [hbm4b:s6+s2], $0x7000, $0x38;
	[tilespmem:$0x15800] =	vst v63  }
0x18: {  	_ =	swait.ge [sflag:s17], $0x7000  }
0x19: {  	[sflag:s17] =	ssyncset.done $0x0  }
0x1a: {  	[sflag:s17] =	ssyncadd.s32 $0xFFFF9000  }
0x1b: {  	v50 =	vld.idx.msk [tilespmem:v50+s2+$0x0], $0xffff  }
0x1c: {  	v51 =	vadd.s32 v1, v49;
	_ =	sdelay $0x3  }
0x1d: {  	[tilespmem:s19+$0xFFFFFF00] =	vst v50  }
0x1e: {  	v50 =	vld.idx.msk [tilespmem:v51+s2+$0x0], $0xffff  }
0x1f: {  	v54 =	vadd.s32 v2, v49;
	_ =	sdelay $0x3  }
0x20: {  	[tilespmem:s19+$0xFFFFFF10] =	vst v50  }
0x21: {  	v50 =	vld.idx.msk [tilespmem:v54+s2+$0x0], $0xffff  }
0x22: {  	v55 =	vadd.s32 v3, v49;
	_ =	sdelay $0x3  }
0x23: {  	[tilespmem:s19+$0xFFFFFF20] =	vst v50  }
0x24: {  	v50 =	vld.idx.msk [tilespmem:v55+s2+$0x0], $0xffff  }
0x25: {  	v56 =	vadd.s32 v4, v49;
	_ =	sdelay $0x3  }
0x26: {  	[tilespmem:s19+$0xFFFFFF30] =	vst v50  }
0x27: {  	v50 =	vld.idx.msk [tilespmem:v56+s2+$0x0], $0xffff  }
0x28: {  	v57 =	vadd.s32 v5, v49;
	_ =	sdelay $0x3  }
0x29: {  	[tilespmem:s19+$0xFFFFFF40] =	vst v50  }
0x2a: {  	v50 =	vld.idx.msk [tilespmem:v57+s2+$0x0], $0xffff  }
0x2b: {  	v58 =	vadd.s32 v6, v49;
	_ =	sdelay $0x3  }
0x2c: {  	[tilespmem:s19+$0xFFFFFF50] =	vst v50  }
0x2d: {  	v50 =	vld.idx.msk [tilespmem:v58+s2+$0x0], $0xffff  }
0x2e: {  	v59 =	vadd.s32 v7, v49;
	_ =	sdelay $0x3  }
0x2f: {  	[tilespmem:s19+$0xFFFFFF60] =	vst v50  }
0x30: {  	v50 =	vld.idx.msk [tilespmem:v59+s2+$0x0], $0xffff  }
0x31: {  	v60 =	vadd.s32 v8, v49;
	_ =	sdelay $0x3  }
0x32: {  	[tilespmem:s19+$0xFFFFFF70] =	vst v50  }
0x33: {  	v50 =	vld.idx.msk [tilespmem:v60+s2+$0x0], $0xffff  }
0x34: {  	v61 =	vadd.s32 v9, v49;
	_ =	sdelay $0x3  }
0x35: {  	[tilespmem:s19+$0xFFFFFF80] =	vst v50  }
0x36: {  	v50 =	vld.idx.msk [tilespmem:v61+s2+$0x0], $0xffff  }
0x37: {  	v62 =	vadd.s32 v10, v49;
	_ =	sdelay $0x3  }
0x38: {  	[tilespmem:s19+$0xFFFFFF90] =	vst v50  }
0x39: {  	v50 =	vld.idx.msk [tilespmem:v62+s2+$0x0], $0xffff  }
0x3a: {  	v63 =	vadd.s32 v11, v49;
	_ =	sdelay $0x3  }
0x3b: {  	[tilespmem:s19+$0xFFFFFFA0] =	vst v50  }
0x3c: {  	v50 =	vld.idx.msk [tilespmem:v63+s2+$0x0], $0xffff  }
0x3d: {  	v54 =	vadd.s32 v12, v49;
	_ =	sdelay $0x3  }
0x3e: {  	[tilespmem:s19+$0xFFFFFFB0] =	vst v50  }
0x3f: {  	v50 =	vld.idx.msk [tilespmem:v54+s2+$0x0], $0xffff  }
0x40: {  	v55 =	vadd.s32 v13, v49;
	_ =	sdelay $0x3  }
0x41: {  	[tilespmem:s19+$0xFFFFFFC0] =	vst v50  }
0x42: {  	v50 =	vld.idx.msk [tilespmem:v55+s2+$0x0], $0xffff  }
0x43: {  	v56 =	vadd.s32 v14, v49;
	_ =	sdelay $0x3  }
0x44: {  	[tilespmem:s19+$0xFFFFFFD0] =	vst v50  }
0x45: {  	v50 =	vld.idx.msk [tilespmem:v56+s2+$0x0], $0xffff  }
0x46: {  	v57 =	vadd.s32 v15, v49;
	_ =	sdelay $0x3  }
0x47: {  	[tilespmem:s19+$0xFFFFFFE0] =	vst v50  }
0x48: {  	v50 =	vld.idx.msk [tilespmem:v57+s2+$0x0], $0xffff  }
0x49: {  	v58 =	vadd.s32 v16, v49;
	_ =	sdelay $0x3  }
0x4a: {  	[tilespmem:s19+$0xFFFFFFF0] =	vst v50  }
0x4b: {  	v50 =	vld.idx.msk [tilespmem:v58+s2+$0x0], $0xffff  }
0x4c: {  	v59 =	vadd.s32 v17, v49;
	_ =	sdelay $0x3  }
0x4d: {  	[tilespmem:s19+$0x0] =	vst v50  }
0x4e: {  	v50 =	vld.idx.msk [tilespmem:v59+s2+$0x0], $0xffff  }
0x4f: {  	v60 =	vadd.s32 v18, v49;
	_ =	sdelay $0x3  }
0x50: {  	[tilespmem:s19+$0x10] =	vst v50  }
0x51: {  	v50 =	vld.idx.msk [tilespmem:v60+s2+$0x0], $0xffff  }
0x52: {  	v61 =	vadd.s32 v19, v49;
	_ =	sdelay $0x3  }
0x53: {  	[tilespmem:s19+$0x20] =	vst v50  }
0x54: {  	v50 =	vld.idx.msk [tilespmem:v61+s2+$0x0], $0xffff  }
0x55: {  	v62 =	vadd.s32 v20, v49;
	_ =	sdelay $0x3  }
0x56: {  	[tilespmem:s19+$0x30] =	vst v50  }
0x57: {  	v50 =	vld.idx.msk [tilespmem:v62+s2+$0x0], $0xffff  }
0x58: {  	v63 =	vadd.s32 v21, v49;
	_ =	sdelay $0x3  }
0x59: {  	[tilespmem:s19+$0x40] =	vst v50  }
0x5a: {  	v50 =	vld.idx.msk [tilespmem:v63+s2+$0x0], $0xffff  }
0x5b: {  	v54 =	vadd.s32 v22, v49;
	_ =	sdelay $0x3  }
0x5c: {  	[tilespmem:s19+$0x50] =	vst v50  }
0x5d: {  	v50 =	vld.idx.msk [tilespmem:v54+s2+$0x0], $0xffff  }
0x5e: {  	v55 =	vadd.s32 v23, v49;
	_ =	sdelay $0x3  }
0x5f: {  	[tilespmem:s19+$0x60] =	vst v50  }
0x60: {  	v50 =	vld.idx.msk [tilespmem:v55+s2+$0x0], $0xffff  }
0x61: {  	v56 =	vadd.s32 v24, v49;
	_ =	sdelay $0x3  }
0x62: {  	[tilespmem:s19+$0x70] =	vst v50  }
0x63: {  	v50 =	vld.idx.msk [tilespmem:v56+s2+$0x0], $0xffff  }
0x64: {  	v57 =	vadd.s32 v25, v49;
	_ =	sdelay $0x3  }
0x65: {  	[tilespmem:s19+$0x80] =	vst v50  }
0x66: {  	v50 =	vld.idx.msk [tilespmem:v57+s2+$0x0], $0xffff  }
0x67: {  	v58 =	vadd.s32 v26, v49;
	_ =	sdelay $0x3  }
0x68: {  	[tilespmem:s19+$0x90] =	vst v50  }
0x69: {  	v50 =	vld.idx.msk [tilespmem:v58+s2+$0x0], $0xffff  }
0x6a: {  	v59 =	vadd.s32 v27, v49;
	_ =	sdelay $0x3  }
0x6b: {  	[tilespmem:s19+$0xA0] =	vst v50  }
0x6c: {  	v50 =	vld.idx.msk [tilespmem:v59+s2+$0x0], $0xffff  }
0x6d: {  	v60 =	vadd.s32 v28, v49;
	_ =	sdelay $0x3  }
0x6e: {  	[tilespmem:s19+$0xB0] =	vst v50  }
0x6f: {  	v50 =	vld.idx.msk [tilespmem:v60+s2+$0x0], $0xffff  }
0x70: {  	v61 =	vadd.s32 v29, v49;
	_ =	sdelay $0x3  }
0x71: {  	[tilespmem:s19+$0xC0] =	vst v50  }
0x72: {  	v50 =	vld.idx.msk [tilespmem:v61+s2+$0x0], $0xffff  }
0x73: {  	v62 =	vadd.s32 v31, v49;
	_ =	sdelay $0x3  }
0x74: {  	[tilespmem:s19+$0xD0] =	vst v50  }
0x75: {  	v50 =	vld.idx.msk [tilespmem:v62+s2+$0x0], $0xffff  }
0x76: {  	v63 =	vadd.s32 v32, v49;
	_ =	sdelay $0x3  }
0x77: {  	s23 =	simm.s32 $0x1;
	[tilespmem:s19+$0xE0] =	vst v50  }
0x78: {  	s12 =	simm.s32 $0x2;
	s7 =	simm.s32 $0x7100;
	v49 =	vmov s23;
	v50 =	vld.idx.msk [tilespmem:v63+s2+$0x0], $0xffff  }
.LBB2_2:
0x79: {  	p0 =	sne.s32 s12, $0x31;
	v49 =	vand.u32 $0x3F, v49  }
0x7a: {  	v51 =	vadd.s32 v0, v49;
	_ =	sdelay $0x3  }
0x7b: {  	[tilespmem:s7+$0xF0] =	vst v50  }
0x7c: {  	v50 =	vld.idx.msk [tilespmem:v51+s2+$0x0], $0xffff;
	_ =	sdelay $0x1  }
0x7d: {  	v51 =	vadd.s32 v1, v49;
	_ =	sdelay $0x2  }
0x7e: {  	s7 =	sadd.s32 $0x200, s7  }
0x7f: {  	[tilespmem:s7+$0xFFFFFF00] =	vst v50  }
0x80: {  	v50 =	vld.idx.msk [tilespmem:v51+s2+$0x0], $0xffff;
	_ =	sdelay $0x1  }
0x81: {  	v51 =	vadd.s32 v2, v49;
	_ =	sdelay $0x3  }
0x82: {  	[tilespmem:s7+$0xFFFFFF10] =	vst v50  }
0x83: {  	v50 =	vld.idx.msk [tilespmem:v51+s2+$0x0], $0xffff;
	_ =	sdelay $0x1  }
0x84: {  	v51 =	vadd.s32 v3, v49;
	_ =	sdelay $0x3  }
0x85: {  	[tilespmem:s7+$0xFFFFFF20] =	vst v50  }
0x86: {  	v50 =	vld.idx.msk [tilespmem:v51+s2+$0x0], $0xffff;
	_ =	sdelay $0x1  }
0x87: {  	v51 =	vadd.s32 v4, v49;
	_ =	sdelay $0x3  }
0x88: {  	[tilespmem:s7+$0xFFFFFF30] =	vst v50  }
0x89: {  	v50 =	vld.idx.msk [tilespmem:v51+s2+$0x0], $0xffff;
	_ =	sdelay $0x1  }
0x8a: {  	v51 =	vadd.s32 v5, v49;
	_ =	sdelay $0x3  }
0x8b: {  	[tilespmem:s7+$0xFFFFFF40] =	vst v50  }
0x8c: {  	v50 =	vld.idx.msk [tilespmem:v51+s2+$0x0], $0xffff;
	_ =	sdelay $0x1  }
0x8d: {  	v51 =	vadd.s32 v6, v49;
	_ =	sdelay $0x3  }
0x8e: {  	[tilespmem:s7+$0xFFFFFF50] =	vst v50  }
0x8f: {  	v50 =	vld.idx.msk [tilespmem:v51+s2+$0x0], $0xffff;
	_ =	sdelay $0x1  }
0x90: {  	v51 =	vadd.s32 v7, v49;
	_ =	sdelay $0x3  }
0x91: {  	[tilespmem:s7+$0xFFFFFF60] =	vst v50  }
0x92: {  	v50 =	vld.idx.msk [tilespmem:v51+s2+$0x0], $0xffff;
	_ =	sdelay $0x1  }
0x93: {  	v51 =	vadd.s32 v8, v49;
	_ =	sdelay $0x3  }
0x94: {  	[tilespmem:s7+$0xFFFFFF70] =	vst v50  }
0x95: {  	v50 =	vld.idx.msk [tilespmem:v51+s2+$0x0], $0xffff;
	_ =	sdelay $0x1  }
0x96: {  	v51 =	vadd.s32 v9, v49;
	_ =	sdelay $0x3  }
0x97: {  	[tilespmem:s7+$0xFFFFFF80] =	vst v50  }
0x98: {  	v50 =	vld.idx.msk [tilespmem:v51+s2+$0x0], $0xffff;
	_ =	sdelay $0x1  }
0x99: {  	v51 =	vadd.s32 v10, v49;
	_ =	sdelay $0x3  }
0x9a: {  	[tilespmem:s7+$0xFFFFFF90] =	vst v50  }
0x9b: {  	v50 =	vld.idx.msk [tilespmem:v51+s2+$0x0], $0xffff;
	_ =	sdelay $0x1  }
0x9c: {  	v51 =	vadd.s32 v11, v49;
	_ =	sdelay $0x3  }
0x9d: {  	[tilespmem:s7+$0xFFFFFFA0] =	vst v50  }
0x9e: {  	v50 =	vld.idx.msk [tilespmem:v51+s2+$0x0], $0xffff;
	_ =	sdelay $0x1  }
0x9f: {  	v51 =	vadd.s32 v12, v49;
	_ =	sdelay $0x3  }
0xa0: {  	[tilespmem:s7+$0xFFFFFFB0] =	vst v50  }
0xa1: {  	v50 =	vld.idx.msk [tilespmem:v51+s2+$0x0], $0xffff;
	_ =	sdelay $0x1  }
0xa2: {  	v51 =	vadd.s32 v13, v49;
	_ =	sdelay $0x3  }
0xa3: {  	[tilespmem:s7+$0xFFFFFFC0] =	vst v50  }
0xa4: {  	v50 =	vld.idx.msk [tilespmem:v51+s2+$0x0], $0xffff;
	_ =	sdelay $0x1  }
0xa5: {  	v51 =	vadd.s32 v14, v49;
	_ =	sdelay $0x3  }
0xa6: {  	[tilespmem:s7+$0xFFFFFFD0] =	vst v50  }
0xa7: {  	v50 =	vld.idx.msk [tilespmem:v51+s2+$0x0], $0xffff;
	_ =	sdelay $0x1  }
0xa8: {  	v51 =	vadd.s32 v15, v49;
	_ =	sdelay $0x3  }
0xa9: {  	[tilespmem:s7+$0xFFFFFFE0] =	vst v50  }
0xaa: {  	v50 =	vld.idx.msk [tilespmem:v51+s2+$0x0], $0xffff;
	_ =	sdelay $0x1  }
0xab: {  	v51 =	vadd.s32 v16, v49;
	_ =	sdelay $0x3  }
0xac: {  	[tilespmem:s7+$0xFFFFFFF0] =	vst v50  }
0xad: {  	v50 =	vld.idx.msk [tilespmem:v51+s2+$0x0], $0xffff;
	_ =	sdelay $0x1  }
0xae: {  	v51 =	vadd.s32 v17, v49;
	_ =	sdelay $0x3  }
0xaf: {  	[tilespmem:s7+$0x0] =	vst v50  }
0xb0: {  	v50 =	vld.idx.msk [tilespmem:v51+s2+$0x0], $0xffff;
	_ =	sdelay $0x1  }
0xb1: {  	v51 =	vadd.s32 v18, v49;
	_ =	sdelay $0x3  }
0xb2: {  	[tilespmem:s7+$0x10] =	vst v50  }
0xb3: {  	v50 =	vld.idx.msk [tilespmem:v51+s2+$0x0], $0xffff;
	_ =	sdelay $0x1  }
0xb4: {  	v51 =	vadd.s32 v19, v49;
	_ =	sdelay $0x3  }
0xb5: {  	[tilespmem:s7+$0x20] =	vst v50  }
0xb6: {  	v50 =	vld.idx.msk [tilespmem:v51+s2+$0x0], $0xffff;
	_ =	sdelay $0x1  }
0xb7: {  	v51 =	vadd.s32 v20, v49;
	_ =	sdelay $0x3  }
0xb8: {  	[tilespmem:s7+$0x30] =	vst v50  }
0xb9: {  	v50 =	vld.idx.msk [tilespmem:v51+s2+$0x0], $0xffff;
	_ =	sdelay $0x1  }
0xba: {  	v51 =	vadd.s32 v21, v49;
	_ =	sdelay $0x3  }
0xbb: {  	[tilespmem:s7+$0x40] =	vst v50  }
0xbc: {  	v50 =	vld.idx.msk [tilespmem:v51+s2+$0x0], $0xffff;
	_ =	sdelay $0x1  }
0xbd: {  	v51 =	vadd.s32 v22, v49;
	_ =	sdelay $0x3  }
0xbe: {  	[tilespmem:s7+$0x50] =	vst v50  }
0xbf: {  	v50 =	vld.idx.msk [tilespmem:v51+s2+$0x0], $0xffff;
	_ =	sdelay $0x1  }
0xc0: {  	v51 =	vadd.s32 v23, v49;
	_ =	sdelay $0x3  }
0xc1: {  	[tilespmem:s7+$0x60] =	vst v50  }
0xc2: {  	v50 =	vld.idx.msk [tilespmem:v51+s2+$0x0], $0xffff;
	_ =	sdelay $0x1  }
0xc3: {  	v51 =	vadd.s32 v24, v49;
	_ =	sdelay $0x3  }
0xc4: {  	[tilespmem:s7+$0x70] =	vst v50  }
0xc5: {  	v50 =	vld.idx.msk [tilespmem:v51+s2+$0x0], $0xffff;
	_ =	sdelay $0x1  }
0xc6: {  	v51 =	vadd.s32 v25, v49;
	_ =	sdelay $0x3  }
0xc7: {  	[tilespmem:s7+$0x80] =	vst v50  }
0xc8: {  	v50 =	vld.idx.msk [tilespmem:v51+s2+$0x0], $0xffff;
	_ =	sdelay $0x1  }
0xc9: {  	v51 =	vadd.s32 v26, v49;
	_ =	sdelay $0x3  }
0xca: {  	[tilespmem:s7+$0x90] =	vst v50  }
0xcb: {  	v50 =	vld.idx.msk [tilespmem:v51+s2+$0x0], $0xffff;
	_ =	sdelay $0x1  }
0xcc: {  	v51 =	vadd.s32 v27, v49;
	_ =	sdelay $0x3  }
0xcd: {  	[tilespmem:s7+$0xA0] =	vst v50  }
0xce: {  	v50 =	vld.idx.msk [tilespmem:v51+s2+$0x0], $0xffff;
	_ =	sdelay $0x1  }
0xcf: {  	v51 =	vadd.s32 v28, v49;
	_ =	sdelay $0x3  }
0xd0: {  	[tilespmem:s7+$0xB0] =	vst v50  }
0xd1: {  	v50 =	vld.idx.msk [tilespmem:v51+s2+$0x0], $0xffff;
	_ =	sdelay $0x1  }
0xd2: {  	v51 =	vadd.s32 v29, v49;
	_ =	sdelay $0x3  }
0xd3: {  	[tilespmem:s7+$0xC0] =	vst v50  }
0xd4: {  	v50 =	vld.idx.msk [tilespmem:v51+s2+$0x0], $0xffff;
	_ =	sdelay $0x1  }
0xd5: {  	v51 =	vadd.s32 v31, v49;
	_ =	sdelay $0x3  }
0xd6: {  	[tilespmem:s7+$0xD0] =	vst v50  }
0xd7: {  	v50 =	vld.idx.msk [tilespmem:v51+s2+$0x0], $0xffff;
	_ =	sdelay $0x1  }
0xd8: {  	v51 =	vadd.s32 v32, v49  }
.Ltmp0:
0xd9: {  	(pc) =	sbr.rel @p0 .LBB2_2-.Ltmp0, $3  }
0xda: {  	_ =	sdelay $0x1  }
0xdb: {  	[tilespmem:s7+$0xE0] =	vst v50  }
0xdc: {  	v49 =	vmov s12;
	s12 =	sadd.s32 $0x1, s12;
	v50 =	vld.idx.msk [tilespmem:v51+s2+$0x0], $0xffff  }
0xdd: {  	v49 =	vand.u32 $0x3F, v49  }
0xde: {  	v51 =	vadd.s32 v0, v49;
	_ =	sdelay $0x3  }
0xdf: {  	[tilespmem:s7+$0xF0] =	vst v50  }
0xe0: {  	v50 =	vld.idx.msk [tilespmem:v51+s2+$0x0], $0xffff  }
0xe1: {  	v56 =	vadd.s32 v1, v49;
	_ =	sdelay $0x2  }
0xe2: {  	s6 =	sadd.s32 $0x200, s7  }
0xe3: {  	[tilespmem:s6+$0xFFFFFF00] =	vst v50  }
0xe4: {  	v50 =	vld.idx.msk [tilespmem:v56+s2+$0x0], $0xffff  }
0xe5: {  	v57 =	vadd.s32 v2, v49;
	_ =	sdelay $0x3  }
0xe6: {  	[tilespmem:s6+$0xFFFFFF10] =	vst v50  }
0xe7: {  	v50 =	vld.idx.msk [tilespmem:v57+s2+$0x0], $0xffff  }
0xe8: {  	v58 =	vadd.s32 v3, v49;
	_ =	sdelay $0x3  }
0xe9: {  	[tilespmem:s6+$0xFFFFFF20] =	vst v50  }
0xea: {  	v50 =	vld.idx.msk [tilespmem:v58+s2+$0x0], $0xffff  }
0xeb: {  	v59 =	vadd.s32 v4, v49;
	_ =	sdelay $0x3  }
0xec: {  	[tilespmem:s6+$0xFFFFFF30] =	vst v50  }
0xed: {  	v50 =	vld.idx.msk [tilespmem:v59+s2+$0x0], $0xffff  }
0xee: {  	v60 =	vadd.s32 v5, v49;
	_ =	sdelay $0x3  }
0xef: {  	[tilespmem:s6+$0xFFFFFF40] =	vst v50  }
0xf0: {  	v50 =	vld.idx.msk [tilespmem:v60+s2+$0x0], $0xffff  }
0xf1: {  	v61 =	vadd.s32 v6, v49;
	_ =	sdelay $0x3  }
0xf2: {  	[tilespmem:s6+$0xFFFFFF50] =	vst v50  }
0xf3: {  	v50 =	vld.idx.msk [tilespmem:v61+s2+$0x0], $0xffff  }
0xf4: {  	v62 =	vadd.s32 v7, v49;
	_ =	sdelay $0x3  }
0xf5: {  	[tilespmem:s6+$0xFFFFFF60] =	vst v50  }
0xf6: {  	v50 =	vld.idx.msk [tilespmem:v62+s2+$0x0], $0xffff  }
0xf7: {  	v63 =	vadd.s32 v8, v49;
	_ =	sdelay $0x3  }
0xf8: {  	[tilespmem:s6+$0xFFFFFF70] =	vst v50  }
0xf9: {  	v50 =	vld.idx.msk [tilespmem:v63+s2+$0x0], $0xffff  }
0xfa: {  	v54 =	vadd.s32 v9, v49;
	_ =	sdelay $0x3  }
0xfb: {  	[tilespmem:s6+$0xFFFFFF80] =	vst v50  }
0xfc: {  	v50 =	vld.idx.msk [tilespmem:v54+s2+$0x0], $0xffff  }
0xfd: {  	v55 =	vadd.s32 v10, v49;
	_ =	sdelay $0x3  }
0xfe: {  	[tilespmem:s6+$0xFFFFFF90] =	vst v50  }
0xff: {  	v50 =	vld.idx.msk [tilespmem:v55+s2+$0x0], $0xffff  }
0x100: {  	v56 =	vadd.s32 v11, v49;
	_ =	sdelay $0x3  }
0x101: {  	[tilespmem:s6+$0xFFFFFFA0] =	vst v50  }
0x102: {  	v50 =	vld.idx.msk [tilespmem:v56+s2+$0x0], $0xffff  }
0x103: {  	v57 =	vadd.s32 v12, v49;
	_ =	sdelay $0x3  }
0x104: {  	[tilespmem:s6+$0xFFFFFFB0] =	vst v50  }
0x105: {  	v50 =	vld.idx.msk [tilespmem:v57+s2+$0x0], $0xffff  }
0x106: {  	v58 =	vadd.s32 v13, v49;
	_ =	sdelay $0x3  }
0x107: {  	[tilespmem:s6+$0xFFFFFFC0] =	vst v50  }
0x108: {  	v50 =	vld.idx.msk [tilespmem:v58+s2+$0x0], $0xffff  }
0x109: {  	v59 =	vadd.s32 v14, v49;
	_ =	sdelay $0x3  }
0x10a: {  	[tilespmem:s6+$0xFFFFFFD0] =	vst v50  }
0x10b: {  	v50 =	vld.idx.msk [tilespmem:v59+s2+$0x0], $0xffff  }
0x10c: {  	v60 =	vadd.s32 v15, v49;
	_ =	sdelay $0x3  }
0x10d: {  	[tilespmem:s6+$0xFFFFFFE0] =	vst v50  }
0x10e: {  	v50 =	vld.idx.msk [tilespmem:v60+s2+$0x0], $0xffff  }
0x10f: {  	v61 =	vadd.s32 v16, v49;
	_ =	sdelay $0x3  }
0x110: {  	[tilespmem:s6+$0xFFFFFFF0] =	vst v50  }
0x111: {  	v50 =	vld.idx.msk [tilespmem:v61+s2+$0x0], $0xffff  }
0x112: {  	v62 =	vadd.s32 v17, v49;
	_ =	sdelay $0x3  }
0x113: {  	[tilespmem:s6+$0x0] =	vst v50  }
0x114: {  	v50 =	vld.idx.msk [tilespmem:v62+s2+$0x0], $0xffff  }
0x115: {  	v63 =	vadd.s32 v18, v49;
	_ =	sdelay $0x3  }
0x116: {  	[tilespmem:s6+$0x10] =	vst v50  }
0x117: {  	v50 =	vld.idx.msk [tilespmem:v63+s2+$0x0], $0xffff  }
0x118: {  	v54 =	vadd.s32 v19, v49;
	_ =	sdelay $0x3  }
0x119: {  	[tilespmem:s6+$0x20] =	vst v50  }
0x11a: {  	v50 =	vld.idx.msk [tilespmem:v54+s2+$0x0], $0xffff  }
0x11b: {  	v55 =	vadd.s32 v20, v49;
	_ =	sdelay $0x3  }
0x11c: {  	[tilespmem:s6+$0x30] =	vst v50  }
0x11d: {  	v50 =	vld.idx.msk [tilespmem:v55+s2+$0x0], $0xffff  }
0x11e: {  	v56 =	vadd.s32 v21, v49;
	_ =	sdelay $0x3  }
0x11f: {  	[tilespmem:s6+$0x40] =	vst v50  }
0x120: {  	v50 =	vld.idx.msk [tilespmem:v56+s2+$0x0], $0xffff  }
0x121: {  	v57 =	vadd.s32 v22, v49;
	_ =	sdelay $0x3  }
0x122: {  	[tilespmem:s6+$0x50] =	vst v50  }
0x123: {  	v50 =	vld.idx.msk [tilespmem:v57+s2+$0x0], $0xffff  }
0x124: {  	v58 =	vadd.s32 v23, v49;
	_ =	sdelay $0x3  }
0x125: {  	[tilespmem:s6+$0x60] =	vst v50  }
0x126: {  	v50 =	vld.idx.msk [tilespmem:v58+s2+$0x0], $0xffff  }
0x127: {  	v59 =	vadd.s32 v24, v49;
	_ =	sdelay $0x3  }
0x128: {  	[tilespmem:s6+$0x70] =	vst v50  }
0x129: {  	v50 =	vld.idx.msk [tilespmem:v59+s2+$0x0], $0xffff  }
0x12a: {  	v60 =	vadd.s32 v25, v49;
	_ =	sdelay $0x3  }
0x12b: {  	[tilespmem:s6+$0x80] =	vst v50  }
0x12c: {  	v50 =	vld.idx.msk [tilespmem:v60+s2+$0x0], $0xffff  }
0x12d: {  	v61 =	vadd.s32 v26, v49;
	_ =	sdelay $0x3  }
0x12e: {  	[tilespmem:s6+$0x90] =	vst v50  }
0x12f: {  	v50 =	vld.idx.msk [tilespmem:v61+s2+$0x0], $0xffff  }
0x130: {  	v62 =	vadd.s32 v27, v49;
	_ =	sdelay $0x3  }
0x131: {  	[tilespmem:s6+$0xA0] =	vst v50  }
0x132: {  	v50 =	vld.idx.msk [tilespmem:v62+s2+$0x0], $0xffff  }
0x133: {  	v63 =	vadd.s32 v28, v49;
	_ =	sdelay $0x3  }
0x134: {  	[tilespmem:s6+$0xB0] =	vst v50  }
0x135: {  	v50 =	vld.idx.msk [tilespmem:v63+s2+$0x0], $0xffff  }
0x136: {  	v54 =	vadd.s32 v29, v49;
	_ =	sdelay $0x3  }
0x137: {  	[tilespmem:s6+$0xC0] =	vst v50  }
0x138: {  	v50 =	vld.idx.msk [tilespmem:v54+s2+$0x0], $0xffff  }
0x139: {  	v55 =	vadd.s32 v31, v49;
	_ =	sdelay $0x3  }
0x13a: {  	[tilespmem:s6+$0xD0] =	vst v50  }
0x13b: {  	v50 =	vld.idx.msk [tilespmem:v55+s2+$0x0], $0xffff  }
0x13c: {  	v49 =	vadd.s32 v32, v49;
	_ =	sdelay $0x3  }
0x13d: {  	[tilespmem:s6+$0xE0] =	vst v50  }
0x13e: {  	v49 =	vld.idx.msk [tilespmem:v49+s2+$0x0], $0xffff;
	_ =	sdelay $0x4  }
0x13f: {  	s12 =	simm.s32 $0x7000;
	[tilespmem:s6+$0xF0] =	vst v49  }
0x140: {  	[tilespmem:s16], [sflag:$0x1] =	stream.indirect.gather [hbm4b:s5+s14], $0x20, s12, s14, $0xb8;
	[tilespmem:$0x15800] =	vst v63  }
0x141: {  	s13 =	simm.s32 $0x7080;
	s17 =	simm.s32 $0x0  }
0x142: {  	[tilespmem:s18], [sflag:$0x2] =	stream.indirect.gather [hbm4b:s5+s14], $0x20, s13, s14, $0xb8;
	[tilespmem:$0x15800] =	vst v63  }
0x143: {  	v56 =	vmov s17  }
0x144: {  	v49 =	vshrl.u32 v56, $0x3;
	[tilespmem:s20], [sflag:$0x3] =	stream.indirect.gather [hbm4b:s5+s14], $0x20, s19, s14, $0xb8;
	[tilespmem:$0x15800] =	vst v63  }
0x145: {  	v49 =	vshll.u32 v49, v33;
	_ =	swait.ge [sflag:s21], $0x1000  }
0x146: {  	v49 =	vbroadcast v49, $0x0;
	[sflag:s21] =	ssyncset.done $0x0  }
0x147: {  	s7 =	simm.s32 $0xD480;
	[sflag:s21] =	ssyncadd.s32 $0xFFFFF000  }
0x148: {  	v58 =	vadd.s32 v30, v49;
	v57 =	vld [tilespmem:s7+$0xFFFFFF80]  }
0x149: {  	s23 =	simm.s32 $0x1;
	v49 =	vadd.s32 v34, v49;
	v52 =	vld [tilespmem:s7+$0xFFFFFF90]  }
0x14a: {  	v53 =	vmov s23  }
0x14b: {  	v53 =	vshrl.u32 v53, $0x3  }
0x14c: {  	v53 =	vshll.u32 v53, v33  }
0x14d: {  	v59 =	vbroadcast v53, $0x0;
	[tilespmem:v58+s22+$0x0] =	vst.idx.msk $0xffff, v57  }
0x14e: {  	[tilespmem:v49+s22+$0x0] =	vst.idx.msk $0xffff, v52  }
0x14f: {  	v60 =	vadd.s32 v35, v59;
	v49 =	vld [tilespmem:s7+$0xFFFFFFA0]  }
0x150: {  	s8 =	simm.s32 $0x2;
	v50 =	vadd.s32 v36, v59;
	v52 =	vld [tilespmem:s7+$0xFFFFFFB0]  }
0x151: {  	v61 =	vmov s8  }
0x152: {  	v53 =	vshrl.u32 v61, $0x3  }
0x153: {  	v53 =	vshll.u32 v53, v33  }
0x154: {  	v62 =	vbroadcast v53, $0x0;
	[tilespmem:v60+s22+$0x0] =	vst.idx.msk $0xffff, v49  }
0x155: {  	[tilespmem:v50+s22+$0x0] =	vst.idx.msk $0xffff, v52  }
0x156: {  	v63 =	vadd.s32 v37, v62;
	v50 =	vld [tilespmem:s7+$0xFFFFFFC0]  }
0x157: {  	s9 =	simm.s32 $0x3;
	v49 =	vadd.s32 v38, v62;
	v52 =	vld [tilespmem:s7+$0xFFFFFFD0]  }
0x158: {  	v56 =	vmov s9  }
0x159: {  	v53 =	vshrl.u32 v56, $0x3  }
0x15a: {  	v53 =	vshll.u32 v53, v33  }
0x15b: {  	v57 =	vbroadcast v53, $0x0;
	[tilespmem:v63+s22+$0x0] =	vst.idx.msk $0xffff, v50  }
0x15c: {  	[tilespmem:v49+s22+$0x0] =	vst.idx.msk $0xffff, v52  }
0x15d: {  	v58 =	vadd.s32 v39, v57;
	v49 =	vld [tilespmem:s7+$0xFFFFFFE0]  }
0x15e: {  	s11 =	simm.s32 $0x4;
	v50 =	vadd.s32 v40, v57;
	v52 =	vld [tilespmem:s7+$0xFFFFFFF0]  }
0x15f: {  	v59 =	vmov s11  }
0x160: {  	v53 =	vshrl.u32 v59, $0x3  }
0x161: {  	v53 =	vshll.u32 v53, v33  }
0x162: {  	v60 =	vbroadcast v53, $0x0;
	[tilespmem:v58+s22+$0x0] =	vst.idx.msk $0xffff, v49  }
0x163: {  	[tilespmem:v50+s22+$0x0] =	vst.idx.msk $0xffff, v52  }
0x164: {  	v61 =	vadd.s32 v41, v60;
	v50 =	vld [tilespmem:s7+$0x0]  }
0x165: {  	s12 =	simm.s32 $0x5;
	v49 =	vadd.s32 v42, v60;
	v52 =	vld [tilespmem:s7+$0x10]  }
0x166: {  	v62 =	vmov s12  }
0x167: {  	v53 =	vshrl.u32 v62, $0x3  }
0x168: {  	v53 =	vshll.u32 v53, v33  }
0x169: {  	v63 =	vbroadcast v53, $0x0;
	[tilespmem:v61+s22+$0x0] =	vst.idx.msk $0xffff, v50  }
0x16a: {  	[tilespmem:v49+s22+$0x0] =	vst.idx.msk $0xffff, v52  }
0x16b: {  	v56 =	vadd.s32 v43, v63;
	v49 =	vld [tilespmem:s7+$0x20]  }
0x16c: {  	s13 =	simm.s32 $0x6;
	v50 =	vadd.s32 v44, v63;
	v52 =	vld [tilespmem:s7+$0x30]  }
0x16d: {  	v57 =	vmov s13  }
0x16e: {  	v53 =	vshrl.u32 v57, $0x3  }
0x16f: {  	v53 =	vshll.u32 v53, v33  }
0x170: {  	v58 =	vbroadcast v53, $0x0;
	[tilespmem:v56+s22+$0x0] =	vst.idx.msk $0xffff, v49  }
0x171: {  	[tilespmem:v50+s22+$0x0] =	vst.idx.msk $0xffff, v52  }
0x172: {  	v59 =	vadd.s32 v45, v58;
	v50 =	vld [tilespmem:s7+$0x40]  }
0x173: {  	s17 =	simm.s32 $0x7;
	v49 =	vadd.s32 v46, v58;
	v52 =	vld [tilespmem:s7+$0x50]  }
0x174: {  	v60 =	vmov s17  }
0x175: {  	v53 =	vshrl.u32 v60, $0x3  }
0x176: {  	v53 =	vshll.u32 v53, v33  }
0x177: {  	v61 =	vbroadcast v53, $0x0;
	[tilespmem:v59+s22+$0x0] =	vst.idx.msk $0xffff, v50  }
0x178: {  	[tilespmem:v49+s22+$0x0] =	vst.idx.msk $0xffff, v52  }
0x179: {  	v53 =	vadd.s32 v47, v61;
	v52 =	vld [tilespmem:s7+$0x60]  }
0x17a: {  	s23 =	simm.s32 $0x8  }
0x17b: {  	v62 =	vmov s23;
	v51 =	vadd.s32 v48, v61;
	v49 =	vld [tilespmem:s7+$0x70]  }
0x17c: {  	v63 =	vshrl.u32 v62, $0x3  }
0x17d: {  	v54 =	vshll.u32 v63, v33  }
0x17e: {  	s8 =	simm.s32 $0xF;
	s9 =	simm.s32 $0x17;
	v50 =	vbroadcast v54, $0x0;
	[tilespmem:v53+s22+$0x0] =	vst.idx.msk $0xffff, v52  }
.LBB2_4:
0x17f: {  	p0 =	sne.s32 s9, $0x7F  }
0x180: {  	[tilespmem:v51+s22+$0x0] =	vst.idx.msk $0xffff, v49;
	s7 =	sadd.s32 $0x100, s7;
	s11 =	smov.u32 s9;
	s9 =	sadd.s32 $0x8, s9  }
0x181: {  	v49 =	vld [tilespmem:s7+$0xFFFFFF80];
	v51 =	vadd.s32 v30, v50  }
0x182: {  	s6 =	sadd.s32 $0xFFFFFFFA, s8;
	v50 =	vadd.s32 v34, v50;
	v52 =	vld [tilespmem:s7+$0xFFFFFF90]  }
0x183: {  	v53 =	vmov s6  }
0x184: {  	v53 =	vshrl.u32 v53, $0x3  }
0x185: {  	v53 =	vshll.u32 v53, v33  }
0x186: {  	[tilespmem:v51+s22+$0x0] =	vst.idx.msk $0xffff, v49;
	v49 =	vbroadcast v53, $0x0  }
0x187: {  	[tilespmem:v50+s22+$0x0] =	vst.idx.msk $0xffff, v52  }
0x188: {  	v50 =	vld [tilespmem:s7+$0xFFFFFFA0];
	v51 =	vadd.s32 v35, v49  }
0x189: {  	s6 =	sadd.s32 $0xFFFFFFFB, s8;
	v49 =	vadd.s32 v36, v49;
	v52 =	vld [tilespmem:s7+$0xFFFFFFB0]  }
0x18a: {  	v53 =	vmov s6  }
0x18b: {  	v53 =	vshrl.u32 v53, $0x3  }
0x18c: {  	v53 =	vshll.u32 v53, v33  }
0x18d: {  	[tilespmem:v51+s22+$0x0] =	vst.idx.msk $0xffff, v50;
	v50 =	vbroadcast v53, $0x0  }
0x18e: {  	[tilespmem:v49+s22+$0x0] =	vst.idx.msk $0xffff, v52  }
0x18f: {  	v49 =	vld [tilespmem:s7+$0xFFFFFFC0];
	v51 =	vadd.s32 v37, v50  }
0x190: {  	s6 =	sadd.s32 $0xFFFFFFFC, s8;
	v50 =	vadd.s32 v38, v50;
	v52 =	vld [tilespmem:s7+$0xFFFFFFD0]  }
0x191: {  	v53 =	vmov s6  }
0x192: {  	v53 =	vshrl.u32 v53, $0x3  }
0x193: {  	v53 =	vshll.u32 v53, v33  }
0x194: {  	[tilespmem:v51+s22+$0x0] =	vst.idx.msk $0xffff, v49;
	v49 =	vbroadcast v53, $0x0  }
0x195: {  	[tilespmem:v50+s22+$0x0] =	vst.idx.msk $0xffff, v52  }
0x196: {  	v50 =	vld [tilespmem:s7+$0xFFFFFFE0];
	v51 =	vadd.s32 v39, v49  }
0x197: {  	s6 =	sadd.s32 $0xFFFFFFFD, s8;
	v49 =	vadd.s32 v40, v49;
	v52 =	vld [tilespmem:s7+$0xFFFFFFF0]  }
0x198: {  	v53 =	vmov s6  }
0x199: {  	v53 =	vshrl.u32 v53, $0x3  }
0x19a: {  	v53 =	vshll.u32 v53, v33  }
0x19b: {  	[tilespmem:v51+s22+$0x0] =	vst.idx.msk $0xffff, v50;
	v50 =	vbroadcast v53, $0x0  }
0x19c: {  	[tilespmem:v49+s22+$0x0] =	vst.idx.msk $0xffff, v52  }
0x19d: {  	v49 =	vld [tilespmem:s7+$0x0];
	v51 =	vadd.s32 v41, v50  }
0x19e: {  	s6 =	sadd.s32 $0xFFFFFFFE, s8;
	v50 =	vadd.s32 v42, v50;
	v52 =	vld [tilespmem:s7+$0x10]  }
0x19f: {  	v53 =	vmov s6  }
0x1a0: {  	v53 =	vshrl.u32 v53, $0x3  }
0x1a1: {  	v53 =	vshll.u32 v53, v33  }
0x1a2: {  	[tilespmem:v51+s22+$0x0] =	vst.idx.msk $0xffff, v49;
	v49 =	vbroadcast v53, $0x0  }
0x1a3: {  	[tilespmem:v50+s22+$0x0] =	vst.idx.msk $0xffff, v52  }
0x1a4: {  	v50 =	vld [tilespmem:s7+$0x20];
	v51 =	vadd.s32 v43, v49  }
0x1a5: {  	s6 =	sadd.s32 $0xFFFFFFFF, s8;
	v49 =	vadd.s32 v44, v49;
	v52 =	vld [tilespmem:s7+$0x30]  }
0x1a6: {  	v53 =	vmov s6  }
0x1a7: {  	v53 =	vshrl.u32 v53, $0x3  }
0x1a8: {  	v53 =	vshll.u32 v53, v33  }
0x1a9: {  	[tilespmem:v51+s22+$0x0] =	vst.idx.msk $0xffff, v50;
	v50 =	vbroadcast v53, $0x0  }
0x1aa: {  	[tilespmem:v49+s22+$0x0] =	vst.idx.msk $0xffff, v52  }
0x1ab: {  	v49 =	vld [tilespmem:s7+$0x40];
	v51 =	vadd.s32 v45, v50  }
0x1ac: {  	v50 =	vadd.s32 v46, v50;
	v52 =	vld [tilespmem:s7+$0x50]  }
0x1ad: {  	v53 =	vmov s8;
	s8 =	smov.u32 s11  }
0x1ae: {  	v53 =	vshrl.u32 v53, $0x3  }
0x1af: {  	v53 =	vshll.u32 v53, v33  }
0x1b0: {  	[tilespmem:v51+s22+$0x0] =	vst.idx.msk $0xffff, v49;
	v51 =	vbroadcast v53, $0x0  }
0x1b1: {  	[tilespmem:v50+s22+$0x0] =	vst.idx.msk $0xffff, v52  }
0x1b2: {  	v52 =	vld [tilespmem:s7+$0x60];
	v53 =	vadd.s32 v47, v51  }
.Ltmp1:
0x1b3: {  	s6 =	sadd.s32 $0xFFFFFFF9, s8;
	v51 =	vadd.s32 v48, v51;
	v49 =	vld [tilespmem:s7+$0x70];
	(pc) =	sbr.rel @p0 .LBB2_4-.Ltmp1, $4  }
0x1b4: {  	v50 =	vmov s6  }
0x1b5: {  	v50 =	vshrl.u32 v50, $0x3  }
0x1b6: {  	v50 =	vshll.u32 v50, v33  }
0x1b7: {  	v50 =	vbroadcast v50, $0x0;
	[tilespmem:v53+s22+$0x0] =	vst.idx.msk $0xffff, v52  }
0x1b8: {  	_ =	sdelay $0x3  }
0x1b9: {  	[tilespmem:v51+s22+$0x0] =	vst.idx.msk $0xffff, v49;
	s6 =	sadd.s32 $0x100, s7  }
0x1ba: {  	v49 =	vld [tilespmem:s6+$0xFFFFFF80];
	v58 =	vadd.s32 v30, v50  }
0x1bb: {  	s23 =	sadd.s32 $0xFFFFFFFA, s8;
	v52 =	vld [tilespmem:s6+$0xFFFFFF90];
	v59 =	vadd.s32 v34, v50  }
0x1bc: {  	v53 =	vmov s23  }
0x1bd: {  	v53 =	vshrl.u32 v53, $0x3  }
0x1be: {  	v53 =	vshll.u32 v53, v33  }
0x1bf: {  	v60 =	vbroadcast v53, $0x0;
	[tilespmem:v58+s22+$0x0] =	vst.idx.msk $0xffff, v49  }
0x1c0: {  	[tilespmem:v59+s22+$0x0] =	vst.idx.msk $0xffff, v52  }
0x1c1: {  	v61 =	vadd.s32 v35, v60;
	v50 =	vld [tilespmem:s6+$0xFFFFFFA0]  }
0x1c2: {  	s9 =	sadd.s32 $0xFFFFFFFB, s8;
	v49 =	vadd.s32 v36, v60;
	v52 =	vld [tilespmem:s6+$0xFFFFFFB0]  }
0x1c3: {  	v62 =	vmov s9  }
0x1c4: {  	v53 =	vshrl.u32 v62, $0x3  }
0x1c5: {  	v53 =	vshll.u32 v53, v33  }
0x1c6: {  	v63 =	vbroadcast v53, $0x0;
	[tilespmem:v61+s22+$0x0] =	vst.idx.msk $0xffff, v50  }
0x1c7: {  	[tilespmem:v49+s22+$0x0] =	vst.idx.msk $0xffff, v52  }
0x1c8: {  	v56 =	vadd.s32 v37, v63;
	v49 =	vld [tilespmem:s6+$0xFFFFFFC0]  }
0x1c9: {  	s11 =	sadd.s32 $0xFFFFFFFC, s8;
	v50 =	vadd.s32 v38, v63;
	v52 =	vld [tilespmem:s6+$0xFFFFFFD0]  }
0x1ca: {  	v57 =	vmov s11  }
0x1cb: {  	v53 =	vshrl.u32 v57, $0x3  }
0x1cc: {  	v53 =	vshll.u32 v53, v33  }
0x1cd: {  	v58 =	vbroadcast v53, $0x0;
	[tilespmem:v56+s22+$0x0] =	vst.idx.msk $0xffff, v49  }
0x1ce: {  	[tilespmem:v50+s22+$0x0] =	vst.idx.msk $0xffff, v52  }
0x1cf: {  	v59 =	vadd.s32 v39, v58;
	v50 =	vld [tilespmem:s6+$0xFFFFFFE0]  }
0x1d0: {  	s12 =	sadd.s32 $0xFFFFFFFD, s8;
	v49 =	vadd.s32 v40, v58;
	v52 =	vld [tilespmem:s6+$0xFFFFFFF0]  }
0x1d1: {  	v60 =	vmov s12  }
0x1d2: {  	v53 =	vshrl.u32 v60, $0x3  }
0x1d3: {  	v53 =	vshll.u32 v53, v33  }
0x1d4: {  	v61 =	vbroadcast v53, $0x0;
	[tilespmem:v59+s22+$0x0] =	vst.idx.msk $0xffff, v50  }
0x1d5: {  	[tilespmem:v49+s22+$0x0] =	vst.idx.msk $0xffff, v52  }
0x1d6: {  	v62 =	vadd.s32 v41, v61;
	v49 =	vld [tilespmem:s6+$0x0]  }
0x1d7: {  	s13 =	sadd.s32 $0xFFFFFFFE, s8;
	v50 =	vadd.s32 v42, v61;
	v52 =	vld [tilespmem:s6+$0x10]  }
0x1d8: {  	v63 =	vmov s13  }
0x1d9: {  	v53 =	vshrl.u32 v63, $0x3  }
0x1da: {  	v53 =	vshll.u32 v53, v33  }
0x1db: {  	v56 =	vbroadcast v53, $0x0;
	[tilespmem:v62+s22+$0x0] =	vst.idx.msk $0xffff, v49  }
0x1dc: {  	[tilespmem:v50+s22+$0x0] =	vst.idx.msk $0xffff, v52  }
0x1dd: {  	v57 =	vadd.s32 v43, v56;
	v50 =	vld [tilespmem:s6+$0x20]  }
0x1de: {  	s17 =	sadd.s32 $0xFFFFFFFF, s8;
	v49 =	vadd.s32 v44, v56;
	v52 =	vld [tilespmem:s6+$0x30]  }
0x1df: {  	v58 =	vmov s17  }
0x1e0: {  	v53 =	vshrl.u32 v58, $0x3  }
0x1e1: {  	v53 =	vshll.u32 v53, v33  }
0x1e2: {  	v59 =	vbroadcast v53, $0x0;
	[tilespmem:v57+s22+$0x0] =	vst.idx.msk $0xffff, v50  }
0x1e3: {  	[tilespmem:v49+s22+$0x0] =	vst.idx.msk $0xffff, v52  }
0x1e4: {  	v60 =	vadd.s32 v45, v59;
	v49 =	vld [tilespmem:s6+$0x40]  }
0x1e5: {  	v50 =	vadd.s32 v46, v59;
	v52 =	vld [tilespmem:s6+$0x50]  }
0x1e6: {  	v61 =	vmov s8  }
0x1e7: {  	v53 =	vshrl.u32 v61, $0x3  }
0x1e8: {  	v53 =	vshll.u32 v53, v33  }
0x1e9: {  	v62 =	vbroadcast v53, $0x0;
	[tilespmem:v60+s22+$0x0] =	vst.idx.msk $0xffff, v49  }
0x1ea: {  	[tilespmem:v50+s22+$0x0] =	vst.idx.msk $0xffff, v52  }
0x1eb: {  	v63 =	vadd.s32 v47, v62;
	v50 =	vld [tilespmem:s6+$0x60]  }
0x1ec: {  	v49 =	vadd.s32 v48, v62;
	v52 =	vld [tilespmem:s6+$0x70];
	_ =	sdelay $0x3  }
0x1ed: {  	[tilespmem:v63+s22+$0x0] =	vst.idx.msk $0xffff, v50  }
0x1ee: {  	s7 =	rddreg [dreg:$0x3];
	s23 =	simm.s32 $0x11400;
	s6 =	simm.s32 $0x220;
	[tilespmem:v49+s22+$0x0] =	vst.idx.msk $0xffff, v52  }
0x1ef: {  	[hbm4b:s7+s2] =	stream.linear.scatter [tilespmem:s23], [sflag:$0x5], $0x80, $0x38;
	[tilespmem:$0x15800] =	vst v63  }
.LBB2_6:
0x1f0: {  	p0 =	sne.s32 s6, $0x41E0  }
.Ltmp2:
0x1f1: {  	_ = 	snop;
	(pc) =	sbr.rel @p0 .LBB2_6-.Ltmp2, $4  }
0x1f2: {  	_ = 	snop  }
0x1f3: {  	s8 =	sshra.s32 s6, $0x2;
	s6 =	sadd.s32 $0x220, s6  }
0x1f4: {  	s7 =	sadd.s32 $0x800, s7;
	s8 =	sadd.s32 $0x11400, s8  }
0x1f5: {  	[hbm4b:s7+s2] =	stream.linear.scatter [tilespmem:s8], [sflag:$0x5], $0x80, $0x38;
	[tilespmem:$0x15800] =	vst v63  }
0x1f6: {  	s6 =	simm.s32 $0x0  }
0x1f7: {  	s17 =	simm.s32 $0x7180;
	v49 =	vmov s6  }
0x1f8: {  	[tilespmem:s24], [sflag:$0x4] =	stream.indirect.gather [hbm4b:s5+s14], $0x20, s17, s14, $0xb8;
	v49 =	vshrl.u32 v49, $0x3;
	[tilespmem:$0x15800] =	vst v63  }
0x1f9: {  	_ =	swait.ge [sflag:s25], $0x1000;
	v49 =	vshll.u32 v49, v33  }
0x1fa: {  	[sflag:s25] =	ssyncset.done $0x0;
	v49 =	vbroadcast v49, $0x0  }
0x1fb: {  	s7 =	simm.s32 $0xE480;
	[sflag:s25] =	ssyncadd.s32 $0xFFFFF000  }
0x1fc: {  	v50 =	vld [tilespmem:s7+$0xFFFFFF80];
	v51 =	vadd.s32 v30, v49  }
0x1fd: {  	s23 =	simm.s32 $0x1;
	v52 =	vld [tilespmem:s7+$0xFFFFFF90];
	v49 =	vadd.s32 v34, v49  }
0x1fe: {  	v53 =	vmov s23  }
0x1ff: {  	v53 =	vshrl.u32 v53, $0x3  }
0x200: {  	v53 =	vshll.u32 v53, v33  }
0x201: {  	v59 =	vbroadcast v53, $0x0;
	[tilespmem:v51+s26+$0x0] =	vst.idx.msk $0xffff, v50  }
0x202: {  	[tilespmem:v49+s26+$0x0] =	vst.idx.msk $0xffff, v52  }
0x203: {  	v60 =	vadd.s32 v35, v59;
	v49 =	vld [tilespmem:s7+$0xFFFFFFA0]  }
0x204: {  	s8 =	simm.s32 $0x2;
	v50 =	vadd.s32 v36, v59;
	v52 =	vld [tilespmem:s7+$0xFFFFFFB0]  }
0x205: {  	v61 =	vmov s8  }
0x206: {  	v53 =	vshrl.u32 v61, $0x3  }
0x207: {  	v53 =	vshll.u32 v53, v33  }
0x208: {  	v62 =	vbroadcast v53, $0x0;
	[tilespmem:v60+s26+$0x0] =	vst.idx.msk $0xffff, v49  }
0x209: {  	[tilespmem:v50+s26+$0x0] =	vst.idx.msk $0xffff, v52  }
0x20a: {  	v63 =	vadd.s32 v37, v62;
	v50 =	vld [tilespmem:s7+$0xFFFFFFC0]  }
0x20b: {  	s9 =	simm.s32 $0x3;
	v49 =	vadd.s32 v38, v62;
	v52 =	vld [tilespmem:s7+$0xFFFFFFD0]  }
0x20c: {  	v56 =	vmov s9  }
0x20d: {  	v53 =	vshrl.u32 v56, $0x3  }
0x20e: {  	v53 =	vshll.u32 v53, v33  }
0x20f: {  	v57 =	vbroadcast v53, $0x0;
	[tilespmem:v63+s26+$0x0] =	vst.idx.msk $0xffff, v50  }
0x210: {  	[tilespmem:v49+s26+$0x0] =	vst.idx.msk $0xffff, v52  }
0x211: {  	v58 =	vadd.s32 v39, v57;
	v49 =	vld [tilespmem:s7+$0xFFFFFFE0]  }
0x212: {  	s11 =	simm.s32 $0x4;
	v50 =	vadd.s32 v40, v57;
	v52 =	vld [tilespmem:s7+$0xFFFFFFF0]  }
0x213: {  	v59 =	vmov s11  }
0x214: {  	v53 =	vshrl.u32 v59, $0x3  }
0x215: {  	v53 =	vshll.u32 v53, v33  }
0x216: {  	v60 =	vbroadcast v53, $0x0;
	[tilespmem:v58+s26+$0x0] =	vst.idx.msk $0xffff, v49  }
0x217: {  	[tilespmem:v50+s26+$0x0] =	vst.idx.msk $0xffff, v52  }
0x218: {  	v61 =	vadd.s32 v41, v60;
	v50 =	vld [tilespmem:s7+$0x0]  }
0x219: {  	s12 =	simm.s32 $0x5;
	v49 =	vadd.s32 v42, v60;
	v52 =	vld [tilespmem:s7+$0x10]  }
0x21a: {  	v62 =	vmov s12  }
0x21b: {  	v53 =	vshrl.u32 v62, $0x3  }
0x21c: {  	v53 =	vshll.u32 v53, v33  }
0x21d: {  	v63 =	vbroadcast v53, $0x0;
	[tilespmem:v61+s26+$0x0] =	vst.idx.msk $0xffff, v50  }
0x21e: {  	[tilespmem:v49+s26+$0x0] =	vst.idx.msk $0xffff, v52  }
0x21f: {  	v56 =	vadd.s32 v43, v63;
	v49 =	vld [tilespmem:s7+$0x20]  }
0x220: {  	s13 =	simm.s32 $0x6;
	v50 =	vadd.s32 v44, v63;
	v52 =	vld [tilespmem:s7+$0x30]  }
0x221: {  	v57 =	vmov s13  }
0x222: {  	v53 =	vshrl.u32 v57, $0x3  }
0x223: {  	v53 =	vshll.u32 v53, v33  }
0x224: {  	v58 =	vbroadcast v53, $0x0;
	[tilespmem:v56+s26+$0x0] =	vst.idx.msk $0xffff, v49  }
0x225: {  	[tilespmem:v50+s26+$0x0] =	vst.idx.msk $0xffff, v52  }
0x226: {  	v59 =	vadd.s32 v45, v58;
	v50 =	vld [tilespmem:s7+$0x40]  }
0x227: {  	s17 =	simm.s32 $0x7;
	v49 =	vadd.s32 v46, v58;
	v52 =	vld [tilespmem:s7+$0x50]  }
0x228: {  	v60 =	vmov s17  }
0x229: {  	v53 =	vshrl.u32 v60, $0x3  }
0x22a: {  	v53 =	vshll.u32 v53, v33  }
0x22b: {  	v61 =	vbroadcast v53, $0x0;
	[tilespmem:v59+s26+$0x0] =	vst.idx.msk $0xffff, v50  }
0x22c: {  	[tilespmem:v49+s26+$0x0] =	vst.idx.msk $0xffff, v52  }
0x22d: {  	v53 =	vadd.s32 v47, v61;
	v52 =	vld [tilespmem:s7+$0x60]  }
0x22e: {  	s23 =	simm.s32 $0x8  }
0x22f: {  	v62 =	vmov s23;
	v51 =	vadd.s32 v48, v61;
	v49 =	vld [tilespmem:s7+$0x70]  }
0x230: {  	v63 =	vshrl.u32 v62, $0x3  }
0x231: {  	v54 =	vshll.u32 v63, v33  }
0x232: {  	s8 =	simm.s32 $0xF;
	s9 =	simm.s32 $0x17;
	v50 =	vbroadcast v54, $0x0;
	[tilespmem:v53+s26+$0x0] =	vst.idx.msk $0xffff, v52  }
.LBB2_8:
0x233: {  	p0 =	sne.s32 s9, $0x7F  }
0x234: {  	[tilespmem:v51+s26+$0x0] =	vst.idx.msk $0xffff, v49;
	s7 =	sadd.s32 $0x100, s7;
	s11 =	smov.u32 s9;
	s9 =	sadd.s32 $0x8, s9  }
0x235: {  	v49 =	vld [tilespmem:s7+$0xFFFFFF80];
	v51 =	vadd.s32 v30, v50  }
0x236: {  	s6 =	sadd.s32 $0xFFFFFFFA, s8;
	v50 =	vadd.s32 v34, v50;
	v52 =	vld [tilespmem:s7+$0xFFFFFF90]  }
0x237: {  	v53 =	vmov s6  }
0x238: {  	v53 =	vshrl.u32 v53, $0x3  }
0x239: {  	v53 =	vshll.u32 v53, v33  }
0x23a: {  	[tilespmem:v51+s26+$0x0] =	vst.idx.msk $0xffff, v49;
	v49 =	vbroadcast v53, $0x0  }
0x23b: {  	[tilespmem:v50+s26+$0x0] =	vst.idx.msk $0xffff, v52  }
0x23c: {  	v50 =	vld [tilespmem:s7+$0xFFFFFFA0];
	v51 =	vadd.s32 v35, v49  }
0x23d: {  	s6 =	sadd.s32 $0xFFFFFFFB, s8;
	v49 =	vadd.s32 v36, v49;
	v52 =	vld [tilespmem:s7+$0xFFFFFFB0]  }
0x23e: {  	v53 =	vmov s6  }
0x23f: {  	v53 =	vshrl.u32 v53, $0x3  }
0x240: {  	v53 =	vshll.u32 v53, v33  }
0x241: {  	[tilespmem:v51+s26+$0x0] =	vst.idx.msk $0xffff, v50;
	v50 =	vbroadcast v53, $0x0  }
0x242: {  	[tilespmem:v49+s26+$0x0] =	vst.idx.msk $0xffff, v52  }
0x243: {  	v49 =	vld [tilespmem:s7+$0xFFFFFFC0];
	v51 =	vadd.s32 v37, v50  }
0x244: {  	s6 =	sadd.s32 $0xFFFFFFFC, s8;
	v50 =	vadd.s32 v38, v50;
	v52 =	vld [tilespmem:s7+$0xFFFFFFD0]  }
0x245: {  	v53 =	vmov s6  }
0x246: {  	v53 =	vshrl.u32 v53, $0x3  }
0x247: {  	v53 =	vshll.u32 v53, v33  }
0x248: {  	[tilespmem:v51+s26+$0x0] =	vst.idx.msk $0xffff, v49;
	v49 =	vbroadcast v53, $0x0  }
0x249: {  	[tilespmem:v50+s26+$0x0] =	vst.idx.msk $0xffff, v52  }
0x24a: {  	v50 =	vld [tilespmem:s7+$0xFFFFFFE0];
	v51 =	vadd.s32 v39, v49  }
0x24b: {  	s6 =	sadd.s32 $0xFFFFFFFD, s8;
	v49 =	vadd.s32 v40, v49;
	v52 =	vld [tilespmem:s7+$0xFFFFFFF0]  }
0x24c: {  	v53 =	vmov s6  }
0x24d: {  	v53 =	vshrl.u32 v53, $0x3  }
0x24e: {  	v53 =	vshll.u32 v53, v33  }
0x24f: {  	[tilespmem:v51+s26+$0x0] =	vst.idx.msk $0xffff, v50;
	v50 =	vbroadcast v53, $0x0  }
0x250: {  	[tilespmem:v49+s26+$0x0] =	vst.idx.msk $0xffff, v52  }
0x251: {  	v49 =	vld [tilespmem:s7+$0x0];
	v51 =	vadd.s32 v41, v50  }
0x252: {  	s6 =	sadd.s32 $0xFFFFFFFE, s8;
	v50 =	vadd.s32 v42, v50;
	v52 =	vld [tilespmem:s7+$0x10]  }
0x253: {  	v53 =	vmov s6  }
0x254: {  	v53 =	vshrl.u32 v53, $0x3  }
0x255: {  	v53 =	vshll.u32 v53, v33  }
0x256: {  	[tilespmem:v51+s26+$0x0] =	vst.idx.msk $0xffff, v49;
	v49 =	vbroadcast v53, $0x0  }
0x257: {  	[tilespmem:v50+s26+$0x0] =	vst.idx.msk $0xffff, v52  }
0x258: {  	v50 =	vld [tilespmem:s7+$0x20];
	v51 =	vadd.s32 v43, v49  }
0x259: {  	s6 =	sadd.s32 $0xFFFFFFFF, s8;
	v49 =	vadd.s32 v44, v49;
	v52 =	vld [tilespmem:s7+$0x30]  }
0x25a: {  	v53 =	vmov s6  }
0x25b: {  	v53 =	vshrl.u32 v53, $0x3  }
0x25c: {  	v53 =	vshll.u32 v53, v33  }
0x25d: {  	[tilespmem:v51+s26+$0x0] =	vst.idx.msk $0xffff, v50;
	v50 =	vbroadcast v53, $0x0  }
0x25e: {  	[tilespmem:v49+s26+$0x0] =	vst.idx.msk $0xffff, v52  }
0x25f: {  	v49 =	vld [tilespmem:s7+$0x40];
	v51 =	vadd.s32 v45, v50  }
0x260: {  	v50 =	vadd.s32 v46, v50;
	v52 =	vld [tilespmem:s7+$0x50]  }
0x261: {  	v53 =	vmov s8;
	s8 =	smov.u32 s11  }
0x262: {  	v53 =	vshrl.u32 v53, $0x3  }
0x263: {  	v53 =	vshll.u32 v53, v33  }
0x264: {  	[tilespmem:v51+s26+$0x0] =	vst.idx.msk $0xffff, v49;
	v51 =	vbroadcast v53, $0x0  }
0x265: {  	[tilespmem:v50+s26+$0x0] =	vst.idx.msk $0xffff, v52  }
0x266: {  	v52 =	vld [tilespmem:s7+$0x60];
	v53 =	vadd.s32 v47, v51  }
.Ltmp3:
0x267: {  	s6 =	sadd.s32 $0xFFFFFFF9, s8;
	v51 =	vadd.s32 v48, v51;
	v49 =	vld [tilespmem:s7+$0x70];
	(pc) =	sbr.rel @p0 .LBB2_8-.Ltmp3, $4  }
0x268: {  	v50 =	vmov s6  }
0x269: {  	v50 =	vshrl.u32 v50, $0x3  }
0x26a: {  	v50 =	vshll.u32 v50, v33  }
0x26b: {  	v50 =	vbroadcast v50, $0x0;
	[tilespmem:v53+s26+$0x0] =	vst.idx.msk $0xffff, v52  }
0x26c: {  	_ =	sdelay $0x3  }
0x26d: {  	[tilespmem:v51+s26+$0x0] =	vst.idx.msk $0xffff, v49;
	s6 =	sadd.s32 $0x100, s7  }
0x26e: {  	v49 =	vld [tilespmem:s6+$0xFFFFFF80];
	v58 =	vadd.s32 v30, v50  }
0x26f: {  	s23 =	sadd.s32 $0xFFFFFFFA, s8;
	v52 =	vld [tilespmem:s6+$0xFFFFFF90];
	v59 =	vadd.s32 v34, v50  }
0x270: {  	v53 =	vmov s23  }
0x271: {  	v53 =	vshrl.u32 v53, $0x3  }
0x272: {  	v53 =	vshll.u32 v53, v33  }
0x273: {  	v60 =	vbroadcast v53, $0x0;
	[tilespmem:v58+s26+$0x0] =	vst.idx.msk $0xffff, v49  }
0x274: {  	[tilespmem:v59+s26+$0x0] =	vst.idx.msk $0xffff, v52  }
0x275: {  	v61 =	vadd.s32 v35, v60;
	v50 =	vld [tilespmem:s6+$0xFFFFFFA0]  }
0x276: {  	s9 =	sadd.s32 $0xFFFFFFFB, s8;
	v49 =	vadd.s32 v36, v60;
	v52 =	vld [tilespmem:s6+$0xFFFFFFB0]  }
0x277: {  	v62 =	vmov s9  }
0x278: {  	v53 =	vshrl.u32 v62, $0x3  }
0x279: {  	v53 =	vshll.u32 v53, v33  }
0x27a: {  	v63 =	vbroadcast v53, $0x0;
	[tilespmem:v61+s26+$0x0] =	vst.idx.msk $0xffff, v50  }
0x27b: {  	[tilespmem:v49+s26+$0x0] =	vst.idx.msk $0xffff, v52  }
0x27c: {  	v56 =	vadd.s32 v37, v63;
	v49 =	vld [tilespmem:s6+$0xFFFFFFC0]  }
0x27d: {  	s11 =	sadd.s32 $0xFFFFFFFC, s8;
	v50 =	vadd.s32 v38, v63;
	v52 =	vld [tilespmem:s6+$0xFFFFFFD0]  }
0x27e: {  	v57 =	vmov s11  }
0x27f: {  	v53 =	vshrl.u32 v57, $0x3  }
0x280: {  	v53 =	vshll.u32 v53, v33  }
0x281: {  	v58 =	vbroadcast v53, $0x0;
	[tilespmem:v56+s26+$0x0] =	vst.idx.msk $0xffff, v49  }
0x282: {  	[tilespmem:v50+s26+$0x0] =	vst.idx.msk $0xffff, v52  }
0x283: {  	v59 =	vadd.s32 v39, v58;
	v50 =	vld [tilespmem:s6+$0xFFFFFFE0]  }
0x284: {  	s12 =	sadd.s32 $0xFFFFFFFD, s8;
	v49 =	vadd.s32 v40, v58;
	v52 =	vld [tilespmem:s6+$0xFFFFFFF0]  }
0x285: {  	v60 =	vmov s12  }
0x286: {  	v53 =	vshrl.u32 v60, $0x3  }
0x287: {  	v53 =	vshll.u32 v53, v33  }
0x288: {  	v61 =	vbroadcast v53, $0x0;
	[tilespmem:v59+s26+$0x0] =	vst.idx.msk $0xffff, v50  }
0x289: {  	[tilespmem:v49+s26+$0x0] =	vst.idx.msk $0xffff, v52  }
0x28a: {  	v62 =	vadd.s32 v41, v61;
	v49 =	vld [tilespmem:s6+$0x0]  }
0x28b: {  	s13 =	sadd.s32 $0xFFFFFFFE, s8;
	v50 =	vadd.s32 v42, v61;
	v52 =	vld [tilespmem:s6+$0x10]  }
0x28c: {  	v63 =	vmov s13  }
0x28d: {  	v53 =	vshrl.u32 v63, $0x3  }
0x28e: {  	v53 =	vshll.u32 v53, v33  }
0x28f: {  	v56 =	vbroadcast v53, $0x0;
	[tilespmem:v62+s26+$0x0] =	vst.idx.msk $0xffff, v49  }
0x290: {  	[tilespmem:v50+s26+$0x0] =	vst.idx.msk $0xffff, v52  }
0x291: {  	v57 =	vadd.s32 v43, v56;
	v50 =	vld [tilespmem:s6+$0x20]  }
0x292: {  	s17 =	sadd.s32 $0xFFFFFFFF, s8;
	v49 =	vadd.s32 v44, v56;
	v52 =	vld [tilespmem:s6+$0x30]  }
0x293: {  	v58 =	vmov s17  }
0x294: {  	v53 =	vshrl.u32 v58, $0x3  }
0x295: {  	v53 =	vshll.u32 v53, v33  }
0x296: {  	v59 =	vbroadcast v53, $0x0;
	[tilespmem:v57+s26+$0x0] =	vst.idx.msk $0xffff, v50  }
0x297: {  	[tilespmem:v49+s26+$0x0] =	vst.idx.msk $0xffff, v52  }
0x298: {  	v60 =	vadd.s32 v45, v59;
	v49 =	vld [tilespmem:s6+$0x40]  }
0x299: {  	v50 =	vadd.s32 v46, v59;
	v52 =	vld [tilespmem:s6+$0x50]  }
0x29a: {  	v61 =	vmov s8  }
0x29b: {  	v53 =	vshrl.u32 v61, $0x3  }
0x29c: {  	v53 =	vshll.u32 v53, v33  }
0x29d: {  	v62 =	vbroadcast v53, $0x0;
	[tilespmem:v60+s26+$0x0] =	vst.idx.msk $0xffff, v49  }
0x29e: {  	[tilespmem:v50+s26+$0x0] =	vst.idx.msk $0xffff, v52  }
0x29f: {  	v63 =	vadd.s32 v47, v62;
	v50 =	vld [tilespmem:s6+$0x60]  }
0x2a0: {  	v49 =	vadd.s32 v48, v62;
	v52 =	vld [tilespmem:s6+$0x70];
	_ =	sdelay $0x3  }
0x2a1: {  	s7 =	simm.s32 $0x0;
	[tilespmem:v63+s26+$0x0] =	vst.idx.msk $0xffff, v50  }
0x2a2: {  	s23 =	simm.s32 $0x12500;
	s8 =	rddreg [dreg:$0x6];
	s6 =	simm.s32 $0x220;
	[tilespmem:v49+s26+$0x0] =	vst.idx.msk $0xffff, v52  }
0x2a3: {  	[hbm4b:s8+s7] =	stream.linear.scatter [tilespmem:s23], [sflag:$0x6], $0x80, $0x38;
	[tilespmem:$0x15800] =	vst v63  }
.LBB2_10:
0x2a4: {  	p0 =	seq.s32 s6, $0x41E0  }
.Ltmp4:
0x2a5: {  	_ = 	snop;
	(pc) =	sbr.rel @!p0 .LBB2_10-.Ltmp4, $4  }
0x2a6: {  	_ = 	snop  }
0x2a7: {  	s9 =	sshra.s32 s6, $0x2;
	s6 =	sadd.s32 $0x220, s6  }
0x2a8: {  	s8 =	sadd.s32 $0x800, s8;
	s9 =	sadd.s32 $0x12500, s9  }
0x2a9: {  	[hbm4b:s8+s7] =	stream.linear.scatter [tilespmem:s9], [sflag:$0x6], $0x80, $0x38;
	[tilespmem:$0x15800] =	vst v63  }
.LBB2_12:
0x2aa: {  	s6 =	sshll.u32 s7, $0x2  }
0x2ab: {  	s12 =	sadd.s32 $0x4, s6  }
0x2ac: {  	_ =	swait.ge [sflag:s28], $0x1000;
	s6 =	sshll.u32 s12, $0x7  }
0x2ad: {  	s9 =	simm.s32 $0x0;
	[sflag:s28] =	ssyncset.done $0x0;
	s6 =	sand.u32 $0x3FFFFE00, s6  }
0x2ae: {  	v49 =	vmov s9;
	[sflag:s28] =	ssyncadd.s32 $0xFFFFF000;
	s6 =	sadd.s32 $0x7000, s6  }
0x2af: {  	v49 =	vshrl.u32 v49, $0x3;
	[tilespmem:s16], [sflag:$0x1] =	stream.indirect.gather [hbm4b:s5+s14], $0x20, s6, s14, $0xb8;
	[tilespmem:$0x15800] =	vst v63  }
0x2b0: {  	v49 =	vshll.u32 v49, v33;
	_ =	swait.ge [sflag:s29], $0x1000  }
0x2b1: {  	v49 =	vbroadcast v49, $0x0;
	[sflag:s29] =	ssyncset.done $0x0  }
0x2b2: {  	s13 =	smov.u32 s7;
	s7 =	simm.s32 $0xF480;
	[sflag:s29] =	ssyncadd.s32 $0xFFFFF000  }
0x2b3: {  	v51 =	vadd.s32 v30, v49;
	v50 =	vld [tilespmem:s7+$0xFFFFFF80]  }
0x2b4: {  	s11 =	simm.s32 $0x1;
	v49 =	vadd.s32 v34, v49;
	v52 =	vld [tilespmem:s7+$0xFFFFFF90]  }
0x2b5: {  	v53 =	vmov s11  }
0x2b6: {  	v53 =	vshrl.u32 v53, $0x3  }
0x2b7: {  	v53 =	vshll.u32 v53, v33  }
0x2b8: {  	v59 =	vbroadcast v53, $0x0;
	[tilespmem:v51+s30+$0x0] =	vst.idx.msk $0xffff, v50  }
0x2b9: {  	[tilespmem:v49+s30+$0x0] =	vst.idx.msk $0xffff, v52  }
0x2ba: {  	v60 =	vadd.s32 v35, v59;
	v49 =	vld [tilespmem:s7+$0xFFFFFFA0]  }
0x2bb: {  	s17 =	simm.s32 $0x2;
	v50 =	vadd.s32 v36, v59;
	v52 =	vld [tilespmem:s7+$0xFFFFFFB0]  }
0x2bc: {  	v61 =	vmov s17  }
0x2bd: {  	v53 =	vshrl.u32 v61, $0x3  }
0x2be: {  	v53 =	vshll.u32 v53, v33  }
0x2bf: {  	v62 =	vbroadcast v53, $0x0;
	[tilespmem:v60+s30+$0x0] =	vst.idx.msk $0xffff, v49  }
0x2c0: {  	[tilespmem:v50+s30+$0x0] =	vst.idx.msk $0xffff, v52  }
0x2c1: {  	v63 =	vadd.s32 v37, v62;
	v50 =	vld [tilespmem:s7+$0xFFFFFFC0]  }
0x2c2: {  	s23 =	simm.s32 $0x3;
	v49 =	vadd.s32 v38, v62;
	v52 =	vld [tilespmem:s7+$0xFFFFFFD0]  }
0x2c3: {  	v56 =	vmov s23  }
0x2c4: {  	v53 =	vshrl.u32 v56, $0x3  }
0x2c5: {  	v53 =	vshll.u32 v53, v33  }
0x2c6: {  	v57 =	vbroadcast v53, $0x0;
	[tilespmem:v63+s30+$0x0] =	vst.idx.msk $0xffff, v50  }
0x2c7: {  	[tilespmem:v49+s30+$0x0] =	vst.idx.msk $0xffff, v52  }
0x2c8: {  	v58 =	vadd.s32 v39, v57;
	v49 =	vld [tilespmem:s7+$0xFFFFFFE0]  }
0x2c9: {  	s8 =	simm.s32 $0x4;
	v50 =	vadd.s32 v40, v57;
	v52 =	vld [tilespmem:s7+$0xFFFFFFF0]  }
0x2ca: {  	v59 =	vmov s8  }
0x2cb: {  	v53 =	vshrl.u32 v59, $0x3  }
0x2cc: {  	v53 =	vshll.u32 v53, v33  }
0x2cd: {  	v60 =	vbroadcast v53, $0x0;
	[tilespmem:v58+s30+$0x0] =	vst.idx.msk $0xffff, v49  }
0x2ce: {  	[tilespmem:v50+s30+$0x0] =	vst.idx.msk $0xffff, v52  }
0x2cf: {  	v61 =	vadd.s32 v41, v60;
	v50 =	vld [tilespmem:s7+$0x0]  }
0x2d0: {  	s9 =	simm.s32 $0x5;
	v49 =	vadd.s32 v42, v60;
	v52 =	vld [tilespmem:s7+$0x10]  }
0x2d1: {  	v62 =	vmov s9  }
0x2d2: {  	v53 =	vshrl.u32 v62, $0x3  }
0x2d3: {  	v53 =	vshll.u32 v53, v33  }
0x2d4: {  	v63 =	vbroadcast v53, $0x0;
	[tilespmem:v61+s30+$0x0] =	vst.idx.msk $0xffff, v50  }
0x2d5: {  	[tilespmem:v49+s30+$0x0] =	vst.idx.msk $0xffff, v52  }
0x2d6: {  	v56 =	vadd.s32 v43, v63;
	v49 =	vld [tilespmem:s7+$0x20]  }
0x2d7: {  	s11 =	simm.s32 $0x6;
	v50 =	vadd.s32 v44, v63;
	v52 =	vld [tilespmem:s7+$0x30]  }
0x2d8: {  	v57 =	vmov s11  }
0x2d9: {  	v53 =	vshrl.u32 v57, $0x3  }
0x2da: {  	v53 =	vshll.u32 v53, v33  }
0x2db: {  	v58 =	vbroadcast v53, $0x0;
	[tilespmem:v56+s30+$0x0] =	vst.idx.msk $0xffff, v49  }
0x2dc: {  	[tilespmem:v50+s30+$0x0] =	vst.idx.msk $0xffff, v52  }
0x2dd: {  	v59 =	vadd.s32 v45, v58;
	v50 =	vld [tilespmem:s7+$0x40]  }
0x2de: {  	s17 =	simm.s32 $0x7;
	v49 =	vadd.s32 v46, v58;
	v52 =	vld [tilespmem:s7+$0x50]  }
0x2df: {  	v60 =	vmov s17  }
0x2e0: {  	v53 =	vshrl.u32 v60, $0x3  }
0x2e1: {  	v53 =	vshll.u32 v53, v33  }
0x2e2: {  	v61 =	vbroadcast v53, $0x0;
	[tilespmem:v59+s30+$0x0] =	vst.idx.msk $0xffff, v50  }
0x2e3: {  	[tilespmem:v49+s30+$0x0] =	vst.idx.msk $0xffff, v52  }
0x2e4: {  	v53 =	vadd.s32 v47, v61;
	v52 =	vld [tilespmem:s7+$0x60]  }
0x2e5: {  	s23 =	simm.s32 $0x8  }
0x2e6: {  	v62 =	vmov s23;
	v51 =	vadd.s32 v48, v61;
	v49 =	vld [tilespmem:s7+$0x70]  }
0x2e7: {  	v63 =	vshrl.u32 v62, $0x3  }
0x2e8: {  	v54 =	vshll.u32 v63, v33  }
0x2e9: {  	s8 =	simm.s32 $0xF;
	s9 =	simm.s32 $0x17;
	v50 =	vbroadcast v54, $0x0;
	[tilespmem:v53+s30+$0x0] =	vst.idx.msk $0xffff, v52  }
.LBB2_13:
0x2ea: {  	p0 =	sne.s32 s9, $0x7F  }
0x2eb: {  	[tilespmem:v51+s30+$0x0] =	vst.idx.msk $0xffff, v49;
	s7 =	sadd.s32 $0x100, s7;
	s11 =	smov.u32 s9;
	s9 =	sadd.s32 $0x8, s9  }
0x2ec: {  	v49 =	vld [tilespmem:s7+$0xFFFFFF80];
	v51 =	vadd.s32 v30, v50  }
0x2ed: {  	s6 =	sadd.s32 $0xFFFFFFFA, s8;
	v50 =	vadd.s32 v34, v50;
	v52 =	vld [tilespmem:s7+$0xFFFFFF90]  }
0x2ee: {  	v53 =	vmov s6  }
0x2ef: {  	v53 =	vshrl.u32 v53, $0x3  }
0x2f0: {  	v53 =	vshll.u32 v53, v33  }
0x2f1: {  	[tilespmem:v51+s30+$0x0] =	vst.idx.msk $0xffff, v49;
	v49 =	vbroadcast v53, $0x0  }
0x2f2: {  	[tilespmem:v50+s30+$0x0] =	vst.idx.msk $0xffff, v52  }
0x2f3: {  	v50 =	vld [tilespmem:s7+$0xFFFFFFA0];
	v51 =	vadd.s32 v35, v49  }
0x2f4: {  	s6 =	sadd.s32 $0xFFFFFFFB, s8;
	v49 =	vadd.s32 v36, v49;
	v52 =	vld [tilespmem:s7+$0xFFFFFFB0]  }
0x2f5: {  	v53 =	vmov s6  }
0x2f6: {  	v53 =	vshrl.u32 v53, $0x3  }
0x2f7: {  	v53 =	vshll.u32 v53, v33  }
0x2f8: {  	[tilespmem:v51+s30+$0x0] =	vst.idx.msk $0xffff, v50;
	v50 =	vbroadcast v53, $0x0  }
0x2f9: {  	[tilespmem:v49+s30+$0x0] =	vst.idx.msk $0xffff, v52  }
0x2fa: {  	v49 =	vld [tilespmem:s7+$0xFFFFFFC0];
	v51 =	vadd.s32 v37, v50  }
0x2fb: {  	s6 =	sadd.s32 $0xFFFFFFFC, s8;
	v50 =	vadd.s32 v38, v50;
	v52 =	vld [tilespmem:s7+$0xFFFFFFD0]  }
0x2fc: {  	v53 =	vmov s6  }
0x2fd: {  	v53 =	vshrl.u32 v53, $0x3  }
0x2fe: {  	v53 =	vshll.u32 v53, v33  }
0x2ff: {  	[tilespmem:v51+s30+$0x0] =	vst.idx.msk $0xffff, v49;
	v49 =	vbroadcast v53, $0x0  }
0x300: {  	[tilespmem:v50+s30+$0x0] =	vst.idx.msk $0xffff, v52  }
0x301: {  	v50 =	vld [tilespmem:s7+$0xFFFFFFE0];
	v51 =	vadd.s32 v39, v49  }
0x302: {  	s6 =	sadd.s32 $0xFFFFFFFD, s8;
	v49 =	vadd.s32 v40, v49;
	v52 =	vld [tilespmem:s7+$0xFFFFFFF0]  }
0x303: {  	v53 =	vmov s6  }
0x304: {  	v53 =	vshrl.u32 v53, $0x3  }
0x305: {  	v53 =	vshll.u32 v53, v33  }
0x306: {  	[tilespmem:v51+s30+$0x0] =	vst.idx.msk $0xffff, v50;
	v50 =	vbroadcast v53, $0x0  }
0x307: {  	[tilespmem:v49+s30+$0x0] =	vst.idx.msk $0xffff, v52  }
0x308: {  	v49 =	vld [tilespmem:s7+$0x0];
	v51 =	vadd.s32 v41, v50  }
0x309: {  	s6 =	sadd.s32 $0xFFFFFFFE, s8;
	v50 =	vadd.s32 v42, v50;
	v52 =	vld [tilespmem:s7+$0x10]  }
0x30a: {  	v53 =	vmov s6  }
0x30b: {  	v53 =	vshrl.u32 v53, $0x3  }
0x30c: {  	v53 =	vshll.u32 v53, v33  }
0x30d: {  	[tilespmem:v51+s30+$0x0] =	vst.idx.msk $0xffff, v49;
	v49 =	vbroadcast v53, $0x0  }
0x30e: {  	[tilespmem:v50+s30+$0x0] =	vst.idx.msk $0xffff, v52  }
0x30f: {  	v50 =	vld [tilespmem:s7+$0x20];
	v51 =	vadd.s32 v43, v49  }
0x310: {  	s6 =	sadd.s32 $0xFFFFFFFF, s8;
	v49 =	vadd.s32 v44, v49;
	v52 =	vld [tilespmem:s7+$0x30]  }
0x311: {  	v53 =	vmov s6  }
0x312: {  	v53 =	vshrl.u32 v53, $0x3  }
0x313: {  	v53 =	vshll.u32 v53, v33  }
0x314: {  	[tilespmem:v51+s30+$0x0] =	vst.idx.msk $0xffff, v50;
	v50 =	vbroadcast v53, $0x0  }
0x315: {  	[tilespmem:v49+s30+$0x0] =	vst.idx.msk $0xffff, v52  }
0x316: {  	v49 =	vld [tilespmem:s7+$0x40];
	v51 =	vadd.s32 v45, v50  }
0x317: {  	v50 =	vadd.s32 v46, v50;
	v52 =	vld [tilespmem:s7+$0x50]  }
0x318: {  	v53 =	vmov s8;
	s8 =	smov.u32 s11  }
0x319: {  	v53 =	vshrl.u32 v53, $0x3  }
0x31a: {  	v53 =	vshll.u32 v53, v33  }
0x31b: {  	[tilespmem:v51+s30+$0x0] =	vst.idx.msk $0xffff, v49;
	v51 =	vbroadcast v53, $0x0  }
0x31c: {  	[tilespmem:v50+s30+$0x0] =	vst.idx.msk $0xffff, v52  }
0x31d: {  	v52 =	vld [tilespmem:s7+$0x60];
	v53 =	vadd.s32 v47, v51  }
.Ltmp5:
0x31e: {  	s6 =	sadd.s32 $0xFFFFFFF9, s8;
	v51 =	vadd.s32 v48, v51;
	v49 =	vld [tilespmem:s7+$0x70];
	(pc) =	sbr.rel @p0 .LBB2_13-.Ltmp5, $4  }
0x31f: {  	v50 =	vmov s6  }
0x320: {  	v50 =	vshrl.u32 v50, $0x3  }
0x321: {  	v50 =	vshll.u32 v50, v33  }
0x322: {  	v50 =	vbroadcast v50, $0x0;
	[tilespmem:v53+s30+$0x0] =	vst.idx.msk $0xffff, v52  }
0x323: {  	_ =	sdelay $0x3  }
0x324: {  	[tilespmem:v51+s30+$0x0] =	vst.idx.msk $0xffff, v49;
	s6 =	sadd.s32 $0x100, s7  }
0x325: {  	v49 =	vld [tilespmem:s6+$0xFFFFFF80];
	v58 =	vadd.s32 v30, v50  }
0x326: {  	s9 =	sadd.s32 $0xFFFFFFFA, s8;
	v52 =	vld [tilespmem:s6+$0xFFFFFF90];
	v59 =	vadd.s32 v34, v50  }
0x327: {  	v53 =	vmov s9  }
0x328: {  	v53 =	vshrl.u32 v53, $0x3  }
0x329: {  	v53 =	vshll.u32 v53, v33  }
0x32a: {  	v60 =	vbroadcast v53, $0x0;
	[tilespmem:v58+s30+$0x0] =	vst.idx.msk $0xffff, v49  }
0x32b: {  	[tilespmem:v59+s30+$0x0] =	vst.idx.msk $0xffff, v52  }
0x32c: {  	v61 =	vadd.s32 v35, v60;
	v50 =	vld [tilespmem:s6+$0xFFFFFFA0]  }
0x32d: {  	s11 =	sadd.s32 $0xFFFFFFFB, s8;
	v49 =	vadd.s32 v36, v60;
	v52 =	vld [tilespmem:s6+$0xFFFFFFB0]  }
0x32e: {  	v62 =	vmov s11  }
0x32f: {  	v53 =	vshrl.u32 v62, $0x3  }
0x330: {  	v53 =	vshll.u32 v53, v33  }
0x331: {  	v63 =	vbroadcast v53, $0x0;
	[tilespmem:v61+s30+$0x0] =	vst.idx.msk $0xffff, v50  }
0x332: {  	[tilespmem:v49+s30+$0x0] =	vst.idx.msk $0xffff, v52  }
0x333: {  	v56 =	vadd.s32 v37, v63;
	v49 =	vld [tilespmem:s6+$0xFFFFFFC0]  }
0x334: {  	s17 =	sadd.s32 $0xFFFFFFFC, s8;
	v50 =	vadd.s32 v38, v63;
	v52 =	vld [tilespmem:s6+$0xFFFFFFD0]  }
0x335: {  	v57 =	vmov s17  }
0x336: {  	v53 =	vshrl.u32 v57, $0x3  }
0x337: {  	v53 =	vshll.u32 v53, v33  }
0x338: {  	v58 =	vbroadcast v53, $0x0;
	[tilespmem:v56+s30+$0x0] =	vst.idx.msk $0xffff, v49  }
0x339: {  	[tilespmem:v50+s30+$0x0] =	vst.idx.msk $0xffff, v52  }
0x33a: {  	v59 =	vadd.s32 v39, v58;
	v50 =	vld [tilespmem:s6+$0xFFFFFFE0]  }
0x33b: {  	s23 =	sadd.s32 $0xFFFFFFFD, s8;
	v49 =	vadd.s32 v40, v58;
	v52 =	vld [tilespmem:s6+$0xFFFFFFF0]  }
0x33c: {  	v60 =	vmov s23  }
0x33d: {  	v53 =	vshrl.u32 v60, $0x3  }
0x33e: {  	v53 =	vshll.u32 v53, v33  }
0x33f: {  	v61 =	vbroadcast v53, $0x0;
	[tilespmem:v59+s30+$0x0] =	vst.idx.msk $0xffff, v50  }
0x340: {  	[tilespmem:v49+s30+$0x0] =	vst.idx.msk $0xffff, v52  }
0x341: {  	v62 =	vadd.s32 v41, v61;
	v49 =	vld [tilespmem:s6+$0x0]  }
0x342: {  	s9 =	sadd.s32 $0xFFFFFFFE, s8;
	v50 =	vadd.s32 v42, v61;
	v52 =	vld [tilespmem:s6+$0x10]  }
0x343: {  	v63 =	vmov s9  }
0x344: {  	v53 =	vshrl.u32 v63, $0x3  }
0x345: {  	v53 =	vshll.u32 v53, v33  }
0x346: {  	v56 =	vbroadcast v53, $0x0;
	[tilespmem:v62+s30+$0x0] =	vst.idx.msk $0xffff, v49  }
0x347: {  	[tilespmem:v50+s30+$0x0] =	vst.idx.msk $0xffff, v52  }
0x348: {  	v57 =	vadd.s32 v43, v56;
	v50 =	vld [tilespmem:s6+$0x20]  }
0x349: {  	s11 =	sadd.s32 $0xFFFFFFFF, s8;
	v49 =	vadd.s32 v44, v56;
	v52 =	vld [tilespmem:s6+$0x30]  }
0x34a: {  	v58 =	vmov s11  }
0x34b: {  	v53 =	vshrl.u32 v58, $0x3  }
0x34c: {  	v53 =	vshll.u32 v53, v33  }
0x34d: {  	v59 =	vbroadcast v53, $0x0;
	[tilespmem:v57+s30+$0x0] =	vst.idx.msk $0xffff, v50  }
0x34e: {  	[tilespmem:v49+s30+$0x0] =	vst.idx.msk $0xffff, v52  }
0x34f: {  	v60 =	vadd.s32 v45, v59;
	v49 =	vld [tilespmem:s6+$0x40]  }
0x350: {  	v50 =	vadd.s32 v46, v59;
	v52 =	vld [tilespmem:s6+$0x50]  }
0x351: {  	v61 =	vmov s8  }
0x352: {  	v53 =	vshrl.u32 v61, $0x3  }
0x353: {  	v53 =	vshll.u32 v53, v33  }
0x354: {  	v62 =	vbroadcast v53, $0x0;
	[tilespmem:v60+s30+$0x0] =	vst.idx.msk $0xffff, v49  }
0x355: {  	[tilespmem:v50+s30+$0x0] =	vst.idx.msk $0xffff, v52  }
0x356: {  	v63 =	vadd.s32 v47, v62;
	v50 =	vld [tilespmem:s6+$0x60]  }
0x357: {  	v49 =	vadd.s32 v48, v62;
	v52 =	vld [tilespmem:s6+$0x70]  }
0x358: {  	s17 =	sshll.u32 s13, $0x13  }
0x359: {  	s6 =	sor.u32 s17, s4  }
0x35a: {  	s6 =	sshrl.u32 s6, $0x3  }
0x35b: {  	s17 =	sadd.s32 s6, s3;
	[tilespmem:v63+s30+$0x0] =	vst.idx.msk $0xffff, v50  }
0x35c: {  	s7 =	simm.s32 $0x220;
	s23 =	simm.s32 $0x13600;
	s6 =	sadd.s32 $0x20, s17;
	[tilespmem:v49+s30+$0x0] =	vst.idx.msk $0xffff, v52  }
0x35d: {  	[hbm4b:s6+s2] =	stream.linear.scatter [tilespmem:s23], [sflag:$0x7], $0x80, $0x38;
	[tilespmem:$0x15800] =	vst v63  }
.LBB2_15:
0x35e: {  	p0 =	sne.s32 s7, $0x41E0  }
.Ltmp6:
0x35f: {  	_ = 	snop;
	(pc) =	sbr.rel @p0 .LBB2_15-.Ltmp6, $4  }
0x360: {  	_ = 	snop  }
0x361: {  	s8 =	sshra.s32 s7, $0x2;
	s7 =	sadd.s32 $0x220, s7  }
0x362: {  	s6 =	sadd.s32 $0x800, s6;
	s8 =	sadd.s32 $0x13600, s8  }
0x363: {  	[hbm4b:s6+s2] =	stream.linear.scatter [tilespmem:s8], [sflag:$0x7], $0x80, $0x38;
	[tilespmem:$0x15800] =	vst v63  }
0x364: {  	s7 =	sadd.s32 $0x1, s13  }
0x365: {  	_ =	swait.ge [sflag:s31], $0x1000;
	s6 =	sshll.u32 s7, $0x9  }
0x366: {  	s8 =	simm.s32 $0x0;
	[sflag:s31] =	ssyncset.done $0x0;
	s6 =	sand.u32 $0x3FFFFE00, s6  }
0x367: {  	v49 =	vmov s8;
	[sflag:s31] =	ssyncadd.s32 $0xFFFFF000;
	s6 =	sadd.s32 $0x7080, s6  }
0x368: {  	v49 =	vshrl.u32 v49, $0x3;
	[tilespmem:s18], [sflag:$0x2] =	stream.indirect.gather [hbm4b:s5+s14], $0x20, s6, s14, $0xb8;
	[tilespmem:$0x15800] =	vst v63  }
0x369: {  	v49 =	vshll.u32 v49, v33;
	_ =	swait.ge [sflag:s0], $0x1000  }
0x36a: {  	v49 =	vbroadcast v49, $0x0;
	[sflag:s0] =	ssyncset.done $0x0  }
0x36b: {  	s8 =	simm.s32 $0x10480;
	[sflag:s0] =	ssyncadd.s32 $0xFFFFF000  }
0x36c: {  	v51 =	vadd.s32 v30, v49;
	v50 =	vld [tilespmem:s8+$0xFFFFFF80]  }
0x36d: {  	s11 =	simm.s32 $0x1;
	v49 =	vadd.s32 v34, v49;
	v52 =	vld [tilespmem:s8+$0xFFFFFF90]  }
0x36e: {  	v53 =	vmov s11  }
0x36f: {  	v53 =	vshrl.u32 v53, $0x3  }
0x370: {  	v53 =	vshll.u32 v53, v33  }
0x371: {  	v59 =	vbroadcast v53, $0x0;
	[tilespmem:v51+s1+$0x0] =	vst.idx.msk $0xffff, v50  }
0x372: {  	[tilespmem:v49+s1+$0x0] =	vst.idx.msk $0xffff, v52  }
0x373: {  	v60 =	vadd.s32 v35, v59;
	v49 =	vld [tilespmem:s8+$0xFFFFFFA0]  }
0x374: {  	s23 =	simm.s32 $0x2;
	v50 =	vadd.s32 v36, v59;
	v52 =	vld [tilespmem:s8+$0xFFFFFFB0]  }
0x375: {  	v61 =	vmov s23  }
0x376: {  	v53 =	vshrl.u32 v61, $0x3  }
0x377: {  	v53 =	vshll.u32 v53, v33  }
0x378: {  	v62 =	vbroadcast v53, $0x0;
	[tilespmem:v60+s1+$0x0] =	vst.idx.msk $0xffff, v49  }
0x379: {  	[tilespmem:v50+s1+$0x0] =	vst.idx.msk $0xffff, v52  }
0x37a: {  	v63 =	vadd.s32 v37, v62;
	v50 =	vld [tilespmem:s8+$0xFFFFFFC0]  }
0x37b: {  	s9 =	simm.s32 $0x3;
	v49 =	vadd.s32 v38, v62;
	v52 =	vld [tilespmem:s8+$0xFFFFFFD0]  }
0x37c: {  	v56 =	vmov s9  }
0x37d: {  	v53 =	vshrl.u32 v56, $0x3  }
0x37e: {  	v53 =	vshll.u32 v53, v33  }
0x37f: {  	v57 =	vbroadcast v53, $0x0;
	[tilespmem:v63+s1+$0x0] =	vst.idx.msk $0xffff, v50  }
0x380: {  	[tilespmem:v49+s1+$0x0] =	vst.idx.msk $0xffff, v52  }
0x381: {  	v58 =	vadd.s32 v39, v57;
	v49 =	vld [tilespmem:s8+$0xFFFFFFE0]  }
0x382: {  	s11 =	simm.s32 $0x4;
	v50 =	vadd.s32 v40, v57;
	v52 =	vld [tilespmem:s8+$0xFFFFFFF0]  }
0x383: {  	v59 =	vmov s11  }
0x384: {  	v53 =	vshrl.u32 v59, $0x3  }
0x385: {  	v53 =	vshll.u32 v53, v33  }
0x386: {  	v60 =	vbroadcast v53, $0x0;
	[tilespmem:v58+s1+$0x0] =	vst.idx.msk $0xffff, v49  }
0x387: {  	[tilespmem:v50+s1+$0x0] =	vst.idx.msk $0xffff, v52  }
0x388: {  	v61 =	vadd.s32 v41, v60;
	v50 =	vld [tilespmem:s8+$0x0]  }
0x389: {  	s23 =	simm.s32 $0x5;
	v49 =	vadd.s32 v42, v60;
	v52 =	vld [tilespmem:s8+$0x10]  }
0x38a: {  	v62 =	vmov s23  }
0x38b: {  	v53 =	vshrl.u32 v62, $0x3  }
0x38c: {  	v53 =	vshll.u32 v53, v33  }
0x38d: {  	v63 =	vbroadcast v53, $0x0;
	[tilespmem:v61+s1+$0x0] =	vst.idx.msk $0xffff, v50  }
0x38e: {  	[tilespmem:v49+s1+$0x0] =	vst.idx.msk $0xffff, v52  }
0x38f: {  	v56 =	vadd.s32 v43, v63;
	v49 =	vld [tilespmem:s8+$0x20]  }
0x390: {  	s9 =	simm.s32 $0x6;
	v50 =	vadd.s32 v44, v63;
	v52 =	vld [tilespmem:s8+$0x30]  }
0x391: {  	v57 =	vmov s9  }
0x392: {  	v53 =	vshrl.u32 v57, $0x3  }
0x393: {  	v53 =	vshll.u32 v53, v33  }
0x394: {  	v58 =	vbroadcast v53, $0x0;
	[tilespmem:v56+s1+$0x0] =	vst.idx.msk $0xffff, v49  }
0x395: {  	[tilespmem:v50+s1+$0x0] =	vst.idx.msk $0xffff, v52  }
0x396: {  	v59 =	vadd.s32 v45, v58;
	v50 =	vld [tilespmem:s8+$0x40]  }
0x397: {  	s11 =	simm.s32 $0x7;
	v49 =	vadd.s32 v46, v58;
	v52 =	vld [tilespmem:s8+$0x50]  }
0x398: {  	v60 =	vmov s11  }
0x399: {  	v53 =	vshrl.u32 v60, $0x3  }
0x39a: {  	v53 =	vshll.u32 v53, v33  }
0x39b: {  	v61 =	vbroadcast v53, $0x0;
	[tilespmem:v59+s1+$0x0] =	vst.idx.msk $0xffff, v50  }
0x39c: {  	[tilespmem:v49+s1+$0x0] =	vst.idx.msk $0xffff, v52  }
0x39d: {  	v53 =	vadd.s32 v47, v61;
	v52 =	vld [tilespmem:s8+$0x60]  }
0x39e: {  	s23 =	simm.s32 $0x8  }
0x39f: {  	v62 =	vmov s23;
	v51 =	vadd.s32 v48, v61;
	v49 =	vld [tilespmem:s8+$0x70]  }
0x3a0: {  	v63 =	vshrl.u32 v62, $0x3  }
0x3a1: {  	v54 =	vshll.u32 v63, v33  }
0x3a2: {  	s9 =	simm.s32 $0xF;
	s11 =	simm.s32 $0x17;
	v50 =	vbroadcast v54, $0x0;
	[tilespmem:v53+s1+$0x0] =	vst.idx.msk $0xffff, v52  }
.LBB2_17:
0x3a3: {  	p0 =	sne.s32 s11, $0x7F  }
0x3a4: {  	[tilespmem:v51+s1+$0x0] =	vst.idx.msk $0xffff, v49;
	s8 =	sadd.s32 $0x100, s8;
	s6 =	smov.u32 s11;
	s11 =	sadd.s32 $0x8, s11  }
0x3a5: {  	v49 =	vld [tilespmem:s8+$0xFFFFFF80];
	v51 =	vadd.s32 v30, v50  }
0x3a6: {  	s23 =	sadd.s32 $0xFFFFFFFA, s9;
	v50 =	vadd.s32 v34, v50;
	v52 =	vld [tilespmem:s8+$0xFFFFFF90]  }
0x3a7: {  	v53 =	vmov s23  }
0x3a8: {  	v53 =	vshrl.u32 v53, $0x3  }
0x3a9: {  	v53 =	vshll.u32 v53, v33  }
0x3aa: {  	[tilespmem:v51+s1+$0x0] =	vst.idx.msk $0xffff, v49;
	v49 =	vbroadcast v53, $0x0  }
0x3ab: {  	[tilespmem:v50+s1+$0x0] =	vst.idx.msk $0xffff, v52  }
0x3ac: {  	v50 =	vld [tilespmem:s8+$0xFFFFFFA0];
	v51 =	vadd.s32 v35, v49  }
0x3ad: {  	s23 =	sadd.s32 $0xFFFFFFFB, s9;
	v49 =	vadd.s32 v36, v49;
	v52 =	vld [tilespmem:s8+$0xFFFFFFB0]  }
0x3ae: {  	v53 =	vmov s23  }
0x3af: {  	v53 =	vshrl.u32 v53, $0x3  }
0x3b0: {  	v53 =	vshll.u32 v53, v33  }
0x3b1: {  	[tilespmem:v51+s1+$0x0] =	vst.idx.msk $0xffff, v50;
	v50 =	vbroadcast v53, $0x0  }
0x3b2: {  	[tilespmem:v49+s1+$0x0] =	vst.idx.msk $0xffff, v52  }
0x3b3: {  	v49 =	vld [tilespmem:s8+$0xFFFFFFC0];
	v51 =	vadd.s32 v37, v50  }
0x3b4: {  	s23 =	sadd.s32 $0xFFFFFFFC, s9;
	v50 =	vadd.s32 v38, v50;
	v52 =	vld [tilespmem:s8+$0xFFFFFFD0]  }
0x3b5: {  	v53 =	vmov s23  }
0x3b6: {  	v53 =	vshrl.u32 v53, $0x3  }
0x3b7: {  	v53 =	vshll.u32 v53, v33  }
0x3b8: {  	[tilespmem:v51+s1+$0x0] =	vst.idx.msk $0xffff, v49;
	v49 =	vbroadcast v53, $0x0  }
0x3b9: {  	[tilespmem:v50+s1+$0x0] =	vst.idx.msk $0xffff, v52  }
0x3ba: {  	v50 =	vld [tilespmem:s8+$0xFFFFFFE0];
	v51 =	vadd.s32 v39, v49  }
0x3bb: {  	s23 =	sadd.s32 $0xFFFFFFFD, s9;
	v49 =	vadd.s32 v40, v49;
	v52 =	vld [tilespmem:s8+$0xFFFFFFF0]  }
0x3bc: {  	v53 =	vmov s23  }
0x3bd: {  	v53 =	vshrl.u32 v53, $0x3  }
0x3be: {  	v53 =	vshll.u32 v53, v33  }
0x3bf: {  	[tilespmem:v51+s1+$0x0] =	vst.idx.msk $0xffff, v50;
	v50 =	vbroadcast v53, $0x0  }
0x3c0: {  	[tilespmem:v49+s1+$0x0] =	vst.idx.msk $0xffff, v52  }
0x3c1: {  	v49 =	vld [tilespmem:s8+$0x0];
	v51 =	vadd.s32 v41, v50  }
0x3c2: {  	s23 =	sadd.s32 $0xFFFFFFFE, s9;
	v50 =	vadd.s32 v42, v50;
	v52 =	vld [tilespmem:s8+$0x10]  }
0x3c3: {  	v53 =	vmov s23  }
0x3c4: {  	v53 =	vshrl.u32 v53, $0x3  }
0x3c5: {  	v53 =	vshll.u32 v53, v33  }
0x3c6: {  	[tilespmem:v51+s1+$0x0] =	vst.idx.msk $0xffff, v49;
	v49 =	vbroadcast v53, $0x0  }
0x3c7: {  	[tilespmem:v50+s1+$0x0] =	vst.idx.msk $0xffff, v52  }
0x3c8: {  	v50 =	vld [tilespmem:s8+$0x20];
	v51 =	vadd.s32 v43, v49  }
0x3c9: {  	s23 =	sadd.s32 $0xFFFFFFFF, s9;
	v49 =	vadd.s32 v44, v49;
	v52 =	vld [tilespmem:s8+$0x30]  }
0x3ca: {  	v53 =	vmov s23  }
0x3cb: {  	v53 =	vshrl.u32 v53, $0x3  }
0x3cc: {  	v53 =	vshll.u32 v53, v33  }
0x3cd: {  	[tilespmem:v51+s1+$0x0] =	vst.idx.msk $0xffff, v50;
	v50 =	vbroadcast v53, $0x0  }
0x3ce: {  	[tilespmem:v49+s1+$0x0] =	vst.idx.msk $0xffff, v52  }
0x3cf: {  	v49 =	vld [tilespmem:s8+$0x40];
	v51 =	vadd.s32 v45, v50  }
0x3d0: {  	v50 =	vadd.s32 v46, v50;
	v52 =	vld [tilespmem:s8+$0x50]  }
0x3d1: {  	v53 =	vmov s9;
	s9 =	smov.u32 s6  }
0x3d2: {  	v53 =	vshrl.u32 v53, $0x3  }
0x3d3: {  	v53 =	vshll.u32 v53, v33  }
0x3d4: {  	[tilespmem:v51+s1+$0x0] =	vst.idx.msk $0xffff, v49;
	v51 =	vbroadcast v53, $0x0  }
0x3d5: {  	[tilespmem:v50+s1+$0x0] =	vst.idx.msk $0xffff, v52  }
0x3d6: {  	v52 =	vld [tilespmem:s8+$0x60];
	v53 =	vadd.s32 v47, v51  }
.Ltmp7:
0x3d7: {  	s6 =	sadd.s32 $0xFFFFFFF9, s9;
	v51 =	vadd.s32 v48, v51;
	v49 =	vld [tilespmem:s8+$0x70];
	(pc) =	sbr.rel @p0 .LBB2_17-.Ltmp7, $4  }
0x3d8: {  	v50 =	vmov s6  }
0x3d9: {  	v50 =	vshrl.u32 v50, $0x3  }
0x3da: {  	v50 =	vshll.u32 v50, v33  }
0x3db: {  	v50 =	vbroadcast v50, $0x0;
	[tilespmem:v53+s1+$0x0] =	vst.idx.msk $0xffff, v52  }
0x3dc: {  	_ =	sdelay $0x3  }
0x3dd: {  	[tilespmem:v51+s1+$0x0] =	vst.idx.msk $0xffff, v49;
	s6 =	sadd.s32 $0x100, s8  }
0x3de: {  	v49 =	vld [tilespmem:s6+$0xFFFFFF80];
	v58 =	vadd.s32 v30, v50  }
0x3df: {  	s23 =	sadd.s32 $0xFFFFFFFA, s9;
	v52 =	vld [tilespmem:s6+$0xFFFFFF90];
	v59 =	vadd.s32 v34, v50  }
0x3e0: {  	v53 =	vmov s23  }
0x3e1: {  	v53 =	vshrl.u32 v53, $0x3  }
0x3e2: {  	v53 =	vshll.u32 v53, v33  }
0x3e3: {  	v60 =	vbroadcast v53, $0x0;
	[tilespmem:v58+s1+$0x0] =	vst.idx.msk $0xffff, v49  }
0x3e4: {  	[tilespmem:v59+s1+$0x0] =	vst.idx.msk $0xffff, v52  }
0x3e5: {  	v61 =	vadd.s32 v35, v60;
	v50 =	vld [tilespmem:s6+$0xFFFFFFA0]  }
0x3e6: {  	s11 =	sadd.s32 $0xFFFFFFFB, s9;
	v49 =	vadd.s32 v36, v60;
	v52 =	vld [tilespmem:s6+$0xFFFFFFB0]  }
0x3e7: {  	v62 =	vmov s11  }
0x3e8: {  	v53 =	vshrl.u32 v62, $0x3  }
0x3e9: {  	v53 =	vshll.u32 v53, v33  }
0x3ea: {  	v63 =	vbroadcast v53, $0x0;
	[tilespmem:v61+s1+$0x0] =	vst.idx.msk $0xffff, v50  }
0x3eb: {  	[tilespmem:v49+s1+$0x0] =	vst.idx.msk $0xffff, v52  }
0x3ec: {  	v56 =	vadd.s32 v37, v63;
	v49 =	vld [tilespmem:s6+$0xFFFFFFC0]  }
0x3ed: {  	s23 =	sadd.s32 $0xFFFFFFFC, s9;
	v50 =	vadd.s32 v38, v63;
	v52 =	vld [tilespmem:s6+$0xFFFFFFD0]  }
0x3ee: {  	v57 =	vmov s23  }
0x3ef: {  	v53 =	vshrl.u32 v57, $0x3  }
0x3f0: {  	v53 =	vshll.u32 v53, v33  }
0x3f1: {  	v58 =	vbroadcast v53, $0x0;
	[tilespmem:v56+s1+$0x0] =	vst.idx.msk $0xffff, v49  }
0x3f2: {  	[tilespmem:v50+s1+$0x0] =	vst.idx.msk $0xffff, v52  }
0x3f3: {  	v59 =	vadd.s32 v39, v58;
	v50 =	vld [tilespmem:s6+$0xFFFFFFE0]  }
0x3f4: {  	s11 =	sadd.s32 $0xFFFFFFFD, s9;
	v49 =	vadd.s32 v40, v58;
	v52 =	vld [tilespmem:s6+$0xFFFFFFF0]  }
0x3f5: {  	v60 =	vmov s11  }
0x3f6: {  	v53 =	vshrl.u32 v60, $0x3  }
0x3f7: {  	v53 =	vshll.u32 v53, v33  }
0x3f8: {  	v61 =	vbroadcast v53, $0x0;
	[tilespmem:v59+s1+$0x0] =	vst.idx.msk $0xffff, v50  }
0x3f9: {  	[tilespmem:v49+s1+$0x0] =	vst.idx.msk $0xffff, v52  }
0x3fa: {  	v62 =	vadd.s32 v41, v61;
	v49 =	vld [tilespmem:s6+$0x0]  }
0x3fb: {  	s23 =	sadd.s32 $0xFFFFFFFE, s9;
	v50 =	vadd.s32 v42, v61;
	v52 =	vld [tilespmem:s6+$0x10]  }
0x3fc: {  	v63 =	vmov s23  }
0x3fd: {  	v53 =	vshrl.u32 v63, $0x3  }
0x3fe: {  	v53 =	vshll.u32 v53, v33  }
0x3ff: {  	v56 =	vbroadcast v53, $0x0;
	[tilespmem:v62+s1+$0x0] =	vst.idx.msk $0xffff, v49  }
0x400: {  	[tilespmem:v50+s1+$0x0] =	vst.idx.msk $0xffff, v52  }
0x401: {  	v57 =	vadd.s32 v43, v56;
	v50 =	vld [tilespmem:s6+$0x20]  }
0x402: {  	s11 =	sadd.s32 $0xFFFFFFFF, s9;
	v49 =	vadd.s32 v44, v56;
	v52 =	vld [tilespmem:s6+$0x30]  }
0x403: {  	v58 =	vmov s11  }
0x404: {  	v53 =	vshrl.u32 v58, $0x3  }
0x405: {  	v53 =	vshll.u32 v53, v33  }
0x406: {  	v59 =	vbroadcast v53, $0x0;
	[tilespmem:v57+s1+$0x0] =	vst.idx.msk $0xffff, v50  }
0x407: {  	[tilespmem:v49+s1+$0x0] =	vst.idx.msk $0xffff, v52  }
0x408: {  	v60 =	vadd.s32 v45, v59;
	v49 =	vld [tilespmem:s6+$0x40]  }
0x409: {  	v50 =	vadd.s32 v46, v59;
	v52 =	vld [tilespmem:s6+$0x50]  }
0x40a: {  	v61 =	vmov s9  }
0x40b: {  	v53 =	vshrl.u32 v61, $0x3  }
0x40c: {  	v53 =	vshll.u32 v53, v33  }
0x40d: {  	v62 =	vbroadcast v53, $0x0;
	[tilespmem:v60+s1+$0x0] =	vst.idx.msk $0xffff, v49  }
0x40e: {  	[tilespmem:v50+s1+$0x0] =	vst.idx.msk $0xffff, v52  }
0x40f: {  	v63 =	vadd.s32 v47, v62;
	v50 =	vld [tilespmem:s6+$0x60]  }
0x410: {  	v49 =	vadd.s32 v48, v62;
	v52 =	vld [tilespmem:s6+$0x70];
	_ =	sdelay $0x3  }
0x411: {  	[tilespmem:v63+s1+$0x0] =	vst.idx.msk $0xffff, v50  }
0x412: {  	s8 =	simm.s32 $0x220;
	s23 =	simm.s32 $0x14700;
	s6 =	sadd.s32 $0x30, s17;
	[tilespmem:v49+s1+$0x0] =	vst.idx.msk $0xffff, v52  }
0x413: {  	[hbm4b:s6+s2] =	stream.linear.scatter [tilespmem:s23], [sflag:$0x8], $0x80, $0x38;
	[tilespmem:$0x15800] =	vst v63  }
.LBB2_19:
0x414: {  	p0 =	sne.s32 s8, $0x41E0  }
.Ltmp8:
0x415: {  	_ = 	snop;
	(pc) =	sbr.rel @p0 .LBB2_19-.Ltmp8, $4  }
0x416: {  	_ = 	snop  }
0x417: {  	s9 =	sshra.s32 s8, $0x2;
	s8 =	sadd.s32 $0x220, s8  }
0x418: {  	s6 =	sadd.s32 $0x800, s6;
	s9 =	sadd.s32 $0x14700, s9  }
0x419: {  	[hbm4b:s6+s2] =	stream.linear.scatter [tilespmem:s9], [sflag:$0x8], $0x80, $0x38;
	[tilespmem:$0x15800] =	vst v63  }
0x41a: {  	s6 =	simm.s32 $0x7  }
0x41b: {  	s8 =	sshll.u32 s13, $0x9;
	_ =	swait.ge [sflag:s6], $0x1000  }
0x41c: {  	s17 =	simm.s32 $0x0;
	s13 =	sand.u32 $0x3FFFFE00, s8;
	[sflag:s6] =	ssyncset.done $0x0  }
0x41d: {  	v49 =	vmov s17;
	s9 =	sadd.s32 $0x7300, s13;
	[sflag:s6] =	ssyncadd.s32 $0xFFFFF000  }
0x41e: {  	v49 =	vshrl.u32 v49, $0x3;
	[tilespmem:s20], [sflag:$0x3] =	stream.indirect.gather [hbm4b:s5+s14], $0x20, s9, s14, $0xb8;
	[tilespmem:$0x15800] =	vst v63  }
0x41f: {  	v49 =	vshll.u32 v49, v33;
	_ =	swait.ge [sflag:s21], $0x1000  }
0x420: {  	v49 =	vbroadcast v49, $0x0;
	[sflag:s21] =	ssyncset.done $0x0  }
0x421: {  	s8 =	simm.s32 $0xD480;
	[sflag:s21] =	ssyncadd.s32 $0xFFFFF000  }
0x422: {  	v51 =	vadd.s32 v30, v49;
	v50 =	vld [tilespmem:s8+$0xFFFFFF80]  }
0x423: {  	s23 =	simm.s32 $0x1;
	v49 =	vadd.s32 v34, v49;
	v52 =	vld [tilespmem:s8+$0xFFFFFF90]  }
0x424: {  	v53 =	vmov s23  }
0x425: {  	v53 =	vshrl.u32 v53, $0x3  }
0x426: {  	v53 =	vshll.u32 v53, v33  }
0x427: {  	v59 =	vbroadcast v53, $0x0;
	[tilespmem:v51+s22+$0x0] =	vst.idx.msk $0xffff, v50  }
0x428: {  	[tilespmem:v49+s22+$0x0] =	vst.idx.msk $0xffff, v52  }
0x429: {  	v60 =	vadd.s32 v35, v59;
	v49 =	vld [tilespmem:s8+$0xFFFFFFA0]  }
0x42a: {  	s11 =	simm.s32 $0x2;
	v50 =	vadd.s32 v36, v59;
	v52 =	vld [tilespmem:s8+$0xFFFFFFB0]  }
0x42b: {  	v61 =	vmov s11  }
0x42c: {  	v53 =	vshrl.u32 v61, $0x3  }
0x42d: {  	v53 =	vshll.u32 v53, v33  }
0x42e: {  	v62 =	vbroadcast v53, $0x0;
	[tilespmem:v60+s22+$0x0] =	vst.idx.msk $0xffff, v49  }
0x42f: {  	[tilespmem:v50+s22+$0x0] =	vst.idx.msk $0xffff, v52  }
0x430: {  	v63 =	vadd.s32 v37, v62;
	v50 =	vld [tilespmem:s8+$0xFFFFFFC0]  }
0x431: {  	s17 =	simm.s32 $0x3;
	v49 =	vadd.s32 v38, v62;
	v52 =	vld [tilespmem:s8+$0xFFFFFFD0]  }
0x432: {  	v56 =	vmov s17  }
0x433: {  	v53 =	vshrl.u32 v56, $0x3  }
0x434: {  	v53 =	vshll.u32 v53, v33  }
0x435: {  	v57 =	vbroadcast v53, $0x0;
	[tilespmem:v63+s22+$0x0] =	vst.idx.msk $0xffff, v50  }
0x436: {  	[tilespmem:v49+s22+$0x0] =	vst.idx.msk $0xffff, v52  }
0x437: {  	v58 =	vadd.s32 v39, v57;
	v49 =	vld [tilespmem:s8+$0xFFFFFFE0]  }
0x438: {  	s23 =	simm.s32 $0x4;
	v50 =	vadd.s32 v40, v57;
	v52 =	vld [tilespmem:s8+$0xFFFFFFF0]  }
0x439: {  	v59 =	vmov s23  }
0x43a: {  	v53 =	vshrl.u32 v59, $0x3  }
0x43b: {  	v53 =	vshll.u32 v53, v33  }
0x43c: {  	v60 =	vbroadcast v53, $0x0;
	[tilespmem:v58+s22+$0x0] =	vst.idx.msk $0xffff, v49  }
0x43d: {  	[tilespmem:v50+s22+$0x0] =	vst.idx.msk $0xffff, v52  }
0x43e: {  	v61 =	vadd.s32 v41, v60;
	v50 =	vld [tilespmem:s8+$0x0]  }
0x43f: {  	s11 =	simm.s32 $0x5;
	v49 =	vadd.s32 v42, v60;
	v52 =	vld [tilespmem:s8+$0x10]  }
0x440: {  	v62 =	vmov s11  }
0x441: {  	v53 =	vshrl.u32 v62, $0x3  }
0x442: {  	v53 =	vshll.u32 v53, v33  }
0x443: {  	v63 =	vbroadcast v53, $0x0;
	[tilespmem:v61+s22+$0x0] =	vst.idx.msk $0xffff, v50  }
0x444: {  	[tilespmem:v49+s22+$0x0] =	vst.idx.msk $0xffff, v52  }
0x445: {  	v56 =	vadd.s32 v43, v63;
	v49 =	vld [tilespmem:s8+$0x20]  }
0x446: {  	s17 =	simm.s32 $0x6;
	v50 =	vadd.s32 v44, v63;
	v52 =	vld [tilespmem:s8+$0x30]  }
0x447: {  	v57 =	vmov s17  }
0x448: {  	v53 =	vshrl.u32 v57, $0x3  }
0x449: {  	v53 =	vshll.u32 v53, v33  }
0x44a: {  	v58 =	vbroadcast v53, $0x0;
	[tilespmem:v56+s22+$0x0] =	vst.idx.msk $0xffff, v49  }
0x44b: {  	[tilespmem:v50+s22+$0x0] =	vst.idx.msk $0xffff, v52  }
0x44c: {  	v59 =	vadd.s32 v45, v58;
	v50 =	vld [tilespmem:s8+$0x40]  }
0x44d: {  	v49 =	vadd.s32 v46, v58;
	v52 =	vld [tilespmem:s8+$0x50]  }
0x44e: {  	v60 =	vmov s6  }
0x44f: {  	v53 =	vshrl.u32 v60, $0x3  }
0x450: {  	v53 =	vshll.u32 v53, v33  }
0x451: {  	v61 =	vbroadcast v53, $0x0;
	[tilespmem:v59+s22+$0x0] =	vst.idx.msk $0xffff, v50  }
0x452: {  	[tilespmem:v49+s22+$0x0] =	vst.idx.msk $0xffff, v52  }
0x453: {  	v53 =	vadd.s32 v47, v61;
	v52 =	vld [tilespmem:s8+$0x60]  }
0x454: {  	s23 =	simm.s32 $0x8  }
0x455: {  	v62 =	vmov s23;
	v51 =	vadd.s32 v48, v61;
	v49 =	vld [tilespmem:s8+$0x70]  }
0x456: {  	v63 =	vshrl.u32 v62, $0x3  }
0x457: {  	v54 =	vshll.u32 v63, v33  }
0x458: {  	s9 =	simm.s32 $0xF;
	s11 =	simm.s32 $0x17;
	v50 =	vbroadcast v54, $0x0;
	[tilespmem:v53+s22+$0x0] =	vst.idx.msk $0xffff, v52  }
.LBB2_21:
0x459: {  	p0 =	sne.s32 s11, $0x7F  }
0x45a: {  	[tilespmem:v51+s22+$0x0] =	vst.idx.msk $0xffff, v49;
	s8 =	sadd.s32 $0x100, s8;
	s6 =	smov.u32 s11;
	s11 =	sadd.s32 $0x8, s11  }
0x45b: {  	v49 =	vld [tilespmem:s8+$0xFFFFFF80];
	v51 =	vadd.s32 v30, v50  }
0x45c: {  	s17 =	sadd.s32 $0xFFFFFFFA, s9;
	v50 =	vadd.s32 v34, v50;
	v52 =	vld [tilespmem:s8+$0xFFFFFF90]  }
0x45d: {  	v53 =	vmov s17  }
0x45e: {  	v53 =	vshrl.u32 v53, $0x3  }
0x45f: {  	v53 =	vshll.u32 v53, v33  }
0x460: {  	[tilespmem:v51+s22+$0x0] =	vst.idx.msk $0xffff, v49;
	v49 =	vbroadcast v53, $0x0  }
0x461: {  	[tilespmem:v50+s22+$0x0] =	vst.idx.msk $0xffff, v52  }
0x462: {  	v50 =	vld [tilespmem:s8+$0xFFFFFFA0];
	v51 =	vadd.s32 v35, v49  }
0x463: {  	s17 =	sadd.s32 $0xFFFFFFFB, s9;
	v49 =	vadd.s32 v36, v49;
	v52 =	vld [tilespmem:s8+$0xFFFFFFB0]  }
0x464: {  	v53 =	vmov s17  }
0x465: {  	v53 =	vshrl.u32 v53, $0x3  }
0x466: {  	v53 =	vshll.u32 v53, v33  }
0x467: {  	[tilespmem:v51+s22+$0x0] =	vst.idx.msk $0xffff, v50;
	v50 =	vbroadcast v53, $0x0  }
0x468: {  	[tilespmem:v49+s22+$0x0] =	vst.idx.msk $0xffff, v52  }
0x469: {  	v49 =	vld [tilespmem:s8+$0xFFFFFFC0];
	v51 =	vadd.s32 v37, v50  }
0x46a: {  	s17 =	sadd.s32 $0xFFFFFFFC, s9;
	v50 =	vadd.s32 v38, v50;
	v52 =	vld [tilespmem:s8+$0xFFFFFFD0]  }
0x46b: {  	v53 =	vmov s17  }
0x46c: {  	v53 =	vshrl.u32 v53, $0x3  }
0x46d: {  	v53 =	vshll.u32 v53, v33  }
0x46e: {  	[tilespmem:v51+s22+$0x0] =	vst.idx.msk $0xffff, v49;
	v49 =	vbroadcast v53, $0x0  }
0x46f: {  	[tilespmem:v50+s22+$0x0] =	vst.idx.msk $0xffff, v52  }
0x470: {  	v50 =	vld [tilespmem:s8+$0xFFFFFFE0];
	v51 =	vadd.s32 v39, v49  }
0x471: {  	s17 =	sadd.s32 $0xFFFFFFFD, s9;
	v49 =	vadd.s32 v40, v49;
	v52 =	vld [tilespmem:s8+$0xFFFFFFF0]  }
0x472: {  	v53 =	vmov s17  }
0x473: {  	v53 =	vshrl.u32 v53, $0x3  }
0x474: {  	v53 =	vshll.u32 v53, v33  }
0x475: {  	[tilespmem:v51+s22+$0x0] =	vst.idx.msk $0xffff, v50;
	v50 =	vbroadcast v53, $0x0  }
0x476: {  	[tilespmem:v49+s22+$0x0] =	vst.idx.msk $0xffff, v52  }
0x477: {  	v49 =	vld [tilespmem:s8+$0x0];
	v51 =	vadd.s32 v41, v50  }
0x478: {  	s17 =	sadd.s32 $0xFFFFFFFE, s9;
	v50 =	vadd.s32 v42, v50;
	v52 =	vld [tilespmem:s8+$0x10]  }
0x479: {  	v53 =	vmov s17  }
0x47a: {  	v53 =	vshrl.u32 v53, $0x3  }
0x47b: {  	v53 =	vshll.u32 v53, v33  }
0x47c: {  	[tilespmem:v51+s22+$0x0] =	vst.idx.msk $0xffff, v49;
	v49 =	vbroadcast v53, $0x0  }
0x47d: {  	[tilespmem:v50+s22+$0x0] =	vst.idx.msk $0xffff, v52  }
0x47e: {  	v50 =	vld [tilespmem:s8+$0x20];
	v51 =	vadd.s32 v43, v49  }
0x47f: {  	s17 =	sadd.s32 $0xFFFFFFFF, s9;
	v49 =	vadd.s32 v44, v49;
	v52 =	vld [tilespmem:s8+$0x30]  }
0x480: {  	v53 =	vmov s17  }
0x481: {  	v53 =	vshrl.u32 v53, $0x3  }
0x482: {  	v53 =	vshll.u32 v53, v33  }
0x483: {  	[tilespmem:v51+s22+$0x0] =	vst.idx.msk $0xffff, v50;
	v50 =	vbroadcast v53, $0x0  }
0x484: {  	[tilespmem:v49+s22+$0x0] =	vst.idx.msk $0xffff, v52  }
0x485: {  	v49 =	vld [tilespmem:s8+$0x40];
	v51 =	vadd.s32 v45, v50  }
0x486: {  	v50 =	vadd.s32 v46, v50;
	v52 =	vld [tilespmem:s8+$0x50]  }
0x487: {  	v53 =	vmov s9;
	s9 =	smov.u32 s6  }
0x488: {  	v53 =	vshrl.u32 v53, $0x3  }
0x489: {  	v53 =	vshll.u32 v53, v33  }
0x48a: {  	[tilespmem:v51+s22+$0x0] =	vst.idx.msk $0xffff, v49;
	v51 =	vbroadcast v53, $0x0  }
0x48b: {  	[tilespmem:v50+s22+$0x0] =	vst.idx.msk $0xffff, v52  }
0x48c: {  	v52 =	vld [tilespmem:s8+$0x60];
	v53 =	vadd.s32 v47, v51  }
.Ltmp9:
0x48d: {  	s6 =	sadd.s32 $0xFFFFFFF9, s9;
	v51 =	vadd.s32 v48, v51;
	v49 =	vld [tilespmem:s8+$0x70];
	(pc) =	sbr.rel @p0 .LBB2_21-.Ltmp9, $4  }
0x48e: {  	v50 =	vmov s6  }
0x48f: {  	v50 =	vshrl.u32 v50, $0x3  }
0x490: {  	v50 =	vshll.u32 v50, v33  }
0x491: {  	v50 =	vbroadcast v50, $0x0;
	[tilespmem:v53+s22+$0x0] =	vst.idx.msk $0xffff, v52  }
0x492: {  	_ =	sdelay $0x3  }
0x493: {  	[tilespmem:v51+s22+$0x0] =	vst.idx.msk $0xffff, v49;
	s6 =	sadd.s32 $0x100, s8  }
0x494: {  	v49 =	vld [tilespmem:s6+$0xFFFFFF80];
	v58 =	vadd.s32 v30, v50  }
0x495: {  	s17 =	sadd.s32 $0xFFFFFFFA, s9;
	v52 =	vld [tilespmem:s6+$0xFFFFFF90];
	v59 =	vadd.s32 v34, v50  }
0x496: {  	v53 =	vmov s17  }
0x497: {  	v53 =	vshrl.u32 v53, $0x3  }
0x498: {  	v53 =	vshll.u32 v53, v33  }
0x499: {  	v60 =	vbroadcast v53, $0x0;
	[tilespmem:v58+s22+$0x0] =	vst.idx.msk $0xffff, v49  }
0x49a: {  	[tilespmem:v59+s22+$0x0] =	vst.idx.msk $0xffff, v52  }
0x49b: {  	v61 =	vadd.s32 v35, v60;
	v50 =	vld [tilespmem:s6+$0xFFFFFFA0]  }
0x49c: {  	s23 =	sadd.s32 $0xFFFFFFFB, s9;
	v49 =	vadd.s32 v36, v60;
	v52 =	vld [tilespmem:s6+$0xFFFFFFB0]  }
0x49d: {  	v62 =	vmov s23  }
0x49e: {  	v53 =	vshrl.u32 v62, $0x3  }
0x49f: {  	v53 =	vshll.u32 v53, v33  }
0x4a0: {  	v63 =	vbroadcast v53, $0x0;
	[tilespmem:v61+s22+$0x0] =	vst.idx.msk $0xffff, v50  }
0x4a1: {  	[tilespmem:v49+s22+$0x0] =	vst.idx.msk $0xffff, v52  }
0x4a2: {  	v56 =	vadd.s32 v37, v63;
	v49 =	vld [tilespmem:s6+$0xFFFFFFC0]  }
0x4a3: {  	s11 =	sadd.s32 $0xFFFFFFFC, s9;
	v50 =	vadd.s32 v38, v63;
	v52 =	vld [tilespmem:s6+$0xFFFFFFD0]  }
0x4a4: {  	v57 =	vmov s11  }
0x4a5: {  	v53 =	vshrl.u32 v57, $0x3  }
0x4a6: {  	v53 =	vshll.u32 v53, v33  }
0x4a7: {  	v58 =	vbroadcast v53, $0x0;
	[tilespmem:v56+s22+$0x0] =	vst.idx.msk $0xffff, v49  }
0x4a8: {  	[tilespmem:v50+s22+$0x0] =	vst.idx.msk $0xffff, v52  }
0x4a9: {  	v59 =	vadd.s32 v39, v58;
	v50 =	vld [tilespmem:s6+$0xFFFFFFE0]  }
0x4aa: {  	s17 =	sadd.s32 $0xFFFFFFFD, s9;
	v49 =	vadd.s32 v40, v58;
	v52 =	vld [tilespmem:s6+$0xFFFFFFF0]  }
0x4ab: {  	v60 =	vmov s17  }
0x4ac: {  	v53 =	vshrl.u32 v60, $0x3  }
0x4ad: {  	v53 =	vshll.u32 v53, v33  }
0x4ae: {  	v61 =	vbroadcast v53, $0x0;
	[tilespmem:v59+s22+$0x0] =	vst.idx.msk $0xffff, v50  }
0x4af: {  	[tilespmem:v49+s22+$0x0] =	vst.idx.msk $0xffff, v52  }
0x4b0: {  	v62 =	vadd.s32 v41, v61;
	v49 =	vld [tilespmem:s6+$0x0]  }
0x4b1: {  	s23 =	sadd.s32 $0xFFFFFFFE, s9;
	v50 =	vadd.s32 v42, v61;
	v52 =	vld [tilespmem:s6+$0x10]  }
0x4b2: {  	v63 =	vmov s23  }
0x4b3: {  	v53 =	vshrl.u32 v63, $0x3  }
0x4b4: {  	v53 =	vshll.u32 v53, v33  }
0x4b5: {  	v56 =	vbroadcast v53, $0x0;
	[tilespmem:v62+s22+$0x0] =	vst.idx.msk $0xffff, v49  }
0x4b6: {  	[tilespmem:v50+s22+$0x0] =	vst.idx.msk $0xffff, v52  }
0x4b7: {  	v57 =	vadd.s32 v43, v56;
	v50 =	vld [tilespmem:s6+$0x20]  }
0x4b8: {  	s11 =	sadd.s32 $0xFFFFFFFF, s9;
	v49 =	vadd.s32 v44, v56;
	v52 =	vld [tilespmem:s6+$0x30]  }
0x4b9: {  	v58 =	vmov s11  }
0x4ba: {  	v53 =	vshrl.u32 v58, $0x3  }
0x4bb: {  	v53 =	vshll.u32 v53, v33  }
0x4bc: {  	v59 =	vbroadcast v53, $0x0;
	[tilespmem:v57+s22+$0x0] =	vst.idx.msk $0xffff, v50  }
0x4bd: {  	[tilespmem:v49+s22+$0x0] =	vst.idx.msk $0xffff, v52  }
0x4be: {  	v60 =	vadd.s32 v45, v59;
	v49 =	vld [tilespmem:s6+$0x40]  }
0x4bf: {  	v50 =	vadd.s32 v46, v59;
	v52 =	vld [tilespmem:s6+$0x50]  }
0x4c0: {  	v61 =	vmov s9  }
0x4c1: {  	v53 =	vshrl.u32 v61, $0x3  }
0x4c2: {  	v53 =	vshll.u32 v53, v33  }
0x4c3: {  	v62 =	vbroadcast v53, $0x0;
	[tilespmem:v60+s22+$0x0] =	vst.idx.msk $0xffff, v49  }
0x4c4: {  	[tilespmem:v50+s22+$0x0] =	vst.idx.msk $0xffff, v52  }
0x4c5: {  	v63 =	vadd.s32 v47, v62;
	v50 =	vld [tilespmem:s6+$0x60]  }
0x4c6: {  	v49 =	vadd.s32 v48, v62;
	v52 =	vld [tilespmem:s6+$0x70];
	_ =	sdelay $0x1  }
0x4c7: {  	s17 =	sshll.u32 s12, $0x11  }
0x4c8: {  	s6 =	sor.u32 s4, s17  }
0x4c9: {  	s6 =	sshrl.u32 s6, $0x3;
	[tilespmem:v63+s22+$0x0] =	vst.idx.msk $0xffff, v50  }
0x4ca: {  	s8 =	simm.s32 $0x220;
	s23 =	simm.s32 $0x11400;
	s6 =	sadd.s32 s3, s6;
	[tilespmem:v49+s22+$0x0] =	vst.idx.msk $0xffff, v52  }
0x4cb: {  	[hbm4b:s6+s2] =	stream.linear.scatter [tilespmem:s23], [sflag:$0x5], $0x80, $0x38;
	[tilespmem:$0x15800] =	vst v63  }
.LBB2_23:
0x4cc: {  	p0 =	sne.s32 s8, $0x41E0  }
.Ltmp10:
0x4cd: {  	_ = 	snop;
	(pc) =	sbr.rel @p0 .LBB2_23-.Ltmp10, $4  }
0x4ce: {  	_ = 	snop  }
0x4cf: {  	s9 =	sshra.s32 s8, $0x2;
	s8 =	sadd.s32 $0x220, s8  }
0x4d0: {  	s6 =	sadd.s32 $0x800, s6;
	s9 =	sadd.s32 $0x11400, s9  }
0x4d1: {  	[hbm4b:s6+s2] =	stream.linear.scatter [tilespmem:s9], [sflag:$0x5], $0x80, $0x38;
	[tilespmem:$0x15800] =	vst v63  }
0x4d2: {  	_ =	swait.ge [sflag:s15], $0x1000  }
0x4d3: {  	s6 =	simm.s32 $0x0;
	[sflag:s15] =	ssyncset.done $0x0  }
0x4d4: {  	s8 =	sadd.s32 $0x7380, s13;
	v49 =	vmov s6;
	[sflag:s15] =	ssyncadd.s32 $0xFFFFF000  }
0x4d5: {  	v49 =	vshrl.u32 v49, $0x3;
	[tilespmem:s24], [sflag:$0x4] =	stream.indirect.gather [hbm4b:s5+s14], $0x20, s8, s14, $0xb8;
	[tilespmem:$0x15800] =	vst v63  }
0x4d6: {  	v49 =	vshll.u32 v49, v33;
	_ =	swait.ge [sflag:s25], $0x1000  }
0x4d7: {  	v49 =	vbroadcast v49, $0x0;
	[sflag:s25] =	ssyncset.done $0x0  }
0x4d8: {  	s8 =	simm.s32 $0xE480;
	[sflag:s25] =	ssyncadd.s32 $0xFFFFF000  }
0x4d9: {  	v51 =	vadd.s32 v30, v49;
	v50 =	vld [tilespmem:s8+$0xFFFFFF80]  }
0x4da: {  	s17 =	simm.s32 $0x1;
	v49 =	vadd.s32 v34, v49;
	v52 =	vld [tilespmem:s8+$0xFFFFFF90]  }
0x4db: {  	v53 =	vmov s17  }
0x4dc: {  	v53 =	vshrl.u32 v53, $0x3  }
0x4dd: {  	v53 =	vshll.u32 v53, v33  }
0x4de: {  	v59 =	vbroadcast v53, $0x0;
	[tilespmem:v51+s26+$0x0] =	vst.idx.msk $0xffff, v50  }
0x4df: {  	[tilespmem:v49+s26+$0x0] =	vst.idx.msk $0xffff, v52  }
0x4e0: {  	v60 =	vadd.s32 v35, v59;
	v49 =	vld [tilespmem:s8+$0xFFFFFFA0]  }
0x4e1: {  	s23 =	simm.s32 $0x2;
	v50 =	vadd.s32 v36, v59;
	v52 =	vld [tilespmem:s8+$0xFFFFFFB0]  }
0x4e2: {  	v61 =	vmov s23  }
0x4e3: {  	v53 =	vshrl.u32 v61, $0x3  }
0x4e4: {  	v53 =	vshll.u32 v53, v33  }
0x4e5: {  	v62 =	vbroadcast v53, $0x0;
	[tilespmem:v60+s26+$0x0] =	vst.idx.msk $0xffff, v49  }
0x4e6: {  	[tilespmem:v50+s26+$0x0] =	vst.idx.msk $0xffff, v52  }
0x4e7: {  	v63 =	vadd.s32 v37, v62;
	v50 =	vld [tilespmem:s8+$0xFFFFFFC0]  }
0x4e8: {  	s9 =	simm.s32 $0x3;
	v49 =	vadd.s32 v38, v62;
	v52 =	vld [tilespmem:s8+$0xFFFFFFD0]  }
0x4e9: {  	v56 =	vmov s9  }
0x4ea: {  	v53 =	vshrl.u32 v56, $0x3  }
0x4eb: {  	v53 =	vshll.u32 v53, v33  }
0x4ec: {  	v57 =	vbroadcast v53, $0x0;
	[tilespmem:v63+s26+$0x0] =	vst.idx.msk $0xffff, v50  }
0x4ed: {  	[tilespmem:v49+s26+$0x0] =	vst.idx.msk $0xffff, v52  }
0x4ee: {  	v58 =	vadd.s32 v39, v57;
	v49 =	vld [tilespmem:s8+$0xFFFFFFE0]  }
0x4ef: {  	s11 =	simm.s32 $0x4;
	v50 =	vadd.s32 v40, v57;
	v52 =	vld [tilespmem:s8+$0xFFFFFFF0]  }
0x4f0: {  	v59 =	vmov s11  }
0x4f1: {  	v53 =	vshrl.u32 v59, $0x3  }
0x4f2: {  	v53 =	vshll.u32 v53, v33  }
0x4f3: {  	v60 =	vbroadcast v53, $0x0;
	[tilespmem:v58+s26+$0x0] =	vst.idx.msk $0xffff, v49  }
0x4f4: {  	[tilespmem:v50+s26+$0x0] =	vst.idx.msk $0xffff, v52  }
0x4f5: {  	v61 =	vadd.s32 v41, v60;
	v50 =	vld [tilespmem:s8+$0x0]  }
0x4f6: {  	s12 =	simm.s32 $0x5;
	v49 =	vadd.s32 v42, v60;
	v52 =	vld [tilespmem:s8+$0x10]  }
0x4f7: {  	v62 =	vmov s12  }
0x4f8: {  	v53 =	vshrl.u32 v62, $0x3  }
0x4f9: {  	v53 =	vshll.u32 v53, v33  }
0x4fa: {  	v63 =	vbroadcast v53, $0x0;
	[tilespmem:v61+s26+$0x0] =	vst.idx.msk $0xffff, v50  }
0x4fb: {  	[tilespmem:v49+s26+$0x0] =	vst.idx.msk $0xffff, v52  }
0x4fc: {  	v56 =	vadd.s32 v43, v63;
	v49 =	vld [tilespmem:s8+$0x20]  }
0x4fd: {  	s13 =	simm.s32 $0x6;
	v50 =	vadd.s32 v44, v63;
	v52 =	vld [tilespmem:s8+$0x30]  }
0x4fe: {  	v57 =	vmov s13  }
0x4ff: {  	v53 =	vshrl.u32 v57, $0x3  }
0x500: {  	v53 =	vshll.u32 v53, v33  }
0x501: {  	v58 =	vbroadcast v53, $0x0;
	[tilespmem:v56+s26+$0x0] =	vst.idx.msk $0xffff, v49  }
0x502: {  	[tilespmem:v50+s26+$0x0] =	vst.idx.msk $0xffff, v52  }
0x503: {  	v59 =	vadd.s32 v45, v58;
	v50 =	vld [tilespmem:s8+$0x40]  }
0x504: {  	s17 =	simm.s32 $0x7;
	v49 =	vadd.s32 v46, v58;
	v52 =	vld [tilespmem:s8+$0x50]  }
0x505: {  	v60 =	vmov s17  }
0x506: {  	v53 =	vshrl.u32 v60, $0x3  }
0x507: {  	v53 =	vshll.u32 v53, v33  }
0x508: {  	v61 =	vbroadcast v53, $0x0;
	[tilespmem:v59+s26+$0x0] =	vst.idx.msk $0xffff, v50  }
0x509: {  	[tilespmem:v49+s26+$0x0] =	vst.idx.msk $0xffff, v52  }
0x50a: {  	v53 =	vadd.s32 v47, v61;
	v52 =	vld [tilespmem:s8+$0x60]  }
0x50b: {  	s23 =	simm.s32 $0x8  }
0x50c: {  	v62 =	vmov s23;
	v51 =	vadd.s32 v48, v61;
	v49 =	vld [tilespmem:s8+$0x70]  }
0x50d: {  	v63 =	vshrl.u32 v62, $0x3  }
0x50e: {  	v54 =	vshll.u32 v63, v33  }
0x50f: {  	s9 =	simm.s32 $0xF;
	s11 =	simm.s32 $0x17;
	v50 =	vbroadcast v54, $0x0;
	[tilespmem:v53+s26+$0x0] =	vst.idx.msk $0xffff, v52  }
.LBB2_25:
0x510: {  	p0 =	sne.s32 s11, $0x7F  }
0x511: {  	[tilespmem:v51+s26+$0x0] =	vst.idx.msk $0xffff, v49;
	s8 =	sadd.s32 $0x100, s8;
	s6 =	smov.u32 s11;
	s11 =	sadd.s32 $0x8, s11  }
0x512: {  	v49 =	vld [tilespmem:s8+$0xFFFFFF80];
	v51 =	vadd.s32 v30, v50  }
0x513: {  	s12 =	sadd.s32 $0xFFFFFFFA, s9;
	v50 =	vadd.s32 v34, v50;
	v52 =	vld [tilespmem:s8+$0xFFFFFF90]  }
0x514: {  	v53 =	vmov s12  }
0x515: {  	v53 =	vshrl.u32 v53, $0x3  }
0x516: {  	v53 =	vshll.u32 v53, v33  }
0x517: {  	[tilespmem:v51+s26+$0x0] =	vst.idx.msk $0xffff, v49;
	v49 =	vbroadcast v53, $0x0  }
0x518: {  	[tilespmem:v50+s26+$0x0] =	vst.idx.msk $0xffff, v52  }
0x519: {  	v50 =	vld [tilespmem:s8+$0xFFFFFFA0];
	v51 =	vadd.s32 v35, v49  }
0x51a: {  	s12 =	sadd.s32 $0xFFFFFFFB, s9;
	v49 =	vadd.s32 v36, v49;
	v52 =	vld [tilespmem:s8+$0xFFFFFFB0]  }
0x51b: {  	v53 =	vmov s12  }
0x51c: {  	v53 =	vshrl.u32 v53, $0x3  }
0x51d: {  	v53 =	vshll.u32 v53, v33  }
0x51e: {  	[tilespmem:v51+s26+$0x0] =	vst.idx.msk $0xffff, v50;
	v50 =	vbroadcast v53, $0x0  }
0x51f: {  	[tilespmem:v49+s26+$0x0] =	vst.idx.msk $0xffff, v52  }
0x520: {  	v49 =	vld [tilespmem:s8+$0xFFFFFFC0];
	v51 =	vadd.s32 v37, v50  }
0x521: {  	s12 =	sadd.s32 $0xFFFFFFFC, s9;
	v50 =	vadd.s32 v38, v50;
	v52 =	vld [tilespmem:s8+$0xFFFFFFD0]  }
0x522: {  	v53 =	vmov s12  }
0x523: {  	v53 =	vshrl.u32 v53, $0x3  }
0x524: {  	v53 =	vshll.u32 v53, v33  }
0x525: {  	[tilespmem:v51+s26+$0x0] =	vst.idx.msk $0xffff, v49;
	v49 =	vbroadcast v53, $0x0  }
0x526: {  	[tilespmem:v50+s26+$0x0] =	vst.idx.msk $0xffff, v52  }
0x527: {  	v50 =	vld [tilespmem:s8+$0xFFFFFFE0];
	v51 =	vadd.s32 v39, v49  }
0x528: {  	s12 =	sadd.s32 $0xFFFFFFFD, s9;
	v49 =	vadd.s32 v40, v49;
	v52 =	vld [tilespmem:s8+$0xFFFFFFF0]  }
0x529: {  	v53 =	vmov s12  }
0x52a: {  	v53 =	vshrl.u32 v53, $0x3  }
0x52b: {  	v53 =	vshll.u32 v53, v33  }
0x52c: {  	[tilespmem:v51+s26+$0x0] =	vst.idx.msk $0xffff, v50;
	v50 =	vbroadcast v53, $0x0  }
0x52d: {  	[tilespmem:v49+s26+$0x0] =	vst.idx.msk $0xffff, v52  }
0x52e: {  	v49 =	vld [tilespmem:s8+$0x0];
	v51 =	vadd.s32 v41, v50  }
0x52f: {  	s12 =	sadd.s32 $0xFFFFFFFE, s9;
	v50 =	vadd.s32 v42, v50;
	v52 =	vld [tilespmem:s8+$0x10]  }
0x530: {  	v53 =	vmov s12  }
0x531: {  	v53 =	vshrl.u32 v53, $0x3  }
0x532: {  	v53 =	vshll.u32 v53, v33  }
0x533: {  	[tilespmem:v51+s26+$0x0] =	vst.idx.msk $0xffff, v49;
	v49 =	vbroadcast v53, $0x0  }
0x534: {  	[tilespmem:v50+s26+$0x0] =	vst.idx.msk $0xffff, v52  }
0x535: {  	v50 =	vld [tilespmem:s8+$0x20];
	v51 =	vadd.s32 v43, v49  }
0x536: {  	s12 =	sadd.s32 $0xFFFFFFFF, s9;
	v49 =	vadd.s32 v44, v49;
	v52 =	vld [tilespmem:s8+$0x30]  }
0x537: {  	v53 =	vmov s12  }
0x538: {  	v53 =	vshrl.u32 v53, $0x3  }
0x539: {  	v53 =	vshll.u32 v53, v33  }
0x53a: {  	[tilespmem:v51+s26+$0x0] =	vst.idx.msk $0xffff, v50;
	v50 =	vbroadcast v53, $0x0  }
0x53b: {  	[tilespmem:v49+s26+$0x0] =	vst.idx.msk $0xffff, v52  }
0x53c: {  	v49 =	vld [tilespmem:s8+$0x40];
	v51 =	vadd.s32 v45, v50  }
0x53d: {  	v50 =	vadd.s32 v46, v50;
	v52 =	vld [tilespmem:s8+$0x50]  }
0x53e: {  	v53 =	vmov s9;
	s9 =	smov.u32 s6  }
0x53f: {  	v53 =	vshrl.u32 v53, $0x3  }
0x540: {  	v53 =	vshll.u32 v53, v33  }
0x541: {  	[tilespmem:v51+s26+$0x0] =	vst.idx.msk $0xffff, v49;
	v51 =	vbroadcast v53, $0x0  }
0x542: {  	[tilespmem:v50+s26+$0x0] =	vst.idx.msk $0xffff, v52  }
0x543: {  	v52 =	vld [tilespmem:s8+$0x60];
	v53 =	vadd.s32 v47, v51  }
.Ltmp11:
0x544: {  	s6 =	sadd.s32 $0xFFFFFFF9, s9;
	v51 =	vadd.s32 v48, v51;
	v49 =	vld [tilespmem:s8+$0x70];
	(pc) =	sbr.rel @p0 .LBB2_25-.Ltmp11, $4  }
0x545: {  	v50 =	vmov s6  }
0x546: {  	v50 =	vshrl.u32 v50, $0x3  }
0x547: {  	v50 =	vshll.u32 v50, v33  }
0x548: {  	v50 =	vbroadcast v50, $0x0;
	[tilespmem:v53+s26+$0x0] =	vst.idx.msk $0xffff, v52  }
0x549: {  	_ =	sdelay $0x3  }
0x54a: {  	[tilespmem:v51+s26+$0x0] =	vst.idx.msk $0xffff, v49;
	s6 =	sadd.s32 $0x100, s8  }
0x54b: {  	v49 =	vld [tilespmem:s6+$0xFFFFFF80];
	v58 =	vadd.s32 v30, v50  }
0x54c: {  	s13 =	sadd.s32 $0xFFFFFFFA, s9;
	v52 =	vld [tilespmem:s6+$0xFFFFFF90];
	v59 =	vadd.s32 v34, v50  }
0x54d: {  	v53 =	vmov s13  }
0x54e: {  	v53 =	vshrl.u32 v53, $0x3  }
0x54f: {  	v53 =	vshll.u32 v53, v33  }
0x550: {  	v60 =	vbroadcast v53, $0x0;
	[tilespmem:v58+s26+$0x0] =	vst.idx.msk $0xffff, v49  }
0x551: {  	[tilespmem:v59+s26+$0x0] =	vst.idx.msk $0xffff, v52  }
0x552: {  	v61 =	vadd.s32 v35, v60;
	v50 =	vld [tilespmem:s6+$0xFFFFFFA0]  }
0x553: {  	s17 =	sadd.s32 $0xFFFFFFFB, s9;
	v49 =	vadd.s32 v36, v60;
	v52 =	vld [tilespmem:s6+$0xFFFFFFB0]  }
0x554: {  	v62 =	vmov s17  }
0x555: {  	v53 =	vshrl.u32 v62, $0x3  }
0x556: {  	v53 =	vshll.u32 v53, v33  }
0x557: {  	v63 =	vbroadcast v53, $0x0;
	[tilespmem:v61+s26+$0x0] =	vst.idx.msk $0xffff, v50  }
0x558: {  	[tilespmem:v49+s26+$0x0] =	vst.idx.msk $0xffff, v52  }
0x559: {  	v56 =	vadd.s32 v37, v63;
	v49 =	vld [tilespmem:s6+$0xFFFFFFC0]  }
0x55a: {  	s23 =	sadd.s32 $0xFFFFFFFC, s9;
	v50 =	vadd.s32 v38, v63;
	v52 =	vld [tilespmem:s6+$0xFFFFFFD0]  }
0x55b: {  	v57 =	vmov s23  }
0x55c: {  	v53 =	vshrl.u32 v57, $0x3  }
0x55d: {  	v53 =	vshll.u32 v53, v33  }
0x55e: {  	v58 =	vbroadcast v53, $0x0;
	[tilespmem:v56+s26+$0x0] =	vst.idx.msk $0xffff, v49  }
0x55f: {  	[tilespmem:v50+s26+$0x0] =	vst.idx.msk $0xffff, v52  }
0x560: {  	v59 =	vadd.s32 v39, v58;
	v50 =	vld [tilespmem:s6+$0xFFFFFFE0]  }
0x561: {  	s11 =	sadd.s32 $0xFFFFFFFD, s9;
	v49 =	vadd.s32 v40, v58;
	v52 =	vld [tilespmem:s6+$0xFFFFFFF0]  }
0x562: {  	v60 =	vmov s11  }
0x563: {  	v53 =	vshrl.u32 v60, $0x3  }
0x564: {  	v53 =	vshll.u32 v53, v33  }
0x565: {  	v61 =	vbroadcast v53, $0x0;
	[tilespmem:v59+s26+$0x0] =	vst.idx.msk $0xffff, v50  }
0x566: {  	[tilespmem:v49+s26+$0x0] =	vst.idx.msk $0xffff, v52  }
0x567: {  	v62 =	vadd.s32 v41, v61;
	v49 =	vld [tilespmem:s6+$0x0]  }
0x568: {  	s12 =	sadd.s32 $0xFFFFFFFE, s9;
	v50 =	vadd.s32 v42, v61;
	v52 =	vld [tilespmem:s6+$0x10]  }
0x569: {  	v63 =	vmov s12  }
0x56a: {  	v53 =	vshrl.u32 v63, $0x3  }
0x56b: {  	v53 =	vshll.u32 v53, v33  }
0x56c: {  	v56 =	vbroadcast v53, $0x0;
	[tilespmem:v62+s26+$0x0] =	vst.idx.msk $0xffff, v49  }
0x56d: {  	[tilespmem:v50+s26+$0x0] =	vst.idx.msk $0xffff, v52  }
0x56e: {  	v57 =	vadd.s32 v43, v56;
	v50 =	vld [tilespmem:s6+$0x20]  }
0x56f: {  	s13 =	sadd.s32 $0xFFFFFFFF, s9;
	v49 =	vadd.s32 v44, v56;
	v52 =	vld [tilespmem:s6+$0x30]  }
0x570: {  	v58 =	vmov s13  }
0x571: {  	v53 =	vshrl.u32 v58, $0x3  }
0x572: {  	v53 =	vshll.u32 v53, v33  }
0x573: {  	v59 =	vbroadcast v53, $0x0;
	[tilespmem:v57+s26+$0x0] =	vst.idx.msk $0xffff, v50  }
0x574: {  	[tilespmem:v49+s26+$0x0] =	vst.idx.msk $0xffff, v52  }
0x575: {  	v60 =	vadd.s32 v45, v59;
	v49 =	vld [tilespmem:s6+$0x40]  }
0x576: {  	v50 =	vadd.s32 v46, v59;
	v52 =	vld [tilespmem:s6+$0x50]  }
0x577: {  	v61 =	vmov s9  }
0x578: {  	v53 =	vshrl.u32 v61, $0x3  }
0x579: {  	v53 =	vshll.u32 v53, v33  }
0x57a: {  	v62 =	vbroadcast v53, $0x0;
	[tilespmem:v60+s26+$0x0] =	vst.idx.msk $0xffff, v49  }
0x57b: {  	[tilespmem:v50+s26+$0x0] =	vst.idx.msk $0xffff, v52  }
0x57c: {  	v63 =	vadd.s32 v47, v62;
	v50 =	vld [tilespmem:s6+$0x60]  }
0x57d: {  	v49 =	vadd.s32 v48, v62;
	v52 =	vld [tilespmem:s6+$0x70];
	_ =	sdelay $0x1  }
0x57e: {  	s17 =	sshll.u32 s7, $0x13  }
0x57f: {  	s6 =	sor.u32 s10, s17  }
0x580: {  	s6 =	sshrl.u32 s6, $0x3;
	[tilespmem:v63+s26+$0x0] =	vst.idx.msk $0xffff, v50  }
0x581: {  	s8 =	simm.s32 $0x220;
	s23 =	simm.s32 $0x12500;
	s6 =	sadd.s32 s3, s6;
	[tilespmem:v49+s26+$0x0] =	vst.idx.msk $0xffff, v52  }
0x582: {  	[hbm4b:s6+s2] =	stream.linear.scatter [tilespmem:s23], [sflag:$0x6], $0x80, $0x38;
	[tilespmem:$0x15800] =	vst v63  }
.LBB2_27:
0x583: {  	p0 =	seq.s32 s8, $0x41E0  }
.Ltmp12:
0x584: {  	_ = 	snop;
	(pc) =	sbr.rel @!p0 .LBB2_27-.Ltmp12, $4  }
0x585: {  	_ = 	snop  }
0x586: {  	s9 =	sshra.s32 s8, $0x2;
	s8 =	sadd.s32 $0x220, s8  }
0x587: {  	s6 =	sadd.s32 $0x800, s6;
	s9 =	sadd.s32 $0x12500, s9  }
0x588: {  	[hbm4b:s6+s2] =	stream.linear.scatter [tilespmem:s9], [sflag:$0x6], $0x80, $0x38;
	[tilespmem:$0x15800] =	vst v63  }
0x589: {  	p0 =	seq.s32 s7, $0x31  }
.Ltmp13:
0x58a: {  	_ = 	snop;
	(pc) =	sbr.rel @!p0 .LBB2_12-.Ltmp13, $1  }
0x58b: {  	_ =	sdelay $0x3  }
0x58c: {  	s6 =	simm.s32 $0x0  }
0x58d: {  	v49 =	vmov s6  }
0x58e: {  	v49 =	vshrl.u32 v49, $0x3  }
0x58f: {  	_ =	swait.ge [sflag:s29], $0x1000;
	v49 =	vshll.u32 v49, v33  }
0x590: {  	[sflag:s29] =	ssyncset.done $0x0;
	v49 =	vbroadcast v49, $0x0  }
0x591: {  	s7 =	simm.s32 $0xF480;
	[sflag:s29] =	ssyncadd.s32 $0xFFFFF000  }
0x592: {  	v50 =	vld [tilespmem:s7+$0xFFFFFF80];
	v51 =	vadd.s32 v30, v49  }
0x593: {  	s23 =	simm.s32 $0x1;
	v52 =	vld [tilespmem:s7+$0xFFFFFF90];
	v49 =	vadd.s32 v34, v49  }
0x594: {  	v53 =	vmov s23  }
0x595: {  	v53 =	vshrl.u32 v53, $0x3  }
0x596: {  	v53 =	vshll.u32 v53, v33  }
0x597: {  	v59 =	vbroadcast v53, $0x0;
	[tilespmem:v51+s30+$0x0] =	vst.idx.msk $0xffff, v50  }
0x598: {  	[tilespmem:v49+s30+$0x0] =	vst.idx.msk $0xffff, v52  }
0x599: {  	v60 =	vadd.s32 v35, v59;
	v49 =	vld [tilespmem:s7+$0xFFFFFFA0]  }
0x59a: {  	s8 =	simm.s32 $0x2;
	v50 =	vadd.s32 v36, v59;
	v52 =	vld [tilespmem:s7+$0xFFFFFFB0]  }
0x59b: {  	v61 =	vmov s8  }
0x59c: {  	v53 =	vshrl.u32 v61, $0x3  }
0x59d: {  	v53 =	vshll.u32 v53, v33  }
0x59e: {  	v62 =	vbroadcast v53, $0x0;
	[tilespmem:v60+s30+$0x0] =	vst.idx.msk $0xffff, v49  }
0x59f: {  	[tilespmem:v50+s30+$0x0] =	vst.idx.msk $0xffff, v52  }
0x5a0: {  	v63 =	vadd.s32 v37, v62;
	v50 =	vld [tilespmem:s7+$0xFFFFFFC0]  }
0x5a1: {  	s9 =	simm.s32 $0x3;
	v49 =	vadd.s32 v38, v62;
	v52 =	vld [tilespmem:s7+$0xFFFFFFD0]  }
0x5a2: {  	v56 =	vmov s9  }
0x5a3: {  	v53 =	vshrl.u32 v56, $0x3  }
0x5a4: {  	v53 =	vshll.u32 v53, v33  }
0x5a5: {  	v57 =	vbroadcast v53, $0x0;
	[tilespmem:v63+s30+$0x0] =	vst.idx.msk $0xffff, v50  }
0x5a6: {  	[tilespmem:v49+s30+$0x0] =	vst.idx.msk $0xffff, v52  }
0x5a7: {  	v58 =	vadd.s32 v39, v57;
	v49 =	vld [tilespmem:s7+$0xFFFFFFE0]  }
0x5a8: {  	s11 =	simm.s32 $0x4;
	v50 =	vadd.s32 v40, v57;
	v52 =	vld [tilespmem:s7+$0xFFFFFFF0]  }
0x5a9: {  	v59 =	vmov s11  }
0x5aa: {  	v53 =	vshrl.u32 v59, $0x3  }
0x5ab: {  	v53 =	vshll.u32 v53, v33  }
0x5ac: {  	v60 =	vbroadcast v53, $0x0;
	[tilespmem:v58+s30+$0x0] =	vst.idx.msk $0xffff, v49  }
0x5ad: {  	[tilespmem:v50+s30+$0x0] =	vst.idx.msk $0xffff, v52  }
0x5ae: {  	v61 =	vadd.s32 v41, v60;
	v50 =	vld [tilespmem:s7+$0x0]  }
0x5af: {  	s12 =	simm.s32 $0x5;
	v49 =	vadd.s32 v42, v60;
	v52 =	vld [tilespmem:s7+$0x10]  }
0x5b0: {  	v62 =	vmov s12  }
0x5b1: {  	v53 =	vshrl.u32 v62, $0x3  }
0x5b2: {  	v53 =	vshll.u32 v53, v33  }
0x5b3: {  	v63 =	vbroadcast v53, $0x0;
	[tilespmem:v61+s30+$0x0] =	vst.idx.msk $0xffff, v50  }
0x5b4: {  	[tilespmem:v49+s30+$0x0] =	vst.idx.msk $0xffff, v52  }
0x5b5: {  	v56 =	vadd.s32 v43, v63;
	v49 =	vld [tilespmem:s7+$0x20]  }
0x5b6: {  	s13 =	simm.s32 $0x6;
	v50 =	vadd.s32 v44, v63;
	v52 =	vld [tilespmem:s7+$0x30]  }
0x5b7: {  	v57 =	vmov s13  }
0x5b8: {  	v53 =	vshrl.u32 v57, $0x3  }
0x5b9: {  	v53 =	vshll.u32 v53, v33  }
0x5ba: {  	v58 =	vbroadcast v53, $0x0;
	[tilespmem:v56+s30+$0x0] =	vst.idx.msk $0xffff, v49  }
0x5bb: {  	[tilespmem:v50+s30+$0x0] =	vst.idx.msk $0xffff, v52  }
0x5bc: {  	v59 =	vadd.s32 v45, v58;
	v50 =	vld [tilespmem:s7+$0x40]  }
0x5bd: {  	s17 =	simm.s32 $0x7;
	v49 =	vadd.s32 v46, v58;
	v52 =	vld [tilespmem:s7+$0x50]  }
0x5be: {  	v60 =	vmov s17  }
0x5bf: {  	v53 =	vshrl.u32 v60, $0x3  }
0x5c0: {  	v53 =	vshll.u32 v53, v33  }
0x5c1: {  	v61 =	vbroadcast v53, $0x0;
	[tilespmem:v59+s30+$0x0] =	vst.idx.msk $0xffff, v50  }
0x5c2: {  	[tilespmem:v49+s30+$0x0] =	vst.idx.msk $0xffff, v52  }
0x5c3: {  	v53 =	vadd.s32 v47, v61;
	v52 =	vld [tilespmem:s7+$0x60]  }
0x5c4: {  	s23 =	simm.s32 $0x8  }
0x5c5: {  	v62 =	vmov s23;
	v51 =	vadd.s32 v48, v61;
	v49 =	vld [tilespmem:s7+$0x70]  }
0x5c6: {  	v63 =	vshrl.u32 v62, $0x3  }
0x5c7: {  	v54 =	vshll.u32 v63, v33  }
0x5c8: {  	s8 =	simm.s32 $0xF;
	s9 =	simm.s32 $0x17;
	v50 =	vbroadcast v54, $0x0;
	[tilespmem:v53+s30+$0x0] =	vst.idx.msk $0xffff, v52  }
.LBB2_29:
0x5c9: {  	p0 =	sne.s32 s9, $0x7F  }
0x5ca: {  	[tilespmem:v51+s30+$0x0] =	vst.idx.msk $0xffff, v49;
	s7 =	sadd.s32 $0x100, s7;
	s6 =	smov.u32 s9;
	s9 =	sadd.s32 $0x8, s9  }
0x5cb: {  	v49 =	vld [tilespmem:s7+$0xFFFFFF80];
	v51 =	vadd.s32 v30, v50  }
0x5cc: {  	s11 =	sadd.s32 $0xFFFFFFFA, s8;
	v50 =	vadd.s32 v34, v50;
	v52 =	vld [tilespmem:s7+$0xFFFFFF90]  }
0x5cd: {  	v53 =	vmov s11  }
0x5ce: {  	v53 =	vshrl.u32 v53, $0x3  }
0x5cf: {  	v53 =	vshll.u32 v53, v33  }
0x5d0: {  	[tilespmem:v51+s30+$0x0] =	vst.idx.msk $0xffff, v49;
	v49 =	vbroadcast v53, $0x0  }
0x5d1: {  	[tilespmem:v50+s30+$0x0] =	vst.idx.msk $0xffff, v52  }
0x5d2: {  	v50 =	vld [tilespmem:s7+$0xFFFFFFA0];
	v51 =	vadd.s32 v35, v49  }
0x5d3: {  	s11 =	sadd.s32 $0xFFFFFFFB, s8;
	v49 =	vadd.s32 v36, v49;
	v52 =	vld [tilespmem:s7+$0xFFFFFFB0]  }
0x5d4: {  	v53 =	vmov s11  }
0x5d5: {  	v53 =	vshrl.u32 v53, $0x3  }
0x5d6: {  	v53 =	vshll.u32 v53, v33  }
0x5d7: {  	[tilespmem:v51+s30+$0x0] =	vst.idx.msk $0xffff, v50;
	v50 =	vbroadcast v53, $0x0  }
0x5d8: {  	[tilespmem:v49+s30+$0x0] =	vst.idx.msk $0xffff, v52  }
0x5d9: {  	v49 =	vld [tilespmem:s7+$0xFFFFFFC0];
	v51 =	vadd.s32 v37, v50  }
0x5da: {  	s11 =	sadd.s32 $0xFFFFFFFC, s8;
	v50 =	vadd.s32 v38, v50;
	v52 =	vld [tilespmem:s7+$0xFFFFFFD0]  }
0x5db: {  	v53 =	vmov s11  }
0x5dc: {  	v53 =	vshrl.u32 v53, $0x3  }
0x5dd: {  	v53 =	vshll.u32 v53, v33  }
0x5de: {  	[tilespmem:v51+s30+$0x0] =	vst.idx.msk $0xffff, v49;
	v49 =	vbroadcast v53, $0x0  }
0x5df: {  	[tilespmem:v50+s30+$0x0] =	vst.idx.msk $0xffff, v52  }
0x5e0: {  	v50 =	vld [tilespmem:s7+$0xFFFFFFE0];
	v51 =	vadd.s32 v39, v49  }
0x5e1: {  	s11 =	sadd.s32 $0xFFFFFFFD, s8;
	v49 =	vadd.s32 v40, v49;
	v52 =	vld [tilespmem:s7+$0xFFFFFFF0]  }
0x5e2: {  	v53 =	vmov s11  }
0x5e3: {  	v53 =	vshrl.u32 v53, $0x3  }
0x5e4: {  	v53 =	vshll.u32 v53, v33  }
0x5e5: {  	[tilespmem:v51+s30+$0x0] =	vst.idx.msk $0xffff, v50;
	v50 =	vbroadcast v53, $0x0  }
0x5e6: {  	[tilespmem:v49+s30+$0x0] =	vst.idx.msk $0xffff, v52  }
0x5e7: {  	v49 =	vld [tilespmem:s7+$0x0];
	v51 =	vadd.s32 v41, v50  }
0x5e8: {  	s11 =	sadd.s32 $0xFFFFFFFE, s8;
	v50 =	vadd.s32 v42, v50;
	v52 =	vld [tilespmem:s7+$0x10]  }
0x5e9: {  	v53 =	vmov s11  }
0x5ea: {  	v53 =	vshrl.u32 v53, $0x3  }
0x5eb: {  	v53 =	vshll.u32 v53, v33  }
0x5ec: {  	[tilespmem:v51+s30+$0x0] =	vst.idx.msk $0xffff, v49;
	v49 =	vbroadcast v53, $0x0  }
0x5ed: {  	[tilespmem:v50+s30+$0x0] =	vst.idx.msk $0xffff, v52  }
0x5ee: {  	v50 =	vld [tilespmem:s7+$0x20];
	v51 =	vadd.s32 v43, v49  }
0x5ef: {  	s11 =	sadd.s32 $0xFFFFFFFF, s8;
	v49 =	vadd.s32 v44, v49;
	v52 =	vld [tilespmem:s7+$0x30]  }
0x5f0: {  	v53 =	vmov s11  }
0x5f1: {  	v53 =	vshrl.u32 v53, $0x3  }
0x5f2: {  	v53 =	vshll.u32 v53, v33  }
0x5f3: {  	[tilespmem:v51+s30+$0x0] =	vst.idx.msk $0xffff, v50;
	v50 =	vbroadcast v53, $0x0  }
0x5f4: {  	[tilespmem:v49+s30+$0x0] =	vst.idx.msk $0xffff, v52  }
0x5f5: {  	v49 =	vld [tilespmem:s7+$0x40];
	v51 =	vadd.s32 v45, v50  }
0x5f6: {  	v50 =	vadd.s32 v46, v50;
	v52 =	vld [tilespmem:s7+$0x50]  }
0x5f7: {  	v53 =	vmov s8;
	s8 =	smov.u32 s6  }
0x5f8: {  	v53 =	vshrl.u32 v53, $0x3  }
0x5f9: {  	v53 =	vshll.u32 v53, v33  }
0x5fa: {  	[tilespmem:v51+s30+$0x0] =	vst.idx.msk $0xffff, v49;
	v51 =	vbroadcast v53, $0x0  }
0x5fb: {  	[tilespmem:v50+s30+$0x0] =	vst.idx.msk $0xffff, v52  }
0x5fc: {  	v52 =	vld [tilespmem:s7+$0x60];
	v53 =	vadd.s32 v47, v51  }
.Ltmp14:
0x5fd: {  	s6 =	sadd.s32 $0xFFFFFFF9, s8;
	v51 =	vadd.s32 v48, v51;
	v49 =	vld [tilespmem:s7+$0x70];
	(pc) =	sbr.rel @p0 .LBB2_29-.Ltmp14, $4  }
0x5fe: {  	v50 =	vmov s6  }
0x5ff: {  	v50 =	vshrl.u32 v50, $0x3  }
0x600: {  	v50 =	vshll.u32 v50, v33  }
0x601: {  	v50 =	vbroadcast v50, $0x0;
	[tilespmem:v53+s30+$0x0] =	vst.idx.msk $0xffff, v52  }
0x602: {  	_ =	sdelay $0x3  }
0x603: {  	[tilespmem:v51+s30+$0x0] =	vst.idx.msk $0xffff, v49;
	s6 =	sadd.s32 $0x100, s7  }
0x604: {  	v49 =	vld [tilespmem:s6+$0xFFFFFF80];
	v58 =	vadd.s32 v30, v50  }
0x605: {  	s23 =	sadd.s32 $0xFFFFFFFA, s8;
	v52 =	vld [tilespmem:s6+$0xFFFFFF90];
	v59 =	vadd.s32 v34, v50  }
0x606: {  	v53 =	vmov s23  }
0x607: {  	v53 =	vshrl.u32 v53, $0x3  }
0x608: {  	v53 =	vshll.u32 v53, v33  }
0x609: {  	v60 =	vbroadcast v53, $0x0;
	[tilespmem:v58+s30+$0x0] =	vst.idx.msk $0xffff, v49  }
0x60a: {  	[tilespmem:v59+s30+$0x0] =	vst.idx.msk $0xffff, v52  }
0x60b: {  	v61 =	vadd.s32 v35, v60;
	v50 =	vld [tilespmem:s6+$0xFFFFFFA0]  }
0x60c: {  	s9 =	sadd.s32 $0xFFFFFFFB, s8;
	v49 =	vadd.s32 v36, v60;
	v52 =	vld [tilespmem:s6+$0xFFFFFFB0]  }
0x60d: {  	v62 =	vmov s9  }
0x60e: {  	v53 =	vshrl.u32 v62, $0x3  }
0x60f: {  	v53 =	vshll.u32 v53, v33  }
0x610: {  	v63 =	vbroadcast v53, $0x0;
	[tilespmem:v61+s30+$0x0] =	vst.idx.msk $0xffff, v50  }
0x611: {  	[tilespmem:v49+s30+$0x0] =	vst.idx.msk $0xffff, v52  }
0x612: {  	v56 =	vadd.s32 v37, v63;
	v49 =	vld [tilespmem:s6+$0xFFFFFFC0]  }
0x613: {  	s11 =	sadd.s32 $0xFFFFFFFC, s8;
	v50 =	vadd.s32 v38, v63;
	v52 =	vld [tilespmem:s6+$0xFFFFFFD0]  }
0x614: {  	v57 =	vmov s11  }
0x615: {  	v53 =	vshrl.u32 v57, $0x3  }
0x616: {  	v53 =	vshll.u32 v53, v33  }
0x617: {  	v58 =	vbroadcast v53, $0x0;
	[tilespmem:v56+s30+$0x0] =	vst.idx.msk $0xffff, v49  }
0x618: {  	[tilespmem:v50+s30+$0x0] =	vst.idx.msk $0xffff, v52  }
0x619: {  	v59 =	vadd.s32 v39, v58;
	v50 =	vld [tilespmem:s6+$0xFFFFFFE0]  }
0x61a: {  	s12 =	sadd.s32 $0xFFFFFFFD, s8;
	v49 =	vadd.s32 v40, v58;
	v52 =	vld [tilespmem:s6+$0xFFFFFFF0]  }
0x61b: {  	v60 =	vmov s12  }
0x61c: {  	v53 =	vshrl.u32 v60, $0x3  }
0x61d: {  	v53 =	vshll.u32 v53, v33  }
0x61e: {  	v61 =	vbroadcast v53, $0x0;
	[tilespmem:v59+s30+$0x0] =	vst.idx.msk $0xffff, v50  }
0x61f: {  	[tilespmem:v49+s30+$0x0] =	vst.idx.msk $0xffff, v52  }
0x620: {  	v62 =	vadd.s32 v41, v61;
	v49 =	vld [tilespmem:s6+$0x0]  }
0x621: {  	s13 =	sadd.s32 $0xFFFFFFFE, s8;
	v50 =	vadd.s32 v42, v61;
	v52 =	vld [tilespmem:s6+$0x10]  }
0x622: {  	v63 =	vmov s13  }
0x623: {  	v53 =	vshrl.u32 v63, $0x3  }
0x624: {  	v53 =	vshll.u32 v53, v33  }
0x625: {  	v56 =	vbroadcast v53, $0x0;
	[tilespmem:v62+s30+$0x0] =	vst.idx.msk $0xffff, v49  }
0x626: {  	[tilespmem:v50+s30+$0x0] =	vst.idx.msk $0xffff, v52  }
0x627: {  	v57 =	vadd.s32 v43, v56;
	v50 =	vld [tilespmem:s6+$0x20]  }
0x628: {  	s17 =	sadd.s32 $0xFFFFFFFF, s8;
	v49 =	vadd.s32 v44, v56;
	v52 =	vld [tilespmem:s6+$0x30]  }
0x629: {  	v58 =	vmov s17  }
0x62a: {  	v53 =	vshrl.u32 v58, $0x3  }
0x62b: {  	v53 =	vshll.u32 v53, v33  }
0x62c: {  	v59 =	vbroadcast v53, $0x0;
	[tilespmem:v57+s30+$0x0] =	vst.idx.msk $0xffff, v50  }
0x62d: {  	[tilespmem:v49+s30+$0x0] =	vst.idx.msk $0xffff, v52  }
0x62e: {  	v60 =	vadd.s32 v45, v59;
	v49 =	vld [tilespmem:s6+$0x40]  }
0x62f: {  	v50 =	vadd.s32 v46, v59;
	v52 =	vld [tilespmem:s6+$0x50]  }
0x630: {  	v61 =	vmov s8  }
0x631: {  	v53 =	vshrl.u32 v61, $0x3  }
0x632: {  	v53 =	vshll.u32 v53, v33  }
0x633: {  	v62 =	vbroadcast v53, $0x0;
	[tilespmem:v60+s30+$0x0] =	vst.idx.msk $0xffff, v49  }
0x634: {  	[tilespmem:v50+s30+$0x0] =	vst.idx.msk $0xffff, v52  }
0x635: {  	v63 =	vadd.s32 v47, v62;
	v50 =	vld [tilespmem:s6+$0x60]  }
0x636: {  	v49 =	vadd.s32 v48, v62;
	v52 =	vld [tilespmem:s6+$0x70];
	_ =	sdelay $0x3  }
0x637: {  	[tilespmem:v63+s30+$0x0] =	vst.idx.msk $0xffff, v50  }
0x638: {  	s7 =	rddreg [dreg:$0x5];
	s23 =	simm.s32 $0x13600;
	s6 =	simm.s32 $0x220;
	[tilespmem:v49+s30+$0x0] =	vst.idx.msk $0xffff, v52  }
0x639: {  	[hbm4b:s7+s2] =	stream.linear.scatter [tilespmem:s23], [sflag:$0x7], $0x80, $0x38;
	[tilespmem:$0x15800] =	vst v63  }
.LBB2_31:
0x63a: {  	p0 =	sne.s32 s6, $0x41E0  }
.Ltmp15:
0x63b: {  	_ = 	snop;
	(pc) =	sbr.rel @p0 .LBB2_31-.Ltmp15, $4  }
0x63c: {  	_ = 	snop  }
0x63d: {  	s8 =	sshra.s32 s6, $0x2;
	s6 =	sadd.s32 $0x220, s6  }
0x63e: {  	s7 =	sadd.s32 $0x800, s7;
	s8 =	sadd.s32 $0x13600, s8  }
0x63f: {  	[hbm4b:s7+s2] =	stream.linear.scatter [tilespmem:s8], [sflag:$0x7], $0x80, $0x38;
	[tilespmem:$0x15800] =	vst v63  }
0x640: {  	s6 =	simm.s32 $0x0  }
0x641: {  	v49 =	vmov s6  }
0x642: {  	v49 =	vshrl.u32 v49, $0x3  }
0x643: {  	_ =	swait.ge [sflag:s0], $0x1000;
	v49 =	vshll.u32 v49, v33  }
0x644: {  	[sflag:s0] =	ssyncset.done $0x0;
	v49 =	vbroadcast v49, $0x0  }
0x645: {  	s7 =	simm.s32 $0x10480;
	[sflag:s0] =	ssyncadd.s32 $0xFFFFF000  }
0x646: {  	v50 =	vld [tilespmem:s7+$0xFFFFFF80];
	v51 =	vadd.s32 v30, v49  }
0x647: {  	s23 =	simm.s32 $0x1;
	v52 =	vld [tilespmem:s7+$0xFFFFFF90];
	v49 =	vadd.s32 v34, v49  }
0x648: {  	v53 =	vmov s23  }
0x649: {  	v53 =	vshrl.u32 v53, $0x3  }
0x64a: {  	v53 =	vshll.u32 v53, v33  }
0x64b: {  	v59 =	vbroadcast v53, $0x0;
	[tilespmem:v51+s1+$0x0] =	vst.idx.msk $0xffff, v50  }
0x64c: {  	[tilespmem:v49+s1+$0x0] =	vst.idx.msk $0xffff, v52  }
0x64d: {  	v60 =	vadd.s32 v35, v59;
	v49 =	vld [tilespmem:s7+$0xFFFFFFA0]  }
0x64e: {  	s8 =	simm.s32 $0x2;
	v50 =	vadd.s32 v36, v59;
	v52 =	vld [tilespmem:s7+$0xFFFFFFB0]  }
0x64f: {  	v61 =	vmov s8  }
0x650: {  	v53 =	vshrl.u32 v61, $0x3  }
0x651: {  	v53 =	vshll.u32 v53, v33  }
0x652: {  	v62 =	vbroadcast v53, $0x0;
	[tilespmem:v60+s1+$0x0] =	vst.idx.msk $0xffff, v49  }
0x653: {  	[tilespmem:v50+s1+$0x0] =	vst.idx.msk $0xffff, v52  }
0x654: {  	v63 =	vadd.s32 v37, v62;
	v50 =	vld [tilespmem:s7+$0xFFFFFFC0]  }
0x655: {  	s9 =	simm.s32 $0x3;
	v49 =	vadd.s32 v38, v62;
	v52 =	vld [tilespmem:s7+$0xFFFFFFD0]  }
0x656: {  	v56 =	vmov s9  }
0x657: {  	v53 =	vshrl.u32 v56, $0x3  }
0x658: {  	v53 =	vshll.u32 v53, v33  }
0x659: {  	v57 =	vbroadcast v53, $0x0;
	[tilespmem:v63+s1+$0x0] =	vst.idx.msk $0xffff, v50  }
0x65a: {  	[tilespmem:v49+s1+$0x0] =	vst.idx.msk $0xffff, v52  }
0x65b: {  	v58 =	vadd.s32 v39, v57;
	v49 =	vld [tilespmem:s7+$0xFFFFFFE0]  }
0x65c: {  	s11 =	simm.s32 $0x4;
	v50 =	vadd.s32 v40, v57;
	v52 =	vld [tilespmem:s7+$0xFFFFFFF0]  }
0x65d: {  	v59 =	vmov s11  }
0x65e: {  	v53 =	vshrl.u32 v59, $0x3  }
0x65f: {  	v53 =	vshll.u32 v53, v33  }
0x660: {  	v60 =	vbroadcast v53, $0x0;
	[tilespmem:v58+s1+$0x0] =	vst.idx.msk $0xffff, v49  }
0x661: {  	[tilespmem:v50+s1+$0x0] =	vst.idx.msk $0xffff, v52  }
0x662: {  	v61 =	vadd.s32 v41, v60;
	v50 =	vld [tilespmem:s7+$0x0]  }
0x663: {  	s12 =	simm.s32 $0x5;
	v49 =	vadd.s32 v42, v60;
	v52 =	vld [tilespmem:s7+$0x10]  }
0x664: {  	v62 =	vmov s12  }
0x665: {  	v53 =	vshrl.u32 v62, $0x3  }
0x666: {  	v53 =	vshll.u32 v53, v33  }
0x667: {  	v63 =	vbroadcast v53, $0x0;
	[tilespmem:v61+s1+$0x0] =	vst.idx.msk $0xffff, v50  }
0x668: {  	[tilespmem:v49+s1+$0x0] =	vst.idx.msk $0xffff, v52  }
0x669: {  	v56 =	vadd.s32 v43, v63;
	v49 =	vld [tilespmem:s7+$0x20]  }
0x66a: {  	s13 =	simm.s32 $0x6;
	v50 =	vadd.s32 v44, v63;
	v52 =	vld [tilespmem:s7+$0x30]  }
0x66b: {  	v57 =	vmov s13  }
0x66c: {  	v53 =	vshrl.u32 v57, $0x3  }
0x66d: {  	v53 =	vshll.u32 v53, v33  }
0x66e: {  	v58 =	vbroadcast v53, $0x0;
	[tilespmem:v56+s1+$0x0] =	vst.idx.msk $0xffff, v49  }
0x66f: {  	[tilespmem:v50+s1+$0x0] =	vst.idx.msk $0xffff, v52  }
0x670: {  	v59 =	vadd.s32 v45, v58;
	v50 =	vld [tilespmem:s7+$0x40]  }
0x671: {  	s17 =	simm.s32 $0x7;
	v49 =	vadd.s32 v46, v58;
	v52 =	vld [tilespmem:s7+$0x50]  }
0x672: {  	v60 =	vmov s17  }
0x673: {  	v53 =	vshrl.u32 v60, $0x3  }
0x674: {  	v53 =	vshll.u32 v53, v33  }
0x675: {  	v61 =	vbroadcast v53, $0x0;
	[tilespmem:v59+s1+$0x0] =	vst.idx.msk $0xffff, v50  }
0x676: {  	[tilespmem:v49+s1+$0x0] =	vst.idx.msk $0xffff, v52  }
0x677: {  	v53 =	vadd.s32 v47, v61;
	v52 =	vld [tilespmem:s7+$0x60]  }
0x678: {  	s23 =	simm.s32 $0x8  }
0x679: {  	v62 =	vmov s23;
	v51 =	vadd.s32 v48, v61;
	v49 =	vld [tilespmem:s7+$0x70]  }
0x67a: {  	v63 =	vshrl.u32 v62, $0x3  }
0x67b: {  	v54 =	vshll.u32 v63, v33  }
0x67c: {  	s8 =	simm.s32 $0xF;
	s9 =	simm.s32 $0x17;
	v50 =	vbroadcast v54, $0x0;
	[tilespmem:v53+s1+$0x0] =	vst.idx.msk $0xffff, v52  }
.LBB2_33:
0x67d: {  	p0 =	sne.s32 s9, $0x7F  }
0x67e: {  	[tilespmem:v51+s1+$0x0] =	vst.idx.msk $0xffff, v49;
	s7 =	sadd.s32 $0x100, s7;
	s6 =	smov.u32 s9;
	s9 =	sadd.s32 $0x8, s9  }
0x67f: {  	v49 =	vld [tilespmem:s7+$0xFFFFFF80];
	v51 =	vadd.s32 v30, v50  }
0x680: {  	s11 =	sadd.s32 $0xFFFFFFFA, s8;
	v50 =	vadd.s32 v34, v50;
	v52 =	vld [tilespmem:s7+$0xFFFFFF90]  }
0x681: {  	v53 =	vmov s11  }
0x682: {  	v53 =	vshrl.u32 v53, $0x3  }
0x683: {  	v53 =	vshll.u32 v53, v33  }
0x684: {  	[tilespmem:v51+s1+$0x0] =	vst.idx.msk $0xffff, v49;
	v49 =	vbroadcast v53, $0x0  }
0x685: {  	[tilespmem:v50+s1+$0x0] =	vst.idx.msk $0xffff, v52  }
0x686: {  	v50 =	vld [tilespmem:s7+$0xFFFFFFA0];
	v51 =	vadd.s32 v35, v49  }
0x687: {  	s11 =	sadd.s32 $0xFFFFFFFB, s8;
	v49 =	vadd.s32 v36, v49;
	v52 =	vld [tilespmem:s7+$0xFFFFFFB0]  }
0x688: {  	v53 =	vmov s11  }
0x689: {  	v53 =	vshrl.u32 v53, $0x3  }
0x68a: {  	v53 =	vshll.u32 v53, v33  }
0x68b: {  	[tilespmem:v51+s1+$0x0] =	vst.idx.msk $0xffff, v50;
	v50 =	vbroadcast v53, $0x0  }
0x68c: {  	[tilespmem:v49+s1+$0x0] =	vst.idx.msk $0xffff, v52  }
0x68d: {  	v49 =	vld [tilespmem:s7+$0xFFFFFFC0];
	v51 =	vadd.s32 v37, v50  }
0x68e: {  	s11 =	sadd.s32 $0xFFFFFFFC, s8;
	v50 =	vadd.s32 v38, v50;
	v52 =	vld [tilespmem:s7+$0xFFFFFFD0]  }
0x68f: {  	v53 =	vmov s11  }
0x690: {  	v53 =	vshrl.u32 v53, $0x3  }
0x691: {  	v53 =	vshll.u32 v53, v33  }
0x692: {  	[tilespmem:v51+s1+$0x0] =	vst.idx.msk $0xffff, v49;
	v49 =	vbroadcast v53, $0x0  }
0x693: {  	[tilespmem:v50+s1+$0x0] =	vst.idx.msk $0xffff, v52  }
0x694: {  	v50 =	vld [tilespmem:s7+$0xFFFFFFE0];
	v51 =	vadd.s32 v39, v49  }
0x695: {  	s11 =	sadd.s32 $0xFFFFFFFD, s8;
	v49 =	vadd.s32 v40, v49;
	v52 =	vld [tilespmem:s7+$0xFFFFFFF0]  }
0x696: {  	v53 =	vmov s11  }
0x697: {  	v53 =	vshrl.u32 v53, $0x3  }
0x698: {  	v53 =	vshll.u32 v53, v33  }
0x699: {  	[tilespmem:v51+s1+$0x0] =	vst.idx.msk $0xffff, v50;
	v50 =	vbroadcast v53, $0x0  }
0x69a: {  	[tilespmem:v49+s1+$0x0] =	vst.idx.msk $0xffff, v52  }
0x69b: {  	v49 =	vld [tilespmem:s7+$0x0];
	v51 =	vadd.s32 v41, v50  }
0x69c: {  	s11 =	sadd.s32 $0xFFFFFFFE, s8;
	v50 =	vadd.s32 v42, v50;
	v52 =	vld [tilespmem:s7+$0x10]  }
0x69d: {  	v53 =	vmov s11  }
0x69e: {  	v53 =	vshrl.u32 v53, $0x3  }
0x69f: {  	v53 =	vshll.u32 v53, v33  }
0x6a0: {  	[tilespmem:v51+s1+$0x0] =	vst.idx.msk $0xffff, v49;
	v49 =	vbroadcast v53, $0x0  }
0x6a1: {  	[tilespmem:v50+s1+$0x0] =	vst.idx.msk $0xffff, v52  }
0x6a2: {  	v50 =	vld [tilespmem:s7+$0x20];
	v51 =	vadd.s32 v43, v49  }
0x6a3: {  	s11 =	sadd.s32 $0xFFFFFFFF, s8;
	v49 =	vadd.s32 v44, v49;
	v52 =	vld [tilespmem:s7+$0x30]  }
0x6a4: {  	v53 =	vmov s11  }
0x6a5: {  	v53 =	vshrl.u32 v53, $0x3  }
0x6a6: {  	v53 =	vshll.u32 v53, v33  }
0x6a7: {  	[tilespmem:v51+s1+$0x0] =	vst.idx.msk $0xffff, v50;
	v50 =	vbroadcast v53, $0x0  }
0x6a8: {  	[tilespmem:v49+s1+$0x0] =	vst.idx.msk $0xffff, v52  }
0x6a9: {  	v49 =	vld [tilespmem:s7+$0x40];
	v51 =	vadd.s32 v45, v50  }
0x6aa: {  	v50 =	vadd.s32 v46, v50;
	v52 =	vld [tilespmem:s7+$0x50]  }
0x6ab: {  	v53 =	vmov s8;
	s8 =	smov.u32 s6  }
0x6ac: {  	v53 =	vshrl.u32 v53, $0x3  }
0x6ad: {  	v53 =	vshll.u32 v53, v33  }
0x6ae: {  	[tilespmem:v51+s1+$0x0] =	vst.idx.msk $0xffff, v49;
	v51 =	vbroadcast v53, $0x0  }
0x6af: {  	[tilespmem:v50+s1+$0x0] =	vst.idx.msk $0xffff, v52  }
0x6b0: {  	v52 =	vld [tilespmem:s7+$0x60];
	v53 =	vadd.s32 v47, v51  }
.Ltmp16:
0x6b1: {  	s6 =	sadd.s32 $0xFFFFFFF9, s8;
	v51 =	vadd.s32 v48, v51;
	v49 =	vld [tilespmem:s7+$0x70];
	(pc) =	sbr.rel @p0 .LBB2_33-.Ltmp16, $4  }
0x6b2: {  	v50 =	vmov s6  }
0x6b3: {  	v50 =	vshrl.u32 v50, $0x3  }
0x6b4: {  	v50 =	vshll.u32 v50, v33  }
0x6b5: {  	v50 =	vbroadcast v50, $0x0;
	[tilespmem:v53+s1+$0x0] =	vst.idx.msk $0xffff, v52  }
0x6b6: {  	_ =	sdelay $0x3  }
0x6b7: {  	[tilespmem:v51+s1+$0x0] =	vst.idx.msk $0xffff, v49;
	s6 =	sadd.s32 $0x100, s7  }
0x6b8: {  	v49 =	vld [tilespmem:s6+$0xFFFFFF80];
	v58 =	vadd.s32 v30, v50  }
0x6b9: {  	s23 =	sadd.s32 $0xFFFFFFFA, s8;
	v52 =	vld [tilespmem:s6+$0xFFFFFF90];
	v59 =	vadd.s32 v34, v50  }
0x6ba: {  	v53 =	vmov s23  }
0x6bb: {  	v53 =	vshrl.u32 v53, $0x3  }
0x6bc: {  	v53 =	vshll.u32 v53, v33  }
0x6bd: {  	v60 =	vbroadcast v53, $0x0;
	[tilespmem:v58+s1+$0x0] =	vst.idx.msk $0xffff, v49  }
0x6be: {  	[tilespmem:v59+s1+$0x0] =	vst.idx.msk $0xffff, v52  }
0x6bf: {  	v61 =	vadd.s32 v35, v60;
	v50 =	vld [tilespmem:s6+$0xFFFFFFA0]  }
0x6c0: {  	s9 =	sadd.s32 $0xFFFFFFFB, s8;
	v49 =	vadd.s32 v36, v60;
	v52 =	vld [tilespmem:s6+$0xFFFFFFB0]  }
0x6c1: {  	v62 =	vmov s9  }
0x6c2: {  	v53 =	vshrl.u32 v62, $0x3  }
0x6c3: {  	v53 =	vshll.u32 v53, v33  }
0x6c4: {  	v63 =	vbroadcast v53, $0x0;
	[tilespmem:v61+s1+$0x0] =	vst.idx.msk $0xffff, v50  }
0x6c5: {  	[tilespmem:v49+s1+$0x0] =	vst.idx.msk $0xffff, v52  }
0x6c6: {  	v56 =	vadd.s32 v37, v63;
	v49 =	vld [tilespmem:s6+$0xFFFFFFC0]  }
0x6c7: {  	s11 =	sadd.s32 $0xFFFFFFFC, s8;
	v50 =	vadd.s32 v38, v63;
	v52 =	vld [tilespmem:s6+$0xFFFFFFD0]  }
0x6c8: {  	v57 =	vmov s11  }
0x6c9: {  	v53 =	vshrl.u32 v57, $0x3  }
0x6ca: {  	v53 =	vshll.u32 v53, v33  }
0x6cb: {  	v58 =	vbroadcast v53, $0x0;
	[tilespmem:v56+s1+$0x0] =	vst.idx.msk $0xffff, v49  }
0x6cc: {  	[tilespmem:v50+s1+$0x0] =	vst.idx.msk $0xffff, v52  }
0x6cd: {  	v59 =	vadd.s32 v39, v58;
	v50 =	vld [tilespmem:s6+$0xFFFFFFE0]  }
0x6ce: {  	s12 =	sadd.s32 $0xFFFFFFFD, s8;
	v49 =	vadd.s32 v40, v58;
	v52 =	vld [tilespmem:s6+$0xFFFFFFF0]  }
0x6cf: {  	v60 =	vmov s12  }
0x6d0: {  	v53 =	vshrl.u32 v60, $0x3  }
0x6d1: {  	v53 =	vshll.u32 v53, v33  }
0x6d2: {  	v61 =	vbroadcast v53, $0x0;
	[tilespmem:v59+s1+$0x0] =	vst.idx.msk $0xffff, v50  }
0x6d3: {  	[tilespmem:v49+s1+$0x0] =	vst.idx.msk $0xffff, v52  }
0x6d4: {  	v62 =	vadd.s32 v41, v61;
	v49 =	vld [tilespmem:s6+$0x0]  }
0x6d5: {  	s13 =	sadd.s32 $0xFFFFFFFE, s8;
	v50 =	vadd.s32 v42, v61;
	v52 =	vld [tilespmem:s6+$0x10]  }
0x6d6: {  	v63 =	vmov s13  }
0x6d7: {  	v53 =	vshrl.u32 v63, $0x3  }
0x6d8: {  	v53 =	vshll.u32 v53, v33  }
0x6d9: {  	v56 =	vbroadcast v53, $0x0;
	[tilespmem:v62+s1+$0x0] =	vst.idx.msk $0xffff, v49  }
0x6da: {  	[tilespmem:v50+s1+$0x0] =	vst.idx.msk $0xffff, v52  }
0x6db: {  	v57 =	vadd.s32 v43, v56;
	v50 =	vld [tilespmem:s6+$0x20]  }
0x6dc: {  	s17 =	sadd.s32 $0xFFFFFFFF, s8;
	v49 =	vadd.s32 v44, v56;
	v52 =	vld [tilespmem:s6+$0x30]  }
0x6dd: {  	v58 =	vmov s17  }
0x6de: {  	v53 =	vshrl.u32 v58, $0x3  }
0x6df: {  	v53 =	vshll.u32 v53, v33  }
0x6e0: {  	v59 =	vbroadcast v53, $0x0;
	[tilespmem:v57+s1+$0x0] =	vst.idx.msk $0xffff, v50  }
0x6e1: {  	[tilespmem:v49+s1+$0x0] =	vst.idx.msk $0xffff, v52  }
0x6e2: {  	v60 =	vadd.s32 v45, v59;
	v49 =	vld [tilespmem:s6+$0x40]  }
0x6e3: {  	v50 =	vadd.s32 v46, v59;
	v52 =	vld [tilespmem:s6+$0x50]  }
0x6e4: {  	v61 =	vmov s8  }
0x6e5: {  	v53 =	vshrl.u32 v61, $0x3  }
0x6e6: {  	v53 =	vshll.u32 v53, v33  }
0x6e7: {  	v62 =	vbroadcast v53, $0x0;
	[tilespmem:v60+s1+$0x0] =	vst.idx.msk $0xffff, v49  }
0x6e8: {  	[tilespmem:v50+s1+$0x0] =	vst.idx.msk $0xffff, v52  }
0x6e9: {  	v63 =	vadd.s32 v47, v62;
	v50 =	vld [tilespmem:s6+$0x60]  }
0x6ea: {  	v49 =	vadd.s32 v48, v62;
	v52 =	vld [tilespmem:s6+$0x70];
	_ =	sdelay $0x3  }
0x6eb: {  	[tilespmem:v63+s1+$0x0] =	vst.idx.msk $0xffff, v50  }
0x6ec: {  	s7 =	rddreg [dreg:$0x7];
	s23 =	simm.s32 $0x14700;
	s6 =	simm.s32 $0x220;
	[tilespmem:v49+s1+$0x0] =	vst.idx.msk $0xffff, v52  }
0x6ed: {  	[hbm4b:s7+s2] =	stream.linear.scatter [tilespmem:s23], [sflag:$0x8], $0x80, $0x38;
	[tilespmem:$0x15800] =	vst v63  }
.LBB2_35:
0x6ee: {  	p0 =	sne.s32 s6, $0x41E0  }
.Ltmp17:
0x6ef: {  	_ = 	snop;
	(pc) =	sbr.rel @p0 .LBB2_35-.Ltmp17, $4  }
0x6f0: {  	_ = 	snop  }
0x6f1: {  	s8 =	sshra.s32 s6, $0x2;
	s6 =	sadd.s32 $0x220, s6  }
0x6f2: {  	s7 =	sadd.s32 $0x800, s7;
	s8 =	sadd.s32 $0x14700, s8  }
0x6f3: {  	[hbm4b:s7+s2] =	stream.linear.scatter [tilespmem:s8], [sflag:$0x8], $0x80, $0x38;
	[tilespmem:$0x15800] =	vst v63  }
0x6f4: {  	_ =	swait.ge [sflag:s28], $0x1000  }
0x6f5: {  	[sflag:s28] =	ssyncset.done $0x0  }
0x6f6: {  	[sflag:s28] =	ssyncadd.s32 $0xFFFFF000  }
0x6f7: {  	_ =	swait.ge [sflag:s31], $0x1000  }
0x6f8: {  	[sflag:s31] =	ssyncset.done $0x0  }
0x6f9: {  	s6 =	simm.s32 $0x7;
	[sflag:s31] =	ssyncadd.s32 $0xFFFFF000  }
0x6fa: {  	_ =	swait.ge [sflag:s6], $0x1000  }
0x6fb: {  	[sflag:s6] =	ssyncset.done $0x0  }
0x6fc: {  	[sflag:s6] =	ssyncadd.s32 $0xFFFFF000  }
0x6fd: {  	_ =	swait.ge [sflag:s15], $0x1000  }
0x6fe: {  	s7 =	rddreg [dreg:$0x9]  }
0x6ff: {  	s23 =	rddreg [dreg:$0x8];
	s7 =	sadd.s32 $0x1, s7  }
0x700: {  	p0 =	sne.s32 s7, s23  }
.Ltmp18:
0x701: {  	_ = 	snop;
	(pc) =	sbr.rel @p0 .LBB2_1-.Ltmp18, $3  }
0x702: {  	_ =	sdelay $0x1  }
0x703: {  	[sflag:s15] =	ssyncset.done $0x0  }
0x704: {  	[sflag:s15] =	ssyncadd.s32 $0xFFFFF000  }
0x705: {  	_ =	sfence.sel $0x180000  }
0x706: {  	[bflag:$0x0] =	sbarrier.arrive $0xFFFF  }
0x707: {  	_ =	strace $0x90000047  }
0x708: {  	s0 =	stileid.u32;
	[bflag:$0x2] =	sbarrier.arrive $0xFFFF  }
0x709: {  	p0 =	sne.s32 s0, $0x0;
	s0 =	rddreg [dreg:$0x2]  }
0x70a: {  	s0 =	sadd.s32 @!p0 $0x100000, s0  }
0x70b: {  	[sflag:s0] =	ssyncadd.tile.s32 @!p0 $0x1;
	_ =	shalt  }
.Lfunc_end2:
_tile_overlayer_lowered:
.L_overlay_start_2:
0x70c: {  	(tag) =	ssettag $0x2  }
0x70d: {  	s0 =	rddreg [dreg:$0x0];
	s2 =	stileid.u32  }
0x70e: {  	s1 =	rddreg [dreg:$0x1];
	p0 =	sne.s32 s2, $0x0  }
0x70f: {  	s3 =	rddreg [dreg:$0x2];
	[bflag:$0x3] =	sbarrier.arrive $0xFFFF;
	s2 =	simm.s32 @!p0 $0x1C09  }
0x710: {  	[timem:s3], [sflag:s2] =	dma.local @!p0 [hbm:s0], s1  }
0x711: {  	s0 =	simm.s32 @!p0 $0x9  }
0x712: {  	_ =	swait.ge @!p0 [sflag:s0], s1  }
0x713: {  	s1 =	ssub.s32 @!p0 $0x0, s1;
	[sflag:s0] =	ssyncset.done @!p0 $0x0  }
0x714: {  	[sflag:s0] =	ssyncadd.s32 @!p0 s1  }
0x715: {  	[bflag:$0x3] =	sbarrier.arrive $0xFFFF  }
0x716: {  	_ =	shalt  }

</sc_bundles>
